<compile_context>
chip_gen: v7x
topology: tpu7x:2x2x1
jax: 0.10.2.dev20260603
libtpu: 0.0.44.dev20260713+nightly
codegen_flags: <defaults>
</compile_context>

<pallas_src>
import functools

import jax
import jax.numpy as jnp
from jax import lax
from jax.experimental import pallas as pl
from jax.experimental.pallas import tpu as pltpu
from jax.experimental.pallas import tpu_sc as plsc

N = 10000
F = 128
E = 320000
NC = 2
NS = 16
NW = NC * NS
EPT = E // NW
WIN = 80
NWIN = EPT // WIN
TR = 624
SR = 208
TAILB = NS * TR
DW = 16

_mesh = plsc.VectorSubcoreMesh(core_axis_name="c", subcore_axis_name="s")



def _al8(i):
    return pl.multiple_of(i, 8)


@functools.partial(
    pl.kernel,
    out_type=jax.ShapeDtypeStruct((NC, N, F), jnp.float32),
    mesh=_mesh,
    scratch_types=[
        pltpu.VMEM_SHARED((N, F), jnp.float32),
        pltpu.VMEM((NWIN, WIN), jnp.int32),
        pltpu.VMEM((WIN, F), jnp.float32),
    ],
)
def _sc_deg(dst_hbm, out_hbm, dacc, dst_all, obuf):
    cid = lax.axis_index("c")
    sid = lax.axis_index("s")
    wid = cid * NS + sid
    rbase = sid * TR

    @pl.loop(0, WIN)
    def _(i):
        @pl.loop(0, F, step=16)
        def _(j):
            obuf[i, pl.ds(j, 16)] = jnp.zeros((16,), jnp.float32)

    @pl.loop(0, 7 * WIN, step=WIN)
    def _(r):
        pltpu.sync_copy(obuf, dacc.at[pl.ds(_al8(rbase + r), WIN)])

    pltpu.sync_copy(obuf.at[pl.ds(0, 64)], dacc.at[pl.ds(_al8(rbase + 7 * WIN), 64)])

    @pl.when(sid == NS - 1)
    def _():
        pltpu.sync_copy(obuf.at[pl.ds(0, 16)], dacc.at[pl.ds(TAILB, 16)])

    @pl.loop(0, WIN)
    def _(i):
        @pl.loop(0, F, step=16)
        def _(j):
            obuf[i, pl.ds(j, 16)] = jnp.ones((16,), jnp.float32)

    pltpu.sync_copy(dst_hbm.at[wid], dst_all)
    plsc.subcore_barrier()

    @pl.loop(0, NWIN)
    def _(w):
        pltpu.sync_copy(obuf, dacc.at[dst_all.at[w]], add=True)

    plsc.subcore_barrier()

    pltpu.sync_copy(dacc.at[pl.ds(_al8(rbase), TR)],
                    out_hbm.at[cid, pl.ds(_al8(rbase), TR)])

    @pl.when(sid == NS - 1)
    def _():
        pltpu.sync_copy(dacc.at[pl.ds(TAILB, 16)], out_hbm.at[cid, pl.ds(TAILB, 16)])


@functools.partial(
    pl.kernel,
    out_type=jax.ShapeDtypeStruct((NC, N, F), jnp.float32),
    mesh=_mesh,
    scratch_types=[
        pltpu.VMEM_SHARED((N, F), jnp.float32),
        pltpu.VMEM((EPT,), jnp.int32),
        pltpu.VMEM((NWIN, WIN), jnp.int32),
        pltpu.VMEM((WIN, F), jnp.float32),
        pltpu.VMEM((WIN, F), jnp.float32),
        pltpu.SemaphoreType.DMA,
        pltpu.SemaphoreType.DMA,
    ],
)
def _sc_conv(zs_hbm, src_hbm, dst_hbm, out_hbm,
             acc, src_all, dst_all, row0, row1, gsem0, gsem1):
    cid = lax.axis_index("c")
    sid = lax.axis_index("s")
    wid = cid * NS + sid
    rbase = sid * TR

    @pl.loop(0, WIN)
    def _(i):
        @pl.loop(0, F, step=16)
        def _(j):
            row0[i, pl.ds(j, 16)] = jnp.zeros((16,), jnp.float32)

    @pl.loop(0, 7 * WIN, step=WIN)
    def _(r):
        pltpu.sync_copy(row0, acc.at[pl.ds(_al8(rbase + r), WIN)])

    pltpu.sync_copy(row0.at[pl.ds(0, 64)], acc.at[pl.ds(_al8(rbase + 7 * WIN), 64)])

    @pl.when(sid == NS - 1)
    def _():
        pltpu.sync_copy(row0.at[pl.ds(0, 16)], acc.at[pl.ds(TAILB, 16)])

    pltpu.sync_copy(src_hbm.at[wid, 0], src_all)
    pltpu.sync_copy(dst_hbm.at[wid], dst_all)
    plsc.subcore_barrier()

    def start_gather(w, row, sem):
        pltpu.async_copy(zs_hbm.at[src_all.at[pl.ds(_al8(w * WIN), WIN)]], row, sem)

    def wait_gather(w, row, sem):
        pltpu.make_async_copy(
            zs_hbm.at[src_all.at[pl.ds(_al8(w * WIN), WIN)]], row, sem).wait()

    start_gather(jnp.int32(0), row0, gsem0)
    start_gather(jnp.int32(1), row1, gsem1)

    @pl.loop(0, NWIN - 1, step=2)
    def _(k):
        for b, (row, sem) in enumerate(((row0, gsem0), (row1, gsem1))):
            w = k + b
            wait_gather(w, row, sem)
            pltpu.sync_copy(row, acc.at[dst_all.at[w]], add=True)
            nxt = w + 2

            @pl.when(nxt < NWIN)
            def _():
                start_gather(nxt, row, sem)

    wait_gather(jnp.int32(NWIN - 1), row0, gsem0)
    pltpu.sync_copy(row0, acc.at[dst_all.at[NWIN - 1]], add=True)

    plsc.subcore_barrier()

    pltpu.sync_copy(acc.at[pl.ds(_al8(rbase), TR)],
                    out_hbm.at[cid, pl.ds(_al8(rbase), TR)])

    @pl.when(sid == NS - 1)
    def _():
        pltpu.sync_copy(acc.at[pl.ds(TAILB, 16)], out_hbm.at[cid, pl.ds(TAILB, 16)])



R = 2000
GR = N // R


def _t0_body(degp, x, w0, dinv_o, zs_o):
    d = 1.0 + degp[0, :, 0:1] + degp[1, :, 0:1]
    dinv = lax.rsqrt(d)
    dinv_o[...] = dinv
    zs_o[...] = jnp.dot(x[...], w0[...], preferred_element_type=jnp.float32) * dinv


def _t0(degp, x, w0):
    return pl.pallas_call(
        _t0_body,
        grid=(GR,),
        in_specs=[
            pl.BlockSpec((2, R, F), lambda i: (0, i, 0)),
            pl.BlockSpec((R, F), lambda i: (i, 0)),
            pl.BlockSpec((F, F), lambda i: (0, 0)),
        ],
        out_specs=[
            pl.BlockSpec((R, 1), lambda i: (i, 0)),
            pl.BlockSpec((R, F), lambda i: (i, 0)),
        ],
        out_shape=[
            jax.ShapeDtypeStruct((N, 1), jnp.float32),
            jax.ShapeDtypeStruct((N, F), jnp.float32),
        ],
    )(degp, x, w0)


def _t1_body(p, zs0, b0, dinv, w1, c0_o, zs1_o):
    c0 = dinv[...] * (p[0] + p[1] + zs0[...]) + b0[...]
    c0_o[...] = c0
    m = jnp.maximum(c0, 0.0)
    zs1_o[...] = jnp.dot(m, w1[...], preferred_element_type=jnp.float32) * dinv[...]


def _t1(p, zs0, b0, dinv, w1):
    return pl.pallas_call(
        _t1_body,
        grid=(GR,),
        in_specs=[
            pl.BlockSpec((2, R, F), lambda i: (0, i, 0)),
            pl.BlockSpec((R, F), lambda i: (i, 0)),
            pl.BlockSpec((1, F), lambda i: (0, 0)),
            pl.BlockSpec((R, 1), lambda i: (i, 0)),
            pl.BlockSpec((F, F), lambda i: (0, 0)),
        ],
        out_specs=[
            pl.BlockSpec((R, F), lambda i: (i, 0)),
            pl.BlockSpec((R, F), lambda i: (i, 0)),
        ],
        out_shape=[
            jax.ShapeDtypeStruct((N, F), jnp.float32),
            jax.ShapeDtypeStruct((N, F), jnp.float32),
        ],
    )(p, zs0, b0, dinv, w1)


def _ta_body(p, zs, b, dinv, c_o, st_o):
    i = pl.program_id(0)
    c = dinv[...] * (p[0] + p[1] + zs[...]) + b[...]
    c_o[...] = c
    s = jnp.sum(c, axis=0, keepdims=True)
    sq = jnp.sum(c * c, axis=0, keepdims=True)
    st = jnp.concatenate([s, sq], axis=0)

    @pl.when(i == 0)
    def _():
        st_o[...] = st

    @pl.when(i > 0)
    def _():
        st_o[...] += st


def _ta(p, zs, b, dinv):
    return pl.pallas_call(
        _ta_body,
        grid=(GR,),
        in_specs=[
            pl.BlockSpec((2, R, F), lambda i: (0, i, 0)),
            pl.BlockSpec((R, F), lambda i: (i, 0)),
            pl.BlockSpec((1, F), lambda i: (0, 0)),
            pl.BlockSpec((R, 1), lambda i: (i, 0)),
        ],
        out_specs=[
            pl.BlockSpec((R, F), lambda i: (i, 0)),
            pl.BlockSpec((2, F), lambda i: (0, 0)),
        ],
        out_shape=[
            jax.ShapeDtypeStruct((N, F), jnp.float32),
            jax.ShapeDtypeStruct((2, F), jnp.float32),
        ],
    )(p, zs, b, dinv)


def _tb_body(c, st, c0, dinv, g, bt, awh, awx, ab, w, zs_o):
    mu = st[0:1] * (1.0 / N)
    var = st[1:2] * (1.0 / N) - mu * mu
    hn = (c[...] - mu) * lax.rsqrt(var + 1e-5) * g[...] + bt[...]
    logit = (jnp.dot(hn, awh[...], preferred_element_type=jnp.float32)
             + jnp.dot(c0[...], awx[...], preferred_element_type=jnp.float32)
             + ab[...])
    alpha = 1.0 / (1.0 + jnp.exp(-logit))
    m = jnp.maximum((1.0 - alpha) * hn + alpha * c0[...], 0.0)
    zs_o[...] = jnp.dot(m, w[...], preferred_element_type=jnp.float32) * dinv[...]


def _tb(c, st, c0, dinv, g, bt, awh, awx, ab, w):
    return pl.pallas_call(
        _tb_body,
        grid=(GR,),
        in_specs=[
            pl.BlockSpec((R, F), lambda i: (i, 0)),
            pl.BlockSpec((2, F), lambda i: (0, 0)),
            pl.BlockSpec((R, F), lambda i: (i, 0)),
            pl.BlockSpec((R, 1), lambda i: (i, 0)),
            pl.BlockSpec((1, F), lambda i: (0, 0)),
            pl.BlockSpec((1, F), lambda i: (0, 0)),
            pl.BlockSpec((F, 1), lambda i: (0, 0)),
            pl.BlockSpec((F, 1), lambda i: (0, 0)),
            pl.BlockSpec((1, 1), lambda i: (0, 0)),
            pl.BlockSpec((F, F), lambda i: (0, 0)),
        ],
        out_specs=pl.BlockSpec((R, F), lambda i: (i, 0)),
        out_shape=jax.ShapeDtypeStruct((N, F), jnp.float32),
    )(c, st, c0, dinv, g, bt, awh, awx, ab, w)


def _tf_body(c, st, g, bt, o):
    mu = st[0:1] * (1.0 / N)
    var = st[1:2] * (1.0 / N) - mu * mu
    o[...] = (c[...] - mu) * lax.rsqrt(var + 1e-5) * g[...] + bt[...]


def _tf(c, st, g, bt):
    return pl.pallas_call(
        _tf_body,
        grid=(GR,),
        in_specs=[
            pl.BlockSpec((R, F), lambda i: (i, 0)),
            pl.BlockSpec((2, F), lambda i: (0, 0)),
            pl.BlockSpec((1, F), lambda i: (0, 0)),
            pl.BlockSpec((1, F), lambda i: (0, 0)),
        ],
        out_specs=pl.BlockSpec((R, F), lambda i: (i, 0)),
        out_shape=jax.ShapeDtypeStruct((N, F), jnp.float32),
    )(c, st, g, bt)



def kernel(x, edge_index, Ws, bs, gammas, betas, attW, attb):
    src = edge_index[0].astype(jnp.int32).reshape(NW, 1, EPT)
    dst = edge_index[1].astype(jnp.int32).reshape(NW, NWIN, WIN)

    degp = _sc_deg(dst)
    dinv, zs = _t0(degp, x, Ws[0])

    p = _sc_conv(zs, src, dst)
    c0, zs = _t1(p, zs, bs[0][None], dinv, Ws[1])

    awh = attW[:F]
    awx = attW[F:]
    ab = attb.reshape(1, 1)

    c = st = None
    for i in (1, 2, 3):
        p = _sc_conv(zs, src, dst)
        c, st = _ta(p, zs, bs[i][None], dinv)
        if i < 3:
            zs = _tb(c, st, c0, dinv, gammas[i - 1][None], betas[i - 1][None],
                     awh, awx, ab, Ws[i + 1])

    return _tf(c, st, gammas[2][None], betas[2][None])

# --- scband reference (transcript-rebuilt; emitter-appended) ---
"""Pipeline reference for scband-dgmlp-65060164600377 (READ-ONLY COPY).

The authoritative reference and input builder live on the scoring server;
editing this copy changes nothing except your own understanding.
"""

import jax, jax.numpy as jnp
import numpy as np

N = 10000
E = 320000
NFEAT = 128
NHID = 128
NUM_HOPS = 4


def setup_inputs(seed: int = 0) -> dict:
    key = jax.random.key(seed)
    ks = jax.random.split(key, 8)
    x = jax.random.normal(ks[0], (N, NFEAT), dtype=jnp.float32)
    edge_index = jax.random.randint(ks[1], (2, E), 0, N)
    Ws = jax.random.normal(ks[2], (NUM_HOPS, NHID, NHID), dtype=jnp.float32) * (1.0 / np.sqrt(NHID))
    bs = jnp.zeros((NUM_HOPS, NHID), dtype=jnp.float32)
    gammas = jnp.ones((NUM_HOPS - 1, NHID), dtype=jnp.float32)
    betas = jnp.zeros((NUM_HOPS - 1, NHID), dtype=jnp.float32)
    attW = jax.random.normal(ks[3], (2 * NHID, 1), dtype=jnp.float32) * (1.0 / np.sqrt(2 * NHID))
    attb = jnp.zeros((1,), dtype=jnp.float32)
    return {"x": x, "edge_index": edge_index, "Ws": Ws, "bs": bs,
            "gammas": gammas, "betas": betas, "attW": attW, "attb": attb}


def reference(x, edge_index, Ws, bs, gammas, betas, attW, attb):
    n = x.shape[0]
    src0 = edge_index[0]
    dst0 = edge_index[1]
    loop = jnp.arange(n, dtype=src0.dtype)
    src = jnp.concatenate([src0, loop])
    dst = jnp.concatenate([dst0, loop])
    # GCN symmetric normalization with self loops: D^-1/2 (A+I) D^-1/2
    deg = jnp.zeros((n,), dtype=x.dtype).at[dst].add(1.0)
    dinv = jax.lax.rsqrt(jnp.maximum(deg, 1.0))
    norm = (dinv[src] * dinv[dst])[:, None]

    def gcn_conv(h, W, b):
        h = h @ W
        msg = h[src] * norm                      # gather
        out = jnp.zeros((n, W.shape[1]), dtype=h.dtype).at[dst].add(msg)  # scatter-add
        return out + b

    h = gcn_conv(x, Ws[0], bs[0])
    x_input = h
    for i in range(1, NUM_HOPS):
        alpha = jax.nn.sigmoid(jnp.concatenate([h, x_input], axis=1) @ attW + attb)
        alpha = alpha.reshape(n, 1)
        h = (1.0 - alpha) * h + alpha * x_input
        h = jax.nn.relu(h)
        # dropout is identity in eval mode
        h = gcn_conv(h, Ws[i], bs[i])
        mu = jnp.mean(h, axis=0)
        var = jnp.var(h, axis=0)
        h = (h - mu) * jax.lax.rsqrt(var + 1e-5) * gammas[i - 1] + betas[i - 1]
    return h

if __name__ == "__main__":
    import jax
    _d = setup_inputs()
    print(jax.jit(kernel)(*tuple(_d.values())))

</pallas_src>

<mosaic_0001>
#map = affine_map<(d0, d1) -> (0, 0)>
#map1 = affine_map<(d0, d1) -> (0, 0, 0)>
module attributes {stable_mosaic.version = 14 : i64} {
  func.func @_sc_conv(%arg0: i32, %arg1: i32, %arg2: memref<10000x128xf32, #tpu.memory_space<hbm>>, %arg3: memref<32x1x10000xi32, #tpu.memory_space<hbm>>, %arg4: memref<32x125x80xi32, #tpu.memory_space<hbm>>, %arg5: memref<2x10000x128xf32, #tpu.memory_space<hbm>>, %arg6: memref<10000x128xf32, #tpu.memory_space<vmem_shared>>, %arg7: memref<10000xi32, #tpu.memory_space<vmem>>, %arg8: memref<125x80xi32, #tpu.memory_space<vmem>>, %arg9: memref<80x128xf32, #tpu.memory_space<vmem>>, %arg10: memref<80x128xf32, #tpu.memory_space<vmem>>, %arg11: memref<!tpu.dma_semaphore, #tpu.memory_space<semaphore_mem>>, %arg12: memref<!tpu.dma_semaphore, #tpu.memory_space<semaphore_mem>>) attributes {dimension_semantics = [#tpu.dimension_semantics<core_parallel>, #tpu.dimension_semantics<subcore_parallel>], iteration_bounds = array<i64: 2, 16>, scalar_prefetch = 0 : i64, scratch_operands = 7 : i64, tpu.core_type = #tpu.core_type<sc_vector_subcore>, window_params = [{transform_indices = #map}, {transform_indices = #map1}, {transform_indices = #map1}, {transform_indices = #map1}]} {
    %mul3A = arith.constant 16 : i32
    %mul3A_0 = arith.muli %arg0, %mul3A : i32
    %add3A = arith.addi %mul3A_0, %arg1 : i32
    %mul3A_1 = arith.constant 624 : i32
    %mul3A_2 = arith.muli %arg1, %mul3A_1 : i32
    %scan3A = arith.constant 0 : i32
    %scan3A_3 = arith.constant 80 : i32
    %scan3A_4 = arith.addi %scan3A, %scan3A_3 : i32
    %scan3A_5 = arith.constant 1 : i32
    scf.for %scan3A_52 = %scan3A to %scan3A_4 step %scan3A_5  : i32 {
      %mul3A_53 = arith.constant 1 : i32
      %mul3A_54 = arith.muli %scan3A_52, %mul3A_53 : i32
      %add3A_55 = arith.constant 0 : i32
      %add3A_56 = arith.addi %add3A_55, %mul3A_54 : i32
      %scan3A_57 = arith.constant 0 : i32
      %scan3A_58 = arith.constant 8 : i32
      %scan3A_59 = arith.addi %scan3A_57, %scan3A_58 : i32
      %scan3A_60 = arith.constant 1 : i32
      scf.for %scan3A_62 = %scan3A_57 to %scan3A_59 step %scan3A_60  : i32 {
        %mul3A_63 = arith.constant 16 : i32
        %mul3A_64 = arith.muli %scan3A_62, %mul3A_63 : i32
        %add3A_65 = arith.constant 0 : i32
        %add3A_66 = arith.addi %add3A_65, %mul3A_64 : i32
        %broadcast_in_dim3A = arith.constant 0.000000e+00 : f32
        %broadcast_in_dim3A_67 = vector.broadcast %broadcast_in_dim3A : f32 to vector<16xf32>
        %swap3A = arith.index_cast %add3A_56 : i32 to index
        %swap3A_68 = arith.index_cast %add3A_66 : i32 to index
        %swap3A_69 = tpu.vector_load %arg9[%swap3A, %swap3A_68] {strides = array<i32>} : memref<80x128xf32, #tpu.memory_space<vmem>>, vector<1x16xf32>,
        %swap3A_70 = vector.shape_cast %swap3A_69 : vector<1x16xf32> to vector<16xf32>
        %swap3A_71 = vector.shape_cast %broadcast_in_dim3A_67 : vector<16xf32> to vector<1x16xf32>
        tpu.vector_store %arg9[%swap3A, %swap3A_68], %swap3A_71 {strides = array<i32>} : memref<80x128xf32, #tpu.memory_space<vmem>>, vector<1x16xf32>,
      }
      %scan3A_61 = arith.constant 8 : i32
    }
    %scan3A_6 = arith.constant 80 : i32
    %scan3A_7 = arith.constant 0 : i32
    %scan3A_8 = arith.constant 7 : i32
    %scan3A_9 = arith.addi %scan3A_7, %scan3A_8 : i32
    %scan3A_10 = arith.constant 1 : i32
    scf.for %scan3A_52 = %scan3A_7 to %scan3A_9 step %scan3A_10  : i32 {
      %mul3A_53 = arith.constant 80 : i32
      %mul3A_54 = arith.muli %scan3A_52, %mul3A_53 : i32
      %add3A_55 = arith.constant 0 : i32
      %add3A_56 = arith.addi %add3A_55, %mul3A_54 : i32
      %add3A_57 = arith.addi %mul3A_2, %add3A_56 : i32
      %multiple_of3A_58 = tpu.assume_multiple %add3A_57, 8 : i32
      "tpu.region"() ({
        %run_scoped3A_59 = tpu.sem_alloc : memref<!tpu.dma_semaphore, #tpu.memory_space<semaphore_mem>>
        %dma_start3A_60 = arith.constant 0 : i32
        %dma_start3A_61 = tpu.memref_slice %arg6[%multiple_of3A_58, %dma_start3A_60] : memref<10000x128xf32, #tpu.memory_space<vmem_shared>> -> memref<80x128xf32, #tpu.memory_space<vmem_shared>>
        %dma_start3A_62 = arith.constant 0 : i32
        %dma_start3A_63 = tpu.memref_slice %arg6[%multiple_of3A_58, %dma_start3A_62] : memref<10000x128xf32, #tpu.memory_space<vmem_shared>> -> memref<80x128xf32, #tpu.memory_space<vmem_shared>>
        tpu.enqueue_dma source(%arg9 : memref<80x128xf32, #tpu.memory_space<vmem>>) target(%dma_start3A_63 : memref<80x128xf32, #tpu.memory_space<vmem_shared>>) target_semaphore(%run_scoped3A_59 : memref<!tpu.dma_semaphore, #tpu.memory_space<semaphore_mem>>)
        %dma_wait3A_64 = arith.constant 0 : i32
        %dma_wait3A_65 = tpu.memref_slice %arg6[%multiple_of3A_58, %dma_wait3A_64] : memref<10000x128xf32, #tpu.memory_space<vmem_shared>> -> memref<80x128xf32, #tpu.memory_space<vmem_shared>>
        %dma_wait3A_66 = arith.constant 0 : i32
        %dma_wait3A_67 = tpu.memref_slice %arg6[%multiple_of3A_58, %dma_wait3A_66] : memref<10000x128xf32, #tpu.memory_space<vmem_shared>> -> memref<80x128xf32, #tpu.memory_space<vmem_shared>>
        tpu.wait_dma2 semaphore(%run_scoped3A_59 : memref<!tpu.dma_semaphore, #tpu.memory_space<semaphore_mem>>) src(%arg9 : memref<80x128xf32, #tpu.memory_space<vmem>>) dst(%dma_wait3A_67 : memref<80x128xf32, #tpu.memory_space<vmem_shared>>)
        tpu.yield
      }) : () -> ()
    }
    %scan3A_11 = arith.constant 7 : i32
    %add3A_12 = arith.constant 560 : i32
    %add3A_13 = arith.addi %mul3A_2, %add3A_12 : i32
    %multiple_of3A = tpu.assume_multiple %add3A_13, 8 : i32
    "tpu.region"() ({
      %run_scoped3A_52 = tpu.sem_alloc : memref<!tpu.dma_semaphore, #tpu.memory_space<semaphore_mem>>
      %dma_start3A_53 = arith.constant 0 : i32
      %dma_start3A_54 = arith.constant 0 : i32
      %dma_start3A_55 = tpu.memref_slice %arg9[%dma_start3A_53, %dma_start3A_54] : memref<80x128xf32, #tpu.memory_space<vmem>> -> memref<64x128xf32, #tpu.memory_space<vmem>>
      %dma_start3A_56 = arith.constant 0 : i32
      %dma_start3A_57 = tpu.memref_slice %arg6[%multiple_of3A, %dma_start3A_56] : memref<10000x128xf32, #tpu.memory_space<vmem_shared>> -> memref<64x128xf32, #tpu.memory_space<vmem_shared>>
      %dma_start3A_58 = arith.constant 0 : i32
      %dma_start3A_59 = tpu.memref_slice %arg6[%multiple_of3A, %dma_start3A_58] : memref<10000x128xf32, #tpu.memory_space<vmem_shared>> -> memref<64x128xf32, #tpu.memory_space<vmem_shared>>
      %dma_start3A_60 = arith.constant 0 : i32
      %dma_start3A_61 = arith.constant 0 : i32
      %dma_start3A_62 = tpu.memref_slice %arg9[%dma_start3A_60, %dma_start3A_61] : memref<80x128xf32, #tpu.memory_space<vmem>> -> memref<64x128xf32, #tpu.memory_space<vmem>>
      tpu.enqueue_dma source(%dma_start3A_62 : memref<64x128xf32, #tpu.memory_space<vmem>>) target(%dma_start3A_59 : memref<64x128xf32, #tpu.memory_space<vmem_shared>>) target_semaphore(%run_scoped3A_52 : memref<!tpu.dma_semaphore, #tpu.memory_space<semaphore_mem>>)
      %dma_wait3A_63 = arith.constant 0 : i32
      %dma_wait3A_64 = arith.constant 0 : i32
      %dma_wait3A_65 = tpu.memref_slice %arg9[%dma_wait3A_63, %dma_wait3A_64] : memref<80x128xf32, #tpu.memory_space<vmem>> -> memref<64x128xf32, #tpu.memory_space<vmem>>
      %dma_wait3A_66 = arith.constant 0 : i32
      %dma_wait3A_67 = tpu.memref_slice %arg6[%multiple_of3A, %dma_wait3A_66] : memref<10000x128xf32, #tpu.memory_space<vmem_shared>> -> memref<64x128xf32, #tpu.memory_space<vmem_shared>>
      %dma_wait3A_68 = arith.constant 0 : i32
      %dma_wait3A_69 = tpu.memref_slice %arg6[%multiple_of3A, %dma_wait3A_68] : memref<10000x128xf32, #tpu.memory_space<vmem_shared>> -> memref<64x128xf32, #tpu.memory_space<vmem_shared>>
      %dma_wait3A_70 = arith.constant 0 : i32
      %dma_wait3A_71 = arith.constant 0 : i32
      %dma_wait3A_72 = tpu.memref_slice %arg9[%dma_wait3A_70, %dma_wait3A_71] : memref<80x128xf32, #tpu.memory_space<vmem>> -> memref<64x128xf32, #tpu.memory_space<vmem>>
      tpu.wait_dma2 semaphore(%run_scoped3A_52 : memref<!tpu.dma_semaphore, #tpu.memory_space<semaphore_mem>>) src(%dma_wait3A_72 : memref<64x128xf32, #tpu.memory_space<vmem>>) dst(%dma_wait3A_69 : memref<64x128xf32, #tpu.memory_space<vmem_shared>>)
      tpu.yield
    }) : () -> ()
    %eq3A = arith.constant 15 : i32
    %eq3A_14 = arith.cmpi eq, %arg1, %eq3A : i32
    %convert_element_type3A = arith.extui %eq3A_14 : i1 to i32
    %cond3A = arith.constant 0 : i32
    %cond3A_15 = arith.cmpi ne, %convert_element_type3A, %cond3A : i32
    scf.if %cond3A_15 {
      "tpu.region"() ({
        %run_scoped3A_52 = tpu.sem_alloc : memref<!tpu.dma_semaphore, #tpu.memory_space<semaphore_mem>>
        %dma_start3A_53 = arith.constant 0 : i32
        %dma_start3A_54 = arith.constant 0 : i32
        %dma_start3A_55 = tpu.memref_slice %arg9[%dma_start3A_53, %dma_start3A_54] : memref<80x128xf32, #tpu.memory_space<vmem>> -> memref<16x128xf32, #tpu.memory_space<vmem>>
        %dma_start3A_56 = arith.constant 9984 : i32
        %dma_start3A_57 = arith.constant 0 : i32
        %dma_start3A_58 = tpu.memref_slice %arg6[%dma_start3A_56, %dma_start3A_57] : memref<10000x128xf32, #tpu.memory_space<vmem_shared>> -> memref<16x128xf32, #tpu.memory_space<vmem_shared>>
        %dma_start3A_59 = arith.constant 9984 : i32
        %dma_start3A_60 = arith.constant 0 : i32
        %dma_start3A_61 = tpu.memref_slice %arg6[%dma_start3A_59, %dma_start3A_60] : memref<10000x128xf32, #tpu.memory_space<vmem_shared>> -> memref<16x128xf32, #tpu.memory_space<vmem_shared>>
        %dma_start3A_62 = arith.constant 0 : i32
        %dma_start3A_63 = arith.constant 0 : i32
        %dma_start3A_64 = tpu.memref_slice %arg9[%dma_start3A_62, %dma_start3A_63] : memref<80x128xf32, #tpu.memory_space<vmem>> -> memref<16x128xf32, #tpu.memory_space<vmem>>
        tpu.enqueue_dma source(%dma_start3A_64 : memref<16x128xf32, #tpu.memory_space<vmem>>) target(%dma_start3A_61 : memref<16x128xf32, #tpu.memory_space<vmem_shared>>) target_semaphore(%run_scoped3A_52 : memref<!tpu.dma_semaphore, #tpu.memory_space<semaphore_mem>>)
        %dma_wait3A_65 = arith.constant 0 : i32
        %dma_wait3A_66 = arith.constant 0 : i32
        %dma_wait3A_67 = tpu.memref_slice %arg9[%dma_wait3A_65, %dma_wait3A_66] : memref<80x128xf32, #tpu.memory_space<vmem>> -> memref<16x128xf32, #tpu.memory_space<vmem>>
        %dma_wait3A_68 = arith.constant 9984 : i32
        %dma_wait3A_69 = arith.constant 0 : i32
        %dma_wait3A_70 = tpu.memref_slice %arg6[%dma_wait3A_68, %dma_wait3A_69] : memref<10000x128xf32, #tpu.memory_space<vmem_shared>> -> memref<16x128xf32, #tpu.memory_space<vmem_shared>>
        %dma_wait3A_71 = arith.constant 9984 : i32
        %dma_wait3A_72 = arith.constant 0 : i32
        %dma_wait3A_73 = tpu.memref_slice %arg6[%dma_wait3A_71, %dma_wait3A_72] : memref<10000x128xf32, #tpu.memory_space<vmem_shared>> -> memref<16x128xf32, #tpu.memory_space<vmem_shared>>
        %dma_wait3A_74 = arith.constant 0 : i32
        %dma_wait3A_75 = arith.constant 0 : i32
        %dma_wait3A_76 = tpu.memref_slice %arg9[%dma_wait3A_74, %dma_wait3A_75] : memref<80x128xf32, #tpu.memory_space<vmem>> -> memref<16x128xf32, #tpu.memory_space<vmem>>
        tpu.wait_dma2 semaphore(%run_scoped3A_52 : memref<!tpu.dma_semaphore, #tpu.memory_space<semaphore_mem>>) src(%dma_wait3A_76 : memref<16x128xf32, #tpu.memory_space<vmem>>) dst(%dma_wait3A_73 : memref<16x128xf32, #tpu.memory_space<vmem_shared>>)
        tpu.yield
      }) : () -> ()
    } else {
    }
    %run_scoped3A = arith.constant 0 : i32
    "tpu.region"() ({
      %run_scoped3A_52 = tpu.sem_alloc : memref<!tpu.dma_semaphore, #tpu.memory_space<semaphore_mem>>
      %dma_start3A_53 = arith.constant 0 : i32
      %dma_start3A_54 = tpu.memref_slice %arg3[%add3A, %run_scoped3A, %dma_start3A_53] : memref<32x1x10000xi32, #tpu.memory_space<hbm>> -> memref<1x1x10000xi32, #tpu.memory_space<hbm>>
      %dma_start3A_55 = tpu.memref_squeeze %dma_start3A_54 : memref<1x1x10000xi32, #tpu.memory_space<hbm>> -> memref<10000xi32, #tpu.memory_space<hbm>>
      %dma_start3A_56 = arith.constant 0 : i32
      %dma_start3A_57 = tpu.memref_slice %arg3[%add3A, %run_scoped3A, %dma_start3A_56] : memref<32x1x10000xi32, #tpu.memory_space<hbm>> -> memref<1x1x10000xi32, #tpu.memory_space<hbm>>
      %dma_start3A_58 = tpu.memref_squeeze %dma_start3A_57 : memref<1x1x10000xi32, #tpu.memory_space<hbm>> -> memref<10000xi32, #tpu.memory_space<hbm>>
      tpu.enqueue_dma source(%dma_start3A_58 : memref<10000xi32, #tpu.memory_space<hbm>>) target(%arg7 : memref<10000xi32, #tpu.memory_space<vmem>>) target_semaphore(%run_scoped3A_52 : memref<!tpu.dma_semaphore, #tpu.memory_space<semaphore_mem>>)
      %dma_wait3A_59 = arith.constant 0 : i32
      %dma_wait3A_60 = tpu.memref_slice %arg3[%add3A, %run_scoped3A, %dma_wait3A_59] : memref<32x1x10000xi32, #tpu.memory_space<hbm>> -> memref<1x1x10000xi32, #tpu.memory_space<hbm>>
      %dma_wait3A_61 = tpu.memref_squeeze %dma_wait3A_60 : memref<1x1x10000xi32, #tpu.memory_space<hbm>> -> memref<10000xi32, #tpu.memory_space<hbm>>
      %dma_wait3A_62 = arith.constant 0 : i32
      %dma_wait3A_63 = tpu.memref_slice %arg3[%add3A, %run_scoped3A, %dma_wait3A_62] : memref<32x1x10000xi32, #tpu.memory_space<hbm>> -> memref<1x1x10000xi32, #tpu.memory_space<hbm>>
      %dma_wait3A_64 = tpu.memref_squeeze %dma_wait3A_63 : memref<1x1x10000xi32, #tpu.memory_space<hbm>> -> memref<10000xi32, #tpu.memory_space<hbm>>
      tpu.wait_dma2 semaphore(%run_scoped3A_52 : memref<!tpu.dma_semaphore, #tpu.memory_space<semaphore_mem>>) src(%dma_wait3A_64 : memref<10000xi32, #tpu.memory_space<hbm>>) dst(%arg7 : memref<10000xi32, #tpu.memory_space<vmem>>)
      tpu.yield
    }) : () -> ()
    "tpu.region"() ({
      %run_scoped3A_52 = tpu.sem_alloc : memref<!tpu.dma_semaphore, #tpu.memory_space<semaphore_mem>>
      %dma_start3A_53 = arith.constant 0 : i32
      %dma_start3A_54 = arith.constant 0 : i32
      %dma_start3A_55 = tpu.memref_slice %arg4[%add3A, %dma_start3A_53, %dma_start3A_54] : memref<32x125x80xi32, #tpu.memory_space<hbm>> -> memref<1x125x80xi32, #tpu.memory_space<hbm>>
      %dma_start3A_56 = tpu.memref_squeeze %dma_start3A_55 : memref<1x125x80xi32, #tpu.memory_space<hbm>> -> memref<125x80xi32, #tpu.memory_space<hbm>>
      %dma_start3A_57 = arith.constant 0 : i32
      %dma_start3A_58 = arith.constant 0 : i32
      %dma_start3A_59 = tpu.memref_slice %arg4[%add3A, %dma_start3A_57, %dma_start3A_58] : memref<32x125x80xi32, #tpu.memory_space<hbm>> -> memref<1x125x80xi32, #tpu.memory_space<hbm>>
      %dma_start3A_60 = tpu.memref_squeeze %dma_start3A_59 : memref<1x125x80xi32, #tpu.memory_space<hbm>> -> memref<125x80xi32, #tpu.memory_space<hbm>>
      tpu.enqueue_dma source(%dma_start3A_60 : memref<125x80xi32, #tpu.memory_space<hbm>>) target(%arg8 : memref<125x80xi32, #tpu.memory_space<vmem>>) target_semaphore(%run_scoped3A_52 : memref<!tpu.dma_semaphore, #tpu.memory_space<semaphore_mem>>)
      %dma_wait3A_61 = arith.constant 0 : i32
      %dma_wait3A_62 = arith.constant 0 : i32
      %dma_wait3A_63 = tpu.memref_slice %arg4[%add3A, %dma_wait3A_61, %dma_wait3A_62] : memref<32x125x80xi32, #tpu.memory_space<hbm>> -> memref<1x125x80xi32, #tpu.memory_space<hbm>>
      %dma_wait3A_64 = tpu.memref_squeeze %dma_wait3A_63 : memref<1x125x80xi32, #tpu.memory_space<hbm>> -> memref<125x80xi32, #tpu.memory_space<hbm>>
      %dma_wait3A_65 = arith.constant 0 : i32
      %dma_wait3A_66 = arith.constant 0 : i32
      %dma_wait3A_67 = tpu.memref_slice %arg4[%add3A, %dma_wait3A_65, %dma_wait3A_66] : memref<32x125x80xi32, #tpu.memory_space<hbm>> -> memref<1x125x80xi32, #tpu.memory_space<hbm>>
      %dma_wait3A_68 = tpu.memref_squeeze %dma_wait3A_67 : memref<1x125x80xi32, #tpu.memory_space<hbm>> -> memref<125x80xi32, #tpu.memory_space<hbm>>
      tpu.wait_dma2 semaphore(%run_scoped3A_52 : memref<!tpu.dma_semaphore, #tpu.memory_space<semaphore_mem>>) src(%dma_wait3A_68 : memref<125x80xi32, #tpu.memory_space<hbm>>) dst(%arg8 : memref<125x80xi32, #tpu.memory_space<vmem>>)
      tpu.yield
    }) : () -> ()
    %barrier3A = arith.constant 0 : index
    tpu.barrier barrier_id(%barrier3A)
    %mul3A_16 = arith.constant 0 : i32
    %mul3A_17 = arith.constant 80 : i32
    %mul3A_18 = arith.muli %mul3A_16, %mul3A_17 : i32
    %multiple_of3A_19 = tpu.assume_multiple %mul3A_18, 8 : i32
    %dma_start3A = tpu.memref_slice %arg7[%multiple_of3A_19] : memref<10000xi32, #tpu.memory_space<vmem>> -> memref<80xi32, #tpu.memory_space<vmem>>
    %dma_start3A_20 = arith.constant 0 : i32
    %dma_start3A_21 = arith.constant 0 : i32
    %dma_start3A_22 = tpu.memref_slice %arg2[%dma_start3A_20, %dma_start3A_21] : memref<10000x128xf32, #tpu.memory_space<hbm>> -> memref<10000x128xf32, #tpu.memory_space<hbm>>
    tpu.enqueue_indirect_dma source(%dma_start3A_22 : memref<10000x128xf32, #tpu.memory_space<hbm>>) target(%arg9 : memref<80x128xf32, #tpu.memory_space<vmem>>) offsets(%dma_start3A : memref<80xi32, #tpu.memory_space<vmem>>) semaphore(%arg11 : memref<!tpu.dma_semaphore, #tpu.memory_space<semaphore_mem>>)
    %mul3A_23 = arith.constant 1 : i32
    %mul3A_24 = arith.constant 80 : i32
    %mul3A_25 = arith.muli %mul3A_23, %mul3A_24 : i32
    %multiple_of3A_26 = tpu.assume_multiple %mul3A_25, 8 : i32
    %dma_start3A_27 = tpu.memref_slice %arg7[%multiple_of3A_26] : memref<10000xi32, #tpu.memory_space<vmem>> -> memref<80xi32, #tpu.memory_space<vmem>>
    %dma_start3A_28 = arith.constant 0 : i32
    %dma_start3A_29 = arith.constant 0 : i32
    %dma_start3A_30 = tpu.memref_slice %arg2[%dma_start3A_28, %dma_start3A_29] : memref<10000x128xf32, #tpu.memory_space<hbm>> -> memref<10000x128xf32, #tpu.memory_space<hbm>>
    tpu.enqueue_indirect_dma source(%dma_start3A_30 : memref<10000x128xf32, #tpu.memory_space<hbm>>) target(%arg10 : memref<80x128xf32, #tpu.memory_space<vmem>>) offsets(%dma_start3A_27 : memref<80xi32, #tpu.memory_space<vmem>>) semaphore(%arg12 : memref<!tpu.dma_semaphore, #tpu.memory_space<semaphore_mem>>)
    %scan3A_31 = arith.constant 0 : i32
    %scan3A_32 = arith.constant 62 : i32
    %scan3A_33 = arith.addi %scan3A_31, %scan3A_32 : i32
    %scan3A_34 = arith.constant 1 : i32
    scf.for %scan3A_52 = %scan3A_31 to %scan3A_33 step %scan3A_34  : i32 {
      %mul3A_53 = arith.constant 2 : i32
      %mul3A_54 = arith.muli %scan3A_52, %mul3A_53 : i32
      %add3A_55 = arith.constant 0 : i32
      %add3A_56 = arith.addi %add3A_55, %mul3A_54 : i32
      %add3A_57 = arith.constant 0 : i32
      %add3A_58 = arith.addi %add3A_56, %add3A_57 : i32
      %mul3A_59 = arith.constant 80 : i32
      %mul3A_60 = arith.muli %add3A_58, %mul3A_59 : i32
      %multiple_of3A_61 = tpu.assume_multiple %mul3A_60, 8 : i32
      %dma_wait3A_62 = tpu.memref_slice %arg7[%multiple_of3A_61] : memref<10000xi32, #tpu.memory_space<vmem>> -> memref<80xi32, #tpu.memory_space<vmem>>
      %dma_wait3A_63 = arith.constant 0 : i32
      %dma_wait3A_64 = arith.constant 0 : i32
      %dma_wait3A_65 = tpu.memref_slice %arg2[%dma_wait3A_63, %dma_wait3A_64] : memref<10000x128xf32, #tpu.memory_space<hbm>> -> memref<10000x128xf32, #tpu.memory_space<hbm>>
      tpu.wait_indirect_dma semaphore(%arg11 : memref<!tpu.dma_semaphore, #tpu.memory_space<semaphore_mem>>) src(%dma_wait3A_65 : memref<10000x128xf32, #tpu.memory_space<hbm>>) dst(%arg9 : memref<80x128xf32, #tpu.memory_space<vmem>>)
      "tpu.region"() ({
        %run_scoped3A_88 = tpu.sem_alloc : memref<!tpu.dma_semaphore, #tpu.memory_space<semaphore_mem>>
        %dma_start3A_89 = arith.constant 0 : i32
        %dma_start3A_90 = tpu.memref_slice %arg8[%add3A_58, %dma_start3A_89] : memref<125x80xi32, #tpu.memory_space<vmem>> -> memref<1x80xi32, #tpu.memory_space<vmem>>
        %dma_start3A_91 = tpu.memref_squeeze %dma_start3A_90 : memref<1x80xi32, #tpu.memory_space<vmem>> -> memref<80xi32, #tpu.memory_space<vmem>>
        %dma_start3A_92 = arith.constant 0 : i32
        %dma_start3A_93 = arith.constant 0 : i32
        %dma_start3A_94 = tpu.memref_slice %arg6[%dma_start3A_92, %dma_start3A_93] : memref<10000x128xf32, #tpu.memory_space<vmem_shared>> -> memref<10000x128xf32, #tpu.memory_space<vmem_shared>>
        tpu.enqueue_indirect_dma source(%arg9 : memref<80x128xf32, #tpu.memory_space<vmem>>) target(%dma_start3A_94 : memref<10000x128xf32, #tpu.memory_space<vmem_shared>>) offsets(%dma_start3A_91 : memref<80xi32, #tpu.memory_space<vmem>>) semaphore(%run_scoped3A_88 : memref<!tpu.dma_semaphore, #tpu.memory_space<semaphore_mem>>) {add = true}
        %dma_wait3A_95 = arith.constant 0 : i32
        %dma_wait3A_96 = tpu.memref_slice %arg8[%add3A_58, %dma_wait3A_95] : memref<125x80xi32, #tpu.memory_space<vmem>> -> memref<1x80xi32, #tpu.memory_space<vmem>>
        %dma_wait3A_97 = tpu.memref_squeeze %dma_wait3A_96 : memref<1x80xi32, #tpu.memory_space<vmem>> -> memref<80xi32, #tpu.memory_space<vmem>>
        %dma_wait3A_98 = arith.constant 0 : i32
        %dma_wait3A_99 = arith.constant 0 : i32
        %dma_wait3A_100 = tpu.memref_slice %arg6[%dma_wait3A_98, %dma_wait3A_99] : memref<10000x128xf32, #tpu.memory_space<vmem_shared>> -> memref<10000x128xf32, #tpu.memory_space<vmem_shared>>
        tpu.wait_indirect_dma semaphore(%run_scoped3A_88 : memref<!tpu.dma_semaphore, #tpu.memory_space<semaphore_mem>>) src(%arg9 : memref<80x128xf32, #tpu.memory_space<vmem>>) dst(%dma_wait3A_100 : memref<10000x128xf32, #tpu.memory_space<vmem_shared>>)
        tpu.yield
      }) : () -> ()
      %add3A_66 = arith.constant 2 : i32
      %add3A_67 = arith.addi %add3A_58, %add3A_66 : i32
      %lt3A = arith.constant 125 : i32
      %lt3A_68 = arith.cmpi slt, %add3A_67, %lt3A : i32
      %convert_element_type3A_69 = arith.extui %lt3A_68 : i1 to i32
      %cond3A_70 = arith.constant 0 : i32
      %cond3A_71 = arith.cmpi ne, %convert_element_type3A_69, %cond3A_70 : i32
      scf.if %cond3A_71 {
        %mul3A_88 = arith.constant 80 : i32
        %mul3A_89 = arith.muli %add3A_67, %mul3A_88 : i32
        %multiple_of3A_90 = tpu.assume_multiple %mul3A_89, 8 : i32
        %dma_start3A_91 = tpu.memref_slice %arg7[%multiple_of3A_90] : memref<10000xi32, #tpu.memory_space<vmem>> -> memref<80xi32, #tpu.memory_space<vmem>>
        %dma_start3A_92 = arith.constant 0 : i32
        %dma_start3A_93 = arith.constant 0 : i32
        %dma_start3A_94 = tpu.memref_slice %arg2[%dma_start3A_92, %dma_start3A_93] : memref<10000x128xf32, #tpu.memory_space<hbm>> -> memref<10000x128xf32, #tpu.memory_space<hbm>>
        tpu.enqueue_indirect_dma source(%dma_start3A_94 : memref<10000x128xf32, #tpu.memory_space<hbm>>) target(%arg9 : memref<80x128xf32, #tpu.memory_space<vmem>>) offsets(%dma_start3A_91 : memref<80xi32, #tpu.memory_space<vmem>>) semaphore(%arg11 : memref<!tpu.dma_semaphore, #tpu.memory_space<semaphore_mem>>)
      } else {
      }
      %add3A_72 = arith.constant 1 : i32
      %add3A_73 = arith.addi %add3A_56, %add3A_72 : i32
      %mul3A_74 = arith.constant 80 : i32
      %mul3A_75 = arith.muli %add3A_73, %mul3A_74 : i32
      %multiple_of3A_76 = tpu.assume_multiple %mul3A_75, 8 : i32
      %dma_wait3A_77 = tpu.memref_slice %arg7[%multiple_of3A_76] : memref<10000xi32, #tpu.memory_space<vmem>> -> memref<80xi32, #tpu.memory_space<vmem>>
      %dma_wait3A_78 = arith.constant 0 : i32
      %dma_wait3A_79 = arith.constant 0 : i32
      %dma_wait3A_80 = tpu.memref_slice %arg2[%dma_wait3A_78, %dma_wait3A_79] : memref<10000x128xf32, #tpu.memory_space<hbm>> -> memref<10000x128xf32, #tpu.memory_space<hbm>>
      tpu.wait_indirect_dma semaphore(%arg12 : memref<!tpu.dma_semaphore, #tpu.memory_space<semaphore_mem>>) src(%dma_wait3A_80 : memref<10000x128xf32, #tpu.memory_space<hbm>>) dst(%arg10 : memref<80x128xf32, #tpu.memory_space<vmem>>)
      "tpu.region"() ({
        %run_scoped3A_88 = tpu.sem_alloc : memref<!tpu.dma_semaphore, #tpu.memory_space<semaphore_mem>>
        %dma_start3A_89 = arith.constant 0 : i32
        %dma_start3A_90 = tpu.memref_slice %arg8[%add3A_73, %dma_start3A_89] : memref<125x80xi32, #tpu.memory_space<vmem>> -> memref<1x80xi32, #tpu.memory_space<vmem>>
        %dma_start3A_91 = tpu.memref_squeeze %dma_start3A_90 : memref<1x80xi32, #tpu.memory_space<vmem>> -> memref<80xi32, #tpu.memory_space<vmem>>
        %dma_start3A_92 = arith.constant 0 : i32
        %dma_start3A_93 = arith.constant 0 : i32
        %dma_start3A_94 = tpu.memref_slice %arg6[%dma_start3A_92, %dma_start3A_93] : memref<10000x128xf32, #tpu.memory_space<vmem_shared>> -> memref<10000x128xf32, #tpu.memory_space<vmem_shared>>
        tpu.enqueue_indirect_dma source(%arg10 : memref<80x128xf32, #tpu.memory_space<vmem>>) target(%dma_start3A_94 : memref<10000x128xf32, #tpu.memory_space<vmem_shared>>) offsets(%dma_start3A_91 : memref<80xi32, #tpu.memory_space<vmem>>) semaphore(%run_scoped3A_88 : memref<!tpu.dma_semaphore, #tpu.memory_space<semaphore_mem>>) {add = true}
        %dma_wait3A_95 = arith.constant 0 : i32
        %dma_wait3A_96 = tpu.memref_slice %arg8[%add3A_73, %dma_wait3A_95] : memref<125x80xi32, #tpu.memory_space<vmem>> -> memref<1x80xi32, #tpu.memory_space<vmem>>
        %dma_wait3A_97 = tpu.memref_squeeze %dma_wait3A_96 : memref<1x80xi32, #tpu.memory_space<vmem>> -> memref<80xi32, #tpu.memory_space<vmem>>
        %dma_wait3A_98 = arith.constant 0 : i32
        %dma_wait3A_99 = arith.constant 0 : i32
        %dma_wait3A_100 = tpu.memref_slice %arg6[%dma_wait3A_98, %dma_wait3A_99] : memref<10000x128xf32, #tpu.memory_space<vmem_shared>> -> memref<10000x128xf32, #tpu.memory_space<vmem_shared>>
        tpu.wait_indirect_dma semaphore(%run_scoped3A_88 : memref<!tpu.dma_semaphore, #tpu.memory_space<semaphore_mem>>) src(%arg10 : memref<80x128xf32, #tpu.memory_space<vmem>>) dst(%dma_wait3A_100 : memref<10000x128xf32, #tpu.memory_space<vmem_shared>>)
        tpu.yield
      }) : () -> ()
      %add3A_81 = arith.constant 2 : i32
      %add3A_82 = arith.addi %add3A_73, %add3A_81 : i32
      %lt3A_83 = arith.constant 125 : i32
      %lt3A_84 = arith.cmpi slt, %add3A_82, %lt3A_83 : i32
      %convert_element_type3A_85 = arith.extui %lt3A_84 : i1 to i32
      %cond3A_86 = arith.constant 0 : i32
      %cond3A_87 = arith.cmpi ne, %convert_element_type3A_85, %cond3A_86 : i32
      scf.if %cond3A_87 {
        %mul3A_88 = arith.constant 80 : i32
        %mul3A_89 = arith.muli %add3A_82, %mul3A_88 : i32
        %multiple_of3A_90 = tpu.assume_multiple %mul3A_89, 8 : i32
        %dma_start3A_91 = tpu.memref_slice %arg7[%multiple_of3A_90] : memref<10000xi32, #tpu.memory_space<vmem>> -> memref<80xi32, #tpu.memory_space<vmem>>
        %dma_start3A_92 = arith.constant 0 : i32
        %dma_start3A_93 = arith.constant 0 : i32
        %dma_start3A_94 = tpu.memref_slice %arg2[%dma_start3A_92, %dma_start3A_93] : memref<10000x128xf32, #tpu.memory_space<hbm>> -> memref<10000x128xf32, #tpu.memory_space<hbm>>
        tpu.enqueue_indirect_dma source(%dma_start3A_94 : memref<10000x128xf32, #tpu.memory_space<hbm>>) target(%arg10 : memref<80x128xf32, #tpu.memory_space<vmem>>) offsets(%dma_start3A_91 : memref<80xi32, #tpu.memory_space<vmem>>) semaphore(%arg12 : memref<!tpu.dma_semaphore, #tpu.memory_space<semaphore_mem>>)
      } else {
      }
    }
    %scan3A_35 = arith.constant 62 : i32
    %mul3A_36 = arith.constant 124 : i32
    %mul3A_37 = arith.constant 80 : i32
    %mul3A_38 = arith.muli %mul3A_36, %mul3A_37 : i32
    %multiple_of3A_39 = tpu.assume_multiple %mul3A_38, 8 : i32
    %dma_wait3A = tpu.memref_slice %arg7[%multiple_of3A_39] : memref<10000xi32, #tpu.memory_space<vmem>> -> memref<80xi32, #tpu.memory_space<vmem>>
    %dma_wait3A_40 = arith.constant 0 : i32
    %dma_wait3A_41 = arith.constant 0 : i32
    %dma_wait3A_42 = tpu.memref_slice %arg2[%dma_wait3A_40, %dma_wait3A_41] : memref<10000x128xf32, #tpu.memory_space<hbm>> -> memref<10000x128xf32, #tpu.memory_space<hbm>>
    tpu.wait_indirect_dma semaphore(%arg11 : memref<!tpu.dma_semaphore, #tpu.memory_space<semaphore_mem>>) src(%dma_wait3A_42 : memref<10000x128xf32, #tpu.memory_space<hbm>>) dst(%arg9 : memref<80x128xf32, #tpu.memory_space<vmem>>)
    %run_scoped3A_43 = arith.constant 124 : i32
    "tpu.region"() ({
      %run_scoped3A_52 = tpu.sem_alloc : memref<!tpu.dma_semaphore, #tpu.memory_space<semaphore_mem>>
      %dma_start3A_53 = arith.constant 0 : i32
      %dma_start3A_54 = tpu.memref_slice %arg8[%run_scoped3A_43, %dma_start3A_53] : memref<125x80xi32, #tpu.memory_space<vmem>> -> memref<1x80xi32, #tpu.memory_space<vmem>>
      %dma_start3A_55 = tpu.memref_squeeze %dma_start3A_54 : memref<1x80xi32, #tpu.memory_space<vmem>> -> memref<80xi32, #tpu.memory_space<vmem>>
      %dma_start3A_56 = arith.constant 0 : i32
      %dma_start3A_57 = arith.constant 0 : i32
      %dma_start3A_58 = tpu.memref_slice %arg6[%dma_start3A_56, %dma_start3A_57] : memref<10000x128xf32, #tpu.memory_space<vmem_shared>> -> memref<10000x128xf32, #tpu.memory_space<vmem_shared>>
      tpu.enqueue_indirect_dma source(%arg9 : memref<80x128xf32, #tpu.memory_space<vmem>>) target(%dma_start3A_58 : memref<10000x128xf32, #tpu.memory_space<vmem_shared>>) offsets(%dma_start3A_55 : memref<80xi32, #tpu.memory_space<vmem>>) semaphore(%run_scoped3A_52 : memref<!tpu.dma_semaphore, #tpu.memory_space<semaphore_mem>>) {add = true}
      %dma_wait3A_59 = arith.constant 0 : i32
      %dma_wait3A_60 = tpu.memref_slice %arg8[%run_scoped3A_43, %dma_wait3A_59] : memref<125x80xi32, #tpu.memory_space<vmem>> -> memref<1x80xi32, #tpu.memory_space<vmem>>
      %dma_wait3A_61 = tpu.memref_squeeze %dma_wait3A_60 : memref<1x80xi32, #tpu.memory_space<vmem>> -> memref<80xi32, #tpu.memory_space<vmem>>
      %dma_wait3A_62 = arith.constant 0 : i32
      %dma_wait3A_63 = arith.constant 0 : i32
      %dma_wait3A_64 = tpu.memref_slice %arg6[%dma_wait3A_62, %dma_wait3A_63] : memref<10000x128xf32, #tpu.memory_space<vmem_shared>> -> memref<10000x128xf32, #tpu.memory_space<vmem_shared>>
      tpu.wait_indirect_dma semaphore(%run_scoped3A_52 : memref<!tpu.dma_semaphore, #tpu.memory_space<semaphore_mem>>) src(%arg9 : memref<80x128xf32, #tpu.memory_space<vmem>>) dst(%dma_wait3A_64 : memref<10000x128xf32, #tpu.memory_space<vmem_shared>>)
      tpu.yield
    }) : () -> ()
    %barrier3A_44 = arith.constant 0 : index
    tpu.barrier barrier_id(%barrier3A_44)
    %multiple_of3A_45 = tpu.assume_multiple %mul3A_2, 8 : i32
    %multiple_of3A_46 = tpu.assume_multiple %mul3A_2, 8 : i32
    "tpu.region"() ({
      %run_scoped3A_52 = tpu.sem_alloc : memref<!tpu.dma_semaphore, #tpu.memory_space<semaphore_mem>>
      %dma_start3A_53 = arith.constant 0 : i32
      %dma_start3A_54 = tpu.memref_slice %arg5[%arg0, %multiple_of3A_46, %dma_start3A_53] : memref<2x10000x128xf32, #tpu.memory_space<hbm>> -> memref<1x624x128xf32, #tpu.memory_space<hbm>>
      %dma_start3A_55 = tpu.memref_squeeze %dma_start3A_54 : memref<1x624x128xf32, #tpu.memory_space<hbm>> -> memref<624x128xf32, #tpu.memory_space<hbm>>
      %dma_start3A_56 = arith.constant 0 : i32
      %dma_start3A_57 = tpu.memref_slice %arg6[%multiple_of3A_45, %dma_start3A_56] : memref<10000x128xf32, #tpu.memory_space<vmem_shared>> -> memref<624x128xf32, #tpu.memory_space<vmem_shared>>
      tpu.enqueue_dma source(%dma_start3A_57 : memref<624x128xf32, #tpu.memory_space<vmem_shared>>) target(%dma_start3A_55 : memref<624x128xf32, #tpu.memory_space<hbm>>) target_semaphore(%run_scoped3A_52 : memref<!tpu.dma_semaphore, #tpu.memory_space<semaphore_mem>>)
      %dma_wait3A_58 = arith.constant 0 : i32
      %dma_wait3A_59 = tpu.memref_slice %arg5[%arg0, %multiple_of3A_46, %dma_wait3A_58] : memref<2x10000x128xf32, #tpu.memory_space<hbm>> -> memref<1x624x128xf32, #tpu.memory_space<hbm>>
      %dma_wait3A_60 = tpu.memref_squeeze %dma_wait3A_59 : memref<1x624x128xf32, #tpu.memory_space<hbm>> -> memref<624x128xf32, #tpu.memory_space<hbm>>
      %dma_wait3A_61 = arith.constant 0 : i32
      %dma_wait3A_62 = tpu.memref_slice %arg6[%multiple_of3A_45, %dma_wait3A_61] : memref<10000x128xf32, #tpu.memory_space<vmem_shared>> -> memref<624x128xf32, #tpu.memory_space<vmem_shared>>
      tpu.wait_dma2 semaphore(%run_scoped3A_52 : memref<!tpu.dma_semaphore, #tpu.memory_space<semaphore_mem>>) src(%dma_wait3A_62 : memref<624x128xf32, #tpu.memory_space<vmem_shared>>) dst(%dma_wait3A_60 : memref<624x128xf32, #tpu.memory_space<hbm>>)
      tpu.yield
    }) : () -> ()
    %eq3A_47 = arith.constant 15 : i32
    %eq3A_48 = arith.cmpi eq, %arg1, %eq3A_47 : i32
    %convert_element_type3A_49 = arith.extui %eq3A_48 : i1 to i32
    %cond3A_50 = arith.constant 0 : i32
    %cond3A_51 = arith.cmpi ne, %convert_element_type3A_49, %cond3A_50 : i32
    scf.if %cond3A_51 {
      "tpu.region"() ({
        %run_scoped3A_52 = tpu.sem_alloc : memref<!tpu.dma_semaphore, #tpu.memory_space<semaphore_mem>>
        %dma_start3A_53 = arith.constant 9984 : i32
        %dma_start3A_54 = arith.constant 0 : i32
        %dma_start3A_55 = tpu.memref_slice %arg5[%arg0, %dma_start3A_53, %dma_start3A_54] : memref<2x10000x128xf32, #tpu.memory_space<hbm>> -> memref<1x16x128xf32, #tpu.memory_space<hbm>>
        %dma_start3A_56 = tpu.memref_squeeze %dma_start3A_55 : memref<1x16x128xf32, #tpu.memory_space<hbm>> -> memref<16x128xf32, #tpu.memory_space<hbm>>
        %dma_start3A_57 = arith.constant 9984 : i32
        %dma_start3A_58 = arith.constant 0 : i32
        %dma_start3A_59 = tpu.memref_slice %arg6[%dma_start3A_57, %dma_start3A_58] : memref<10000x128xf32, #tpu.memory_space<vmem_shared>> -> memref<16x128xf32, #tpu.memory_space<vmem_shared>>
        tpu.enqueue_dma source(%dma_start3A_59 : memref<16x128xf32, #tpu.memory_space<vmem_shared>>) target(%dma_start3A_56 : memref<16x128xf32, #tpu.memory_space<hbm>>) target_semaphore(%run_scoped3A_52 : memref<!tpu.dma_semaphore, #tpu.memory_space<semaphore_mem>>)
        %dma_wait3A_60 = arith.constant 9984 : i32
        %dma_wait3A_61 = arith.constant 0 : i32
        %dma_wait3A_62 = tpu.memref_slice %arg5[%arg0, %dma_wait3A_60, %dma_wait3A_61] : memref<2x10000x128xf32, #tpu.memory_space<hbm>> -> memref<1x16x128xf32, #tpu.memory_space<hbm>>
        %dma_wait3A_63 = tpu.memref_squeeze %dma_wait3A_62 : memref<1x16x128xf32, #tpu.memory_space<hbm>> -> memref<16x128xf32, #tpu.memory_space<hbm>>
        %dma_wait3A_64 = arith.constant 9984 : i32
        %dma_wait3A_65 = arith.constant 0 : i32
        %dma_wait3A_66 = tpu.memref_slice %arg6[%dma_wait3A_64, %dma_wait3A_65] : memref<10000x128xf32, #tpu.memory_space<vmem_shared>> -> memref<16x128xf32, #tpu.memory_space<vmem_shared>>
        tpu.wait_dma2 semaphore(%run_scoped3A_52 : memref<!tpu.dma_semaphore, #tpu.memory_space<semaphore_mem>>) src(%dma_wait3A_66 : memref<16x128xf32, #tpu.memory_space<vmem_shared>>) dst(%dma_wait3A_63 : memref<16x128xf32, #tpu.memory_space<hbm>>)
        tpu.yield
      }) : () -> ()
    } else {
    }
    return
  }
}

#map = affine_map<(d0, d1) -> (0, 0, 0)>
module attributes {stable_mosaic.version = 14 : i64} {
  func.func @_sc_deg(%arg0: i32, %arg1: i32, %arg2: memref<32x125x80xi32, #tpu.memory_space<hbm>>, %arg3: memref<2x10000x128xf32, #tpu.memory_space<hbm>>, %arg4: memref<10000x128xf32, #tpu.memory_space<vmem_shared>>, %arg5: memref<125x80xi32, #tpu.memory_space<vmem>>, %arg6: memref<80x128xf32, #tpu.memory_space<vmem>>) attributes {dimension_semantics = [#tpu.dimension_semantics<core_parallel>, #tpu.dimension_semantics<subcore_parallel>], iteration_bounds = array<i64: 2, 16>, scalar_prefetch = 0 : i64, scratch_operands = 3 : i64, tpu.core_type = #tpu.core_type<sc_vector_subcore>, window_params = [{transform_indices = #map}, {transform_indices = #map}]} {
    %mul3A = arith.constant 16 : i32
    %mul3A_0 = arith.muli %arg0, %mul3A : i32
    %add3A = arith.addi %mul3A_0, %arg1 : i32
    %mul3A_1 = arith.constant 624 : i32
    %mul3A_2 = arith.muli %arg1, %mul3A_1 : i32
    %scan3A = arith.constant 0 : i32
    %scan3A_3 = arith.constant 80 : i32
    %scan3A_4 = arith.addi %scan3A, %scan3A_3 : i32
    %scan3A_5 = arith.constant 1 : i32
    scf.for %scan3A_34 = %scan3A to %scan3A_4 step %scan3A_5  : i32 {
      %mul3A_35 = arith.constant 1 : i32
      %mul3A_36 = arith.muli %scan3A_34, %mul3A_35 : i32
      %add3A_37 = arith.constant 0 : i32
      %add3A_38 = arith.addi %add3A_37, %mul3A_36 : i32
      %scan3A_39 = arith.constant 0 : i32
      %scan3A_40 = arith.constant 8 : i32
      %scan3A_41 = arith.addi %scan3A_39, %scan3A_40 : i32
      %scan3A_42 = arith.constant 1 : i32
      scf.for %scan3A_44 = %scan3A_39 to %scan3A_41 step %scan3A_42  : i32 {
        %mul3A_45 = arith.constant 16 : i32
        %mul3A_46 = arith.muli %scan3A_44, %mul3A_45 : i32
        %add3A_47 = arith.constant 0 : i32
        %add3A_48 = arith.addi %add3A_47, %mul3A_46 : i32
        %broadcast_in_dim3A = arith.constant 0.000000e+00 : f32
        %broadcast_in_dim3A_49 = vector.broadcast %broadcast_in_dim3A : f32 to vector<16xf32>
        %swap3A = arith.index_cast %add3A_38 : i32 to index
        %swap3A_50 = arith.index_cast %add3A_48 : i32 to index
        %swap3A_51 = tpu.vector_load %arg6[%swap3A, %swap3A_50] {strides = array<i32>} : memref<80x128xf32, #tpu.memory_space<vmem>>, vector<1x16xf32>,
        %swap3A_52 = vector.shape_cast %swap3A_51 : vector<1x16xf32> to vector<16xf32>
        %swap3A_53 = vector.shape_cast %broadcast_in_dim3A_49 : vector<16xf32> to vector<1x16xf32>
        tpu.vector_store %arg6[%swap3A, %swap3A_50], %swap3A_53 {strides = array<i32>} : memref<80x128xf32, #tpu.memory_space<vmem>>, vector<1x16xf32>,
      }
      %scan3A_43 = arith.constant 8 : i32
    }
    %scan3A_6 = arith.constant 80 : i32
    %scan3A_7 = arith.constant 0 : i32
    %scan3A_8 = arith.constant 7 : i32
    %scan3A_9 = arith.addi %scan3A_7, %scan3A_8 : i32
    %scan3A_10 = arith.constant 1 : i32
    scf.for %scan3A_34 = %scan3A_7 to %scan3A_9 step %scan3A_10  : i32 {
      %mul3A_35 = arith.constant 80 : i32
      %mul3A_36 = arith.muli %scan3A_34, %mul3A_35 : i32
      %add3A_37 = arith.constant 0 : i32
      %add3A_38 = arith.addi %add3A_37, %mul3A_36 : i32
      %add3A_39 = arith.addi %mul3A_2, %add3A_38 : i32
      %multiple_of3A_40 = tpu.assume_multiple %add3A_39, 8 : i32
      "tpu.region"() ({
        %run_scoped3A = tpu.sem_alloc : memref<!tpu.dma_semaphore, #tpu.memory_space<semaphore_mem>>
        %dma_start3A = arith.constant 0 : i32
        %dma_start3A_41 = tpu.memref_slice %arg4[%multiple_of3A_40, %dma_start3A] : memref<10000x128xf32, #tpu.memory_space<vmem_shared>> -> memref<80x128xf32, #tpu.memory_space<vmem_shared>>
        %dma_start3A_42 = arith.constant 0 : i32
        %dma_start3A_43 = tpu.memref_slice %arg4[%multiple_of3A_40, %dma_start3A_42] : memref<10000x128xf32, #tpu.memory_space<vmem_shared>> -> memref<80x128xf32, #tpu.memory_space<vmem_shared>>
        tpu.enqueue_dma source(%arg6 : memref<80x128xf32, #tpu.memory_space<vmem>>) target(%dma_start3A_43 : memref<80x128xf32, #tpu.memory_space<vmem_shared>>) target_semaphore(%run_scoped3A : memref<!tpu.dma_semaphore, #tpu.memory_space<semaphore_mem>>)
        %dma_wait3A = arith.constant 0 : i32
        %dma_wait3A_44 = tpu.memref_slice %arg4[%multiple_of3A_40, %dma_wait3A] : memref<10000x128xf32, #tpu.memory_space<vmem_shared>> -> memref<80x128xf32, #tpu.memory_space<vmem_shared>>
        %dma_wait3A_45 = arith.constant 0 : i32
        %dma_wait3A_46 = tpu.memref_slice %arg4[%multiple_of3A_40, %dma_wait3A_45] : memref<10000x128xf32, #tpu.memory_space<vmem_shared>> -> memref<80x128xf32, #tpu.memory_space<vmem_shared>>
        tpu.wait_dma2 semaphore(%run_scoped3A : memref<!tpu.dma_semaphore, #tpu.memory_space<semaphore_mem>>) src(%arg6 : memref<80x128xf32, #tpu.memory_space<vmem>>) dst(%dma_wait3A_46 : memref<80x128xf32, #tpu.memory_space<vmem_shared>>)
        tpu.yield
      }) : () -> ()
    }
    %scan3A_11 = arith.constant 7 : i32
    %add3A_12 = arith.constant 560 : i32
    %add3A_13 = arith.addi %mul3A_2, %add3A_12 : i32
    %multiple_of3A = tpu.assume_multiple %add3A_13, 8 : i32
    "tpu.region"() ({
      %run_scoped3A = tpu.sem_alloc : memref<!tpu.dma_semaphore, #tpu.memory_space<semaphore_mem>>
      %dma_start3A = arith.constant 0 : i32
      %dma_start3A_34 = arith.constant 0 : i32
      %dma_start3A_35 = tpu.memref_slice %arg6[%dma_start3A, %dma_start3A_34] : memref<80x128xf32, #tpu.memory_space<vmem>> -> memref<64x128xf32, #tpu.memory_space<vmem>>
      %dma_start3A_36 = arith.constant 0 : i32
      %dma_start3A_37 = tpu.memref_slice %arg4[%multiple_of3A, %dma_start3A_36] : memref<10000x128xf32, #tpu.memory_space<vmem_shared>> -> memref<64x128xf32, #tpu.memory_space<vmem_shared>>
      %dma_start3A_38 = arith.constant 0 : i32
      %dma_start3A_39 = tpu.memref_slice %arg4[%multiple_of3A, %dma_start3A_38] : memref<10000x128xf32, #tpu.memory_space<vmem_shared>> -> memref<64x128xf32, #tpu.memory_space<vmem_shared>>
      %dma_start3A_40 = arith.constant 0 : i32
      %dma_start3A_41 = arith.constant 0 : i32
      %dma_start3A_42 = tpu.memref_slice %arg6[%dma_start3A_40, %dma_start3A_41] : memref<80x128xf32, #tpu.memory_space<vmem>> -> memref<64x128xf32, #tpu.memory_space<vmem>>
      tpu.enqueue_dma source(%dma_start3A_42 : memref<64x128xf32, #tpu.memory_space<vmem>>) target(%dma_start3A_39 : memref<64x128xf32, #tpu.memory_space<vmem_shared>>) target_semaphore(%run_scoped3A : memref<!tpu.dma_semaphore, #tpu.memory_space<semaphore_mem>>)
      %dma_wait3A = arith.constant 0 : i32
      %dma_wait3A_43 = arith.constant 0 : i32
      %dma_wait3A_44 = tpu.memref_slice %arg6[%dma_wait3A, %dma_wait3A_43] : memref<80x128xf32, #tpu.memory_space<vmem>> -> memref<64x128xf32, #tpu.memory_space<vmem>>
      %dma_wait3A_45 = arith.constant 0 : i32
      %dma_wait3A_46 = tpu.memref_slice %arg4[%multiple_of3A, %dma_wait3A_45] : memref<10000x128xf32, #tpu.memory_space<vmem_shared>> -> memref<64x128xf32, #tpu.memory_space<vmem_shared>>
      %dma_wait3A_47 = arith.constant 0 : i32
      %dma_wait3A_48 = tpu.memref_slice %arg4[%multiple_of3A, %dma_wait3A_47] : memref<10000x128xf32, #tpu.memory_space<vmem_shared>> -> memref<64x128xf32, #tpu.memory_space<vmem_shared>>
      %dma_wait3A_49 = arith.constant 0 : i32
      %dma_wait3A_50 = arith.constant 0 : i32
      %dma_wait3A_51 = tpu.memref_slice %arg6[%dma_wait3A_49, %dma_wait3A_50] : memref<80x128xf32, #tpu.memory_space<vmem>> -> memref<64x128xf32, #tpu.memory_space<vmem>>
      tpu.wait_dma2 semaphore(%run_scoped3A : memref<!tpu.dma_semaphore, #tpu.memory_space<semaphore_mem>>) src(%dma_wait3A_51 : memref<64x128xf32, #tpu.memory_space<vmem>>) dst(%dma_wait3A_48 : memref<64x128xf32, #tpu.memory_space<vmem_shared>>)
      tpu.yield
    }) : () -> ()
    %eq3A = arith.constant 15 : i32
    %eq3A_14 = arith.cmpi eq, %arg1, %eq3A : i32
    %convert_element_type3A = arith.extui %eq3A_14 : i1 to i32
    %cond3A = arith.constant 0 : i32
    %cond3A_15 = arith.cmpi ne, %convert_element_type3A, %cond3A : i32
    scf.if %cond3A_15 {
      "tpu.region"() ({
        %run_scoped3A = tpu.sem_alloc : memref<!tpu.dma_semaphore, #tpu.memory_space<semaphore_mem>>
        %dma_start3A = arith.constant 0 : i32
        %dma_start3A_34 = arith.constant 0 : i32
        %dma_start3A_35 = tpu.memref_slice %arg6[%dma_start3A, %dma_start3A_34] : memref<80x128xf32, #tpu.memory_space<vmem>> -> memref<16x128xf32, #tpu.memory_space<vmem>>
        %dma_start3A_36 = arith.constant 9984 : i32
        %dma_start3A_37 = arith.constant 0 : i32
        %dma_start3A_38 = tpu.memref_slice %arg4[%dma_start3A_36, %dma_start3A_37] : memref<10000x128xf32, #tpu.memory_space<vmem_shared>> -> memref<16x128xf32, #tpu.memory_space<vmem_shared>>
        %dma_start3A_39 = arith.constant 9984 : i32
        %dma_start3A_40 = arith.constant 0 : i32
        %dma_start3A_41 = tpu.memref_slice %arg4[%dma_start3A_39, %dma_start3A_40] : memref<10000x128xf32, #tpu.memory_space<vmem_shared>> -> memref<16x128xf32, #tpu.memory_space<vmem_shared>>
        %dma_start3A_42 = arith.constant 0 : i32
        %dma_start3A_43 = arith.constant 0 : i32
        %dma_start3A_44 = tpu.memref_slice %arg6[%dma_start3A_42, %dma_start3A_43] : memref<80x128xf32, #tpu.memory_space<vmem>> -> memref<16x128xf32, #tpu.memory_space<vmem>>
        tpu.enqueue_dma source(%dma_start3A_44 : memref<16x128xf32, #tpu.memory_space<vmem>>) target(%dma_start3A_41 : memref<16x128xf32, #tpu.memory_space<vmem_shared>>) target_semaphore(%run_scoped3A : memref<!tpu.dma_semaphore, #tpu.memory_space<semaphore_mem>>)
        %dma_wait3A = arith.constant 0 : i32
        %dma_wait3A_45 = arith.constant 0 : i32
        %dma_wait3A_46 = tpu.memref_slice %arg6[%dma_wait3A, %dma_wait3A_45] : memref<80x128xf32, #tpu.memory_space<vmem>> -> memref<16x128xf32, #tpu.memory_space<vmem>>
        %dma_wait3A_47 = arith.constant 9984 : i32
        %dma_wait3A_48 = arith.constant 0 : i32
        %dma_wait3A_49 = tpu.memref_slice %arg4[%dma_wait3A_47, %dma_wait3A_48] : memref<10000x128xf32, #tpu.memory_space<vmem_shared>> -> memref<16x128xf32, #tpu.memory_space<vmem_shared>>
        %dma_wait3A_50 = arith.constant 9984 : i32
        %dma_wait3A_51 = arith.constant 0 : i32
        %dma_wait3A_52 = tpu.memref_slice %arg4[%dma_wait3A_50, %dma_wait3A_51] : memref<10000x128xf32, #tpu.memory_space<vmem_shared>> -> memref<16x128xf32, #tpu.memory_space<vmem_shared>>
        %dma_wait3A_53 = arith.constant 0 : i32
        %dma_wait3A_54 = arith.constant 0 : i32
        %dma_wait3A_55 = tpu.memref_slice %arg6[%dma_wait3A_53, %dma_wait3A_54] : memref<80x128xf32, #tpu.memory_space<vmem>> -> memref<16x128xf32, #tpu.memory_space<vmem>>
        tpu.wait_dma2 semaphore(%run_scoped3A : memref<!tpu.dma_semaphore, #tpu.memory_space<semaphore_mem>>) src(%dma_wait3A_55 : memref<16x128xf32, #tpu.memory_space<vmem>>) dst(%dma_wait3A_52 : memref<16x128xf32, #tpu.memory_space<vmem_shared>>)
        tpu.yield
      }) : () -> ()
    } else {
    }
    %scan3A_16 = arith.constant 0 : i32
    %scan3A_17 = arith.constant 80 : i32
    %scan3A_18 = arith.addi %scan3A_16, %scan3A_17 : i32
    %scan3A_19 = arith.constant 1 : i32
    scf.for %scan3A_34 = %scan3A_16 to %scan3A_18 step %scan3A_19  : i32 {
      %mul3A_35 = arith.constant 1 : i32
      %mul3A_36 = arith.muli %scan3A_34, %mul3A_35 : i32
      %add3A_37 = arith.constant 0 : i32
      %add3A_38 = arith.addi %add3A_37, %mul3A_36 : i32
      %scan3A_39 = arith.constant 0 : i32
      %scan3A_40 = arith.constant 8 : i32
      %scan3A_41 = arith.addi %scan3A_39, %scan3A_40 : i32
      %scan3A_42 = arith.constant 1 : i32
      scf.for %scan3A_44 = %scan3A_39 to %scan3A_41 step %scan3A_42  : i32 {
        %mul3A_45 = arith.constant 16 : i32
        %mul3A_46 = arith.muli %scan3A_44, %mul3A_45 : i32
        %add3A_47 = arith.constant 0 : i32
        %add3A_48 = arith.addi %add3A_47, %mul3A_46 : i32
        %broadcast_in_dim3A = arith.constant 1.000000e+00 : f32
        %broadcast_in_dim3A_49 = vector.broadcast %broadcast_in_dim3A : f32 to vector<16xf32>
        %swap3A = arith.index_cast %add3A_38 : i32 to index
        %swap3A_50 = arith.index_cast %add3A_48 : i32 to index
        %swap3A_51 = tpu.vector_load %arg6[%swap3A, %swap3A_50] {strides = array<i32>} : memref<80x128xf32, #tpu.memory_space<vmem>>, vector<1x16xf32>,
        %swap3A_52 = vector.shape_cast %swap3A_51 : vector<1x16xf32> to vector<16xf32>
        %swap3A_53 = vector.shape_cast %broadcast_in_dim3A_49 : vector<16xf32> to vector<1x16xf32>
        tpu.vector_store %arg6[%swap3A, %swap3A_50], %swap3A_53 {strides = array<i32>} : memref<80x128xf32, #tpu.memory_space<vmem>>, vector<1x16xf32>,
      }
      %scan3A_43 = arith.constant 8 : i32
    }
    %scan3A_20 = arith.constant 80 : i32
    "tpu.region"() ({
      %run_scoped3A = tpu.sem_alloc : memref<!tpu.dma_semaphore, #tpu.memory_space<semaphore_mem>>
      %dma_start3A = arith.constant 0 : i32
      %dma_start3A_34 = arith.constant 0 : i32
      %dma_start3A_35 = tpu.memref_slice %arg2[%add3A, %dma_start3A, %dma_start3A_34] : memref<32x125x80xi32, #tpu.memory_space<hbm>> -> memref<1x125x80xi32, #tpu.memory_space<hbm>>
      %dma_start3A_36 = tpu.memref_squeeze %dma_start3A_35 : memref<1x125x80xi32, #tpu.memory_space<hbm>> -> memref<125x80xi32, #tpu.memory_space<hbm>>
      %dma_start3A_37 = arith.constant 0 : i32
      %dma_start3A_38 = arith.constant 0 : i32
      %dma_start3A_39 = tpu.memref_slice %arg2[%add3A, %dma_start3A_37, %dma_start3A_38] : memref<32x125x80xi32, #tpu.memory_space<hbm>> -> memref<1x125x80xi32, #tpu.memory_space<hbm>>
      %dma_start3A_40 = tpu.memref_squeeze %dma_start3A_39 : memref<1x125x80xi32, #tpu.memory_space<hbm>> -> memref<125x80xi32, #tpu.memory_space<hbm>>
      tpu.enqueue_dma source(%dma_start3A_40 : memref<125x80xi32, #tpu.memory_space<hbm>>) target(%arg5 : memref<125x80xi32, #tpu.memory_space<vmem>>) target_semaphore(%run_scoped3A : memref<!tpu.dma_semaphore, #tpu.memory_space<semaphore_mem>>)
      %dma_wait3A = arith.constant 0 : i32
      %dma_wait3A_41 = arith.constant 0 : i32
      %dma_wait3A_42 = tpu.memref_slice %arg2[%add3A, %dma_wait3A, %dma_wait3A_41] : memref<32x125x80xi32, #tpu.memory_space<hbm>> -> memref<1x125x80xi32, #tpu.memory_space<hbm>>
      %dma_wait3A_43 = tpu.memref_squeeze %dma_wait3A_42 : memref<1x125x80xi32, #tpu.memory_space<hbm>> -> memref<125x80xi32, #tpu.memory_space<hbm>>
      %dma_wait3A_44 = arith.constant 0 : i32
      %dma_wait3A_45 = arith.constant 0 : i32
      %dma_wait3A_46 = tpu.memref_slice %arg2[%add3A, %dma_wait3A_44, %dma_wait3A_45] : memref<32x125x80xi32, #tpu.memory_space<hbm>> -> memref<1x125x80xi32, #tpu.memory_space<hbm>>
      %dma_wait3A_47 = tpu.memref_squeeze %dma_wait3A_46 : memref<1x125x80xi32, #tpu.memory_space<hbm>> -> memref<125x80xi32, #tpu.memory_space<hbm>>
      tpu.wait_dma2 semaphore(%run_scoped3A : memref<!tpu.dma_semaphore, #tpu.memory_space<semaphore_mem>>) src(%dma_wait3A_47 : memref<125x80xi32, #tpu.memory_space<hbm>>) dst(%arg5 : memref<125x80xi32, #tpu.memory_space<vmem>>)
      tpu.yield
    }) : () -> ()
    %barrier3A = arith.constant 0 : index
    tpu.barrier barrier_id(%barrier3A)
    %scan3A_21 = arith.constant 0 : i32
    %scan3A_22 = arith.constant 125 : i32
    %scan3A_23 = arith.addi %scan3A_21, %scan3A_22 : i32
    %scan3A_24 = arith.constant 1 : i32
    scf.for %scan3A_34 = %scan3A_21 to %scan3A_23 step %scan3A_24  : i32 {
      %mul3A_35 = arith.constant 1 : i32
      %mul3A_36 = arith.muli %scan3A_34, %mul3A_35 : i32
      %add3A_37 = arith.constant 0 : i32
      %add3A_38 = arith.addi %add3A_37, %mul3A_36 : i32
      "tpu.region"() ({
        %run_scoped3A = tpu.sem_alloc : memref<!tpu.dma_semaphore, #tpu.memory_space<semaphore_mem>>
        %dma_start3A = arith.constant 0 : i32
        %dma_start3A_39 = tpu.memref_slice %arg5[%add3A_38, %dma_start3A] : memref<125x80xi32, #tpu.memory_space<vmem>> -> memref<1x80xi32, #tpu.memory_space<vmem>>
        %dma_start3A_40 = tpu.memref_squeeze %dma_start3A_39 : memref<1x80xi32, #tpu.memory_space<vmem>> -> memref<80xi32, #tpu.memory_space<vmem>>
        %dma_start3A_41 = arith.constant 0 : i32
        %dma_start3A_42 = arith.constant 0 : i32
        %dma_start3A_43 = tpu.memref_slice %arg4[%dma_start3A_41, %dma_start3A_42] : memref<10000x128xf32, #tpu.memory_space<vmem_shared>> -> memref<10000x128xf32, #tpu.memory_space<vmem_shared>>
        tpu.enqueue_indirect_dma source(%arg6 : memref<80x128xf32, #tpu.memory_space<vmem>>) target(%dma_start3A_43 : memref<10000x128xf32, #tpu.memory_space<vmem_shared>>) offsets(%dma_start3A_40 : memref<80xi32, #tpu.memory_space<vmem>>) semaphore(%run_scoped3A : memref<!tpu.dma_semaphore, #tpu.memory_space<semaphore_mem>>) {add = true}
        %dma_wait3A = arith.constant 0 : i32
        %dma_wait3A_44 = tpu.memref_slice %arg5[%add3A_38, %dma_wait3A] : memref<125x80xi32, #tpu.memory_space<vmem>> -> memref<1x80xi32, #tpu.memory_space<vmem>>
        %dma_wait3A_45 = tpu.memref_squeeze %dma_wait3A_44 : memref<1x80xi32, #tpu.memory_space<vmem>> -> memref<80xi32, #tpu.memory_space<vmem>>
        %dma_wait3A_46 = arith.constant 0 : i32
        %dma_wait3A_47 = arith.constant 0 : i32
        %dma_wait3A_48 = tpu.memref_slice %arg4[%dma_wait3A_46, %dma_wait3A_47] : memref<10000x128xf32, #tpu.memory_space<vmem_shared>> -> memref<10000x128xf32, #tpu.memory_space<vmem_shared>>
        tpu.wait_indirect_dma semaphore(%run_scoped3A : memref<!tpu.dma_semaphore, #tpu.memory_space<semaphore_mem>>) src(%arg6 : memref<80x128xf32, #tpu.memory_space<vmem>>) dst(%dma_wait3A_48 : memref<10000x128xf32, #tpu.memory_space<vmem_shared>>)
        tpu.yield
      }) : () -> ()
    }
    %scan3A_25 = arith.constant 125 : i32
    %barrier3A_26 = arith.constant 0 : index
    tpu.barrier barrier_id(%barrier3A_26)
    %multiple_of3A_27 = tpu.assume_multiple %mul3A_2, 8 : i32
    %multiple_of3A_28 = tpu.assume_multiple %mul3A_2, 8 : i32
    "tpu.region"() ({
      %run_scoped3A = tpu.sem_alloc : memref<!tpu.dma_semaphore, #tpu.memory_space<semaphore_mem>>
      %dma_start3A = arith.constant 0 : i32
      %dma_start3A_34 = tpu.memref_slice %arg3[%arg0, %multiple_of3A_28, %dma_start3A] : memref<2x10000x128xf32, #tpu.memory_space<hbm>> -> memref<1x624x128xf32, #tpu.memory_space<hbm>>
      %dma_start3A_35 = tpu.memref_squeeze %dma_start3A_34 : memref<1x624x128xf32, #tpu.memory_space<hbm>> -> memref<624x128xf32, #tpu.memory_space<hbm>>
      %dma_start3A_36 = arith.constant 0 : i32
      %dma_start3A_37 = tpu.memref_slice %arg4[%multiple_of3A_27, %dma_start3A_36] : memref<10000x128xf32, #tpu.memory_space<vmem_shared>> -> memref<624x128xf32, #tpu.memory_space<vmem_shared>>
      tpu.enqueue_dma source(%dma_start3A_37 : memref<624x128xf32, #tpu.memory_space<vmem_shared>>) target(%dma_start3A_35 : memref<624x128xf32, #tpu.memory_space<hbm>>) target_semaphore(%run_scoped3A : memref<!tpu.dma_semaphore, #tpu.memory_space<semaphore_mem>>)
      %dma_wait3A = arith.constant 0 : i32
      %dma_wait3A_38 = tpu.memref_slice %arg3[%arg0, %multiple_of3A_28, %dma_wait3A] : memref<2x10000x128xf32, #tpu.memory_space<hbm>> -> memref<1x624x128xf32, #tpu.memory_space<hbm>>
      %dma_wait3A_39 = tpu.memref_squeeze %dma_wait3A_38 : memref<1x624x128xf32, #tpu.memory_space<hbm>> -> memref<624x128xf32, #tpu.memory_space<hbm>>
      %dma_wait3A_40 = arith.constant 0 : i32
      %dma_wait3A_41 = tpu.memref_slice %arg4[%multiple_of3A_27, %dma_wait3A_40] : memref<10000x128xf32, #tpu.memory_space<vmem_shared>> -> memref<624x128xf32, #tpu.memory_space<vmem_shared>>
      tpu.wait_dma2 semaphore(%run_scoped3A : memref<!tpu.dma_semaphore, #tpu.memory_space<semaphore_mem>>) src(%dma_wait3A_41 : memref<624x128xf32, #tpu.memory_space<vmem_shared>>) dst(%dma_wait3A_39 : memref<624x128xf32, #tpu.memory_space<hbm>>)
      tpu.yield
    }) : () -> ()
    %eq3A_29 = arith.constant 15 : i32
    %eq3A_30 = arith.cmpi eq, %arg1, %eq3A_29 : i32
    %convert_element_type3A_31 = arith.extui %eq3A_30 : i1 to i32
    %cond3A_32 = arith.constant 0 : i32
    %cond3A_33 = arith.cmpi ne, %convert_element_type3A_31, %cond3A_32 : i32
    scf.if %cond3A_33 {
      "tpu.region"() ({
        %run_scoped3A = tpu.sem_alloc : memref<!tpu.dma_semaphore, #tpu.memory_space<semaphore_mem>>
        %dma_start3A = arith.constant 9984 : i32
        %dma_start3A_34 = arith.constant 0 : i32
        %dma_start3A_35 = tpu.memref_slice %arg3[%arg0, %dma_start3A, %dma_start3A_34] : memref<2x10000x128xf32, #tpu.memory_space<hbm>> -> memref<1x16x128xf32, #tpu.memory_space<hbm>>
        %dma_start3A_36 = tpu.memref_squeeze %dma_start3A_35 : memref<1x16x128xf32, #tpu.memory_space<hbm>> -> memref<16x128xf32, #tpu.memory_space<hbm>>
        %dma_start3A_37 = arith.constant 9984 : i32
        %dma_start3A_38 = arith.constant 0 : i32
        %dma_start3A_39 = tpu.memref_slice %arg4[%dma_start3A_37, %dma_start3A_38] : memref<10000x128xf32, #tpu.memory_space<vmem_shared>> -> memref<16x128xf32, #tpu.memory_space<vmem_shared>>
        tpu.enqueue_dma source(%dma_start3A_39 : memref<16x128xf32, #tpu.memory_space<vmem_shared>>) target(%dma_start3A_36 : memref<16x128xf32, #tpu.memory_space<hbm>>) target_semaphore(%run_scoped3A : memref<!tpu.dma_semaphore, #tpu.memory_space<semaphore_mem>>)
        %dma_wait3A = arith.constant 9984 : i32
        %dma_wait3A_40 = arith.constant 0 : i32
        %dma_wait3A_41 = tpu.memref_slice %arg3[%arg0, %dma_wait3A, %dma_wait3A_40] : memref<2x10000x128xf32, #tpu.memory_space<hbm>> -> memref<1x16x128xf32, #tpu.memory_space<hbm>>
        %dma_wait3A_42 = tpu.memref_squeeze %dma_wait3A_41 : memref<1x16x128xf32, #tpu.memory_space<hbm>> -> memref<16x128xf32, #tpu.memory_space<hbm>>
        %dma_wait3A_43 = arith.constant 9984 : i32
        %dma_wait3A_44 = arith.constant 0 : i32
        %dma_wait3A_45 = tpu.memref_slice %arg4[%dma_wait3A_43, %dma_wait3A_44] : memref<10000x128xf32, #tpu.memory_space<vmem_shared>> -> memref<16x128xf32, #tpu.memory_space<vmem_shared>>
        tpu.wait_dma2 semaphore(%run_scoped3A : memref<!tpu.dma_semaphore, #tpu.memory_space<semaphore_mem>>) src(%dma_wait3A_45 : memref<16x128xf32, #tpu.memory_space<vmem_shared>>) dst(%dma_wait3A_42 : memref<16x128xf32, #tpu.memory_space<hbm>>)
        tpu.yield
      }) : () -> ()
    } else {
    }
    return
  }
}

#map = affine_map<(d0, d1) -> (0, 0)>
#map1 = affine_map<(d0, d1) -> (0, 0, 0)>
module attributes {stable_mosaic.version = 14 : i64} {
  func.func @_sc_conv(%arg0: i32, %arg1: i32, %arg2: memref<10000x128xf32, #tpu.memory_space<hbm>>, %arg3: memref<32x1x10000xi32, #tpu.memory_space<hbm>>, %arg4: memref<32x125x80xi32, #tpu.memory_space<hbm>>, %arg5: memref<2x10000x128xf32, #tpu.memory_space<hbm>>, %arg6: memref<10000x128xf32, #tpu.memory_space<vmem_shared>>, %arg7: memref<10000xi32, #tpu.memory_space<vmem>>, %arg8: memref<125x80xi32, #tpu.memory_space<vmem>>, %arg9: memref<80x128xf32, #tpu.memory_space<vmem>>, %arg10: memref<80x128xf32, #tpu.memory_space<vmem>>, %arg11: memref<!tpu.dma_semaphore, #tpu.memory_space<semaphore_mem>>, %arg12: memref<!tpu.dma_semaphore, #tpu.memory_space<semaphore_mem>>) attributes {dimension_semantics = [#tpu.dimension_semantics<core_parallel>, #tpu.dimension_semantics<subcore_parallel>], iteration_bounds = array<i64: 2, 16>, scalar_prefetch = 0 : i64, scratch_operands = 7 : i64, tpu.core_type = #tpu.core_type<sc_vector_subcore>, window_params = [{transform_indices = #map}, {transform_indices = #map1}, {transform_indices = #map1}, {transform_indices = #map1}]} {
    %mul3A = arith.constant 16 : i32
    %mul3A_0 = arith.muli %arg0, %mul3A : i32
    %add3A = arith.addi %mul3A_0, %arg1 : i32
    %mul3A_1 = arith.constant 624 : i32
    %mul3A_2 = arith.muli %arg1, %mul3A_1 : i32
    %scan3A = arith.constant 0 : i32
    %scan3A_3 = arith.constant 80 : i32
    %scan3A_4 = arith.addi %scan3A, %scan3A_3 : i32
    %scan3A_5 = arith.constant 1 : i32
    scf.for %scan3A_52 = %scan3A to %scan3A_4 step %scan3A_5  : i32 {
      %mul3A_53 = arith.constant 1 : i32
      %mul3A_54 = arith.muli %scan3A_52, %mul3A_53 : i32
      %add3A_55 = arith.constant 0 : i32
      %add3A_56 = arith.addi %add3A_55, %mul3A_54 : i32
      %scan3A_57 = arith.constant 0 : i32
      %scan3A_58 = arith.constant 8 : i32
      %scan3A_59 = arith.addi %scan3A_57, %scan3A_58 : i32
      %scan3A_60 = arith.constant 1 : i32
      scf.for %scan3A_62 = %scan3A_57 to %scan3A_59 step %scan3A_60  : i32 {
        %mul3A_63 = arith.constant 16 : i32
        %mul3A_64 = arith.muli %scan3A_62, %mul3A_63 : i32
        %add3A_65 = arith.constant 0 : i32
        %add3A_66 = arith.addi %add3A_65, %mul3A_64 : i32
        %broadcast_in_dim3A = arith.constant 0.000000e+00 : f32
        %broadcast_in_dim3A_67 = vector.broadcast %broadcast_in_dim3A : f32 to vector<16xf32>
        %swap3A = arith.index_cast %add3A_56 : i32 to index
        %swap3A_68 = arith.index_cast %add3A_66 : i32 to index
        %swap3A_69 = tpu.vector_load %arg9[%swap3A, %swap3A_68] {strides = array<i32>} : memref<80x128xf32, #tpu.memory_space<vmem>>, vector<1x16xf32>,
        %swap3A_70 = vector.shape_cast %swap3A_69 : vector<1x16xf32> to vector<16xf32>
        %swap3A_71 = vector.shape_cast %broadcast_in_dim3A_67 : vector<16xf32> to vector<1x16xf32>
        tpu.vector_store %arg9[%swap3A, %swap3A_68], %swap3A_71 {strides = array<i32>} : memref<80x128xf32, #tpu.memory_space<vmem>>, vector<1x16xf32>,
      }
      %scan3A_61 = arith.constant 8 : i32
    }
    %scan3A_6 = arith.constant 80 : i32
    %scan3A_7 = arith.constant 0 : i32
    %scan3A_8 = arith.constant 7 : i32
    %scan3A_9 = arith.addi %scan3A_7, %scan3A_8 : i32
    %scan3A_10 = arith.constant 1 : i32
    scf.for %scan3A_52 = %scan3A_7 to %scan3A_9 step %scan3A_10  : i32 {
      %mul3A_53 = arith.constant 80 : i32
      %mul3A_54 = arith.muli %scan3A_52, %mul3A_53 : i32
      %add3A_55 = arith.constant 0 : i32
      %add3A_56 = arith.addi %add3A_55, %mul3A_54 : i32
      %add3A_57 = arith.addi %mul3A_2, %add3A_56 : i32
      %multiple_of3A_58 = tpu.assume_multiple %add3A_57, 8 : i32
      "tpu.region"() ({
        %run_scoped3A_59 = tpu.sem_alloc : memref<!tpu.dma_semaphore, #tpu.memory_space<semaphore_mem>>
        %dma_start3A_60 = arith.constant 0 : i32
        %dma_start3A_61 = tpu.memref_slice %arg6[%multiple_of3A_58, %dma_start3A_60] : memref<10000x128xf32, #tpu.memory_space<vmem_shared>> -> memref<80x128xf32, #tpu.memory_space<vmem_shared>>
        %dma_start3A_62 = arith.constant 0 : i32
        %dma_start3A_63 = tpu.memref_slice %arg6[%multiple_of3A_58, %dma_start3A_62] : memref<10000x128xf32, #tpu.memory_space<vmem_shared>> -> memref<80x128xf32, #tpu.memory_space<vmem_shared>>
        tpu.enqueue_dma source(%arg9 : memref<80x128xf32, #tpu.memory_space<vmem>>) target(%dma_start3A_63 : memref<80x128xf32, #tpu.memory_space<vmem_shared>>) target_semaphore(%run_scoped3A_59 : memref<!tpu.dma_semaphore, #tpu.memory_space<semaphore_mem>>)
        %dma_wait3A_64 = arith.constant 0 : i32
        %dma_wait3A_65 = tpu.memref_slice %arg6[%multiple_of3A_58, %dma_wait3A_64] : memref<10000x128xf32, #tpu.memory_space<vmem_shared>> -> memref<80x128xf32, #tpu.memory_space<vmem_shared>>
        %dma_wait3A_66 = arith.constant 0 : i32
        %dma_wait3A_67 = tpu.memref_slice %arg6[%multiple_of3A_58, %dma_wait3A_66] : memref<10000x128xf32, #tpu.memory_space<vmem_shared>> -> memref<80x128xf32, #tpu.memory_space<vmem_shared>>
        tpu.wait_dma2 semaphore(%run_scoped3A_59 : memref<!tpu.dma_semaphore, #tpu.memory_space<semaphore_mem>>) src(%arg9 : memref<80x128xf32, #tpu.memory_space<vmem>>) dst(%dma_wait3A_67 : memref<80x128xf32, #tpu.memory_space<vmem_shared>>)
        tpu.yield
      }) : () -> ()
    }
    %scan3A_11 = arith.constant 7 : i32
    %add3A_12 = arith.constant 560 : i32
    %add3A_13 = arith.addi %mul3A_2, %add3A_12 : i32
    %multiple_of3A = tpu.assume_multiple %add3A_13, 8 : i32
    "tpu.region"() ({
      %run_scoped3A_52 = tpu.sem_alloc : memref<!tpu.dma_semaphore, #tpu.memory_space<semaphore_mem>>
      %dma_start3A_53 = arith.constant 0 : i32
      %dma_start3A_54 = arith.constant 0 : i32
      %dma_start3A_55 = tpu.memref_slice %arg9[%dma_start3A_53, %dma_start3A_54] : memref<80x128xf32, #tpu.memory_space<vmem>> -> memref<64x128xf32, #tpu.memory_space<vmem>>
      %dma_start3A_56 = arith.constant 0 : i32
      %dma_start3A_57 = tpu.memref_slice %arg6[%multiple_of3A, %dma_start3A_56] : memref<10000x128xf32, #tpu.memory_space<vmem_shared>> -> memref<64x128xf32, #tpu.memory_space<vmem_shared>>
      %dma_start3A_58 = arith.constant 0 : i32
      %dma_start3A_59 = tpu.memref_slice %arg6[%multiple_of3A, %dma_start3A_58] : memref<10000x128xf32, #tpu.memory_space<vmem_shared>> -> memref<64x128xf32, #tpu.memory_space<vmem_shared>>
      %dma_start3A_60 = arith.constant 0 : i32
      %dma_start3A_61 = arith.constant 0 : i32
      %dma_start3A_62 = tpu.memref_slice %arg9[%dma_start3A_60, %dma_start3A_61] : memref<80x128xf32, #tpu.memory_space<vmem>> -> memref<64x128xf32, #tpu.memory_space<vmem>>
      tpu.enqueue_dma source(%dma_start3A_62 : memref<64x128xf32, #tpu.memory_space<vmem>>) target(%dma_start3A_59 : memref<64x128xf32, #tpu.memory_space<vmem_shared>>) target_semaphore(%run_scoped3A_52 : memref<!tpu.dma_semaphore, #tpu.memory_space<semaphore_mem>>)
      %dma_wait3A_63 = arith.constant 0 : i32
      %dma_wait3A_64 = arith.constant 0 : i32
      %dma_wait3A_65 = tpu.memref_slice %arg9[%dma_wait3A_63, %dma_wait3A_64] : memref<80x128xf32, #tpu.memory_space<vmem>> -> memref<64x128xf32, #tpu.memory_space<vmem>>
      %dma_wait3A_66 = arith.constant 0 : i32
      %dma_wait3A_67 = tpu.memref_slice %arg6[%multiple_of3A, %dma_wait3A_66] : memref<10000x128xf32, #tpu.memory_space<vmem_shared>> -> memref<64x128xf32, #tpu.memory_space<vmem_shared>>
      %dma_wait3A_68 = arith.constant 0 : i32
      %dma_wait3A_69 = tpu.memref_slice %arg6[%multiple_of3A, %dma_wait3A_68] : memref<10000x128xf32, #tpu.memory_space<vmem_shared>> -> memref<64x128xf32, #tpu.memory_space<vmem_shared>>
      %dma_wait3A_70 = arith.constant 0 : i32
      %dma_wait3A_71 = arith.constant 0 : i32
      %dma_wait3A_72 = tpu.memref_slice %arg9[%dma_wait3A_70, %dma_wait3A_71] : memref<80x128xf32, #tpu.memory_space<vmem>> -> memref<64x128xf32, #tpu.memory_space<vmem>>
      tpu.wait_dma2 semaphore(%run_scoped3A_52 : memref<!tpu.dma_semaphore, #tpu.memory_space<semaphore_mem>>) src(%dma_wait3A_72 : memref<64x128xf32, #tpu.memory_space<vmem>>) dst(%dma_wait3A_69 : memref<64x128xf32, #tpu.memory_space<vmem_shared>>)
      tpu.yield
    }) : () -> ()
    %eq3A = arith.constant 15 : i32
    %eq3A_14 = arith.cmpi eq, %arg1, %eq3A : i32
    %convert_element_type3A = arith.extui %eq3A_14 : i1 to i32
    %cond3A = arith.constant 0 : i32
    %cond3A_15 = arith.cmpi ne, %convert_element_type3A, %cond3A : i32
    scf.if %cond3A_15 {
      "tpu.region"() ({
        %run_scoped3A_52 = tpu.sem_alloc : memref<!tpu.dma_semaphore, #tpu.memory_space<semaphore_mem>>
        %dma_start3A_53 = arith.constant 0 : i32
        %dma_start3A_54 = arith.constant 0 : i32
        %dma_start3A_55 = tpu.memref_slice %arg9[%dma_start3A_53, %dma_start3A_54] : memref<80x128xf32, #tpu.memory_space<vmem>> -> memref<16x128xf32, #tpu.memory_space<vmem>>
        %dma_start3A_56 = arith.constant 9984 : i32
        %dma_start3A_57 = arith.constant 0 : i32
        %dma_start3A_58 = tpu.memref_slice %arg6[%dma_start3A_56, %dma_start3A_57] : memref<10000x128xf32, #tpu.memory_space<vmem_shared>> -> memref<16x128xf32, #tpu.memory_space<vmem_shared>>
        %dma_start3A_59 = arith.constant 9984 : i32
        %dma_start3A_60 = arith.constant 0 : i32
        %dma_start3A_61 = tpu.memref_slice %arg6[%dma_start3A_59, %dma_start3A_60] : memref<10000x128xf32, #tpu.memory_space<vmem_shared>> -> memref<16x128xf32, #tpu.memory_space<vmem_shared>>
        %dma_start3A_62 = arith.constant 0 : i32
        %dma_start3A_63 = arith.constant 0 : i32
        %dma_start3A_64 = tpu.memref_slice %arg9[%dma_start3A_62, %dma_start3A_63] : memref<80x128xf32, #tpu.memory_space<vmem>> -> memref<16x128xf32, #tpu.memory_space<vmem>>
        tpu.enqueue_dma source(%dma_start3A_64 : memref<16x128xf32, #tpu.memory_space<vmem>>) target(%dma_start3A_61 : memref<16x128xf32, #tpu.memory_space<vmem_shared>>) target_semaphore(%run_scoped3A_52 : memref<!tpu.dma_semaphore, #tpu.memory_space<semaphore_mem>>)
        %dma_wait3A_65 = arith.constant 0 : i32
        %dma_wait3A_66 = arith.constant 0 : i32
        %dma_wait3A_67 = tpu.memref_slice %arg9[%dma_wait3A_65, %dma_wait3A_66] : memref<80x128xf32, #tpu.memory_space<vmem>> -> memref<16x128xf32, #tpu.memory_space<vmem>>
        %dma_wait3A_68 = arith.constant 9984 : i32
        %dma_wait3A_69 = arith.constant 0 : i32
        %dma_wait3A_70 = tpu.memref_slice %arg6[%dma_wait3A_68, %dma_wait3A_69] : memref<10000x128xf32, #tpu.memory_space<vmem_shared>> -> memref<16x128xf32, #tpu.memory_space<vmem_shared>>
        %dma_wait3A_71 = arith.constant 9984 : i32
        %dma_wait3A_72 = arith.constant 0 : i32
        %dma_wait3A_73 = tpu.memref_slice %arg6[%dma_wait3A_71, %dma_wait3A_72] : memref<10000x128xf32, #tpu.memory_space<vmem_shared>> -> memref<16x128xf32, #tpu.memory_space<vmem_shared>>
        %dma_wait3A_74 = arith.constant 0 : i32
        %dma_wait3A_75 = arith.constant 0 : i32
        %dma_wait3A_76 = tpu.memref_slice %arg9[%dma_wait3A_74, %dma_wait3A_75] : memref<80x128xf32, #tpu.memory_space<vmem>> -> memref<16x128xf32, #tpu.memory_space<vmem>>
        tpu.wait_dma2 semaphore(%run_scoped3A_52 : memref<!tpu.dma_semaphore, #tpu.memory_space<semaphore_mem>>) src(%dma_wait3A_76 : memref<16x128xf32, #tpu.memory_space<vmem>>) dst(%dma_wait3A_73 : memref<16x128xf32, #tpu.memory_space<vmem_shared>>)
        tpu.yield
      }) : () -> ()
    } else {
    }
    %run_scoped3A = arith.constant 0 : i32
    "tpu.region"() ({
      %run_scoped3A_52 = tpu.sem_alloc : memref<!tpu.dma_semaphore, #tpu.memory_space<semaphore_mem>>
      %dma_start3A_53 = arith.constant 0 : i32
      %dma_start3A_54 = tpu.memref_slice %arg3[%add3A, %run_scoped3A, %dma_start3A_53] : memref<32x1x10000xi32, #tpu.memory_space<hbm>> -> memref<1x1x10000xi32, #tpu.memory_space<hbm>>
      %dma_start3A_55 = tpu.memref_squeeze %dma_start3A_54 : memref<1x1x10000xi32, #tpu.memory_space<hbm>> -> memref<10000xi32, #tpu.memory_space<hbm>>
      %dma_start3A_56 = arith.constant 0 : i32
      %dma_start3A_57 = tpu.memref_slice %arg3[%add3A, %run_scoped3A, %dma_start3A_56] : memref<32x1x10000xi32, #tpu.memory_space<hbm>> -> memref<1x1x10000xi32, #tpu.memory_space<hbm>>
      %dma_start3A_58 = tpu.memref_squeeze %dma_start3A_57 : memref<1x1x10000xi32, #tpu.memory_space<hbm>> -> memref<10000xi32, #tpu.memory_space<hbm>>
      tpu.enqueue_dma source(%dma_start3A_58 : memref<10000xi32, #tpu.memory_space<hbm>>) target(%arg7 : memref<10000xi32, #tpu.memory_space<vmem>>) target_semaphore(%run_scoped3A_52 : memref<!tpu.dma_semaphore, #tpu.memory_space<semaphore_mem>>)
      %dma_wait3A_59 = arith.constant 0 : i32
      %dma_wait3A_60 = tpu.memref_slice %arg3[%add3A, %run_scoped3A, %dma_wait3A_59] : memref<32x1x10000xi32, #tpu.memory_space<hbm>> -> memref<1x1x10000xi32, #tpu.memory_space<hbm>>
      %dma_wait3A_61 = tpu.memref_squeeze %dma_wait3A_60 : memref<1x1x10000xi32, #tpu.memory_space<hbm>> -> memref<10000xi32, #tpu.memory_space<hbm>>
      %dma_wait3A_62 = arith.constant 0 : i32
      %dma_wait3A_63 = tpu.memref_slice %arg3[%add3A, %run_scoped3A, %dma_wait3A_62] : memref<32x1x10000xi32, #tpu.memory_space<hbm>> -> memref<1x1x10000xi32, #tpu.memory_space<hbm>>
      %dma_wait3A_64 = tpu.memref_squeeze %dma_wait3A_63 : memref<1x1x10000xi32, #tpu.memory_space<hbm>> -> memref<10000xi32, #tpu.memory_space<hbm>>
      tpu.wait_dma2 semaphore(%run_scoped3A_52 : memref<!tpu.dma_semaphore, #tpu.memory_space<semaphore_mem>>) src(%dma_wait3A_64 : memref<10000xi32, #tpu.memory_space<hbm>>) dst(%arg7 : memref<10000xi32, #tpu.memory_space<vmem>>)
      tpu.yield
    }) : () -> ()
    "tpu.region"() ({
      %run_scoped3A_52 = tpu.sem_alloc : memref<!tpu.dma_semaphore, #tpu.memory_space<semaphore_mem>>
      %dma_start3A_53 = arith.constant 0 : i32
      %dma_start3A_54 = arith.constant 0 : i32
      %dma_start3A_55 = tpu.memref_slice %arg4[%add3A, %dma_start3A_53, %dma_start3A_54] : memref<32x125x80xi32, #tpu.memory_space<hbm>> -> memref<1x125x80xi32, #tpu.memory_space<hbm>>
      %dma_start3A_56 = tpu.memref_squeeze %dma_start3A_55 : memref<1x125x80xi32, #tpu.memory_space<hbm>> -> memref<125x80xi32, #tpu.memory_space<hbm>>
      %dma_start3A_57 = arith.constant 0 : i32
      %dma_start3A_58 = arith.constant 0 : i32
      %dma_start3A_59 = tpu.memref_slice %arg4[%add3A, %dma_start3A_57, %dma_start3A_58] : memref<32x125x80xi32, #tpu.memory_space<hbm>> -> memref<1x125x80xi32, #tpu.memory_space<hbm>>
      %dma_start3A_60 = tpu.memref_squeeze %dma_start3A_59 : memref<1x125x80xi32, #tpu.memory_space<hbm>> -> memref<125x80xi32, #tpu.memory_space<hbm>>
      tpu.enqueue_dma source(%dma_start3A_60 : memref<125x80xi32, #tpu.memory_space<hbm>>) target(%arg8 : memref<125x80xi32, #tpu.memory_space<vmem>>) target_semaphore(%run_scoped3A_52 : memref<!tpu.dma_semaphore, #tpu.memory_space<semaphore_mem>>)
      %dma_wait3A_61 = arith.constant 0 : i32
      %dma_wait3A_62 = arith.constant 0 : i32
      %dma_wait3A_63 = tpu.memref_slice %arg4[%add3A, %dma_wait3A_61, %dma_wait3A_62] : memref<32x125x80xi32, #tpu.memory_space<hbm>> -> memref<1x125x80xi32, #tpu.memory_space<hbm>>
      %dma_wait3A_64 = tpu.memref_squeeze %dma_wait3A_63 : memref<1x125x80xi32, #tpu.memory_space<hbm>> -> memref<125x80xi32, #tpu.memory_space<hbm>>
      %dma_wait3A_65 = arith.constant 0 : i32
      %dma_wait3A_66 = arith.constant 0 : i32
      %dma_wait3A_67 = tpu.memref_slice %arg4[%add3A, %dma_wait3A_65, %dma_wait3A_66] : memref<32x125x80xi32, #tpu.memory_space<hbm>> -> memref<1x125x80xi32, #tpu.memory_space<hbm>>
      %dma_wait3A_68 = tpu.memref_squeeze %dma_wait3A_67 : memref<1x125x80xi32, #tpu.memory_space<hbm>> -> memref<125x80xi32, #tpu.memory_space<hbm>>
      tpu.wait_dma2 semaphore(%run_scoped3A_52 : memref<!tpu.dma_semaphore, #tpu.memory_space<semaphore_mem>>) src(%dma_wait3A_68 : memref<125x80xi32, #tpu.memory_space<hbm>>) dst(%arg8 : memref<125x80xi32, #tpu.memory_space<vmem>>)
      tpu.yield
    }) : () -> ()
    %barrier3A = arith.constant 0 : index
    tpu.barrier barrier_id(%barrier3A)
    %mul3A_16 = arith.constant 0 : i32
    %mul3A_17 = arith.constant 80 : i32
    %mul3A_18 = arith.muli %mul3A_16, %mul3A_17 : i32
    %multiple_of3A_19 = tpu.assume_multiple %mul3A_18, 8 : i32
    %dma_start3A = tpu.memref_slice %arg7[%multiple_of3A_19] : memref<10000xi32, #tpu.memory_space<vmem>> -> memref<80xi32, #tpu.memory_space<vmem>>
    %dma_start3A_20 = arith.constant 0 : i32
    %dma_start3A_21 = arith.constant 0 : i32
    %dma_start3A_22 = tpu.memref_slice %arg2[%dma_start3A_20, %dma_start3A_21] : memref<10000x128xf32, #tpu.memory_space<hbm>> -> memref<10000x128xf32, #tpu.memory_space<hbm>>
    tpu.enqueue_indirect_dma source(%dma_start3A_22 : memref<10000x128xf32, #tpu.memory_space<hbm>>) target(%arg9 : memref<80x128xf32, #tpu.memory_space<vmem>>) offsets(%dma_start3A : memref<80xi32, #tpu.memory_space<vmem>>) semaphore(%arg11 : memref<!tpu.dma_semaphore, #tpu.memory_space<semaphore_mem>>)
    %mul3A_23 = arith.constant 1 : i32
    %mul3A_24 = arith.constant 80 : i32
    %mul3A_25 = arith.muli %mul3A_23, %mul3A_24 : i32
    %multiple_of3A_26 = tpu.assume_multiple %mul3A_25, 8 : i32
    %dma_start3A_27 = tpu.memref_slice %arg7[%multiple_of3A_26] : memref<10000xi32, #tpu.memory_space<vmem>> -> memref<80xi32, #tpu.memory_space<vmem>>
    %dma_start3A_28 = arith.constant 0 : i32
    %dma_start3A_29 = arith.constant 0 : i32
    %dma_start3A_30 = tpu.memref_slice %arg2[%dma_start3A_28, %dma_start3A_29] : memref<10000x128xf32, #tpu.memory_space<hbm>> -> memref<10000x128xf32, #tpu.memory_space<hbm>>
    tpu.enqueue_indirect_dma source(%dma_start3A_30 : memref<10000x128xf32, #tpu.memory_space<hbm>>) target(%arg10 : memref<80x128xf32, #tpu.memory_space<vmem>>) offsets(%dma_start3A_27 : memref<80xi32, #tpu.memory_space<vmem>>) semaphore(%arg12 : memref<!tpu.dma_semaphore, #tpu.memory_space<semaphore_mem>>)
    %scan3A_31 = arith.constant 0 : i32
    %scan3A_32 = arith.constant 62 : i32
    %scan3A_33 = arith.addi %scan3A_31, %scan3A_32 : i32
    %scan3A_34 = arith.constant 1 : i32
    scf.for %scan3A_52 = %scan3A_31 to %scan3A_33 step %scan3A_34  : i32 {
      %mul3A_53 = arith.constant 2 : i32
      %mul3A_54 = arith.muli %scan3A_52, %mul3A_53 : i32
      %add3A_55 = arith.constant 0 : i32
      %add3A_56 = arith.addi %add3A_55, %mul3A_54 : i32
      %add3A_57 = arith.constant 0 : i32
      %add3A_58 = arith.addi %add3A_56, %add3A_57 : i32
      %mul3A_59 = arith.constant 80 : i32
      %mul3A_60 = arith.muli %add3A_58, %mul3A_59 : i32
      %multiple_of3A_61 = tpu.assume_multiple %mul3A_60, 8 : i32
      %dma_wait3A_62 = tpu.memref_slice %arg7[%multiple_of3A_61] : memref<10000xi32, #tpu.memory_space<vmem>> -> memref<80xi32, #tpu.memory_space<vmem>>
      %dma_wait3A_63 = arith.constant 0 : i32
      %dma_wait3A_64 = arith.constant 0 : i32
      %dma_wait3A_65 = tpu.memref_slice %arg2[%dma_wait3A_63, %dma_wait3A_64] : memref<10000x128xf32, #tpu.memory_space<hbm>> -> memref<10000x128xf32, #tpu.memory_space<hbm>>
      tpu.wait_indirect_dma semaphore(%arg11 : memref<!tpu.dma_semaphore, #tpu.memory_space<semaphore_mem>>) src(%dma_wait3A_65 : memref<10000x128xf32, #tpu.memory_space<hbm>>) dst(%arg9 : memref<80x128xf32, #tpu.memory_space<vmem>>)
      "tpu.region"() ({
        %run_scoped3A_88 = tpu.sem_alloc : memref<!tpu.dma_semaphore, #tpu.memory_space<semaphore_mem>>
        %dma_start3A_89 = arith.constant 0 : i32
        %dma_start3A_90 = tpu.memref_slice %arg8[%add3A_58, %dma_start3A_89] : memref<125x80xi32, #tpu.memory_space<vmem>> -> memref<1x80xi32, #tpu.memory_space<vmem>>
        %dma_start3A_91 = tpu.memref_squeeze %dma_start3A_90 : memref<1x80xi32, #tpu.memory_space<vmem>> -> memref<80xi32, #tpu.memory_space<vmem>>
        %dma_start3A_92 = arith.constant 0 : i32
        %dma_start3A_93 = arith.constant 0 : i32
        %dma_start3A_94 = tpu.memref_slice %arg6[%dma_start3A_92, %dma_start3A_93] : memref<10000x128xf32, #tpu.memory_space<vmem_shared>> -> memref<10000x128xf32, #tpu.memory_space<vmem_shared>>
        tpu.enqueue_indirect_dma source(%arg9 : memref<80x128xf32, #tpu.memory_space<vmem>>) target(%dma_start3A_94 : memref<10000x128xf32, #tpu.memory_space<vmem_shared>>) offsets(%dma_start3A_91 : memref<80xi32, #tpu.memory_space<vmem>>) semaphore(%run_scoped3A_88 : memref<!tpu.dma_semaphore, #tpu.memory_space<semaphore_mem>>) {add = true}
        %dma_wait3A_95 = arith.constant 0 : i32
        %dma_wait3A_96 = tpu.memref_slice %arg8[%add3A_58, %dma_wait3A_95] : memref<125x80xi32, #tpu.memory_space<vmem>> -> memref<1x80xi32, #tpu.memory_space<vmem>>
        %dma_wait3A_97 = tpu.memref_squeeze %dma_wait3A_96 : memref<1x80xi32, #tpu.memory_space<vmem>> -> memref<80xi32, #tpu.memory_space<vmem>>
        %dma_wait3A_98 = arith.constant 0 : i32
        %dma_wait3A_99 = arith.constant 0 : i32
        %dma_wait3A_100 = tpu.memref_slice %arg6[%dma_wait3A_98, %dma_wait3A_99] : memref<10000x128xf32, #tpu.memory_space<vmem_shared>> -> memref<10000x128xf32, #tpu.memory_space<vmem_shared>>
        tpu.wait_indirect_dma semaphore(%run_scoped3A_88 : memref<!tpu.dma_semaphore, #tpu.memory_space<semaphore_mem>>) src(%arg9 : memref<80x128xf32, #tpu.memory_space<vmem>>) dst(%dma_wait3A_100 : memref<10000x128xf32, #tpu.memory_space<vmem_shared>>)
        tpu.yield
      }) : () -> ()
      %add3A_66 = arith.constant 2 : i32
      %add3A_67 = arith.addi %add3A_58, %add3A_66 : i32
      %lt3A = arith.constant 125 : i32
      %lt3A_68 = arith.cmpi slt, %add3A_67, %lt3A : i32
      %convert_element_type3A_69 = arith.extui %lt3A_68 : i1 to i32
      %cond3A_70 = arith.constant 0 : i32
      %cond3A_71 = arith.cmpi ne, %convert_element_type3A_69, %cond3A_70 : i32
      scf.if %cond3A_71 {
        %mul3A_88 = arith.constant 80 : i32
        %mul3A_89 = arith.muli %add3A_67, %mul3A_88 : i32
        %multiple_of3A_90 = tpu.assume_multiple %mul3A_89, 8 : i32
        %dma_start3A_91 = tpu.memref_slice %arg7[%multiple_of3A_90] : memref<10000xi32, #tpu.memory_space<vmem>> -> memref<80xi32, #tpu.memory_space<vmem>>
        %dma_start3A_92 = arith.constant 0 : i32
        %dma_start3A_93 = arith.constant 0 : i32
        %dma_start3A_94 = tpu.memref_slice %arg2[%dma_start3A_92, %dma_start3A_93] : memref<10000x128xf32, #tpu.memory_space<hbm>> -> memref<10000x128xf32, #tpu.memory_space<hbm>>
        tpu.enqueue_indirect_dma source(%dma_start3A_94 : memref<10000x128xf32, #tpu.memory_space<hbm>>) target(%arg9 : memref<80x128xf32, #tpu.memory_space<vmem>>) offsets(%dma_start3A_91 : memref<80xi32, #tpu.memory_space<vmem>>) semaphore(%arg11 : memref<!tpu.dma_semaphore, #tpu.memory_space<semaphore_mem>>)
      } else {
      }
      %add3A_72 = arith.constant 1 : i32
      %add3A_73 = arith.addi %add3A_56, %add3A_72 : i32
      %mul3A_74 = arith.constant 80 : i32
      %mul3A_75 = arith.muli %add3A_73, %mul3A_74 : i32
      %multiple_of3A_76 = tpu.assume_multiple %mul3A_75, 8 : i32
      %dma_wait3A_77 = tpu.memref_slice %arg7[%multiple_of3A_76] : memref<10000xi32, #tpu.memory_space<vmem>> -> memref<80xi32, #tpu.memory_space<vmem>>
      %dma_wait3A_78 = arith.constant 0 : i32
      %dma_wait3A_79 = arith.constant 0 : i32
      %dma_wait3A_80 = tpu.memref_slice %arg2[%dma_wait3A_78, %dma_wait3A_79] : memref<10000x128xf32, #tpu.memory_space<hbm>> -> memref<10000x128xf32, #tpu.memory_space<hbm>>
      tpu.wait_indirect_dma semaphore(%arg12 : memref<!tpu.dma_semaphore, #tpu.memory_space<semaphore_mem>>) src(%dma_wait3A_80 : memref<10000x128xf32, #tpu.memory_space<hbm>>) dst(%arg10 : memref<80x128xf32, #tpu.memory_space<vmem>>)
      "tpu.region"() ({
        %run_scoped3A_88 = tpu.sem_alloc : memref<!tpu.dma_semaphore, #tpu.memory_space<semaphore_mem>>
        %dma_start3A_89 = arith.constant 0 : i32
        %dma_start3A_90 = tpu.memref_slice %arg8[%add3A_73, %dma_start3A_89] : memref<125x80xi32, #tpu.memory_space<vmem>> -> memref<1x80xi32, #tpu.memory_space<vmem>>
        %dma_start3A_91 = tpu.memref_squeeze %dma_start3A_90 : memref<1x80xi32, #tpu.memory_space<vmem>> -> memref<80xi32, #tpu.memory_space<vmem>>
        %dma_start3A_92 = arith.constant 0 : i32
        %dma_start3A_93 = arith.constant 0 : i32
        %dma_start3A_94 = tpu.memref_slice %arg6[%dma_start3A_92, %dma_start3A_93] : memref<10000x128xf32, #tpu.memory_space<vmem_shared>> -> memref<10000x128xf32, #tpu.memory_space<vmem_shared>>
        tpu.enqueue_indirect_dma source(%arg10 : memref<80x128xf32, #tpu.memory_space<vmem>>) target(%dma_start3A_94 : memref<10000x128xf32, #tpu.memory_space<vmem_shared>>) offsets(%dma_start3A_91 : memref<80xi32, #tpu.memory_space<vmem>>) semaphore(%run_scoped3A_88 : memref<!tpu.dma_semaphore, #tpu.memory_space<semaphore_mem>>) {add = true}
        %dma_wait3A_95 = arith.constant 0 : i32
        %dma_wait3A_96 = tpu.memref_slice %arg8[%add3A_73, %dma_wait3A_95] : memref<125x80xi32, #tpu.memory_space<vmem>> -> memref<1x80xi32, #tpu.memory_space<vmem>>
        %dma_wait3A_97 = tpu.memref_squeeze %dma_wait3A_96 : memref<1x80xi32, #tpu.memory_space<vmem>> -> memref<80xi32, #tpu.memory_space<vmem>>
        %dma_wait3A_98 = arith.constant 0 : i32
        %dma_wait3A_99 = arith.constant 0 : i32
        %dma_wait3A_100 = tpu.memref_slice %arg6[%dma_wait3A_98, %dma_wait3A_99] : memref<10000x128xf32, #tpu.memory_space<vmem_shared>> -> memref<10000x128xf32, #tpu.memory_space<vmem_shared>>
        tpu.wait_indirect_dma semaphore(%run_scoped3A_88 : memref<!tpu.dma_semaphore, #tpu.memory_space<semaphore_mem>>) src(%arg10 : memref<80x128xf32, #tpu.memory_space<vmem>>) dst(%dma_wait3A_100 : memref<10000x128xf32, #tpu.memory_space<vmem_shared>>)
        tpu.yield
      }) : () -> ()
      %add3A_81 = arith.constant 2 : i32
      %add3A_82 = arith.addi %add3A_73, %add3A_81 : i32
      %lt3A_83 = arith.constant 125 : i32
      %lt3A_84 = arith.cmpi slt, %add3A_82, %lt3A_83 : i32
      %convert_element_type3A_85 = arith.extui %lt3A_84 : i1 to i32
      %cond3A_86 = arith.constant 0 : i32
      %cond3A_87 = arith.cmpi ne, %convert_element_type3A_85, %cond3A_86 : i32
      scf.if %cond3A_87 {
        %mul3A_88 = arith.constant 80 : i32
        %mul3A_89 = arith.muli %add3A_82, %mul3A_88 : i32
        %multiple_of3A_90 = tpu.assume_multiple %mul3A_89, 8 : i32
        %dma_start3A_91 = tpu.memref_slice %arg7[%multiple_of3A_90] : memref<10000xi32, #tpu.memory_space<vmem>> -> memref<80xi32, #tpu.memory_space<vmem>>
        %dma_start3A_92 = arith.constant 0 : i32
        %dma_start3A_93 = arith.constant 0 : i32
        %dma_start3A_94 = tpu.memref_slice %arg2[%dma_start3A_92, %dma_start3A_93] : memref<10000x128xf32, #tpu.memory_space<hbm>> -> memref<10000x128xf32, #tpu.memory_space<hbm>>
        tpu.enqueue_indirect_dma source(%dma_start3A_94 : memref<10000x128xf32, #tpu.memory_space<hbm>>) target(%arg10 : memref<80x128xf32, #tpu.memory_space<vmem>>) offsets(%dma_start3A_91 : memref<80xi32, #tpu.memory_space<vmem>>) semaphore(%arg12 : memref<!tpu.dma_semaphore, #tpu.memory_space<semaphore_mem>>)
      } else {
      }
    }
    %scan3A_35 = arith.constant 62 : i32
    %mul3A_36 = arith.constant 124 : i32
    %mul3A_37 = arith.constant 80 : i32
    %mul3A_38 = arith.muli %mul3A_36, %mul3A_37 : i32
    %multiple_of3A_39 = tpu.assume_multiple %mul3A_38, 8 : i32
    %dma_wait3A = tpu.memref_slice %arg7[%multiple_of3A_39] : memref<10000xi32, #tpu.memory_space<vmem>> -> memref<80xi32, #tpu.memory_space<vmem>>
    %dma_wait3A_40 = arith.constant 0 : i32
    %dma_wait3A_41 = arith.constant 0 : i32
    %dma_wait3A_42 = tpu.memref_slice %arg2[%dma_wait3A_40, %dma_wait3A_41] : memref<10000x128xf32, #tpu.memory_space<hbm>> -> memref<10000x128xf32, #tpu.memory_space<hbm>>
    tpu.wait_indirect_dma semaphore(%arg11 : memref<!tpu.dma_semaphore, #tpu.memory_space<semaphore_mem>>) src(%dma_wait3A_42 : memref<10000x128xf32, #tpu.memory_space<hbm>>) dst(%arg9 : memref<80x128xf32, #tpu.memory_space<vmem>>)
    %run_scoped3A_43 = arith.constant 124 : i32
    "tpu.region"() ({
      %run_scoped3A_52 = tpu.sem_alloc : memref<!tpu.dma_semaphore, #tpu.memory_space<semaphore_mem>>
      %dma_start3A_53 = arith.constant 0 : i32
      %dma_start3A_54 = tpu.memref_slice %arg8[%run_scoped3A_43, %dma_start3A_53] : memref<125x80xi32, #tpu.memory_space<vmem>> -> memref<1x80xi32, #tpu.memory_space<vmem>>
      %dma_start3A_55 = tpu.memref_squeeze %dma_start3A_54 : memref<1x80xi32, #tpu.memory_space<vmem>> -> memref<80xi32, #tpu.memory_space<vmem>>
      %dma_start3A_56 = arith.constant 0 : i32
      %dma_start3A_57 = arith.constant 0 : i32
      %dma_start3A_58 = tpu.memref_slice %arg6[%dma_start3A_56, %dma_start3A_57] : memref<10000x128xf32, #tpu.memory_space<vmem_shared>> -> memref<10000x128xf32, #tpu.memory_space<vmem_shared>>
      tpu.enqueue_indirect_dma source(%arg9 : memref<80x128xf32, #tpu.memory_space<vmem>>) target(%dma_start3A_58 : memref<10000x128xf32, #tpu.memory_space<vmem_shared>>) offsets(%dma_start3A_55 : memref<80xi32, #tpu.memory_space<vmem>>) semaphore(%run_scoped3A_52 : memref<!tpu.dma_semaphore, #tpu.memory_space<semaphore_mem>>) {add = true}
      %dma_wait3A_59 = arith.constant 0 : i32
      %dma_wait3A_60 = tpu.memref_slice %arg8[%run_scoped3A_43, %dma_wait3A_59] : memref<125x80xi32, #tpu.memory_space<vmem>> -> memref<1x80xi32, #tpu.memory_space<vmem>>
      %dma_wait3A_61 = tpu.memref_squeeze %dma_wait3A_60 : memref<1x80xi32, #tpu.memory_space<vmem>> -> memref<80xi32, #tpu.memory_space<vmem>>
      %dma_wait3A_62 = arith.constant 0 : i32
      %dma_wait3A_63 = arith.constant 0 : i32
      %dma_wait3A_64 = tpu.memref_slice %arg6[%dma_wait3A_62, %dma_wait3A_63] : memref<10000x128xf32, #tpu.memory_space<vmem_shared>> -> memref<10000x128xf32, #tpu.memory_space<vmem_shared>>
      tpu.wait_indirect_dma semaphore(%run_scoped3A_52 : memref<!tpu.dma_semaphore, #tpu.memory_space<semaphore_mem>>) src(%arg9 : memref<80x128xf32, #tpu.memory_space<vmem>>) dst(%dma_wait3A_64 : memref<10000x128xf32, #tpu.memory_space<vmem_shared>>)
      tpu.yield
    }) : () -> ()
    %barrier3A_44 = arith.constant 0 : index
    tpu.barrier barrier_id(%barrier3A_44)
    %multiple_of3A_45 = tpu.assume_multiple %mul3A_2, 8 : i32
    %multiple_of3A_46 = tpu.assume_multiple %mul3A_2, 8 : i32
    "tpu.region"() ({
      %run_scoped3A_52 = tpu.sem_alloc : memref<!tpu.dma_semaphore, #tpu.memory_space<semaphore_mem>>
      %dma_start3A_53 = arith.constant 0 : i32
      %dma_start3A_54 = tpu.memref_slice %arg5[%arg0, %multiple_of3A_46, %dma_start3A_53] : memref<2x10000x128xf32, #tpu.memory_space<hbm>> -> memref<1x624x128xf32, #tpu.memory_space<hbm>>
      %dma_start3A_55 = tpu.memref_squeeze %dma_start3A_54 : memref<1x624x128xf32, #tpu.memory_space<hbm>> -> memref<624x128xf32, #tpu.memory_space<hbm>>
      %dma_start3A_56 = arith.constant 0 : i32
      %dma_start3A_57 = tpu.memref_slice %arg6[%multiple_of3A_45, %dma_start3A_56] : memref<10000x128xf32, #tpu.memory_space<vmem_shared>> -> memref<624x128xf32, #tpu.memory_space<vmem_shared>>
      tpu.enqueue_dma source(%dma_start3A_57 : memref<624x128xf32, #tpu.memory_space<vmem_shared>>) target(%dma_start3A_55 : memref<624x128xf32, #tpu.memory_space<hbm>>) target_semaphore(%run_scoped3A_52 : memref<!tpu.dma_semaphore, #tpu.memory_space<semaphore_mem>>)
      %dma_wait3A_58 = arith.constant 0 : i32
      %dma_wait3A_59 = tpu.memref_slice %arg5[%arg0, %multiple_of3A_46, %dma_wait3A_58] : memref<2x10000x128xf32, #tpu.memory_space<hbm>> -> memref<1x624x128xf32, #tpu.memory_space<hbm>>
      %dma_wait3A_60 = tpu.memref_squeeze %dma_wait3A_59 : memref<1x624x128xf32, #tpu.memory_space<hbm>> -> memref<624x128xf32, #tpu.memory_space<hbm>>
      %dma_wait3A_61 = arith.constant 0 : i32
      %dma_wait3A_62 = tpu.memref_slice %arg6[%multiple_of3A_45, %dma_wait3A_61] : memref<10000x128xf32, #tpu.memory_space<vmem_shared>> -> memref<624x128xf32, #tpu.memory_space<vmem_shared>>
      tpu.wait_dma2 semaphore(%run_scoped3A_52 : memref<!tpu.dma_semaphore, #tpu.memory_space<semaphore_mem>>) src(%dma_wait3A_62 : memref<624x128xf32, #tpu.memory_space<vmem_shared>>) dst(%dma_wait3A_60 : memref<624x128xf32, #tpu.memory_space<hbm>>)
      tpu.yield
    }) : () -> ()
    %eq3A_47 = arith.constant 15 : i32
    %eq3A_48 = arith.cmpi eq, %arg1, %eq3A_47 : i32
    %convert_element_type3A_49 = arith.extui %eq3A_48 : i1 to i32
    %cond3A_50 = arith.constant 0 : i32
    %cond3A_51 = arith.cmpi ne, %convert_element_type3A_49, %cond3A_50 : i32
    scf.if %cond3A_51 {
      "tpu.region"() ({
        %run_scoped3A_52 = tpu.sem_alloc : memref<!tpu.dma_semaphore, #tpu.memory_space<semaphore_mem>>
        %dma_start3A_53 = arith.constant 9984 : i32
        %dma_start3A_54 = arith.constant 0 : i32
        %dma_start3A_55 = tpu.memref_slice %arg5[%arg0, %dma_start3A_53, %dma_start3A_54] : memref<2x10000x128xf32, #tpu.memory_space<hbm>> -> memref<1x16x128xf32, #tpu.memory_space<hbm>>
        %dma_start3A_56 = tpu.memref_squeeze %dma_start3A_55 : memref<1x16x128xf32, #tpu.memory_space<hbm>> -> memref<16x128xf32, #tpu.memory_space<hbm>>
        %dma_start3A_57 = arith.constant 9984 : i32
        %dma_start3A_58 = arith.constant 0 : i32
        %dma_start3A_59 = tpu.memref_slice %arg6[%dma_start3A_57, %dma_start3A_58] : memref<10000x128xf32, #tpu.memory_space<vmem_shared>> -> memref<16x128xf32, #tpu.memory_space<vmem_shared>>
        tpu.enqueue_dma source(%dma_start3A_59 : memref<16x128xf32, #tpu.memory_space<vmem_shared>>) target(%dma_start3A_56 : memref<16x128xf32, #tpu.memory_space<hbm>>) target_semaphore(%run_scoped3A_52 : memref<!tpu.dma_semaphore, #tpu.memory_space<semaphore_mem>>)
        %dma_wait3A_60 = arith.constant 9984 : i32
        %dma_wait3A_61 = arith.constant 0 : i32
        %dma_wait3A_62 = tpu.memref_slice %arg5[%arg0, %dma_wait3A_60, %dma_wait3A_61] : memref<2x10000x128xf32, #tpu.memory_space<hbm>> -> memref<1x16x128xf32, #tpu.memory_space<hbm>>
        %dma_wait3A_63 = tpu.memref_squeeze %dma_wait3A_62 : memref<1x16x128xf32, #tpu.memory_space<hbm>> -> memref<16x128xf32, #tpu.memory_space<hbm>>
        %dma_wait3A_64 = arith.constant 9984 : i32
        %dma_wait3A_65 = arith.constant 0 : i32
        %dma_wait3A_66 = tpu.memref_slice %arg6[%dma_wait3A_64, %dma_wait3A_65] : memref<10000x128xf32, #tpu.memory_space<vmem_shared>> -> memref<16x128xf32, #tpu.memory_space<vmem_shared>>
        tpu.wait_dma2 semaphore(%run_scoped3A_52 : memref<!tpu.dma_semaphore, #tpu.memory_space<semaphore_mem>>) src(%dma_wait3A_66 : memref<16x128xf32, #tpu.memory_space<vmem_shared>>) dst(%dma_wait3A_63 : memref<16x128xf32, #tpu.memory_space<hbm>>)
        tpu.yield
      }) : () -> ()
    } else {
    }
    return
  }
}

#map = affine_map<(d0, d1) -> (0, 0)>
#map1 = affine_map<(d0, d1) -> (0, 0, 0)>
module attributes {stable_mosaic.version = 14 : i64} {
  func.func @_sc_conv(%arg0: i32, %arg1: i32, %arg2: memref<10000x128xf32, #tpu.memory_space<hbm>>, %arg3: memref<32x1x10000xi32, #tpu.memory_space<hbm>>, %arg4: memref<32x125x80xi32, #tpu.memory_space<hbm>>, %arg5: memref<2x10000x128xf32, #tpu.memory_space<hbm>>, %arg6: memref<10000x128xf32, #tpu.memory_space<vmem_shared>>, %arg7: memref<10000xi32, #tpu.memory_space<vmem>>, %arg8: memref<125x80xi32, #tpu.memory_space<vmem>>, %arg9: memref<80x128xf32, #tpu.memory_space<vmem>>, %arg10: memref<80x128xf32, #tpu.memory_space<vmem>>, %arg11: memref<!tpu.dma_semaphore, #tpu.memory_space<semaphore_mem>>, %arg12: memref<!tpu.dma_semaphore, #tpu.memory_space<semaphore_mem>>) attributes {dimension_semantics = [#tpu.dimension_semantics<core_parallel>, #tpu.dimension_semantics<subcore_parallel>], iteration_bounds = array<i64: 2, 16>, scalar_prefetch = 0 : i64, scratch_operands = 7 : i64, tpu.core_type = #tpu.core_type<sc_vector_subcore>, window_params = [{transform_indices = #map}, {transform_indices = #map1}, {transform_indices = #map1}, {transform_indices = #map1}]} {
    %mul3A = arith.constant 16 : i32
    %mul3A_0 = arith.muli %arg0, %mul3A : i32
    %add3A = arith.addi %mul3A_0, %arg1 : i32
    %mul3A_1 = arith.constant 624 : i32
    %mul3A_2 = arith.muli %arg1, %mul3A_1 : i32
    %scan3A = arith.constant 0 : i32
    %scan3A_3 = arith.constant 80 : i32
    %scan3A_4 = arith.addi %scan3A, %scan3A_3 : i32
    %scan3A_5 = arith.constant 1 : i32
    scf.for %scan3A_52 = %scan3A to %scan3A_4 step %scan3A_5  : i32 {
      %mul3A_53 = arith.constant 1 : i32
      %mul3A_54 = arith.muli %scan3A_52, %mul3A_53 : i32
      %add3A_55 = arith.constant 0 : i32
      %add3A_56 = arith.addi %add3A_55, %mul3A_54 : i32
      %scan3A_57 = arith.constant 0 : i32
      %scan3A_58 = arith.constant 8 : i32
      %scan3A_59 = arith.addi %scan3A_57, %scan3A_58 : i32
      %scan3A_60 = arith.constant 1 : i32
      scf.for %scan3A_62 = %scan3A_57 to %scan3A_59 step %scan3A_60  : i32 {
        %mul3A_63 = arith.constant 16 : i32
        %mul3A_64 = arith.muli %scan3A_62, %mul3A_63 : i32
        %add3A_65 = arith.constant 0 : i32
        %add3A_66 = arith.addi %add3A_65, %mul3A_64 : i32
        %broadcast_in_dim3A = arith.constant 0.000000e+00 : f32
        %broadcast_in_dim3A_67 = vector.broadcast %broadcast_in_dim3A : f32 to vector<16xf32>
        %swap3A = arith.index_cast %add3A_56 : i32 to index
        %swap3A_68 = arith.index_cast %add3A_66 : i32 to index
        %swap3A_69 = tpu.vector_load %arg9[%swap3A, %swap3A_68] {strides = array<i32>} : memref<80x128xf32, #tpu.memory_space<vmem>>, vector<1x16xf32>,
        %swap3A_70 = vector.shape_cast %swap3A_69 : vector<1x16xf32> to vector<16xf32>
        %swap3A_71 = vector.shape_cast %broadcast_in_dim3A_67 : vector<16xf32> to vector<1x16xf32>
        tpu.vector_store %arg9[%swap3A, %swap3A_68], %swap3A_71 {strides = array<i32>} : memref<80x128xf32, #tpu.memory_space<vmem>>, vector<1x16xf32>,
      }
      %scan3A_61 = arith.constant 8 : i32
    }
    %scan3A_6 = arith.constant 80 : i32
    %scan3A_7 = arith.constant 0 : i32
    %scan3A_8 = arith.constant 7 : i32
    %scan3A_9 = arith.addi %scan3A_7, %scan3A_8 : i32
    %scan3A_10 = arith.constant 1 : i32
    scf.for %scan3A_52 = %scan3A_7 to %scan3A_9 step %scan3A_10  : i32 {
      %mul3A_53 = arith.constant 80 : i32
      %mul3A_54 = arith.muli %scan3A_52, %mul3A_53 : i32
      %add3A_55 = arith.constant 0 : i32
      %add3A_56 = arith.addi %add3A_55, %mul3A_54 : i32
      %add3A_57 = arith.addi %mul3A_2, %add3A_56 : i32
      %multiple_of3A_58 = tpu.assume_multiple %add3A_57, 8 : i32
      "tpu.region"() ({
        %run_scoped3A_59 = tpu.sem_alloc : memref<!tpu.dma_semaphore, #tpu.memory_space<semaphore_mem>>
        %dma_start3A_60 = arith.constant 0 : i32
        %dma_start3A_61 = tpu.memref_slice %arg6[%multiple_of3A_58, %dma_start3A_60] : memref<10000x128xf32, #tpu.memory_space<vmem_shared>> -> memref<80x128xf32, #tpu.memory_space<vmem_shared>>
        %dma_start3A_62 = arith.constant 0 : i32
        %dma_start3A_63 = tpu.memref_slice %arg6[%multiple_of3A_58, %dma_start3A_62] : memref<10000x128xf32, #tpu.memory_space<vmem_shared>> -> memref<80x128xf32, #tpu.memory_space<vmem_shared>>
        tpu.enqueue_dma source(%arg9 : memref<80x128xf32, #tpu.memory_space<vmem>>) target(%dma_start3A_63 : memref<80x128xf32, #tpu.memory_space<vmem_shared>>) target_semaphore(%run_scoped3A_59 : memref<!tpu.dma_semaphore, #tpu.memory_space<semaphore_mem>>)
        %dma_wait3A_64 = arith.constant 0 : i32
        %dma_wait3A_65 = tpu.memref_slice %arg6[%multiple_of3A_58, %dma_wait3A_64] : memref<10000x128xf32, #tpu.memory_space<vmem_shared>> -> memref<80x128xf32, #tpu.memory_space<vmem_shared>>
        %dma_wait3A_66 = arith.constant 0 : i32
        %dma_wait3A_67 = tpu.memref_slice %arg6[%multiple_of3A_58, %dma_wait3A_66] : memref<10000x128xf32, #tpu.memory_space<vmem_shared>> -> memref<80x128xf32, #tpu.memory_space<vmem_shared>>
        tpu.wait_dma2 semaphore(%run_scoped3A_59 : memref<!tpu.dma_semaphore, #tpu.memory_space<semaphore_mem>>) src(%arg9 : memref<80x128xf32, #tpu.memory_space<vmem>>) dst(%dma_wait3A_67 : memref<80x128xf32, #tpu.memory_space<vmem_shared>>)
        tpu.yield
      }) : () -> ()
    }
    %scan3A_11 = arith.constant 7 : i32
    %add3A_12 = arith.constant 560 : i32
    %add3A_13 = arith.addi %mul3A_2, %add3A_12 : i32
    %multiple_of3A = tpu.assume_multiple %add3A_13, 8 : i32
    "tpu.region"() ({
      %run_scoped3A_52 = tpu.sem_alloc : memref<!tpu.dma_semaphore, #tpu.memory_space<semaphore_mem>>
      %dma_start3A_53 = arith.constant 0 : i32
      %dma_start3A_54 = arith.constant 0 : i32
      %dma_start3A_55 = tpu.memref_slice %arg9[%dma_start3A_53, %dma_start3A_54] : memref<80x128xf32, #tpu.memory_space<vmem>> -> memref<64x128xf32, #tpu.memory_space<vmem>>
      %dma_start3A_56 = arith.constant 0 : i32
      %dma_start3A_57 = tpu.memref_slice %arg6[%multiple_of3A, %dma_start3A_56] : memref<10000x128xf32, #tpu.memory_space<vmem_shared>> -> memref<64x128xf32, #tpu.memory_space<vmem_shared>>
      %dma_start3A_58 = arith.constant 0 : i32
      %dma_start3A_59 = tpu.memref_slice %arg6[%multiple_of3A, %dma_start3A_58] : memref<10000x128xf32, #tpu.memory_space<vmem_shared>> -> memref<64x128xf32, #tpu.memory_space<vmem_shared>>
      %dma_start3A_60 = arith.constant 0 : i32
      %dma_start3A_61 = arith.constant 0 : i32
      %dma_start3A_62 = tpu.memref_slice %arg9[%dma_start3A_60, %dma_start3A_61] : memref<80x128xf32, #tpu.memory_space<vmem>> -> memref<64x128xf32, #tpu.memory_space<vmem>>
      tpu.enqueue_dma source(%dma_start3A_62 : memref<64x128xf32, #tpu.memory_space<vmem>>) target(%dma_start3A_59 : memref<64x128xf32, #tpu.memory_space<vmem_shared>>) target_semaphore(%run_scoped3A_52 : memref<!tpu.dma_semaphore, #tpu.memory_space<semaphore_mem>>)
      %dma_wait3A_63 = arith.constant 0 : i32
      %dma_wait3A_64 = arith.constant 0 : i32
      %dma_wait3A_65 = tpu.memref_slice %arg9[%dma_wait3A_63, %dma_wait3A_64] : memref<80x128xf32, #tpu.memory_space<vmem>> -> memref<64x128xf32, #tpu.memory_space<vmem>>
      %dma_wait3A_66 = arith.constant 0 : i32
      %dma_wait3A_67 = tpu.memref_slice %arg6[%multiple_of3A, %dma_wait3A_66] : memref<10000x128xf32, #tpu.memory_space<vmem_shared>> -> memref<64x128xf32, #tpu.memory_space<vmem_shared>>
      %dma_wait3A_68 = arith.constant 0 : i32
      %dma_wait3A_69 = tpu.memref_slice %arg6[%multiple_of3A, %dma_wait3A_68] : memref<10000x128xf32, #tpu.memory_space<vmem_shared>> -> memref<64x128xf32, #tpu.memory_space<vmem_shared>>
      %dma_wait3A_70 = arith.constant 0 : i32
      %dma_wait3A_71 = arith.constant 0 : i32
      %dma_wait3A_72 = tpu.memref_slice %arg9[%dma_wait3A_70, %dma_wait3A_71] : memref<80x128xf32, #tpu.memory_space<vmem>> -> memref<64x128xf32, #tpu.memory_space<vmem>>
      tpu.wait_dma2 semaphore(%run_scoped3A_52 : memref<!tpu.dma_semaphore, #tpu.memory_space<semaphore_mem>>) src(%dma_wait3A_72 : memref<64x128xf32, #tpu.memory_space<vmem>>) dst(%dma_wait3A_69 : memref<64x128xf32, #tpu.memory_space<vmem_shared>>)
      tpu.yield
    }) : () -> ()
    %eq3A = arith.constant 15 : i32
    %eq3A_14 = arith.cmpi eq, %arg1, %eq3A : i32
    %convert_element_type3A = arith.extui %eq3A_14 : i1 to i32
    %cond3A = arith.constant 0 : i32
    %cond3A_15 = arith.cmpi ne, %convert_element_type3A, %cond3A : i32
    scf.if %cond3A_15 {
      "tpu.region"() ({
        %run_scoped3A_52 = tpu.sem_alloc : memref<!tpu.dma_semaphore, #tpu.memory_space<semaphore_mem>>
        %dma_start3A_53 = arith.constant 0 : i32
        %dma_start3A_54 = arith.constant 0 : i32
        %dma_start3A_55 = tpu.memref_slice %arg9[%dma_start3A_53, %dma_start3A_54] : memref<80x128xf32, #tpu.memory_space<vmem>> -> memref<16x128xf32, #tpu.memory_space<vmem>>
        %dma_start3A_56 = arith.constant 9984 : i32
        %dma_start3A_57 = arith.constant 0 : i32
        %dma_start3A_58 = tpu.memref_slice %arg6[%dma_start3A_56, %dma_start3A_57] : memref<10000x128xf32, #tpu.memory_space<vmem_shared>> -> memref<16x128xf32, #tpu.memory_space<vmem_shared>>
        %dma_start3A_59 = arith.constant 9984 : i32
        %dma_start3A_60 = arith.constant 0 : i32
        %dma_start3A_61 = tpu.memref_slice %arg6[%dma_start3A_59, %dma_start3A_60] : memref<10000x128xf32, #tpu.memory_space<vmem_shared>> -> memref<16x128xf32, #tpu.memory_space<vmem_shared>>
        %dma_start3A_62 = arith.constant 0 : i32
        %dma_start3A_63 = arith.constant 0 : i32
        %dma_start3A_64 = tpu.memref_slice %arg9[%dma_start3A_62, %dma_start3A_63] : memref<80x128xf32, #tpu.memory_space<vmem>> -> memref<16x128xf32, #tpu.memory_space<vmem>>
        tpu.enqueue_dma source(%dma_start3A_64 : memref<16x128xf32, #tpu.memory_space<vmem>>) target(%dma_start3A_61 : memref<16x128xf32, #tpu.memory_space<vmem_shared>>) target_semaphore(%run_scoped3A_52 : memref<!tpu.dma_semaphore, #tpu.memory_space<semaphore_mem>>)
        %dma_wait3A_65 = arith.constant 0 : i32
        %dma_wait3A_66 = arith.constant 0 : i32
        %dma_wait3A_67 = tpu.memref_slice %arg9[%dma_wait3A_65, %dma_wait3A_66] : memref<80x128xf32, #tpu.memory_space<vmem>> -> memref<16x128xf32, #tpu.memory_space<vmem>>
        %dma_wait3A_68 = arith.constant 9984 : i32
        %dma_wait3A_69 = arith.constant 0 : i32
        %dma_wait3A_70 = tpu.memref_slice %arg6[%dma_wait3A_68, %dma_wait3A_69] : memref<10000x128xf32, #tpu.memory_space<vmem_shared>> -> memref<16x128xf32, #tpu.memory_space<vmem_shared>>
        %dma_wait3A_71 = arith.constant 9984 : i32
        %dma_wait3A_72 = arith.constant 0 : i32
        %dma_wait3A_73 = tpu.memref_slice %arg6[%dma_wait3A_71, %dma_wait3A_72] : memref<10000x128xf32, #tpu.memory_space<vmem_shared>> -> memref<16x128xf32, #tpu.memory_space<vmem_shared>>
        %dma_wait3A_74 = arith.constant 0 : i32
        %dma_wait3A_75 = arith.constant 0 : i32
        %dma_wait3A_76 = tpu.memref_slice %arg9[%dma_wait3A_74, %dma_wait3A_75] : memref<80x128xf32, #tpu.memory_space<vmem>> -> memref<16x128xf32, #tpu.memory_space<vmem>>
        tpu.wait_dma2 semaphore(%run_scoped3A_52 : memref<!tpu.dma_semaphore, #tpu.memory_space<semaphore_mem>>) src(%dma_wait3A_76 : memref<16x128xf32, #tpu.memory_space<vmem>>) dst(%dma_wait3A_73 : memref<16x128xf32, #tpu.memory_space<vmem_shared>>)
        tpu.yield
      }) : () -> ()
    } else {
    }
    %run_scoped3A = arith.constant 0 : i32
    "tpu.region"() ({
      %run_scoped3A_52 = tpu.sem_alloc : memref<!tpu.dma_semaphore, #tpu.memory_space<semaphore_mem>>
      %dma_start3A_53 = arith.constant 0 : i32
      %dma_start3A_54 = tpu.memref_slice %arg3[%add3A, %run_scoped3A, %dma_start3A_53] : memref<32x1x10000xi32, #tpu.memory_space<hbm>> -> memref<1x1x10000xi32, #tpu.memory_space<hbm>>
      %dma_start3A_55 = tpu.memref_squeeze %dma_start3A_54 : memref<1x1x10000xi32, #tpu.memory_space<hbm>> -> memref<10000xi32, #tpu.memory_space<hbm>>
      %dma_start3A_56 = arith.constant 0 : i32
      %dma_start3A_57 = tpu.memref_slice %arg3[%add3A, %run_scoped3A, %dma_start3A_56] : memref<32x1x10000xi32, #tpu.memory_space<hbm>> -> memref<1x1x10000xi32, #tpu.memory_space<hbm>>
      %dma_start3A_58 = tpu.memref_squeeze %dma_start3A_57 : memref<1x1x10000xi32, #tpu.memory_space<hbm>> -> memref<10000xi32, #tpu.memory_space<hbm>>
      tpu.enqueue_dma source(%dma_start3A_58 : memref<10000xi32, #tpu.memory_space<hbm>>) target(%arg7 : memref<10000xi32, #tpu.memory_space<vmem>>) target_semaphore(%run_scoped3A_52 : memref<!tpu.dma_semaphore, #tpu.memory_space<semaphore_mem>>)
      %dma_wait3A_59 = arith.constant 0 : i32
      %dma_wait3A_60 = tpu.memref_slice %arg3[%add3A, %run_scoped3A, %dma_wait3A_59] : memref<32x1x10000xi32, #tpu.memory_space<hbm>> -> memref<1x1x10000xi32, #tpu.memory_space<hbm>>
      %dma_wait3A_61 = tpu.memref_squeeze %dma_wait3A_60 : memref<1x1x10000xi32, #tpu.memory_space<hbm>> -> memref<10000xi32, #tpu.memory_space<hbm>>
      %dma_wait3A_62 = arith.constant 0 : i32
      %dma_wait3A_63 = tpu.memref_slice %arg3[%add3A, %run_scoped3A, %dma_wait3A_62] : memref<32x1x10000xi32, #tpu.memory_space<hbm>> -> memref<1x1x10000xi32, #tpu.memory_space<hbm>>
      %dma_wait3A_64 = tpu.memref_squeeze %dma_wait3A_63 : memref<1x1x10000xi32, #tpu.memory_space<hbm>> -> memref<10000xi32, #tpu.memory_space<hbm>>
      tpu.wait_dma2 semaphore(%run_scoped3A_52 : memref<!tpu.dma_semaphore, #tpu.memory_space<semaphore_mem>>) src(%dma_wait3A_64 : memref<10000xi32, #tpu.memory_space<hbm>>) dst(%arg7 : memref<10000xi32, #tpu.memory_space<vmem>>)
      tpu.yield
    }) : () -> ()
    "tpu.region"() ({
      %run_scoped3A_52 = tpu.sem_alloc : memref<!tpu.dma_semaphore, #tpu.memory_space<semaphore_mem>>
      %dma_start3A_53 = arith.constant 0 : i32
      %dma_start3A_54 = arith.constant 0 : i32
      %dma_start3A_55 = tpu.memref_slice %arg4[%add3A, %dma_start3A_53, %dma_start3A_54] : memref<32x125x80xi32, #tpu.memory_space<hbm>> -> memref<1x125x80xi32, #tpu.memory_space<hbm>>
      %dma_start3A_56 = tpu.memref_squeeze %dma_start3A_55 : memref<1x125x80xi32, #tpu.memory_space<hbm>> -> memref<125x80xi32, #tpu.memory_space<hbm>>
      %dma_start3A_57 = arith.constant 0 : i32
      %dma_start3A_58 = arith.constant 0 : i32
      %dma_start3A_59 = tpu.memref_slice %arg4[%add3A, %dma_start3A_57, %dma_start3A_58] : memref<32x125x80xi32, #tpu.memory_space<hbm>> -> memref<1x125x80xi32, #tpu.memory_space<hbm>>
      %dma_start3A_60 = tpu.memref_squeeze %dma_start3A_59 : memref<1x125x80xi32, #tpu.memory_space<hbm>> -> memref<125x80xi32, #tpu.memory_space<hbm>>
      tpu.enqueue_dma source(%dma_start3A_60 : memref<125x80xi32, #tpu.memory_space<hbm>>) target(%arg8 : memref<125x80xi32, #tpu.memory_space<vmem>>) target_semaphore(%run_scoped3A_52 : memref<!tpu.dma_semaphore, #tpu.memory_space<semaphore_mem>>)
      %dma_wait3A_61 = arith.constant 0 : i32
      %dma_wait3A_62 = arith.constant 0 : i32
      %dma_wait3A_63 = tpu.memref_slice %arg4[%add3A, %dma_wait3A_61, %dma_wait3A_62] : memref<32x125x80xi32, #tpu.memory_space<hbm>> -> memref<1x125x80xi32, #tpu.memory_space<hbm>>
      %dma_wait3A_64 = tpu.memref_squeeze %dma_wait3A_63 : memref<1x125x80xi32, #tpu.memory_space<hbm>> -> memref<125x80xi32, #tpu.memory_space<hbm>>
      %dma_wait3A_65 = arith.constant 0 : i32
      %dma_wait3A_66 = arith.constant 0 : i32
      %dma_wait3A_67 = tpu.memref_slice %arg4[%add3A, %dma_wait3A_65, %dma_wait3A_66] : memref<32x125x80xi32, #tpu.memory_space<hbm>> -> memref<1x125x80xi32, #tpu.memory_space<hbm>>
      %dma_wait3A_68 = tpu.memref_squeeze %dma_wait3A_67 : memref<1x125x80xi32, #tpu.memory_space<hbm>> -> memref<125x80xi32, #tpu.memory_space<hbm>>
      tpu.wait_dma2 semaphore(%run_scoped3A_52 : memref<!tpu.dma_semaphore, #tpu.memory_space<semaphore_mem>>) src(%dma_wait3A_68 : memref<125x80xi32, #tpu.memory_space<hbm>>) dst(%arg8 : memref<125x80xi32, #tpu.memory_space<vmem>>)
      tpu.yield
    }) : () -> ()
    %barrier3A = arith.constant 0 : index
    tpu.barrier barrier_id(%barrier3A)
    %mul3A_16 = arith.constant 0 : i32
    %mul3A_17 = arith.constant 80 : i32
    %mul3A_18 = arith.muli %mul3A_16, %mul3A_17 : i32
    %multiple_of3A_19 = tpu.assume_multiple %mul3A_18, 8 : i32
    %dma_start3A = tpu.memref_slice %arg7[%multiple_of3A_19] : memref<10000xi32, #tpu.memory_space<vmem>> -> memref<80xi32, #tpu.memory_space<vmem>>
    %dma_start3A_20 = arith.constant 0 : i32
    %dma_start3A_21 = arith.constant 0 : i32
    %dma_start3A_22 = tpu.memref_slice %arg2[%dma_start3A_20, %dma_start3A_21] : memref<10000x128xf32, #tpu.memory_space<hbm>> -> memref<10000x128xf32, #tpu.memory_space<hbm>>
    tpu.enqueue_indirect_dma source(%dma_start3A_22 : memref<10000x128xf32, #tpu.memory_space<hbm>>) target(%arg9 : memref<80x128xf32, #tpu.memory_space<vmem>>) offsets(%dma_start3A : memref<80xi32, #tpu.memory_space<vmem>>) semaphore(%arg11 : memref<!tpu.dma_semaphore, #tpu.memory_space<semaphore_mem>>)
    %mul3A_23 = arith.constant 1 : i32
    %mul3A_24 = arith.constant 80 : i32
    %mul3A_25 = arith.muli %mul3A_23, %mul3A_24 : i32
    %multiple_of3A_26 = tpu.assume_multiple %mul3A_25, 8 : i32
    %dma_start3A_27 = tpu.memref_slice %arg7[%multiple_of3A_26] : memref<10000xi32, #tpu.memory_space<vmem>> -> memref<80xi32, #tpu.memory_space<vmem>>
    %dma_start3A_28 = arith.constant 0 : i32
    %dma_start3A_29 = arith.constant 0 : i32
    %dma_start3A_30 = tpu.memref_slice %arg2[%dma_start3A_28, %dma_start3A_29] : memref<10000x128xf32, #tpu.memory_space<hbm>> -> memref<10000x128xf32, #tpu.memory_space<hbm>>
    tpu.enqueue_indirect_dma source(%dma_start3A_30 : memref<10000x128xf32, #tpu.memory_space<hbm>>) target(%arg10 : memref<80x128xf32, #tpu.memory_space<vmem>>) offsets(%dma_start3A_27 : memref<80xi32, #tpu.memory_space<vmem>>) semaphore(%arg12 : memref<!tpu.dma_semaphore, #tpu.memory_space<semaphore_mem>>)
    %scan3A_31 = arith.constant 0 : i32
    %scan3A_32 = arith.constant 62 : i32
    %scan3A_33 = arith.addi %scan3A_31, %scan3A_32 : i32
    %scan3A_34 = arith.constant 1 : i32
    scf.for %scan3A_52 = %scan3A_31 to %scan3A_33 step %scan3A_34  : i32 {
      %mul3A_53 = arith.constant 2 : i32
      %mul3A_54 = arith.muli %scan3A_52, %mul3A_53 : i32
      %add3A_55 = arith.constant 0 : i32
      %add3A_56 = arith.addi %add3A_55, %mul3A_54 : i32
      %add3A_57 = arith.constant 0 : i32
      %add3A_58 = arith.addi %add3A_56, %add3A_57 : i32
      %mul3A_59 = arith.constant 80 : i32
      %mul3A_60 = arith.muli %add3A_58, %mul3A_59 : i32
      %multiple_of3A_61 = tpu.assume_multiple %mul3A_60, 8 : i32
      %dma_wait3A_62 = tpu.memref_slice %arg7[%multiple_of3A_61] : memref<10000xi32, #tpu.memory_space<vmem>> -> memref<80xi32, #tpu.memory_space<vmem>>
      %dma_wait3A_63 = arith.constant 0 : i32
      %dma_wait3A_64 = arith.constant 0 : i32
      %dma_wait3A_65 = tpu.memref_slice %arg2[%dma_wait3A_63, %dma_wait3A_64] : memref<10000x128xf32, #tpu.memory_space<hbm>> -> memref<10000x128xf32, #tpu.memory_space<hbm>>
      tpu.wait_indirect_dma semaphore(%arg11 : memref<!tpu.dma_semaphore, #tpu.memory_space<semaphore_mem>>) src(%dma_wait3A_65 : memref<10000x128xf32, #tpu.memory_space<hbm>>) dst(%arg9 : memref<80x128xf32, #tpu.memory_space<vmem>>)
      "tpu.region"() ({
        %run_scoped3A_88 = tpu.sem_alloc : memref<!tpu.dma_semaphore, #tpu.memory_space<semaphore_mem>>
        %dma_start3A_89 = arith.constant 0 : i32
        %dma_start3A_90 = tpu.memref_slice %arg8[%add3A_58, %dma_start3A_89] : memref<125x80xi32, #tpu.memory_space<vmem>> -> memref<1x80xi32, #tpu.memory_space<vmem>>
        %dma_start3A_91 = tpu.memref_squeeze %dma_start3A_90 : memref<1x80xi32, #tpu.memory_space<vmem>> -> memref<80xi32, #tpu.memory_space<vmem>>
        %dma_start3A_92 = arith.constant 0 : i32
        %dma_start3A_93 = arith.constant 0 : i32
        %dma_start3A_94 = tpu.memref_slice %arg6[%dma_start3A_92, %dma_start3A_93] : memref<10000x128xf32, #tpu.memory_space<vmem_shared>> -> memref<10000x128xf32, #tpu.memory_space<vmem_shared>>
        tpu.enqueue_indirect_dma source(%arg9 : memref<80x128xf32, #tpu.memory_space<vmem>>) target(%dma_start3A_94 : memref<10000x128xf32, #tpu.memory_space<vmem_shared>>) offsets(%dma_start3A_91 : memref<80xi32, #tpu.memory_space<vmem>>) semaphore(%run_scoped3A_88 : memref<!tpu.dma_semaphore, #tpu.memory_space<semaphore_mem>>) {add = true}
        %dma_wait3A_95 = arith.constant 0 : i32
        %dma_wait3A_96 = tpu.memref_slice %arg8[%add3A_58, %dma_wait3A_95] : memref<125x80xi32, #tpu.memory_space<vmem>> -> memref<1x80xi32, #tpu.memory_space<vmem>>
        %dma_wait3A_97 = tpu.memref_squeeze %dma_wait3A_96 : memref<1x80xi32, #tpu.memory_space<vmem>> -> memref<80xi32, #tpu.memory_space<vmem>>
        %dma_wait3A_98 = arith.constant 0 : i32
        %dma_wait3A_99 = arith.constant 0 : i32
        %dma_wait3A_100 = tpu.memref_slice %arg6[%dma_wait3A_98, %dma_wait3A_99] : memref<10000x128xf32, #tpu.memory_space<vmem_shared>> -> memref<10000x128xf32, #tpu.memory_space<vmem_shared>>
        tpu.wait_indirect_dma semaphore(%run_scoped3A_88 : memref<!tpu.dma_semaphore, #tpu.memory_space<semaphore_mem>>) src(%arg9 : memref<80x128xf32, #tpu.memory_space<vmem>>) dst(%dma_wait3A_100 : memref<10000x128xf32, #tpu.memory_space<vmem_shared>>)
        tpu.yield
      }) : () -> ()
      %add3A_66 = arith.constant 2 : i32
      %add3A_67 = arith.addi %add3A_58, %add3A_66 : i32
      %lt3A = arith.constant 125 : i32
      %lt3A_68 = arith.cmpi slt, %add3A_67, %lt3A : i32
      %convert_element_type3A_69 = arith.extui %lt3A_68 : i1 to i32
      %cond3A_70 = arith.constant 0 : i32
      %cond3A_71 = arith.cmpi ne, %convert_element_type3A_69, %cond3A_70 : i32
      scf.if %cond3A_71 {
        %mul3A_88 = arith.constant 80 : i32
        %mul3A_89 = arith.muli %add3A_67, %mul3A_88 : i32
        %multiple_of3A_90 = tpu.assume_multiple %mul3A_89, 8 : i32
        %dma_start3A_91 = tpu.memref_slice %arg7[%multiple_of3A_90] : memref<10000xi32, #tpu.memory_space<vmem>> -> memref<80xi32, #tpu.memory_space<vmem>>
        %dma_start3A_92 = arith.constant 0 : i32
        %dma_start3A_93 = arith.constant 0 : i32
        %dma_start3A_94 = tpu.memref_slice %arg2[%dma_start3A_92, %dma_start3A_93] : memref<10000x128xf32, #tpu.memory_space<hbm>> -> memref<10000x128xf32, #tpu.memory_space<hbm>>
        tpu.enqueue_indirect_dma source(%dma_start3A_94 : memref<10000x128xf32, #tpu.memory_space<hbm>>) target(%arg9 : memref<80x128xf32, #tpu.memory_space<vmem>>) offsets(%dma_start3A_91 : memref<80xi32, #tpu.memory_space<vmem>>) semaphore(%arg11 : memref<!tpu.dma_semaphore, #tpu.memory_space<semaphore_mem>>)
      } else {
      }
      %add3A_72 = arith.constant 1 : i32
      %add3A_73 = arith.addi %add3A_56, %add3A_72 : i32
      %mul3A_74 = arith.constant 80 : i32
      %mul3A_75 = arith.muli %add3A_73, %mul3A_74 : i32
      %multiple_of3A_76 = tpu.assume_multiple %mul3A_75, 8 : i32
      %dma_wait3A_77 = tpu.memref_slice %arg7[%multiple_of3A_76] : memref<10000xi32, #tpu.memory_space<vmem>> -> memref<80xi32, #tpu.memory_space<vmem>>
      %dma_wait3A_78 = arith.constant 0 : i32
      %dma_wait3A_79 = arith.constant 0 : i32
      %dma_wait3A_80 = tpu.memref_slice %arg2[%dma_wait3A_78, %dma_wait3A_79] : memref<10000x128xf32, #tpu.memory_space<hbm>> -> memref<10000x128xf32, #tpu.memory_space<hbm>>
      tpu.wait_indirect_dma semaphore(%arg12 : memref<!tpu.dma_semaphore, #tpu.memory_space<semaphore_mem>>) src(%dma_wait3A_80 : memref<10000x128xf32, #tpu.memory_space<hbm>>) dst(%arg10 : memref<80x128xf32, #tpu.memory_space<vmem>>)
      "tpu.region"() ({
        %run_scoped3A_88 = tpu.sem_alloc : memref<!tpu.dma_semaphore, #tpu.memory_space<semaphore_mem>>
        %dma_start3A_89 = arith.constant 0 : i32
        %dma_start3A_90 = tpu.memref_slice %arg8[%add3A_73, %dma_start3A_89] : memref<125x80xi32, #tpu.memory_space<vmem>> -> memref<1x80xi32, #tpu.memory_space<vmem>>
        %dma_start3A_91 = tpu.memref_squeeze %dma_start3A_90 : memref<1x80xi32, #tpu.memory_space<vmem>> -> memref<80xi32, #tpu.memory_space<vmem>>
        %dma_start3A_92 = arith.constant 0 : i32
        %dma_start3A_93 = arith.constant 0 : i32
        %dma_start3A_94 = tpu.memref_slice %arg6[%dma_start3A_92, %dma_start3A_93] : memref<10000x128xf32, #tpu.memory_space<vmem_shared>> -> memref<10000x128xf32, #tpu.memory_space<vmem_shared>>
        tpu.enqueue_indirect_dma source(%arg10 : memref<80x128xf32, #tpu.memory_space<vmem>>) target(%dma_start3A_94 : memref<10000x128xf32, #tpu.memory_space<vmem_shared>>) offsets(%dma_start3A_91 : memref<80xi32, #tpu.memory_space<vmem>>) semaphore(%run_scoped3A_88 : memref<!tpu.dma_semaphore, #tpu.memory_space<semaphore_mem>>) {add = true}
        %dma_wait3A_95 = arith.constant 0 : i32
        %dma_wait3A_96 = tpu.memref_slice %arg8[%add3A_73, %dma_wait3A_95] : memref<125x80xi32, #tpu.memory_space<vmem>> -> memref<1x80xi32, #tpu.memory_space<vmem>>
        %dma_wait3A_97 = tpu.memref_squeeze %dma_wait3A_96 : memref<1x80xi32, #tpu.memory_space<vmem>> -> memref<80xi32, #tpu.memory_space<vmem>>
        %dma_wait3A_98 = arith.constant 0 : i32
        %dma_wait3A_99 = arith.constant 0 : i32
        %dma_wait3A_100 = tpu.memref_slice %arg6[%dma_wait3A_98, %dma_wait3A_99] : memref<10000x128xf32, #tpu.memory_space<vmem_shared>> -> memref<10000x128xf32, #tpu.memory_space<vmem_shared>>
        tpu.wait_indirect_dma semaphore(%run_scoped3A_88 : memref<!tpu.dma_semaphore, #tpu.memory_space<semaphore_mem>>) src(%arg10 : memref<80x128xf32, #tpu.memory_space<vmem>>) dst(%dma_wait3A_100 : memref<10000x128xf32, #tpu.memory_space<vmem_shared>>)
        tpu.yield
      }) : () -> ()
      %add3A_81 = arith.constant 2 : i32
      %add3A_82 = arith.addi %add3A_73, %add3A_81 : i32
      %lt3A_83 = arith.constant 125 : i32
      %lt3A_84 = arith.cmpi slt, %add3A_82, %lt3A_83 : i32
      %convert_element_type3A_85 = arith.extui %lt3A_84 : i1 to i32
      %cond3A_86 = arith.constant 0 : i32
      %cond3A_87 = arith.cmpi ne, %convert_element_type3A_85, %cond3A_86 : i32
      scf.if %cond3A_87 {
        %mul3A_88 = arith.constant 80 : i32
        %mul3A_89 = arith.muli %add3A_82, %mul3A_88 : i32
        %multiple_of3A_90 = tpu.assume_multiple %mul3A_89, 8 : i32
        %dma_start3A_91 = tpu.memref_slice %arg7[%multiple_of3A_90] : memref<10000xi32, #tpu.memory_space<vmem>> -> memref<80xi32, #tpu.memory_space<vmem>>
        %dma_start3A_92 = arith.constant 0 : i32
        %dma_start3A_93 = arith.constant 0 : i32
        %dma_start3A_94 = tpu.memref_slice %arg2[%dma_start3A_92, %dma_start3A_93] : memref<10000x128xf32, #tpu.memory_space<hbm>> -> memref<10000x128xf32, #tpu.memory_space<hbm>>
        tpu.enqueue_indirect_dma source(%dma_start3A_94 : memref<10000x128xf32, #tpu.memory_space<hbm>>) target(%arg10 : memref<80x128xf32, #tpu.memory_space<vmem>>) offsets(%dma_start3A_91 : memref<80xi32, #tpu.memory_space<vmem>>) semaphore(%arg12 : memref<!tpu.dma_semaphore, #tpu.memory_space<semaphore_mem>>)
      } else {
      }
    }
    %scan3A_35 = arith.constant 62 : i32
    %mul3A_36 = arith.constant 124 : i32
    %mul3A_37 = arith.constant 80 : i32
    %mul3A_38 = arith.muli %mul3A_36, %mul3A_37 : i32
    %multiple_of3A_39 = tpu.assume_multiple %mul3A_38, 8 : i32
    %dma_wait3A = tpu.memref_slice %arg7[%multiple_of3A_39] : memref<10000xi32, #tpu.memory_space<vmem>> -> memref<80xi32, #tpu.memory_space<vmem>>
    %dma_wait3A_40 = arith.constant 0 : i32
    %dma_wait3A_41 = arith.constant 0 : i32
    %dma_wait3A_42 = tpu.memref_slice %arg2[%dma_wait3A_40, %dma_wait3A_41] : memref<10000x128xf32, #tpu.memory_space<hbm>> -> memref<10000x128xf32, #tpu.memory_space<hbm>>
    tpu.wait_indirect_dma semaphore(%arg11 : memref<!tpu.dma_semaphore, #tpu.memory_space<semaphore_mem>>) src(%dma_wait3A_42 : memref<10000x128xf32, #tpu.memory_space<hbm>>) dst(%arg9 : memref<80x128xf32, #tpu.memory_space<vmem>>)
    %run_scoped3A_43 = arith.constant 124 : i32
    "tpu.region"() ({
      %run_scoped3A_52 = tpu.sem_alloc : memref<!tpu.dma_semaphore, #tpu.memory_space<semaphore_mem>>
      %dma_start3A_53 = arith.constant 0 : i32
      %dma_start3A_54 = tpu.memref_slice %arg8[%run_scoped3A_43, %dma_start3A_53] : memref<125x80xi32, #tpu.memory_space<vmem>> -> memref<1x80xi32, #tpu.memory_space<vmem>>
      %dma_start3A_55 = tpu.memref_squeeze %dma_start3A_54 : memref<1x80xi32, #tpu.memory_space<vmem>> -> memref<80xi32, #tpu.memory_space<vmem>>
      %dma_start3A_56 = arith.constant 0 : i32
      %dma_start3A_57 = arith.constant 0 : i32
      %dma_start3A_58 = tpu.memref_slice %arg6[%dma_start3A_56, %dma_start3A_57] : memref<10000x128xf32, #tpu.memory_space<vmem_shared>> -> memref<10000x128xf32, #tpu.memory_space<vmem_shared>>
      tpu.enqueue_indirect_dma source(%arg9 : memref<80x128xf32, #tpu.memory_space<vmem>>) target(%dma_start3A_58 : memref<10000x128xf32, #tpu.memory_space<vmem_shared>>) offsets(%dma_start3A_55 : memref<80xi32, #tpu.memory_space<vmem>>) semaphore(%run_scoped3A_52 : memref<!tpu.dma_semaphore, #tpu.memory_space<semaphore_mem>>) {add = true}
      %dma_wait3A_59 = arith.constant 0 : i32
      %dma_wait3A_60 = tpu.memref_slice %arg8[%run_scoped3A_43, %dma_wait3A_59] : memref<125x80xi32, #tpu.memory_space<vmem>> -> memref<1x80xi32, #tpu.memory_space<vmem>>
      %dma_wait3A_61 = tpu.memref_squeeze %dma_wait3A_60 : memref<1x80xi32, #tpu.memory_space<vmem>> -> memref<80xi32, #tpu.memory_space<vmem>>
      %dma_wait3A_62 = arith.constant 0 : i32
      %dma_wait3A_63 = arith.constant 0 : i32
      %dma_wait3A_64 = tpu.memref_slice %arg6[%dma_wait3A_62, %dma_wait3A_63] : memref<10000x128xf32, #tpu.memory_space<vmem_shared>> -> memref<10000x128xf32, #tpu.memory_space<vmem_shared>>
      tpu.wait_indirect_dma semaphore(%run_scoped3A_52 : memref<!tpu.dma_semaphore, #tpu.memory_space<semaphore_mem>>) src(%arg9 : memref<80x128xf32, #tpu.memory_space<vmem>>) dst(%dma_wait3A_64 : memref<10000x128xf32, #tpu.memory_space<vmem_shared>>)
      tpu.yield
    }) : () -> ()
    %barrier3A_44 = arith.constant 0 : index
    tpu.barrier barrier_id(%barrier3A_44)
    %multiple_of3A_45 = tpu.assume_multiple %mul3A_2, 8 : i32
    %multiple_of3A_46 = tpu.assume_multiple %mul3A_2, 8 : i32
    "tpu.region"() ({
      %run_scoped3A_52 = tpu.sem_alloc : memref<!tpu.dma_semaphore, #tpu.memory_space<semaphore_mem>>
      %dma_start3A_53 = arith.constant 0 : i32
      %dma_start3A_54 = tpu.memref_slice %arg5[%arg0, %multiple_of3A_46, %dma_start3A_53] : memref<2x10000x128xf32, #tpu.memory_space<hbm>> -> memref<1x624x128xf32, #tpu.memory_space<hbm>>
      %dma_start3A_55 = tpu.memref_squeeze %dma_start3A_54 : memref<1x624x128xf32, #tpu.memory_space<hbm>> -> memref<624x128xf32, #tpu.memory_space<hbm>>
      %dma_start3A_56 = arith.constant 0 : i32
      %dma_start3A_57 = tpu.memref_slice %arg6[%multiple_of3A_45, %dma_start3A_56] : memref<10000x128xf32, #tpu.memory_space<vmem_shared>> -> memref<624x128xf32, #tpu.memory_space<vmem_shared>>
      tpu.enqueue_dma source(%dma_start3A_57 : memref<624x128xf32, #tpu.memory_space<vmem_shared>>) target(%dma_start3A_55 : memref<624x128xf32, #tpu.memory_space<hbm>>) target_semaphore(%run_scoped3A_52 : memref<!tpu.dma_semaphore, #tpu.memory_space<semaphore_mem>>)
      %dma_wait3A_58 = arith.constant 0 : i32
      %dma_wait3A_59 = tpu.memref_slice %arg5[%arg0, %multiple_of3A_46, %dma_wait3A_58] : memref<2x10000x128xf32, #tpu.memory_space<hbm>> -> memref<1x624x128xf32, #tpu.memory_space<hbm>>
      %dma_wait3A_60 = tpu.memref_squeeze %dma_wait3A_59 : memref<1x624x128xf32, #tpu.memory_space<hbm>> -> memref<624x128xf32, #tpu.memory_space<hbm>>
      %dma_wait3A_61 = arith.constant 0 : i32
      %dma_wait3A_62 = tpu.memref_slice %arg6[%multiple_of3A_45, %dma_wait3A_61] : memref<10000x128xf32, #tpu.memory_space<vmem_shared>> -> memref<624x128xf32, #tpu.memory_space<vmem_shared>>
      tpu.wait_dma2 semaphore(%run_scoped3A_52 : memref<!tpu.dma_semaphore, #tpu.memory_space<semaphore_mem>>) src(%dma_wait3A_62 : memref<624x128xf32, #tpu.memory_space<vmem_shared>>) dst(%dma_wait3A_60 : memref<624x128xf32, #tpu.memory_space<hbm>>)
      tpu.yield
    }) : () -> ()
    %eq3A_47 = arith.constant 15 : i32
    %eq3A_48 = arith.cmpi eq, %arg1, %eq3A_47 : i32
    %convert_element_type3A_49 = arith.extui %eq3A_48 : i1 to i32
    %cond3A_50 = arith.constant 0 : i32
    %cond3A_51 = arith.cmpi ne, %convert_element_type3A_49, %cond3A_50 : i32
    scf.if %cond3A_51 {
      "tpu.region"() ({
        %run_scoped3A_52 = tpu.sem_alloc : memref<!tpu.dma_semaphore, #tpu.memory_space<semaphore_mem>>
        %dma_start3A_53 = arith.constant 9984 : i32
        %dma_start3A_54 = arith.constant 0 : i32
        %dma_start3A_55 = tpu.memref_slice %arg5[%arg0, %dma_start3A_53, %dma_start3A_54] : memref<2x10000x128xf32, #tpu.memory_space<hbm>> -> memref<1x16x128xf32, #tpu.memory_space<hbm>>
        %dma_start3A_56 = tpu.memref_squeeze %dma_start3A_55 : memref<1x16x128xf32, #tpu.memory_space<hbm>> -> memref<16x128xf32, #tpu.memory_space<hbm>>
        %dma_start3A_57 = arith.constant 9984 : i32
        %dma_start3A_58 = arith.constant 0 : i32
        %dma_start3A_59 = tpu.memref_slice %arg6[%dma_start3A_57, %dma_start3A_58] : memref<10000x128xf32, #tpu.memory_space<vmem_shared>> -> memref<16x128xf32, #tpu.memory_space<vmem_shared>>
        tpu.enqueue_dma source(%dma_start3A_59 : memref<16x128xf32, #tpu.memory_space<vmem_shared>>) target(%dma_start3A_56 : memref<16x128xf32, #tpu.memory_space<hbm>>) target_semaphore(%run_scoped3A_52 : memref<!tpu.dma_semaphore, #tpu.memory_space<semaphore_mem>>)
        %dma_wait3A_60 = arith.constant 9984 : i32
        %dma_wait3A_61 = arith.constant 0 : i32
        %dma_wait3A_62 = tpu.memref_slice %arg5[%arg0, %dma_wait3A_60, %dma_wait3A_61] : memref<2x10000x128xf32, #tpu.memory_space<hbm>> -> memref<1x16x128xf32, #tpu.memory_space<hbm>>
        %dma_wait3A_63 = tpu.memref_squeeze %dma_wait3A_62 : memref<1x16x128xf32, #tpu.memory_space<hbm>> -> memref<16x128xf32, #tpu.memory_space<hbm>>
        %dma_wait3A_64 = arith.constant 9984 : i32
        %dma_wait3A_65 = arith.constant 0 : i32
        %dma_wait3A_66 = tpu.memref_slice %arg6[%dma_wait3A_64, %dma_wait3A_65] : memref<10000x128xf32, #tpu.memory_space<vmem_shared>> -> memref<16x128xf32, #tpu.memory_space<vmem_shared>>
        tpu.wait_dma2 semaphore(%run_scoped3A_52 : memref<!tpu.dma_semaphore, #tpu.memory_space<semaphore_mem>>) src(%dma_wait3A_66 : memref<16x128xf32, #tpu.memory_space<vmem_shared>>) dst(%dma_wait3A_63 : memref<16x128xf32, #tpu.memory_space<hbm>>)
        tpu.yield
      }) : () -> ()
    } else {
    }
    return
  }
}

#map = affine_map<(d0, d1) -> (0, 0)>
#map1 = affine_map<(d0, d1) -> (0, 0, 0)>
module attributes {stable_mosaic.version = 14 : i64} {
  func.func @_sc_conv(%arg0: i32, %arg1: i32, %arg2: memref<10000x128xf32, #tpu.memory_space<hbm>>, %arg3: memref<32x1x10000xi32, #tpu.memory_space<hbm>>, %arg4: memref<32x125x80xi32, #tpu.memory_space<hbm>>, %arg5: memref<2x10000x128xf32, #tpu.memory_space<hbm>>, %arg6: memref<10000x128xf32, #tpu.memory_space<vmem_shared>>, %arg7: memref<10000xi32, #tpu.memory_space<vmem>>, %arg8: memref<125x80xi32, #tpu.memory_space<vmem>>, %arg9: memref<80x128xf32, #tpu.memory_space<vmem>>, %arg10: memref<80x128xf32, #tpu.memory_space<vmem>>, %arg11: memref<!tpu.dma_semaphore, #tpu.memory_space<semaphore_mem>>, %arg12: memref<!tpu.dma_semaphore, #tpu.memory_space<semaphore_mem>>) attributes {dimension_semantics = [#tpu.dimension_semantics<core_parallel>, #tpu.dimension_semantics<subcore_parallel>], iteration_bounds = array<i64: 2, 16>, scalar_prefetch = 0 : i64, scratch_operands = 7 : i64, tpu.core_type = #tpu.core_type<sc_vector_subcore>, window_params = [{transform_indices = #map}, {transform_indices = #map1}, {transform_indices = #map1}, {transform_indices = #map1}]} {
    %mul3A = arith.constant 16 : i32
    %mul3A_0 = arith.muli %arg0, %mul3A : i32
    %add3A = arith.addi %mul3A_0, %arg1 : i32
    %mul3A_1 = arith.constant 624 : i32
    %mul3A_2 = arith.muli %arg1, %mul3A_1 : i32
    %scan3A = arith.constant 0 : i32
    %scan3A_3 = arith.constant 80 : i32
    %scan3A_4 = arith.addi %scan3A, %scan3A_3 : i32
    %scan3A_5 = arith.constant 1 : i32
    scf.for %scan3A_52 = %scan3A to %scan3A_4 step %scan3A_5  : i32 {
      %mul3A_53 = arith.constant 1 : i32
      %mul3A_54 = arith.muli %scan3A_52, %mul3A_53 : i32
      %add3A_55 = arith.constant 0 : i32
      %add3A_56 = arith.addi %add3A_55, %mul3A_54 : i32
      %scan3A_57 = arith.constant 0 : i32
      %scan3A_58 = arith.constant 8 : i32
      %scan3A_59 = arith.addi %scan3A_57, %scan3A_58 : i32
      %scan3A_60 = arith.constant 1 : i32
      scf.for %scan3A_62 = %scan3A_57 to %scan3A_59 step %scan3A_60  : i32 {
        %mul3A_63 = arith.constant 16 : i32
        %mul3A_64 = arith.muli %scan3A_62, %mul3A_63 : i32
        %add3A_65 = arith.constant 0 : i32
        %add3A_66 = arith.addi %add3A_65, %mul3A_64 : i32
        %broadcast_in_dim3A = arith.constant 0.000000e+00 : f32
        %broadcast_in_dim3A_67 = vector.broadcast %broadcast_in_dim3A : f32 to vector<16xf32>
        %swap3A = arith.index_cast %add3A_56 : i32 to index
        %swap3A_68 = arith.index_cast %add3A_66 : i32 to index
        %swap3A_69 = tpu.vector_load %arg9[%swap3A, %swap3A_68] {strides = array<i32>} : memref<80x128xf32, #tpu.memory_space<vmem>>, vector<1x16xf32>,
        %swap3A_70 = vector.shape_cast %swap3A_69 : vector<1x16xf32> to vector<16xf32>
        %swap3A_71 = vector.shape_cast %broadcast_in_dim3A_67 : vector<16xf32> to vector<1x16xf32>
        tpu.vector_store %arg9[%swap3A, %swap3A_68], %swap3A_71 {strides = array<i32>} : memref<80x128xf32, #tpu.memory_space<vmem>>, vector<1x16xf32>,
      }
      %scan3A_61 = arith.constant 8 : i32
    }
    %scan3A_6 = arith.constant 80 : i32
    %scan3A_7 = arith.constant 0 : i32
    %scan3A_8 = arith.constant 7 : i32
    %scan3A_9 = arith.addi %scan3A_7, %scan3A_8 : i32
    %scan3A_10 = arith.constant 1 : i32
    scf.for %scan3A_52 = %scan3A_7 to %scan3A_9 step %scan3A_10  : i32 {
      %mul3A_53 = arith.constant 80 : i32
      %mul3A_54 = arith.muli %scan3A_52, %mul3A_53 : i32
      %add3A_55 = arith.constant 0 : i32
      %add3A_56 = arith.addi %add3A_55, %mul3A_54 : i32
      %add3A_57 = arith.addi %mul3A_2, %add3A_56 : i32
      %multiple_of3A_58 = tpu.assume_multiple %add3A_57, 8 : i32
      "tpu.region"() ({
        %run_scoped3A_59 = tpu.sem_alloc : memref<!tpu.dma_semaphore, #tpu.memory_space<semaphore_mem>>
        %dma_start3A_60 = arith.constant 0 : i32
        %dma_start3A_61 = tpu.memref_slice %arg6[%multiple_of3A_58, %dma_start3A_60] : memref<10000x128xf32, #tpu.memory_space<vmem_shared>> -> memref<80x128xf32, #tpu.memory_space<vmem_shared>>
        %dma_start3A_62 = arith.constant 0 : i32
        %dma_start3A_63 = tpu.memref_slice %arg6[%multiple_of3A_58, %dma_start3A_62] : memref<10000x128xf32, #tpu.memory_space<vmem_shared>> -> memref<80x128xf32, #tpu.memory_space<vmem_shared>>
        tpu.enqueue_dma source(%arg9 : memref<80x128xf32, #tpu.memory_space<vmem>>) target(%dma_start3A_63 : memref<80x128xf32, #tpu.memory_space<vmem_shared>>) target_semaphore(%run_scoped3A_59 : memref<!tpu.dma_semaphore, #tpu.memory_space<semaphore_mem>>)
        %dma_wait3A_64 = arith.constant 0 : i32
        %dma_wait3A_65 = tpu.memref_slice %arg6[%multiple_of3A_58, %dma_wait3A_64] : memref<10000x128xf32, #tpu.memory_space<vmem_shared>> -> memref<80x128xf32, #tpu.memory_space<vmem_shared>>
        %dma_wait3A_66 = arith.constant 0 : i32
        %dma_wait3A_67 = tpu.memref_slice %arg6[%multiple_of3A_58, %dma_wait3A_66] : memref<10000x128xf32, #tpu.memory_space<vmem_shared>> -> memref<80x128xf32, #tpu.memory_space<vmem_shared>>
        tpu.wait_dma2 semaphore(%run_scoped3A_59 : memref<!tpu.dma_semaphore, #tpu.memory_space<semaphore_mem>>) src(%arg9 : memref<80x128xf32, #tpu.memory_space<vmem>>) dst(%dma_wait3A_67 : memref<80x128xf32, #tpu.memory_space<vmem_shared>>)
        tpu.yield
      }) : () -> ()
    }
    %scan3A_11 = arith.constant 7 : i32
    %add3A_12 = arith.constant 560 : i32
    %add3A_13 = arith.addi %mul3A_2, %add3A_12 : i32
    %multiple_of3A = tpu.assume_multiple %add3A_13, 8 : i32
    "tpu.region"() ({
      %run_scoped3A_52 = tpu.sem_alloc : memref<!tpu.dma_semaphore, #tpu.memory_space<semaphore_mem>>
      %dma_start3A_53 = arith.constant 0 : i32
      %dma_start3A_54 = arith.constant 0 : i32
      %dma_start3A_55 = tpu.memref_slice %arg9[%dma_start3A_53, %dma_start3A_54] : memref<80x128xf32, #tpu.memory_space<vmem>> -> memref<64x128xf32, #tpu.memory_space<vmem>>
      %dma_start3A_56 = arith.constant 0 : i32
      %dma_start3A_57 = tpu.memref_slice %arg6[%multiple_of3A, %dma_start3A_56] : memref<10000x128xf32, #tpu.memory_space<vmem_shared>> -> memref<64x128xf32, #tpu.memory_space<vmem_shared>>
      %dma_start3A_58 = arith.constant 0 : i32
      %dma_start3A_59 = tpu.memref_slice %arg6[%multiple_of3A, %dma_start3A_58] : memref<10000x128xf32, #tpu.memory_space<vmem_shared>> -> memref<64x128xf32, #tpu.memory_space<vmem_shared>>
      %dma_start3A_60 = arith.constant 0 : i32
      %dma_start3A_61 = arith.constant 0 : i32
      %dma_start3A_62 = tpu.memref_slice %arg9[%dma_start3A_60, %dma_start3A_61] : memref<80x128xf32, #tpu.memory_space<vmem>> -> memref<64x128xf32, #tpu.memory_space<vmem>>
      tpu.enqueue_dma source(%dma_start3A_62 : memref<64x128xf32, #tpu.memory_space<vmem>>) target(%dma_start3A_59 : memref<64x128xf32, #tpu.memory_space<vmem_shared>>) target_semaphore(%run_scoped3A_52 : memref<!tpu.dma_semaphore, #tpu.memory_space<semaphore_mem>>)
      %dma_wait3A_63 = arith.constant 0 : i32
      %dma_wait3A_64 = arith.constant 0 : i32
      %dma_wait3A_65 = tpu.memref_slice %arg9[%dma_wait3A_63, %dma_wait3A_64] : memref<80x128xf32, #tpu.memory_space<vmem>> -> memref<64x128xf32, #tpu.memory_space<vmem>>
      %dma_wait3A_66 = arith.constant 0 : i32
      %dma_wait3A_67 = tpu.memref_slice %arg6[%multiple_of3A, %dma_wait3A_66] : memref<10000x128xf32, #tpu.memory_space<vmem_shared>> -> memref<64x128xf32, #tpu.memory_space<vmem_shared>>
      %dma_wait3A_68 = arith.constant 0 : i32
      %dma_wait3A_69 = tpu.memref_slice %arg6[%multiple_of3A, %dma_wait3A_68] : memref<10000x128xf32, #tpu.memory_space<vmem_shared>> -> memref<64x128xf32, #tpu.memory_space<vmem_shared>>
      %dma_wait3A_70 = arith.constant 0 : i32
      %dma_wait3A_71 = arith.constant 0 : i32
      %dma_wait3A_72 = tpu.memref_slice %arg9[%dma_wait3A_70, %dma_wait3A_71] : memref<80x128xf32, #tpu.memory_space<vmem>> -> memref<64x128xf32, #tpu.memory_space<vmem>>
      tpu.wait_dma2 semaphore(%run_scoped3A_52 : memref<!tpu.dma_semaphore, #tpu.memory_space<semaphore_mem>>) src(%dma_wait3A_72 : memref<64x128xf32, #tpu.memory_space<vmem>>) dst(%dma_wait3A_69 : memref<64x128xf32, #tpu.memory_space<vmem_shared>>)
      tpu.yield
    }) : () -> ()
    %eq3A = arith.constant 15 : i32
    %eq3A_14 = arith.cmpi eq, %arg1, %eq3A : i32
    %convert_element_type3A = arith.extui %eq3A_14 : i1 to i32
    %cond3A = arith.constant 0 : i32
    %cond3A_15 = arith.cmpi ne, %convert_element_type3A, %cond3A : i32
    scf.if %cond3A_15 {
      "tpu.region"() ({
        %run_scoped3A_52 = tpu.sem_alloc : memref<!tpu.dma_semaphore, #tpu.memory_space<semaphore_mem>>
        %dma_start3A_53 = arith.constant 0 : i32
        %dma_start3A_54 = arith.constant 0 : i32
        %dma_start3A_55 = tpu.memref_slice %arg9[%dma_start3A_53, %dma_start3A_54] : memref<80x128xf32, #tpu.memory_space<vmem>> -> memref<16x128xf32, #tpu.memory_space<vmem>>
        %dma_start3A_56 = arith.constant 9984 : i32
        %dma_start3A_57 = arith.constant 0 : i32
        %dma_start3A_58 = tpu.memref_slice %arg6[%dma_start3A_56, %dma_start3A_57] : memref<10000x128xf32, #tpu.memory_space<vmem_shared>> -> memref<16x128xf32, #tpu.memory_space<vmem_shared>>
        %dma_start3A_59 = arith.constant 9984 : i32
        %dma_start3A_60 = arith.constant 0 : i32
        %dma_start3A_61 = tpu.memref_slice %arg6[%dma_start3A_59, %dma_start3A_60] : memref<10000x128xf32, #tpu.memory_space<vmem_shared>> -> memref<16x128xf32, #tpu.memory_space<vmem_shared>>
        %dma_start3A_62 = arith.constant 0 : i32
        %dma_start3A_63 = arith.constant 0 : i32
        %dma_start3A_64 = tpu.memref_slice %arg9[%dma_start3A_62, %dma_start3A_63] : memref<80x128xf32, #tpu.memory_space<vmem>> -> memref<16x128xf32, #tpu.memory_space<vmem>>
        tpu.enqueue_dma source(%dma_start3A_64 : memref<16x128xf32, #tpu.memory_space<vmem>>) target(%dma_start3A_61 : memref<16x128xf32, #tpu.memory_space<vmem_shared>>) target_semaphore(%run_scoped3A_52 : memref<!tpu.dma_semaphore, #tpu.memory_space<semaphore_mem>>)
        %dma_wait3A_65 = arith.constant 0 : i32
        %dma_wait3A_66 = arith.constant 0 : i32
        %dma_wait3A_67 = tpu.memref_slice %arg9[%dma_wait3A_65, %dma_wait3A_66] : memref<80x128xf32, #tpu.memory_space<vmem>> -> memref<16x128xf32, #tpu.memory_space<vmem>>
        %dma_wait3A_68 = arith.constant 9984 : i32
        %dma_wait3A_69 = arith.constant 0 : i32
        %dma_wait3A_70 = tpu.memref_slice %arg6[%dma_wait3A_68, %dma_wait3A_69] : memref<10000x128xf32, #tpu.memory_space<vmem_shared>> -> memref<16x128xf32, #tpu.memory_space<vmem_shared>>
        %dma_wait3A_71 = arith.constant 9984 : i32
        %dma_wait3A_72 = arith.constant 0 : i32
        %dma_wait3A_73 = tpu.memref_slice %arg6[%dma_wait3A_71, %dma_wait3A_72] : memref<10000x128xf32, #tpu.memory_space<vmem_shared>> -> memref<16x128xf32, #tpu.memory_space<vmem_shared>>
        %dma_wait3A_74 = arith.constant 0 : i32
        %dma_wait3A_75 = arith.constant 0 : i32
        %dma_wait3A_76 = tpu.memref_slice %arg9[%dma_wait3A_74, %dma_wait3A_75] : memref<80x128xf32, #tpu.memory_space<vmem>> -> memref<16x128xf32, #tpu.memory_space<vmem>>
        tpu.wait_dma2 semaphore(%run_scoped3A_52 : memref<!tpu.dma_semaphore, #tpu.memory_space<semaphore_mem>>) src(%dma_wait3A_76 : memref<16x128xf32, #tpu.memory_space<vmem>>) dst(%dma_wait3A_73 : memref<16x128xf32, #tpu.memory_space<vmem_shared>>)
        tpu.yield
      }) : () -> ()
    } else {
    }
    %run_scoped3A = arith.constant 0 : i32
    "tpu.region"() ({
      %run_scoped3A_52 = tpu.sem_alloc : memref<!tpu.dma_semaphore, #tpu.memory_space<semaphore_mem>>
      %dma_start3A_53 = arith.constant 0 : i32
      %dma_start3A_54 = tpu.memref_slice %arg3[%add3A, %run_scoped3A, %dma_start3A_53] : memref<32x1x10000xi32, #tpu.memory_space<hbm>> -> memref<1x1x10000xi32, #tpu.memory_space<hbm>>
      %dma_start3A_55 = tpu.memref_squeeze %dma_start3A_54 : memref<1x1x10000xi32, #tpu.memory_space<hbm>> -> memref<10000xi32, #tpu.memory_space<hbm>>
      %dma_start3A_56 = arith.constant 0 : i32
      %dma_start3A_57 = tpu.memref_slice %arg3[%add3A, %run_scoped3A, %dma_start3A_56] : memref<32x1x10000xi32, #tpu.memory_space<hbm>> -> memref<1x1x10000xi32, #tpu.memory_space<hbm>>
      %dma_start3A_58 = tpu.memref_squeeze %dma_start3A_57 : memref<1x1x10000xi32, #tpu.memory_space<hbm>> -> memref<10000xi32, #tpu.memory_space<hbm>>
      tpu.enqueue_dma source(%dma_start3A_58 : memref<10000xi32, #tpu.memory_space<hbm>>) target(%arg7 : memref<10000xi32, #tpu.memory_space<vmem>>) target_semaphore(%run_scoped3A_52 : memref<!tpu.dma_semaphore, #tpu.memory_space<semaphore_mem>>)
      %dma_wait3A_59 = arith.constant 0 : i32
      %dma_wait3A_60 = tpu.memref_slice %arg3[%add3A, %run_scoped3A, %dma_wait3A_59] : memref<32x1x10000xi32, #tpu.memory_space<hbm>> -> memref<1x1x10000xi32, #tpu.memory_space<hbm>>
      %dma_wait3A_61 = tpu.memref_squeeze %dma_wait3A_60 : memref<1x1x10000xi32, #tpu.memory_space<hbm>> -> memref<10000xi32, #tpu.memory_space<hbm>>
      %dma_wait3A_62 = arith.constant 0 : i32
      %dma_wait3A_63 = tpu.memref_slice %arg3[%add3A, %run_scoped3A, %dma_wait3A_62] : memref<32x1x10000xi32, #tpu.memory_space<hbm>> -> memref<1x1x10000xi32, #tpu.memory_space<hbm>>
      %dma_wait3A_64 = tpu.memref_squeeze %dma_wait3A_63 : memref<1x1x10000xi32, #tpu.memory_space<hbm>> -> memref<10000xi32, #tpu.memory_space<hbm>>
      tpu.wait_dma2 semaphore(%run_scoped3A_52 : memref<!tpu.dma_semaphore, #tpu.memory_space<semaphore_mem>>) src(%dma_wait3A_64 : memref<10000xi32, #tpu.memory_space<hbm>>) dst(%arg7 : memref<10000xi32, #tpu.memory_space<vmem>>)
      tpu.yield
    }) : () -> ()
    "tpu.region"() ({
      %run_scoped3A_52 = tpu.sem_alloc : memref<!tpu.dma_semaphore, #tpu.memory_space<semaphore_mem>>
      %dma_start3A_53 = arith.constant 0 : i32
      %dma_start3A_54 = arith.constant 0 : i32
      %dma_start3A_55 = tpu.memref_slice %arg4[%add3A, %dma_start3A_53, %dma_start3A_54] : memref<32x125x80xi32, #tpu.memory_space<hbm>> -> memref<1x125x80xi32, #tpu.memory_space<hbm>>
      %dma_start3A_56 = tpu.memref_squeeze %dma_start3A_55 : memref<1x125x80xi32, #tpu.memory_space<hbm>> -> memref<125x80xi32, #tpu.memory_space<hbm>>
      %dma_start3A_57 = arith.constant 0 : i32
      %dma_start3A_58 = arith.constant 0 : i32
      %dma_start3A_59 = tpu.memref_slice %arg4[%add3A, %dma_start3A_57, %dma_start3A_58] : memref<32x125x80xi32, #tpu.memory_space<hbm>> -> memref<1x125x80xi32, #tpu.memory_space<hbm>>
      %dma_start3A_60 = tpu.memref_squeeze %dma_start3A_59 : memref<1x125x80xi32, #tpu.memory_space<hbm>> -> memref<125x80xi32, #tpu.memory_space<hbm>>
      tpu.enqueue_dma source(%dma_start3A_60 : memref<125x80xi32, #tpu.memory_space<hbm>>) target(%arg8 : memref<125x80xi32, #tpu.memory_space<vmem>>) target_semaphore(%run_scoped3A_52 : memref<!tpu.dma_semaphore, #tpu.memory_space<semaphore_mem>>)
      %dma_wait3A_61 = arith.constant 0 : i32
      %dma_wait3A_62 = arith.constant 0 : i32
      %dma_wait3A_63 = tpu.memref_slice %arg4[%add3A, %dma_wait3A_61, %dma_wait3A_62] : memref<32x125x80xi32, #tpu.memory_space<hbm>> -> memref<1x125x80xi32, #tpu.memory_space<hbm>>
      %dma_wait3A_64 = tpu.memref_squeeze %dma_wait3A_63 : memref<1x125x80xi32, #tpu.memory_space<hbm>> -> memref<125x80xi32, #tpu.memory_space<hbm>>
      %dma_wait3A_65 = arith.constant 0 : i32
      %dma_wait3A_66 = arith.constant 0 : i32
      %dma_wait3A_67 = tpu.memref_slice %arg4[%add3A, %dma_wait3A_65, %dma_wait3A_66] : memref<32x125x80xi32, #tpu.memory_space<hbm>> -> memref<1x125x80xi32, #tpu.memory_space<hbm>>
      %dma_wait3A_68 = tpu.memref_squeeze %dma_wait3A_67 : memref<1x125x80xi32, #tpu.memory_space<hbm>> -> memref<125x80xi32, #tpu.memory_space<hbm>>
      tpu.wait_dma2 semaphore(%run_scoped3A_52 : memref<!tpu.dma_semaphore, #tpu.memory_space<semaphore_mem>>) src(%dma_wait3A_68 : memref<125x80xi32, #tpu.memory_space<hbm>>) dst(%arg8 : memref<125x80xi32, #tpu.memory_space<vmem>>)
      tpu.yield
    }) : () -> ()
    %barrier3A = arith.constant 0 : index
    tpu.barrier barrier_id(%barrier3A)
    %mul3A_16 = arith.constant 0 : i32
    %mul3A_17 = arith.constant 80 : i32
    %mul3A_18 = arith.muli %mul3A_16, %mul3A_17 : i32
    %multiple_of3A_19 = tpu.assume_multiple %mul3A_18, 8 : i32
    %dma_start3A = tpu.memref_slice %arg7[%multiple_of3A_19] : memref<10000xi32, #tpu.memory_space<vmem>> -> memref<80xi32, #tpu.memory_space<vmem>>
    %dma_start3A_20 = arith.constant 0 : i32
    %dma_start3A_21 = arith.constant 0 : i32
    %dma_start3A_22 = tpu.memref_slice %arg2[%dma_start3A_20, %dma_start3A_21] : memref<10000x128xf32, #tpu.memory_space<hbm>> -> memref<10000x128xf32, #tpu.memory_space<hbm>>
    tpu.enqueue_indirect_dma source(%dma_start3A_22 : memref<10000x128xf32, #tpu.memory_space<hbm>>) target(%arg9 : memref<80x128xf32, #tpu.memory_space<vmem>>) offsets(%dma_start3A : memref<80xi32, #tpu.memory_space<vmem>>) semaphore(%arg11 : memref<!tpu.dma_semaphore, #tpu.memory_space<semaphore_mem>>)
    %mul3A_23 = arith.constant 1 : i32
    %mul3A_24 = arith.constant 80 : i32
    %mul3A_25 = arith.muli %mul3A_23, %mul3A_24 : i32
    %multiple_of3A_26 = tpu.assume_multiple %mul3A_25, 8 : i32
    %dma_start3A_27 = tpu.memref_slice %arg7[%multiple_of3A_26] : memref<10000xi32, #tpu.memory_space<vmem>> -> memref<80xi32, #tpu.memory_space<vmem>>
    %dma_start3A_28 = arith.constant 0 : i32
    %dma_start3A_29 = arith.constant 0 : i32
    %dma_start3A_30 = tpu.memref_slice %arg2[%dma_start3A_28, %dma_start3A_29] : memref<10000x128xf32, #tpu.memory_space<hbm>> -> memref<10000x128xf32, #tpu.memory_space<hbm>>
    tpu.enqueue_indirect_dma source(%dma_start3A_30 : memref<10000x128xf32, #tpu.memory_space<hbm>>) target(%arg10 : memref<80x128xf32, #tpu.memory_space<vmem>>) offsets(%dma_start3A_27 : memref<80xi32, #tpu.memory_space<vmem>>) semaphore(%arg12 : memref<!tpu.dma_semaphore, #tpu.memory_space<semaphore_mem>>)
    %scan3A_31 = arith.constant 0 : i32
    %scan3A_32 = arith.constant 62 : i32
    %scan3A_33 = arith.addi %scan3A_31, %scan3A_32 : i32
    %scan3A_34 = arith.constant 1 : i32
    scf.for %scan3A_52 = %scan3A_31 to %scan3A_33 step %scan3A_34  : i32 {
      %mul3A_53 = arith.constant 2 : i32
      %mul3A_54 = arith.muli %scan3A_52, %mul3A_53 : i32
      %add3A_55 = arith.constant 0 : i32
      %add3A_56 = arith.addi %add3A_55, %mul3A_54 : i32
      %add3A_57 = arith.constant 0 : i32
      %add3A_58 = arith.addi %add3A_56, %add3A_57 : i32
      %mul3A_59 = arith.constant 80 : i32
      %mul3A_60 = arith.muli %add3A_58, %mul3A_59 : i32
      %multiple_of3A_61 = tpu.assume_multiple %mul3A_60, 8 : i32
      %dma_wait3A_62 = tpu.memref_slice %arg7[%multiple_of3A_61] : memref<10000xi32, #tpu.memory_space<vmem>> -> memref<80xi32, #tpu.memory_space<vmem>>
      %dma_wait3A_63 = arith.constant 0 : i32
      %dma_wait3A_64 = arith.constant 0 : i32
      %dma_wait3A_65 = tpu.memref_slice %arg2[%dma_wait3A_63, %dma_wait3A_64] : memref<10000x128xf32, #tpu.memory_space<hbm>> -> memref<10000x128xf32, #tpu.memory_space<hbm>>
      tpu.wait_indirect_dma semaphore(%arg11 : memref<!tpu.dma_semaphore, #tpu.memory_space<semaphore_mem>>) src(%dma_wait3A_65 : memref<10000x128xf32, #tpu.memory_space<hbm>>) dst(%arg9 : memref<80x128xf32, #tpu.memory_space<vmem>>)
      "tpu.region"() ({
        %run_scoped3A_88 = tpu.sem_alloc : memref<!tpu.dma_semaphore, #tpu.memory_space<semaphore_mem>>
        %dma_start3A_89 = arith.constant 0 : i32
        %dma_start3A_90 = tpu.memref_slice %arg8[%add3A_58, %dma_start3A_89] : memref<125x80xi32, #tpu.memory_space<vmem>> -> memref<1x80xi32, #tpu.memory_space<vmem>>
        %dma_start3A_91 = tpu.memref_squeeze %dma_start3A_90 : memref<1x80xi32, #tpu.memory_space<vmem>> -> memref<80xi32, #tpu.memory_space<vmem>>
        %dma_start3A_92 = arith.constant 0 : i32
        %dma_start3A_93 = arith.constant 0 : i32
        %dma_start3A_94 = tpu.memref_slice %arg6[%dma_start3A_92, %dma_start3A_93] : memref<10000x128xf32, #tpu.memory_space<vmem_shared>> -> memref<10000x128xf32, #tpu.memory_space<vmem_shared>>
        tpu.enqueue_indirect_dma source(%arg9 : memref<80x128xf32, #tpu.memory_space<vmem>>) target(%dma_start3A_94 : memref<10000x128xf32, #tpu.memory_space<vmem_shared>>) offsets(%dma_start3A_91 : memref<80xi32, #tpu.memory_space<vmem>>) semaphore(%run_scoped3A_88 : memref<!tpu.dma_semaphore, #tpu.memory_space<semaphore_mem>>) {add = true}
        %dma_wait3A_95 = arith.constant 0 : i32
        %dma_wait3A_96 = tpu.memref_slice %arg8[%add3A_58, %dma_wait3A_95] : memref<125x80xi32, #tpu.memory_space<vmem>> -> memref<1x80xi32, #tpu.memory_space<vmem>>
        %dma_wait3A_97 = tpu.memref_squeeze %dma_wait3A_96 : memref<1x80xi32, #tpu.memory_space<vmem>> -> memref<80xi32, #tpu.memory_space<vmem>>
        %dma_wait3A_98 = arith.constant 0 : i32
        %dma_wait3A_99 = arith.constant 0 : i32
        %dma_wait3A_100 = tpu.memref_slice %arg6[%dma_wait3A_98, %dma_wait3A_99] : memref<10000x128xf32, #tpu.memory_space<vmem_shared>> -> memref<10000x128xf32, #tpu.memory_space<vmem_shared>>
        tpu.wait_indirect_dma semaphore(%run_scoped3A_88 : memref<!tpu.dma_semaphore, #tpu.memory_space<semaphore_mem>>) src(%arg9 : memref<80x128xf32, #tpu.memory_space<vmem>>) dst(%dma_wait3A_100 : memref<10000x128xf32, #tpu.memory_space<vmem_shared>>)
        tpu.yield
      }) : () -> ()
      %add3A_66 = arith.constant 2 : i32
      %add3A_67 = arith.addi %add3A_58, %add3A_66 : i32
      %lt3A = arith.constant 125 : i32
      %lt3A_68 = arith.cmpi slt, %add3A_67, %lt3A : i32
      %convert_element_type3A_69 = arith.extui %lt3A_68 : i1 to i32
      %cond3A_70 = arith.constant 0 : i32
      %cond3A_71 = arith.cmpi ne, %convert_element_type3A_69, %cond3A_70 : i32
      scf.if %cond3A_71 {
        %mul3A_88 = arith.constant 80 : i32
        %mul3A_89 = arith.muli %add3A_67, %mul3A_88 : i32
        %multiple_of3A_90 = tpu.assume_multiple %mul3A_89, 8 : i32
        %dma_start3A_91 = tpu.memref_slice %arg7[%multiple_of3A_90] : memref<10000xi32, #tpu.memory_space<vmem>> -> memref<80xi32, #tpu.memory_space<vmem>>
        %dma_start3A_92 = arith.constant 0 : i32
        %dma_start3A_93 = arith.constant 0 : i32
        %dma_start3A_94 = tpu.memref_slice %arg2[%dma_start3A_92, %dma_start3A_93] : memref<10000x128xf32, #tpu.memory_space<hbm>> -> memref<10000x128xf32, #tpu.memory_space<hbm>>
        tpu.enqueue_indirect_dma source(%dma_start3A_94 : memref<10000x128xf32, #tpu.memory_space<hbm>>) target(%arg9 : memref<80x128xf32, #tpu.memory_space<vmem>>) offsets(%dma_start3A_91 : memref<80xi32, #tpu.memory_space<vmem>>) semaphore(%arg11 : memref<!tpu.dma_semaphore, #tpu.memory_space<semaphore_mem>>)
      } else {
      }
      %add3A_72 = arith.constant 1 : i32
      %add3A_73 = arith.addi %add3A_56, %add3A_72 : i32
      %mul3A_74 = arith.constant 80 : i32
      %mul3A_75 = arith.muli %add3A_73, %mul3A_74 : i32
      %multiple_of3A_76 = tpu.assume_multiple %mul3A_75, 8 : i32
      %dma_wait3A_77 = tpu.memref_slice %arg7[%multiple_of3A_76] : memref<10000xi32, #tpu.memory_space<vmem>> -> memref<80xi32, #tpu.memory_space<vmem>>
      %dma_wait3A_78 = arith.constant 0 : i32
      %dma_wait3A_79 = arith.constant 0 : i32
      %dma_wait3A_80 = tpu.memref_slice %arg2[%dma_wait3A_78, %dma_wait3A_79] : memref<10000x128xf32, #tpu.memory_space<hbm>> -> memref<10000x128xf32, #tpu.memory_space<hbm>>
      tpu.wait_indirect_dma semaphore(%arg12 : memref<!tpu.dma_semaphore, #tpu.memory_space<semaphore_mem>>) src(%dma_wait3A_80 : memref<10000x128xf32, #tpu.memory_space<hbm>>) dst(%arg10 : memref<80x128xf32, #tpu.memory_space<vmem>>)
      "tpu.region"() ({
        %run_scoped3A_88 = tpu.sem_alloc : memref<!tpu.dma_semaphore, #tpu.memory_space<semaphore_mem>>
        %dma_start3A_89 = arith.constant 0 : i32
        %dma_start3A_90 = tpu.memref_slice %arg8[%add3A_73, %dma_start3A_89] : memref<125x80xi32, #tpu.memory_space<vmem>> -> memref<1x80xi32, #tpu.memory_space<vmem>>
        %dma_start3A_91 = tpu.memref_squeeze %dma_start3A_90 : memref<1x80xi32, #tpu.memory_space<vmem>> -> memref<80xi32, #tpu.memory_space<vmem>>
        %dma_start3A_92 = arith.constant 0 : i32
        %dma_start3A_93 = arith.constant 0 : i32
        %dma_start3A_94 = tpu.memref_slice %arg6[%dma_start3A_92, %dma_start3A_93] : memref<10000x128xf32, #tpu.memory_space<vmem_shared>> -> memref<10000x128xf32, #tpu.memory_space<vmem_shared>>
        tpu.enqueue_indirect_dma source(%arg10 : memref<80x128xf32, #tpu.memory_space<vmem>>) target(%dma_start3A_94 : memref<10000x128xf32, #tpu.memory_space<vmem_shared>>) offsets(%dma_start3A_91 : memref<80xi32, #tpu.memory_space<vmem>>) semaphore(%run_scoped3A_88 : memref<!tpu.dma_semaphore, #tpu.memory_space<semaphore_mem>>) {add = true}
        %dma_wait3A_95 = arith.constant 0 : i32
        %dma_wait3A_96 = tpu.memref_slice %arg8[%add3A_73, %dma_wait3A_95] : memref<125x80xi32, #tpu.memory_space<vmem>> -> memref<1x80xi32, #tpu.memory_space<vmem>>
        %dma_wait3A_97 = tpu.memref_squeeze %dma_wait3A_96 : memref<1x80xi32, #tpu.memory_space<vmem>> -> memref<80xi32, #tpu.memory_space<vmem>>
        %dma_wait3A_98 = arith.constant 0 : i32
        %dma_wait3A_99 = arith.constant 0 : i32
        %dma_wait3A_100 = tpu.memref_slice %arg6[%dma_wait3A_98, %dma_wait3A_99] : memref<10000x128xf32, #tpu.memory_space<vmem_shared>> -> memref<10000x128xf32, #tpu.memory_space<vmem_shared>>
        tpu.wait_indirect_dma semaphore(%run_scoped3A_88 : memref<!tpu.dma_semaphore, #tpu.memory_space<semaphore_mem>>) src(%arg10 : memref<80x128xf32, #tpu.memory_space<vmem>>) dst(%dma_wait3A_100 : memref<10000x128xf32, #tpu.memory_space<vmem_shared>>)
        tpu.yield
      }) : () -> ()
      %add3A_81 = arith.constant 2 : i32
      %add3A_82 = arith.addi %add3A_73, %add3A_81 : i32
      %lt3A_83 = arith.constant 125 : i32
      %lt3A_84 = arith.cmpi slt, %add3A_82, %lt3A_83 : i32
      %convert_element_type3A_85 = arith.extui %lt3A_84 : i1 to i32
      %cond3A_86 = arith.constant 0 : i32
      %cond3A_87 = arith.cmpi ne, %convert_element_type3A_85, %cond3A_86 : i32
      scf.if %cond3A_87 {
        %mul3A_88 = arith.constant 80 : i32
        %mul3A_89 = arith.muli %add3A_82, %mul3A_88 : i32
        %multiple_of3A_90 = tpu.assume_multiple %mul3A_89, 8 : i32
        %dma_start3A_91 = tpu.memref_slice %arg7[%multiple_of3A_90] : memref<10000xi32, #tpu.memory_space<vmem>> -> memref<80xi32, #tpu.memory_space<vmem>>
        %dma_start3A_92 = arith.constant 0 : i32
        %dma_start3A_93 = arith.constant 0 : i32
        %dma_start3A_94 = tpu.memref_slice %arg2[%dma_start3A_92, %dma_start3A_93] : memref<10000x128xf32, #tpu.memory_space<hbm>> -> memref<10000x128xf32, #tpu.memory_space<hbm>>
        tpu.enqueue_indirect_dma source(%dma_start3A_94 : memref<10000x128xf32, #tpu.memory_space<hbm>>) target(%arg10 : memref<80x128xf32, #tpu.memory_space<vmem>>) offsets(%dma_start3A_91 : memref<80xi32, #tpu.memory_space<vmem>>) semaphore(%arg12 : memref<!tpu.dma_semaphore, #tpu.memory_space<semaphore_mem>>)
      } else {
      }
    }
    %scan3A_35 = arith.constant 62 : i32
    %mul3A_36 = arith.constant 124 : i32
    %mul3A_37 = arith.constant 80 : i32
    %mul3A_38 = arith.muli %mul3A_36, %mul3A_37 : i32
    %multiple_of3A_39 = tpu.assume_multiple %mul3A_38, 8 : i32
    %dma_wait3A = tpu.memref_slice %arg7[%multiple_of3A_39] : memref<10000xi32, #tpu.memory_space<vmem>> -> memref<80xi32, #tpu.memory_space<vmem>>
    %dma_wait3A_40 = arith.constant 0 : i32
    %dma_wait3A_41 = arith.constant 0 : i32
    %dma_wait3A_42 = tpu.memref_slice %arg2[%dma_wait3A_40, %dma_wait3A_41] : memref<10000x128xf32, #tpu.memory_space<hbm>> -> memref<10000x128xf32, #tpu.memory_space<hbm>>
    tpu.wait_indirect_dma semaphore(%arg11 : memref<!tpu.dma_semaphore, #tpu.memory_space<semaphore_mem>>) src(%dma_wait3A_42 : memref<10000x128xf32, #tpu.memory_space<hbm>>) dst(%arg9 : memref<80x128xf32, #tpu.memory_space<vmem>>)
    %run_scoped3A_43 = arith.constant 124 : i32
    "tpu.region"() ({
      %run_scoped3A_52 = tpu.sem_alloc : memref<!tpu.dma_semaphore, #tpu.memory_space<semaphore_mem>>
      %dma_start3A_53 = arith.constant 0 : i32
      %dma_start3A_54 = tpu.memref_slice %arg8[%run_scoped3A_43, %dma_start3A_53] : memref<125x80xi32, #tpu.memory_space<vmem>> -> memref<1x80xi32, #tpu.memory_space<vmem>>
      %dma_start3A_55 = tpu.memref_squeeze %dma_start3A_54 : memref<1x80xi32, #tpu.memory_space<vmem>> -> memref<80xi32, #tpu.memory_space<vmem>>
      %dma_start3A_56 = arith.constant 0 : i32
      %dma_start3A_57 = arith.constant 0 : i32
      %dma_start3A_58 = tpu.memref_slice %arg6[%dma_start3A_56, %dma_start3A_57] : memref<10000x128xf32, #tpu.memory_space<vmem_shared>> -> memref<10000x128xf32, #tpu.memory_space<vmem_shared>>
      tpu.enqueue_indirect_dma source(%arg9 : memref<80x128xf32, #tpu.memory_space<vmem>>) target(%dma_start3A_58 : memref<10000x128xf32, #tpu.memory_space<vmem_shared>>) offsets(%dma_start3A_55 : memref<80xi32, #tpu.memory_space<vmem>>) semaphore(%run_scoped3A_52 : memref<!tpu.dma_semaphore, #tpu.memory_space<semaphore_mem>>) {add = true}
      %dma_wait3A_59 = arith.constant 0 : i32
      %dma_wait3A_60 = tpu.memref_slice %arg8[%run_scoped3A_43, %dma_wait3A_59] : memref<125x80xi32, #tpu.memory_space<vmem>> -> memref<1x80xi32, #tpu.memory_space<vmem>>
      %dma_wait3A_61 = tpu.memref_squeeze %dma_wait3A_60 : memref<1x80xi32, #tpu.memory_space<vmem>> -> memref<80xi32, #tpu.memory_space<vmem>>
      %dma_wait3A_62 = arith.constant 0 : i32
      %dma_wait3A_63 = arith.constant 0 : i32
      %dma_wait3A_64 = tpu.memref_slice %arg6[%dma_wait3A_62, %dma_wait3A_63] : memref<10000x128xf32, #tpu.memory_space<vmem_shared>> -> memref<10000x128xf32, #tpu.memory_space<vmem_shared>>
      tpu.wait_indirect_dma semaphore(%run_scoped3A_52 : memref<!tpu.dma_semaphore, #tpu.memory_space<semaphore_mem>>) src(%arg9 : memref<80x128xf32, #tpu.memory_space<vmem>>) dst(%dma_wait3A_64 : memref<10000x128xf32, #tpu.memory_space<vmem_shared>>)
      tpu.yield
    }) : () -> ()
    %barrier3A_44 = arith.constant 0 : index
    tpu.barrier barrier_id(%barrier3A_44)
    %multiple_of3A_45 = tpu.assume_multiple %mul3A_2, 8 : i32
    %multiple_of3A_46 = tpu.assume_multiple %mul3A_2, 8 : i32
    "tpu.region"() ({
      %run_scoped3A_52 = tpu.sem_alloc : memref<!tpu.dma_semaphore, #tpu.memory_space<semaphore_mem>>
      %dma_start3A_53 = arith.constant 0 : i32
      %dma_start3A_54 = tpu.memref_slice %arg5[%arg0, %multiple_of3A_46, %dma_start3A_53] : memref<2x10000x128xf32, #tpu.memory_space<hbm>> -> memref<1x624x128xf32, #tpu.memory_space<hbm>>
      %dma_start3A_55 = tpu.memref_squeeze %dma_start3A_54 : memref<1x624x128xf32, #tpu.memory_space<hbm>> -> memref<624x128xf32, #tpu.memory_space<hbm>>
      %dma_start3A_56 = arith.constant 0 : i32
      %dma_start3A_57 = tpu.memref_slice %arg6[%multiple_of3A_45, %dma_start3A_56] : memref<10000x128xf32, #tpu.memory_space<vmem_shared>> -> memref<624x128xf32, #tpu.memory_space<vmem_shared>>
      tpu.enqueue_dma source(%dma_start3A_57 : memref<624x128xf32, #tpu.memory_space<vmem_shared>>) target(%dma_start3A_55 : memref<624x128xf32, #tpu.memory_space<hbm>>) target_semaphore(%run_scoped3A_52 : memref<!tpu.dma_semaphore, #tpu.memory_space<semaphore_mem>>)
      %dma_wait3A_58 = arith.constant 0 : i32
      %dma_wait3A_59 = tpu.memref_slice %arg5[%arg0, %multiple_of3A_46, %dma_wait3A_58] : memref<2x10000x128xf32, #tpu.memory_space<hbm>> -> memref<1x624x128xf32, #tpu.memory_space<hbm>>
      %dma_wait3A_60 = tpu.memref_squeeze %dma_wait3A_59 : memref<1x624x128xf32, #tpu.memory_space<hbm>> -> memref<624x128xf32, #tpu.memory_space<hbm>>
      %dma_wait3A_61 = arith.constant 0 : i32
      %dma_wait3A_62 = tpu.memref_slice %arg6[%multiple_of3A_45, %dma_wait3A_61] : memref<10000x128xf32, #tpu.memory_space<vmem_shared>> -> memref<624x128xf32, #tpu.memory_space<vmem_shared>>
      tpu.wait_dma2 semaphore(%run_scoped3A_52 : memref<!tpu.dma_semaphore, #tpu.memory_space<semaphore_mem>>) src(%dma_wait3A_62 : memref<624x128xf32, #tpu.memory_space<vmem_shared>>) dst(%dma_wait3A_60 : memref<624x128xf32, #tpu.memory_space<hbm>>)
      tpu.yield
    }) : () -> ()
    %eq3A_47 = arith.constant 15 : i32
    %eq3A_48 = arith.cmpi eq, %arg1, %eq3A_47 : i32
    %convert_element_type3A_49 = arith.extui %eq3A_48 : i1 to i32
    %cond3A_50 = arith.constant 0 : i32
    %cond3A_51 = arith.cmpi ne, %convert_element_type3A_49, %cond3A_50 : i32
    scf.if %cond3A_51 {
      "tpu.region"() ({
        %run_scoped3A_52 = tpu.sem_alloc : memref<!tpu.dma_semaphore, #tpu.memory_space<semaphore_mem>>
        %dma_start3A_53 = arith.constant 9984 : i32
        %dma_start3A_54 = arith.constant 0 : i32
        %dma_start3A_55 = tpu.memref_slice %arg5[%arg0, %dma_start3A_53, %dma_start3A_54] : memref<2x10000x128xf32, #tpu.memory_space<hbm>> -> memref<1x16x128xf32, #tpu.memory_space<hbm>>
        %dma_start3A_56 = tpu.memref_squeeze %dma_start3A_55 : memref<1x16x128xf32, #tpu.memory_space<hbm>> -> memref<16x128xf32, #tpu.memory_space<hbm>>
        %dma_start3A_57 = arith.constant 9984 : i32
        %dma_start3A_58 = arith.constant 0 : i32
        %dma_start3A_59 = tpu.memref_slice %arg6[%dma_start3A_57, %dma_start3A_58] : memref<10000x128xf32, #tpu.memory_space<vmem_shared>> -> memref<16x128xf32, #tpu.memory_space<vmem_shared>>
        tpu.enqueue_dma source(%dma_start3A_59 : memref<16x128xf32, #tpu.memory_space<vmem_shared>>) target(%dma_start3A_56 : memref<16x128xf32, #tpu.memory_space<hbm>>) target_semaphore(%run_scoped3A_52 : memref<!tpu.dma_semaphore, #tpu.memory_space<semaphore_mem>>)
        %dma_wait3A_60 = arith.constant 9984 : i32
        %dma_wait3A_61 = arith.constant 0 : i32
        %dma_wait3A_62 = tpu.memref_slice %arg5[%arg0, %dma_wait3A_60, %dma_wait3A_61] : memref<2x10000x128xf32, #tpu.memory_space<hbm>> -> memref<1x16x128xf32, #tpu.memory_space<hbm>>
        %dma_wait3A_63 = tpu.memref_squeeze %dma_wait3A_62 : memref<1x16x128xf32, #tpu.memory_space<hbm>> -> memref<16x128xf32, #tpu.memory_space<hbm>>
        %dma_wait3A_64 = arith.constant 9984 : i32
        %dma_wait3A_65 = arith.constant 0 : i32
        %dma_wait3A_66 = tpu.memref_slice %arg6[%dma_wait3A_64, %dma_wait3A_65] : memref<10000x128xf32, #tpu.memory_space<vmem_shared>> -> memref<16x128xf32, #tpu.memory_space<vmem_shared>>
        tpu.wait_dma2 semaphore(%run_scoped3A_52 : memref<!tpu.dma_semaphore, #tpu.memory_space<semaphore_mem>>) src(%dma_wait3A_66 : memref<16x128xf32, #tpu.memory_space<vmem_shared>>) dst(%dma_wait3A_63 : memref<16x128xf32, #tpu.memory_space<hbm>>)
        tpu.yield
      }) : () -> ()
    } else {
    }
    return
  }
}

module attributes {stable_mosaic.version = 14 : i64} {
  func.func @_t0_body(%arg0: i32, %arg1: memref<2x2000x128xf32, #tpu.memory_space<vmem>>, %arg2: memref<2000x128xf32, #tpu.memory_space<vmem>>, %arg3: memref<128x128xf32, #tpu.memory_space<vmem>>, %arg4: memref<2000x1xf32, #tpu.memory_space<vmem>>, %arg5: memref<2000x128xf32, #tpu.memory_space<vmem>>) attributes {dimension_semantics = [#tpu.dimension_semantics<arbitrary>], iteration_bounds = array<i64: 5>, scalar_prefetch = 0 : i64, scratch_operands = 0 : i64, tpu.core_type = #tpu.core_type<tc>, window_params = [{transform_indices = @transform_0, window_bounds = array<i64: 2, 2000, 128>}, {transform_indices = @transform_1, window_bounds = array<i64: 2000, 128>}, {pipeline_mode = #tpu.pipeline_mode<synchronous>, transform_indices = @transform_2, window_bounds = array<i64: 128, 128>}, {transform_indices = @transform_3, window_bounds = array<i64: 2000, 1>}, {transform_indices = @transform_4, window_bounds = array<i64: 2000, 128>}]} {
    %get3A = arith.constant 0 : index
    %get3A_0 = arith.constant 0 : index
    %get3A_1 = arith.constant 0 : index
    %get3A_2 = vector.load %arg1[%get3A, %get3A_0, %get3A_1] : memref<2x2000x128xf32, #tpu.memory_space<vmem>>, vector<1x2000x1xf32>
    %get3A_3 = vector.shape_cast %get3A_2 : vector<1x2000x1xf32> to vector<2000x1xf32>
    %add3A = arith.constant 1.000000e+00 : f32
    %add3A_4 = vector.broadcast %add3A : f32 to vector<2000x1xf32>
    %add3A_5 = arith.addf %add3A_4, %get3A_3 : vector<2000x1xf32>
    %get3A_6 = arith.constant 1 : index
    %get3A_7 = arith.constant 0 : index
    %get3A_8 = arith.constant 0 : index
    %get3A_9 = vector.load %arg1[%get3A_6, %get3A_7, %get3A_8] : memref<2x2000x128xf32, #tpu.memory_space<vmem>>, vector<1x2000x1xf32>
    %get3A_10 = vector.shape_cast %get3A_9 : vector<1x2000x1xf32> to vector<2000x1xf32>
    %add3A_11 = arith.addf %add3A_5, %get3A_10 : vector<2000x1xf32>
    %rsqrt3A = math.rsqrt %add3A_11 : vector<2000x1xf32>
    %swap3A = arith.constant 0 : index
    %swap3A_12 = arith.constant 0 : index
    %swap3A_13 = vector.load %arg4[%swap3A, %swap3A_12] : memref<2000x1xf32, #tpu.memory_space<vmem>>, vector<2000x1xf32>
    tpu.vector_store %arg4[%swap3A, %swap3A_12], %rsqrt3A {strides = array<i32>} : memref<2000x1xf32, #tpu.memory_space<vmem>>, vector<2000x1xf32>,
    %get3A_14 = arith.constant 0 : index
    %get3A_15 = arith.constant 0 : index
    %get3A_16 = vector.load %arg2[%get3A_14, %get3A_15] : memref<2000x128xf32, #tpu.memory_space<vmem>>, vector<2000x128xf32>
    %get3A_17 = arith.constant 0 : index
    %get3A_18 = arith.constant 0 : index
    %get3A_19 = vector.load %arg3[%get3A_17, %get3A_18] : memref<128x128xf32, #tpu.memory_space<vmem>>, vector<128x128xf32>
    %dot_general3A = arith.constant dense<0.000000e+00> : vector<2000x128xf32>
    %dot_general3A_20 = tpu.matmul %get3A_16, %get3A_19, %dot_general3A {dimension_numbers = #tpu.dot_dimension_numbers<[1], [0], [0], [1], [0, 0, 1, 1], [], []>, transpose_lhs_hint = false} : vector<2000x128xf32>, vector<128x128xf32>, vector<2000x128xf32> -> vector<2000x128xf32>
    %mul3A = vector.broadcast %rsqrt3A : vector<2000x1xf32> to vector<2000x128xf32>
    %mul3A_21 = arith.mulf %dot_general3A_20, %mul3A : vector<2000x128xf32>
    %swap3A_22 = arith.constant 0 : index
    %swap3A_23 = arith.constant 0 : index
    %swap3A_24 = vector.load %arg5[%swap3A_22, %swap3A_23] : memref<2000x128xf32, #tpu.memory_space<vmem>>, vector<2000x128xf32>
    tpu.vector_store %arg5[%swap3A_22, %swap3A_23], %mul3A_21 {strides = array<i32>} : memref<2000x128xf32, #tpu.memory_space<vmem>>, vector<2000x128xf32>,
    return
  }
  func.func @transform_0(%arg0: i32) -> (i32, i32, i32) {
    %c0_i32 = arith.constant 0 : i32
    %c0_i32_0 = arith.constant 0 : i32
    %c0_i32_1 = arith.constant 0 : i32
    return %c0_i32, %arg0, %c0_i32_0 : i32, i32, i32
  }
  func.func @transform_1(%arg0: i32) -> (i32, i32) {
    %c0_i32 = arith.constant 0 : i32
    %c0_i32_0 = arith.constant 0 : i32
    return %arg0, %c0_i32 : i32, i32
  }
  func.func @transform_2(%arg0: i32) -> (i32, i32) {
    %c0_i32 = arith.constant 0 : i32
    %c0_i32_0 = arith.constant 0 : i32
    %c0_i32_1 = arith.constant 0 : i32
    return %c0_i32, %c0_i32_0 : i32, i32
  }
  func.func @transform_3(%arg0: i32) -> (i32, i32) {
    %c0_i32 = arith.constant 0 : i32
    %c0_i32_0 = arith.constant 0 : i32
    return %arg0, %c0_i32 : i32, i32
  }
  func.func @transform_4(%arg0: i32) -> (i32, i32) {
    %c0_i32 = arith.constant 0 : i32
    %c0_i32_0 = arith.constant 0 : i32
    return %arg0, %c0_i32 : i32, i32
  }
}

module attributes {stable_mosaic.version = 14 : i64} {
  func.func @_t1_body(%arg0: i32, %arg1: memref<2x2000x128xf32, #tpu.memory_space<vmem>>, %arg2: memref<2000x128xf32, #tpu.memory_space<vmem>>, %arg3: memref<1x128xf32, #tpu.memory_space<vmem>>, %arg4: memref<2000x1xf32, #tpu.memory_space<vmem>>, %arg5: memref<128x128xf32, #tpu.memory_space<vmem>>, %arg6: memref<2000x128xf32, #tpu.memory_space<vmem>>, %arg7: memref<2000x128xf32, #tpu.memory_space<vmem>>) attributes {dimension_semantics = [#tpu.dimension_semantics<arbitrary>], iteration_bounds = array<i64: 5>, scalar_prefetch = 0 : i64, scratch_operands = 0 : i64, tpu.core_type = #tpu.core_type<tc>, window_params = [{transform_indices = @transform_0, window_bounds = array<i64: 2, 2000, 128>}, {transform_indices = @transform_1, window_bounds = array<i64: 2000, 128>}, {pipeline_mode = #tpu.pipeline_mode<synchronous>, transform_indices = @transform_2, window_bounds = array<i64: 1, 128>}, {transform_indices = @transform_3, window_bounds = array<i64: 2000, 1>}, {pipeline_mode = #tpu.pipeline_mode<synchronous>, transform_indices = @transform_4, window_bounds = array<i64: 128, 128>}, {transform_indices = @transform_5, window_bounds = array<i64: 2000, 128>}, {transform_indices = @transform_6, window_bounds = array<i64: 2000, 128>}]} {
    %get3A = arith.constant 0 : index
    %get3A_0 = arith.constant 0 : index
    %get3A_1 = vector.load %arg4[%get3A, %get3A_0] : memref<2000x1xf32, #tpu.memory_space<vmem>>, vector<2000x1xf32>
    %get3A_2 = arith.constant 0 : index
    %get3A_3 = arith.constant 0 : index
    %get3A_4 = arith.constant 0 : index
    %get3A_5 = vector.load %arg1[%get3A_2, %get3A_3, %get3A_4] : memref<2x2000x128xf32, #tpu.memory_space<vmem>>, vector<1x2000x128xf32>
    %get3A_6 = vector.shape_cast %get3A_5 : vector<1x2000x128xf32> to vector<2000x128xf32>
    %get3A_7 = arith.constant 1 : index
    %get3A_8 = arith.constant 0 : index
    %get3A_9 = arith.constant 0 : index
    %get3A_10 = vector.load %arg1[%get3A_7, %get3A_8, %get3A_9] : memref<2x2000x128xf32, #tpu.memory_space<vmem>>, vector<1x2000x128xf32>
    %get3A_11 = vector.shape_cast %get3A_10 : vector<1x2000x128xf32> to vector<2000x128xf32>
    %add3A = arith.addf %get3A_6, %get3A_11 : vector<2000x128xf32>
    %get3A_12 = arith.constant 0 : index
    %get3A_13 = arith.constant 0 : index
    %get3A_14 = vector.load %arg2[%get3A_12, %get3A_13] : memref<2000x128xf32, #tpu.memory_space<vmem>>, vector<2000x128xf32>
    %add3A_15 = arith.addf %add3A, %get3A_14 : vector<2000x128xf32>
    %mul3A = vector.broadcast %get3A_1 : vector<2000x1xf32> to vector<2000x128xf32>
    %mul3A_16 = arith.mulf %mul3A, %add3A_15 : vector<2000x128xf32>
    %get3A_17 = arith.constant 0 : index
    %get3A_18 = arith.constant 0 : index
    %get3A_19 = vector.load %arg3[%get3A_17, %get3A_18] : memref<1x128xf32, #tpu.memory_space<vmem>>, vector<1x128xf32>
    %add3A_20 = vector.broadcast %get3A_19 : vector<1x128xf32> to vector<2000x128xf32>
    %add3A_21 = arith.addf %mul3A_16, %add3A_20 : vector<2000x128xf32>
    %swap3A = arith.constant 0 : index
    %swap3A_22 = arith.constant 0 : index
    %swap3A_23 = vector.load %arg6[%swap3A, %swap3A_22] : memref<2000x128xf32, #tpu.memory_space<vmem>>, vector<2000x128xf32>
    tpu.vector_store %arg6[%swap3A, %swap3A_22], %add3A_21 {strides = array<i32>} : memref<2000x128xf32, #tpu.memory_space<vmem>>, vector<2000x128xf32>,
    %max3A = arith.constant 0.000000e+00 : f32
    %max3A_24 = vector.broadcast %max3A : f32 to vector<2000x128xf32>
    %max3A_25 = arith.maximumf %add3A_21, %max3A_24 : vector<2000x128xf32>
    %get3A_26 = arith.constant 0 : index
    %get3A_27 = arith.constant 0 : index
    %get3A_28 = vector.load %arg5[%get3A_26, %get3A_27] : memref<128x128xf32, #tpu.memory_space<vmem>>, vector<128x128xf32>
    %dot_general3A = arith.constant dense<0.000000e+00> : vector<2000x128xf32>
    %dot_general3A_29 = tpu.matmul %max3A_25, %get3A_28, %dot_general3A {dimension_numbers = #tpu.dot_dimension_numbers<[1], [0], [0], [1], [0, 0, 1, 1], [], []>, transpose_lhs_hint = false} : vector<2000x128xf32>, vector<128x128xf32>, vector<2000x128xf32> -> vector<2000x128xf32>
    %get3A_30 = arith.constant 0 : index
    %get3A_31 = arith.constant 0 : index
    %get3A_32 = vector.load %arg4[%get3A_30, %get3A_31] : memref<2000x1xf32, #tpu.memory_space<vmem>>, vector<2000x1xf32>
    %mul3A_33 = vector.broadcast %get3A_32 : vector<2000x1xf32> to vector<2000x128xf32>
    %mul3A_34 = arith.mulf %dot_general3A_29, %mul3A_33 : vector<2000x128xf32>
    %swap3A_35 = arith.constant 0 : index
    %swap3A_36 = arith.constant 0 : index
    %swap3A_37 = vector.load %arg7[%swap3A_35, %swap3A_36] : memref<2000x128xf32, #tpu.memory_space<vmem>>, vector<2000x128xf32>
    tpu.vector_store %arg7[%swap3A_35, %swap3A_36], %mul3A_34 {strides = array<i32>} : memref<2000x128xf32, #tpu.memory_space<vmem>>, vector<2000x128xf32>,
    return
  }
  func.func @transform_0(%arg0: i32) -> (i32, i32, i32) {
    %c0_i32 = arith.constant 0 : i32
    %c0_i32_0 = arith.constant 0 : i32
    %c0_i32_1 = arith.constant 0 : i32
    return %c0_i32, %arg0, %c0_i32_0 : i32, i32, i32
  }
  func.func @transform_1(%arg0: i32) -> (i32, i32) {
    %c0_i32 = arith.constant 0 : i32
    %c0_i32_0 = arith.constant 0 : i32
    return %arg0, %c0_i32 : i32, i32
  }
  func.func @transform_2(%arg0: i32) -> (i32, i32) {
    %c0_i32 = arith.constant 0 : i32
    %c0_i32_0 = arith.constant 0 : i32
    %c0_i32_1 = arith.constant 0 : i32
    return %c0_i32, %c0_i32_0 : i32, i32
  }
  func.func @transform_3(%arg0: i32) -> (i32, i32) {
    %c0_i32 = arith.constant 0 : i32
    %c0_i32_0 = arith.constant 0 : i32
    return %arg0, %c0_i32 : i32, i32
  }
  func.func @transform_4(%arg0: i32) -> (i32, i32) {
    %c0_i32 = arith.constant 0 : i32
    %c0_i32_0 = arith.constant 0 : i32
    %c0_i32_1 = arith.constant 0 : i32
    return %c0_i32, %c0_i32_0 : i32, i32
  }
  func.func @transform_5(%arg0: i32) -> (i32, i32) {
    %c0_i32 = arith.constant 0 : i32
    %c0_i32_0 = arith.constant 0 : i32
    return %arg0, %c0_i32 : i32, i32
  }
  func.func @transform_6(%arg0: i32) -> (i32, i32) {
    %c0_i32 = arith.constant 0 : i32
    %c0_i32_0 = arith.constant 0 : i32
    return %arg0, %c0_i32 : i32, i32
  }
}

module attributes {stable_mosaic.version = 14 : i64} {
  func.func @_ta_body(%arg0: i32, %arg1: memref<2x2000x128xf32, #tpu.memory_space<vmem>>, %arg2: memref<2000x128xf32, #tpu.memory_space<vmem>>, %arg3: memref<1x128xf32, #tpu.memory_space<vmem>>, %arg4: memref<2000x1xf32, #tpu.memory_space<vmem>>, %arg5: memref<2000x128xf32, #tpu.memory_space<vmem>>, %arg6: memref<2x128xf32, #tpu.memory_space<vmem>>) attributes {dimension_semantics = [#tpu.dimension_semantics<arbitrary>], iteration_bounds = array<i64: 5>, scalar_prefetch = 0 : i64, scratch_operands = 0 : i64, tpu.core_type = #tpu.core_type<tc>, window_params = [{transform_indices = @transform_0, window_bounds = array<i64: 2, 2000, 128>}, {transform_indices = @transform_1, window_bounds = array<i64: 2000, 128>}, {pipeline_mode = #tpu.pipeline_mode<synchronous>, transform_indices = @transform_2, window_bounds = array<i64: 1, 128>}, {transform_indices = @transform_3, window_bounds = array<i64: 2000, 1>}, {transform_indices = @transform_4, window_bounds = array<i64: 2000, 128>}, {pipeline_mode = #tpu.pipeline_mode<synchronous>, transform_indices = @transform_5, window_bounds = array<i64: 2, 128>}]} {
    %get3A = arith.constant 0 : index
    %get3A_0 = arith.constant 0 : index
    %get3A_1 = vector.load %arg4[%get3A, %get3A_0] : memref<2000x1xf32, #tpu.memory_space<vmem>>, vector<2000x1xf32>
    %get3A_2 = arith.constant 0 : index
    %get3A_3 = arith.constant 0 : index
    %get3A_4 = arith.constant 0 : index
    %get3A_5 = vector.load %arg1[%get3A_2, %get3A_3, %get3A_4] : memref<2x2000x128xf32, #tpu.memory_space<vmem>>, vector<1x2000x128xf32>
    %get3A_6 = vector.shape_cast %get3A_5 : vector<1x2000x128xf32> to vector<2000x128xf32>
    %get3A_7 = arith.constant 1 : index
    %get3A_8 = arith.constant 0 : index
    %get3A_9 = arith.constant 0 : index
    %get3A_10 = vector.load %arg1[%get3A_7, %get3A_8, %get3A_9] : memref<2x2000x128xf32, #tpu.memory_space<vmem>>, vector<1x2000x128xf32>
    %get3A_11 = vector.shape_cast %get3A_10 : vector<1x2000x128xf32> to vector<2000x128xf32>
    %add3A = arith.addf %get3A_6, %get3A_11 : vector<2000x128xf32>
    %get3A_12 = arith.constant 0 : index
    %get3A_13 = arith.constant 0 : index
    %get3A_14 = vector.load %arg2[%get3A_12, %get3A_13] : memref<2000x128xf32, #tpu.memory_space<vmem>>, vector<2000x128xf32>
    %add3A_15 = arith.addf %add3A, %get3A_14 : vector<2000x128xf32>
    %mul3A = vector.broadcast %get3A_1 : vector<2000x1xf32> to vector<2000x128xf32>
    %mul3A_16 = arith.mulf %mul3A, %add3A_15 : vector<2000x128xf32>
    %get3A_17 = arith.constant 0 : index
    %get3A_18 = arith.constant 0 : index
    %get3A_19 = vector.load %arg3[%get3A_17, %get3A_18] : memref<1x128xf32, #tpu.memory_space<vmem>>, vector<1x128xf32>
    %add3A_20 = vector.broadcast %get3A_19 : vector<1x128xf32> to vector<2000x128xf32>
    %add3A_21 = arith.addf %mul3A_16, %add3A_20 : vector<2000x128xf32>
    %swap3A = arith.constant 0 : index
    %swap3A_22 = arith.constant 0 : index
    %swap3A_23 = vector.load %arg5[%swap3A, %swap3A_22] : memref<2000x128xf32, #tpu.memory_space<vmem>>, vector<2000x128xf32>
    tpu.vector_store %arg5[%swap3A, %swap3A_22], %add3A_21 {strides = array<i32>} : memref<2000x128xf32, #tpu.memory_space<vmem>>, vector<2000x128xf32>,
    %reduce_sum3A = arith.constant dense<0.000000e+00> : vector<128xf32>
    %reduce_sum3A_24 = vector.multi_reduction <add>, %add3A_21, %reduce_sum3A [0] : vector<2000x128xf32> to vector<128xf32>
    %broadcast_in_dim3A = vector.shape_cast %reduce_sum3A_24 : vector<128xf32> to vector<1x128xf32>
    %mul3A_25 = arith.mulf %add3A_21, %add3A_21 : vector<2000x128xf32>
    %reduce_sum3A_26 = arith.constant dense<0.000000e+00> : vector<128xf32>
    %reduce_sum3A_27 = vector.multi_reduction <add>, %mul3A_25, %reduce_sum3A_26 [0] : vector<2000x128xf32> to vector<128xf32>
    %broadcast_in_dim3A_28 = vector.shape_cast %reduce_sum3A_27 : vector<128xf32> to vector<1x128xf32>
    %concatenate3A = tpu.concatenate %broadcast_in_dim3A, %broadcast_in_dim3A_28 in 0 : vector<1x128xf32>, vector<1x128xf32> -> vector<2x128xf32>
    %eq3A = arith.constant 0 : i32
    %eq3A_29 = arith.cmpi eq, %arg0, %eq3A : i32
    %convert_element_type3A = arith.extui %eq3A_29 : i1 to i32
    %cond3A = arith.constant 0 : i32
    %cond3A_30 = arith.cmpi ne, %convert_element_type3A, %cond3A : i32
    scf.if %cond3A_30 {
      %swap3A_35 = arith.constant 0 : index
      %swap3A_36 = arith.constant 0 : index
      %swap3A_37 = vector.load %arg6[%swap3A_35, %swap3A_36] : memref<2x128xf32, #tpu.memory_space<vmem>>, vector<2x128xf32>
      tpu.vector_store %arg6[%swap3A_35, %swap3A_36], %concatenate3A {strides = array<i32>} : memref<2x128xf32, #tpu.memory_space<vmem>>, vector<2x128xf32>,
    } else {
    }
    %gt3A = arith.constant 0 : i32
    %gt3A_31 = arith.cmpi sgt, %arg0, %gt3A : i32
    %convert_element_type3A_32 = arith.extui %gt3A_31 : i1 to i32
    %cond3A_33 = arith.constant 0 : i32
    %cond3A_34 = arith.cmpi ne, %convert_element_type3A_32, %cond3A_33 : i32
    scf.if %cond3A_34 {
      %get3A_35 = arith.constant 0 : index
      %get3A_36 = arith.constant 0 : index
      %get3A_37 = vector.load %arg6[%get3A_35, %get3A_36] : memref<2x128xf32, #tpu.memory_space<vmem>>, vector<2x128xf32>
      %add3A_38 = arith.addf %get3A_37, %concatenate3A : vector<2x128xf32>
      %swap3A_39 = arith.constant 0 : index
      %swap3A_40 = arith.constant 0 : index
      %swap3A_41 = vector.load %arg6[%swap3A_39, %swap3A_40] : memref<2x128xf32, #tpu.memory_space<vmem>>, vector<2x128xf32>
      tpu.vector_store %arg6[%swap3A_39, %swap3A_40], %add3A_38 {strides = array<i32>} : memref<2x128xf32, #tpu.memory_space<vmem>>, vector<2x128xf32>,
    } else {
    }
    return
  }
  func.func @transform_0(%arg0: i32) -> (i32, i32, i32) {
    %c0_i32 = arith.constant 0 : i32
    %c0_i32_0 = arith.constant 0 : i32
    %c0_i32_1 = arith.constant 0 : i32
    return %c0_i32, %arg0, %c0_i32_0 : i32, i32, i32
  }
  func.func @transform_1(%arg0: i32) -> (i32, i32) {
    %c0_i32 = arith.constant 0 : i32
    %c0_i32_0 = arith.constant 0 : i32
    return %arg0, %c0_i32 : i32, i32
  }
  func.func @transform_2(%arg0: i32) -> (i32, i32) {
    %c0_i32 = arith.constant 0 : i32
    %c0_i32_0 = arith.constant 0 : i32
    %c0_i32_1 = arith.constant 0 : i32
    return %c0_i32, %c0_i32_0 : i32, i32
  }
  func.func @transform_3(%arg0: i32) -> (i32, i32) {
    %c0_i32 = arith.constant 0 : i32
    %c0_i32_0 = arith.constant 0 : i32
    return %arg0, %c0_i32 : i32, i32
  }
  func.func @transform_4(%arg0: i32) -> (i32, i32) {
    %c0_i32 = arith.constant 0 : i32
    %c0_i32_0 = arith.constant 0 : i32
    return %arg0, %c0_i32 : i32, i32
  }
  func.func @transform_5(%arg0: i32) -> (i32, i32) {
    %c0_i32 = arith.constant 0 : i32
    %c0_i32_0 = arith.constant 0 : i32
    %c0_i32_1 = arith.constant 0 : i32
    return %c0_i32, %c0_i32_0 : i32, i32
  }
}

module attributes {stable_mosaic.version = 14 : i64} {
  func.func @_tb_body(%arg0: i32, %arg1: memref<2000x128xf32, #tpu.memory_space<vmem>>, %arg2: memref<2x128xf32, #tpu.memory_space<vmem>>, %arg3: memref<2000x128xf32, #tpu.memory_space<vmem>>, %arg4: memref<2000x1xf32, #tpu.memory_space<vmem>>, %arg5: memref<1x128xf32, #tpu.memory_space<vmem>>, %arg6: memref<1x128xf32, #tpu.memory_space<vmem>>, %arg7: memref<128x1xf32, #tpu.memory_space<vmem>>, %arg8: memref<128x1xf32, #tpu.memory_space<vmem>>, %arg9: memref<1x1xf32, #tpu.memory_space<vmem>>, %arg10: memref<128x128xf32, #tpu.memory_space<vmem>>, %arg11: memref<2000x128xf32, #tpu.memory_space<vmem>>) attributes {dimension_semantics = [#tpu.dimension_semantics<arbitrary>], iteration_bounds = array<i64: 5>, scalar_prefetch = 0 : i64, scratch_operands = 0 : i64, tpu.core_type = #tpu.core_type<tc>, window_params = [{transform_indices = @transform_0, window_bounds = array<i64: 2000, 128>}, {pipeline_mode = #tpu.pipeline_mode<synchronous>, transform_indices = @transform_1, window_bounds = array<i64: 2, 128>}, {transform_indices = @transform_2, window_bounds = array<i64: 2000, 128>}, {transform_indices = @transform_3, window_bounds = array<i64: 2000, 1>}, {pipeline_mode = #tpu.pipeline_mode<synchronous>, transform_indices = @transform_4, window_bounds = array<i64: 1, 128>}, {pipeline_mode = #tpu.pipeline_mode<synchronous>, transform_indices = @transform_5, window_bounds = array<i64: 1, 128>}, {pipeline_mode = #tpu.pipeline_mode<synchronous>, transform_indices = @transform_6, window_bounds = array<i64: 128, 1>}, {pipeline_mode = #tpu.pipeline_mode<synchronous>, transform_indices = @transform_7, window_bounds = array<i64: 128, 1>}, {pipeline_mode = #tpu.pipeline_mode<synchronous>, transform_indices = @transform_8, window_bounds = array<i64: 1, 1>}, {pipeline_mode = #tpu.pipeline_mode<synchronous>, transform_indices = @transform_9, window_bounds = array<i64: 128, 128>}, {transform_indices = @transform_10, window_bounds = array<i64: 2000, 128>}]} {
    %get3A = arith.constant 0 : index
    %get3A_0 = arith.constant 0 : index
    %get3A_1 = vector.load %arg2[%get3A, %get3A_0] : memref<2x128xf32, #tpu.memory_space<vmem>>, vector<1x128xf32>
    %mul3A = arith.constant 9.99999974E-5 : f32
    %mul3A_2 = vector.broadcast %mul3A : f32 to vector<1x128xf32>
    %mul3A_3 = arith.mulf %get3A_1, %mul3A_2 : vector<1x128xf32>
    %get3A_4 = arith.constant 1 : index
    %get3A_5 = arith.constant 0 : index
    %get3A_6 = vector.load %arg2[%get3A_4, %get3A_5] : memref<2x128xf32, #tpu.memory_space<vmem>>, vector<1x128xf32>
    %mul3A_7 = arith.constant 9.99999974E-5 : f32
    %mul3A_8 = vector.broadcast %mul3A_7 : f32 to vector<1x128xf32>
    %mul3A_9 = arith.mulf %get3A_6, %mul3A_8 : vector<1x128xf32>
    %mul3A_10 = arith.mulf %mul3A_3, %mul3A_3 : vector<1x128xf32>
    %sub3A = arith.subf %mul3A_9, %mul3A_10 : vector<1x128xf32>
    %get3A_11 = arith.constant 0 : index
    %get3A_12 = arith.constant 0 : index
    %get3A_13 = vector.load %arg1[%get3A_11, %get3A_12] : memref<2000x128xf32, #tpu.memory_space<vmem>>, vector<2000x128xf32>
    %sub3A_14 = vector.broadcast %mul3A_3 : vector<1x128xf32> to vector<2000x128xf32>
    %sub3A_15 = arith.subf %get3A_13, %sub3A_14 : vector<2000x128xf32>
    %add3A = arith.constant 9.99999974E-6 : f32
    %add3A_16 = vector.broadcast %add3A : f32 to vector<1x128xf32>
    %add3A_17 = arith.addf %sub3A, %add3A_16 : vector<1x128xf32>
    %rsqrt3A = math.rsqrt %add3A_17 : vector<1x128xf32>
    %mul3A_18 = vector.broadcast %rsqrt3A : vector<1x128xf32> to vector<2000x128xf32>
    %mul3A_19 = arith.mulf %sub3A_15, %mul3A_18 : vector<2000x128xf32>
    %get3A_20 = arith.constant 0 : index
    %get3A_21 = arith.constant 0 : index
    %get3A_22 = vector.load %arg5[%get3A_20, %get3A_21] : memref<1x128xf32, #tpu.memory_space<vmem>>, vector<1x128xf32>
    %mul3A_23 = vector.broadcast %get3A_22 : vector<1x128xf32> to vector<2000x128xf32>
    %mul3A_24 = arith.mulf %mul3A_19, %mul3A_23 : vector<2000x128xf32>
    %get3A_25 = arith.constant 0 : index
    %get3A_26 = arith.constant 0 : index
    %get3A_27 = vector.load %arg6[%get3A_25, %get3A_26] : memref<1x128xf32, #tpu.memory_space<vmem>>, vector<1x128xf32>
    %add3A_28 = vector.broadcast %get3A_27 : vector<1x128xf32> to vector<2000x128xf32>
    %add3A_29 = arith.addf %mul3A_24, %add3A_28 : vector<2000x128xf32>
    %get3A_30 = arith.constant 0 : index
    %get3A_31 = arith.constant 0 : index
    %get3A_32 = vector.load %arg7[%get3A_30, %get3A_31] : memref<128x1xf32, #tpu.memory_space<vmem>>, vector<128x1xf32>
    %dot_general3A = arith.constant dense<0.000000e+00> : vector<2000x1xf32>
    %dot_general3A_33 = tpu.matmul %add3A_29, %get3A_32, %dot_general3A {dimension_numbers = #tpu.dot_dimension_numbers<[1], [0], [0], [1], [0, 0, 1, 1], [], []>, transpose_lhs_hint = false} : vector<2000x128xf32>, vector<128x1xf32>, vector<2000x1xf32> -> vector<2000x1xf32>
    %get3A_34 = arith.constant 0 : index
    %get3A_35 = arith.constant 0 : index
    %get3A_36 = vector.load %arg3[%get3A_34, %get3A_35] : memref<2000x128xf32, #tpu.memory_space<vmem>>, vector<2000x128xf32>
    %get3A_37 = arith.constant 0 : index
    %get3A_38 = arith.constant 0 : index
    %get3A_39 = vector.load %arg8[%get3A_37, %get3A_38] : memref<128x1xf32, #tpu.memory_space<vmem>>, vector<128x1xf32>
    %dot_general3A_40 = arith.constant dense<0.000000e+00> : vector<2000x1xf32>
    %dot_general3A_41 = tpu.matmul %get3A_36, %get3A_39, %dot_general3A_40 {dimension_numbers = #tpu.dot_dimension_numbers<[1], [0], [0], [1], [0, 0, 1, 1], [], []>, transpose_lhs_hint = false} : vector<2000x128xf32>, vector<128x1xf32>, vector<2000x1xf32> -> vector<2000x1xf32>
    %add3A_42 = arith.addf %dot_general3A_33, %dot_general3A_41 : vector<2000x1xf32>
    %get3A_43 = arith.constant 0 : index
    %get3A_44 = arith.constant 0 : index
    %get3A_45 = vector.load %arg9[%get3A_43, %get3A_44] : memref<1x1xf32, #tpu.memory_space<vmem>>, vector<1x1xf32>
    %add3A_46 = vector.broadcast %get3A_45 : vector<1x1xf32> to vector<2000x1xf32>
    %add3A_47 = arith.addf %add3A_42, %add3A_46 : vector<2000x1xf32>
    %neg3A = arith.constant 0.000000e+00 : f32
    %neg3A_48 = vector.broadcast %neg3A : f32 to vector<2000x1xf32>
    %neg3A_49 = arith.subf %neg3A_48, %add3A_47 : vector<2000x1xf32>
    %exp3A = math.exp %neg3A_49 : vector<2000x1xf32>
    %add3A_50 = arith.constant 1.000000e+00 : f32
    %add3A_51 = vector.broadcast %add3A_50 : f32 to vector<2000x1xf32>
    %add3A_52 = arith.addf %add3A_51, %exp3A : vector<2000x1xf32>
    %div3A = arith.constant 1.000000e+00 : f32
    %div3A_53 = vector.broadcast %div3A : f32 to vector<2000x1xf32>
    %div3A_54 = arith.divf %div3A_53, %add3A_52 : vector<2000x1xf32>
    %sub3A_55 = arith.constant 1.000000e+00 : f32
    %sub3A_56 = vector.broadcast %sub3A_55 : f32 to vector<2000x1xf32>
    %sub3A_57 = arith.subf %sub3A_56, %div3A_54 : vector<2000x1xf32>
    %mul3A_58 = vector.broadcast %sub3A_57 : vector<2000x1xf32> to vector<2000x128xf32>
    %mul3A_59 = arith.mulf %mul3A_58, %add3A_29 : vector<2000x128xf32>
    %get3A_60 = arith.constant 0 : index
    %get3A_61 = arith.constant 0 : index
    %get3A_62 = vector.load %arg3[%get3A_60, %get3A_61] : memref<2000x128xf32, #tpu.memory_space<vmem>>, vector<2000x128xf32>
    %mul3A_63 = vector.broadcast %div3A_54 : vector<2000x1xf32> to vector<2000x128xf32>
    %mul3A_64 = arith.mulf %mul3A_63, %get3A_62 : vector<2000x128xf32>
    %add3A_65 = arith.addf %mul3A_59, %mul3A_64 : vector<2000x128xf32>
    %max3A = arith.constant 0.000000e+00 : f32
    %max3A_66 = vector.broadcast %max3A : f32 to vector<2000x128xf32>
    %max3A_67 = arith.maximumf %add3A_65, %max3A_66 : vector<2000x128xf32>
    %get3A_68 = arith.constant 0 : index
    %get3A_69 = arith.constant 0 : index
    %get3A_70 = vector.load %arg10[%get3A_68, %get3A_69] : memref<128x128xf32, #tpu.memory_space<vmem>>, vector<128x128xf32>
    %dot_general3A_71 = arith.constant dense<0.000000e+00> : vector<2000x128xf32>
    %dot_general3A_72 = tpu.matmul %max3A_67, %get3A_70, %dot_general3A_71 {dimension_numbers = #tpu.dot_dimension_numbers<[1], [0], [0], [1], [0, 0, 1, 1], [], []>, transpose_lhs_hint = false} : vector<2000x128xf32>, vector<128x128xf32>, vector<2000x128xf32> -> vector<2000x128xf32>
    %get3A_73 = arith.constant 0 : index
    %get3A_74 = arith.constant 0 : index
    %get3A_75 = vector.load %arg4[%get3A_73, %get3A_74] : memref<2000x1xf32, #tpu.memory_space<vmem>>, vector<2000x1xf32>
    %mul3A_76 = vector.broadcast %get3A_75 : vector<2000x1xf32> to vector<2000x128xf32>
    %mul3A_77 = arith.mulf %dot_general3A_72, %mul3A_76 : vector<2000x128xf32>
    %swap3A = arith.constant 0 : index
    %swap3A_78 = arith.constant 0 : index
    %swap3A_79 = vector.load %arg11[%swap3A, %swap3A_78] : memref<2000x128xf32, #tpu.memory_space<vmem>>, vector<2000x128xf32>
    tpu.vector_store %arg11[%swap3A, %swap3A_78], %mul3A_77 {strides = array<i32>} : memref<2000x128xf32, #tpu.memory_space<vmem>>, vector<2000x128xf32>,
    return
  }
  func.func @transform_0(%arg0: i32) -> (i32, i32) {
    %c0_i32 = arith.constant 0 : i32
    %c0_i32_0 = arith.constant 0 : i32
    return %arg0, %c0_i32 : i32, i32
  }
  func.func @transform_1(%arg0: i32) -> (i32, i32) {
    %c0_i32 = arith.constant 0 : i32
    %c0_i32_0 = arith.constant 0 : i32
    %c0_i32_1 = arith.constant 0 : i32
    return %c0_i32, %c0_i32_0 : i32, i32
  }
  func.func @transform_2(%arg0: i32) -> (i32, i32) {
    %c0_i32 = arith.constant 0 : i32
    %c0_i32_0 = arith.constant 0 : i32
    return %arg0, %c0_i32 : i32, i32
  }
  func.func @transform_3(%arg0: i32) -> (i32, i32) {
    %c0_i32 = arith.constant 0 : i32
    %c0_i32_0 = arith.constant 0 : i32
    return %arg0, %c0_i32 : i32, i32
  }
  func.func @transform_4(%arg0: i32) -> (i32, i32) {
    %c0_i32 = arith.constant 0 : i32
    %c0_i32_0 = arith.constant 0 : i32
    %c0_i32_1 = arith.constant 0 : i32
    return %c0_i32, %c0_i32_0 : i32, i32
  }
  func.func @transform_5(%arg0: i32) -> (i32, i32) {
    %c0_i32 = arith.constant 0 : i32
    %c0_i32_0 = arith.constant 0 : i32
    %c0_i32_1 = arith.constant 0 : i32
    return %c0_i32, %c0_i32_0 : i32, i32
  }
  func.func @transform_6(%arg0: i32) -> (i32, i32) {
    %c0_i32 = arith.constant 0 : i32
    %c0_i32_0 = arith.constant 0 : i32
    %c0_i32_1 = arith.constant 0 : i32
    return %c0_i32, %c0_i32_0 : i32, i32
  }
  func.func @transform_7(%arg0: i32) -> (i32, i32) {
    %c0_i32 = arith.constant 0 : i32
    %c0_i32_0 = arith.constant 0 : i32
    %c0_i32_1 = arith.constant 0 : i32
    return %c0_i32, %c0_i32_0 : i32, i32
  }
  func.func @transform_8(%arg0: i32) -> (i32, i32) {
    %c0_i32 = arith.constant 0 : i32
    %c0_i32_0 = arith.constant 0 : i32
    %c0_i32_1 = arith.constant 0 : i32
    return %c0_i32, %c0_i32_0 : i32, i32
  }
  func.func @transform_9(%arg0: i32) -> (i32, i32) {
    %c0_i32 = arith.constant 0 : i32
    %c0_i32_0 = arith.constant 0 : i32
    %c0_i32_1 = arith.constant 0 : i32
    return %c0_i32, %c0_i32_0 : i32, i32
  }
  func.func @transform_10(%arg0: i32) -> (i32, i32) {
    %c0_i32 = arith.constant 0 : i32
    %c0_i32_0 = arith.constant 0 : i32
    return %arg0, %c0_i32 : i32, i32
  }
}

module attributes {stable_mosaic.version = 14 : i64} {
  func.func @_tf_body(%arg0: i32, %arg1: memref<2000x128xf32, #tpu.memory_space<vmem>>, %arg2: memref<2x128xf32, #tpu.memory_space<vmem>>, %arg3: memref<1x128xf32, #tpu.memory_space<vmem>>, %arg4: memref<1x128xf32, #tpu.memory_space<vmem>>, %arg5: memref<2000x128xf32, #tpu.memory_space<vmem>>) attributes {dimension_semantics = [#tpu.dimension_semantics<arbitrary>], iteration_bounds = array<i64: 5>, scalar_prefetch = 0 : i64, scratch_operands = 0 : i64, tpu.core_type = #tpu.core_type<tc>, window_params = [{transform_indices = @transform_0, window_bounds = array<i64: 2000, 128>}, {pipeline_mode = #tpu.pipeline_mode<synchronous>, transform_indices = @transform_1, window_bounds = array<i64: 2, 128>}, {pipeline_mode = #tpu.pipeline_mode<synchronous>, transform_indices = @transform_2, window_bounds = array<i64: 1, 128>}, {pipeline_mode = #tpu.pipeline_mode<synchronous>, transform_indices = @transform_3, window_bounds = array<i64: 1, 128>}, {transform_indices = @transform_4, window_bounds = array<i64: 2000, 128>}]} {
    %get3A = arith.constant 0 : index
    %get3A_0 = arith.constant 0 : index
    %get3A_1 = vector.load %arg2[%get3A, %get3A_0] : memref<2x128xf32, #tpu.memory_space<vmem>>, vector<1x128xf32>
    %mul3A = arith.constant 9.99999974E-5 : f32
    %mul3A_2 = vector.broadcast %mul3A : f32 to vector<1x128xf32>
    %mul3A_3 = arith.mulf %get3A_1, %mul3A_2 : vector<1x128xf32>
    %get3A_4 = arith.constant 1 : index
    %get3A_5 = arith.constant 0 : index
    %get3A_6 = vector.load %arg2[%get3A_4, %get3A_5] : memref<2x128xf32, #tpu.memory_space<vmem>>, vector<1x128xf32>
    %mul3A_7 = arith.constant 9.99999974E-5 : f32
    %mul3A_8 = vector.broadcast %mul3A_7 : f32 to vector<1x128xf32>
    %mul3A_9 = arith.mulf %get3A_6, %mul3A_8 : vector<1x128xf32>
    %mul3A_10 = arith.mulf %mul3A_3, %mul3A_3 : vector<1x128xf32>
    %sub3A = arith.subf %mul3A_9, %mul3A_10 : vector<1x128xf32>
    %get3A_11 = arith.constant 0 : index
    %get3A_12 = arith.constant 0 : index
    %get3A_13 = vector.load %arg1[%get3A_11, %get3A_12] : memref<2000x128xf32, #tpu.memory_space<vmem>>, vector<2000x128xf32>
    %sub3A_14 = vector.broadcast %mul3A_3 : vector<1x128xf32> to vector<2000x128xf32>
    %sub3A_15 = arith.subf %get3A_13, %sub3A_14 : vector<2000x128xf32>
    %add3A = arith.constant 9.99999974E-6 : f32
    %add3A_16 = vector.broadcast %add3A : f32 to vector<1x128xf32>
    %add3A_17 = arith.addf %sub3A, %add3A_16 : vector<1x128xf32>
    %rsqrt3A = math.rsqrt %add3A_17 : vector<1x128xf32>
    %mul3A_18 = vector.broadcast %rsqrt3A : vector<1x128xf32> to vector<2000x128xf32>
    %mul3A_19 = arith.mulf %sub3A_15, %mul3A_18 : vector<2000x128xf32>
    %get3A_20 = arith.constant 0 : index
    %get3A_21 = arith.constant 0 : index
    %get3A_22 = vector.load %arg3[%get3A_20, %get3A_21] : memref<1x128xf32, #tpu.memory_space<vmem>>, vector<1x128xf32>
    %mul3A_23 = vector.broadcast %get3A_22 : vector<1x128xf32> to vector<2000x128xf32>
    %mul3A_24 = arith.mulf %mul3A_19, %mul3A_23 : vector<2000x128xf32>
    %get3A_25 = arith.constant 0 : index
    %get3A_26 = arith.constant 0 : index
    %get3A_27 = vector.load %arg4[%get3A_25, %get3A_26] : memref<1x128xf32, #tpu.memory_space<vmem>>, vector<1x128xf32>
    %add3A_28 = vector.broadcast %get3A_27 : vector<1x128xf32> to vector<2000x128xf32>
    %add3A_29 = arith.addf %mul3A_24, %add3A_28 : vector<2000x128xf32>
    %swap3A = arith.constant 0 : index
    %swap3A_30 = arith.constant 0 : index
    %swap3A_31 = vector.load %arg5[%swap3A, %swap3A_30] : memref<2000x128xf32, #tpu.memory_space<vmem>>, vector<2000x128xf32>
    tpu.vector_store %arg5[%swap3A, %swap3A_30], %add3A_29 {strides = array<i32>} : memref<2000x128xf32, #tpu.memory_space<vmem>>, vector<2000x128xf32>,
    return
  }
  func.func @transform_0(%arg0: i32) -> (i32, i32) {
    %c0_i32 = arith.constant 0 : i32
    %c0_i32_0 = arith.constant 0 : i32
    return %arg0, %c0_i32 : i32, i32
  }
  func.func @transform_1(%arg0: i32) -> (i32, i32) {
    %c0_i32 = arith.constant 0 : i32
    %c0_i32_0 = arith.constant 0 : i32
    %c0_i32_1 = arith.constant 0 : i32
    return %c0_i32, %c0_i32_0 : i32, i32
  }
  func.func @transform_2(%arg0: i32) -> (i32, i32) {
    %c0_i32 = arith.constant 0 : i32
    %c0_i32_0 = arith.constant 0 : i32
    %c0_i32_1 = arith.constant 0 : i32
    return %c0_i32, %c0_i32_0 : i32, i32
  }
  func.func @transform_3(%arg0: i32) -> (i32, i32) {
    %c0_i32 = arith.constant 0 : i32
    %c0_i32_0 = arith.constant 0 : i32
    %c0_i32_1 = arith.constant 0 : i32
    return %c0_i32, %c0_i32_0 : i32, i32
  }
  func.func @transform_4(%arg0: i32) -> (i32, i32) {
    %c0_i32 = arith.constant 0 : i32
    %c0_i32_0 = arith.constant 0 : i32
    return %arg0, %c0_i32 : i32, i32
  }
}

</mosaic_0001>

<sc_bundles>
// kernel: kernel.15.cloned.1.call-start
scs
__scs_entry_jumppad:
0x0: {  	(pc) =	sbr.rel $0x88, $3  }
0x1: {  	(tag) =	ssettag $0x0;
	lr =	simm.s32 $0x1  }
0x2: {  	[smem:$0x3F99] =	sst lr;
	_ =	strace $0xD0000000  }
0x3: {  	_ = 	snop  }
0x4: {  	_ = 	snop  }
0x5: {  	_ = 	snop  }
0x6: {  	_ = 	snop  }
0x7: {  	_ = 	snop  }
__scs_overlays_trampoline_lowered:
0x8: {  	[smem:$0x3FA8] =	sst s0  }
0x9: {  	[smem:$0x3FA9] =	sst s1  }
0xa: {  	[smem:$0x3FAA] =	sst s2  }
0xb: {  	[smem:$0x3FAB] =	sst s3  }
0xc: {  	[smem:$0x3FAC] =	sst s4  }
0xd: {  	[smem:$0x3FAD] =	sst s5  }
0xe: {  	[smem:$0x3FAE] =	sst s6  }
0xf: {  	[smem:$0x3FAF] =	sst s7  }
0x10: {  	[smem:$0x3FB0] =	sst s8  }
0x11: {  	[smem:$0x3FB1] =	sst s9;
	s0 =	simm.s32 @!p0 $0x0  }
0x12: {  	s1 =	sld [smem:$0x3F97];
	s0 =	simm.s32 @p0 $0x1  }
0x13: {  	[smem:$0x3FB2] =	sst s0;
	s0 =	simm.s32 @!p1 $0x0  }
0x14: {  	s2 =	sld [smem:$0x3F96];
	s0 =	simm.s32 @p1 $0x1  }
0x15: {  	[smem:$0x3FB3] =	sst s0;
	s0 =	simm.s32 @!p2 $0x0  }
0x16: {  	s3 =	sld [smem:$0x3FDB];
	s0 =	simm.s32 @p2 $0x1  }
0x17: {  	s4 =	simm.s32 $0x1BF5;
	[smem:$0x3FB5] =	sst s0  }
0x18: {  	s0 =	sld [smem:$0x3F98];
	_ =	swait.ge [sflag:s4], $0x0  }
0x19: {  	s7 =	sld [smem:$0x3F99]  }
0x1a: {  	s8 =	sadd.s32 $0xFFFFE003, lr  }
0x1b: {  	s9 =	sadd.s32 $0xFFFFFEF7, lr;
	s5 =	simm.s32 $0xFFFFFFFF;
	p2 =	slt.u32 s8, $0xFFFFF086  }
0x1c: {  	p1 =	slt.u32 s9, $0xF7A;
	s5 =	simm.s32 @!p2 $0x0  }
0x1d: {  	s5 =	simm.s32 @p1 $0x1;
	p0 =	seq.s32 s7, s2  }
0x1e: {  	s7 =	smul.u32 @!p0 $0xF7A, s2;
	p2 =	seq.s32 @!p0 s5, $0x0  }
0x1f: {  	s9 =	smul.u32 $0xF7A, s1;
	s8 =	simm.s32 @!p0 $0x1BF5;
	p2 =	por !p2, p0  }
0x20: {  	[sflag:s8] =	ssyncset.s32 @!p0 $0xFFFFF086;
	s6 =	sadd.s32 @!p0 s3, s7;
	s7 =	simm.s32 @!p0 $0x108  }
0x21: {  	s3 =	sadd.s32 s3, s9;
	s6 =	sadd.s32 @!p0 $0x88, s6;
	s7 =	simm.s32 @p2 $0x1082  }
0x22: {  	[simem:s7], [sflag:s8] =	dma.local @!p0 [hbm:s6], $0xF7A  }
0x23: {  	s9 =	sor.u32 $0xD0000000, s2;
	s6 =	simm.s32 $0x108;
	_ =	swait.ge @!p0 [sflag:s8], $0x0  }
0x24: {  	s3 =	sadd.s32 $0x88, s3;
	s6 =	simm.s32 @!p1 $0x1082;
	[sflag:s4] =	ssyncset.s32 $0xFFFFF086  }
0x25: {  	[simem:s6], [sflag:s4] =	dma.local [hbm:s3], $0xF7A  }
0x26: {  	[smem:$0x3F99] =	sst s1;
	(tag) =	ssettag s2;
	_ =	strace s9  }
0x27: {  	s1 =	sld [smem:$0x3FA9]  }
0x28: {  	s2 =	sld [smem:$0x3FAA]  }
0x29: {  	s4 =	sld [smem:$0x3FAC]  }
0x2a: {  	p0 =	seq.s32 s5, $0x0;
	s5 =	sld [smem:$0x3FAD]  }
0x2b: {  	s6 =	sld [smem:$0x3FAE]  }
0x2c: {  	s7 =	sld [smem:$0x3FAF]  }
0x2d: {  	s3 =	simm.s32 $0x108;
	s8 =	sld [smem:$0x3FB0]  }
0x2e: {  	s3 =	simm.s32 @!p0 $0x1082;
	s9 =	sld [smem:$0x3FB1]  }
0x2f: {  	lr =	sadd.s32 s0, s3;
	s0 =	sld [smem:$0x3FA8]  }
0x30: {  	s3 =	sld [smem:$0x3FAB]  }
0x31: {  	[smem:$0x3FB4] =	sst s10  }
0x32: {  	s10 =	sld [smem:$0x3FB2];
	_ =	sdelay $0x3  }
0x33: {  	p0 =	seq.s32 s10, $0x1;
	s10 =	sld [smem:$0x3FB4];
	_ =	sdelay $0x3  }
0x34: {  	[smem:$0x3FB4] =	sst s10  }
0x35: {  	s10 =	sld [smem:$0x3FB3];
	_ =	sdelay $0x3  }
0x36: {  	p1 =	seq.s32 s10, $0x1;
	s10 =	sld [smem:$0x3FB4];
	_ =	sdelay $0x3  }
0x37: {  	[smem:$0x3FB4] =	sst s10  }
0x38: {  	s10 =	sld [smem:$0x3FB5]  }
0x39: {  	_ = 	snop;
	(pc) =	sbr.ind lr, $3  }
0x3a: {  	_ = 	snop  }
0x3b: {  	_ = 	snop  }
0x3c: {  	p2 =	seq.s32 s10, $0x1;
	s10 =	sld [smem:$0x3FB4]  }
0x3d: {  	_ =	shalt  }
0x3e: {  	_ =	shalt  }
0x3f: {  	_ =	shalt  }
0x40: {  	_ =	shalt  }
0x41: {  	_ =	shalt  }
0x42: {  	_ =	shalt  }
0x43: {  	_ =	shalt  }
0x44: {  	_ =	shalt  }
0x45: {  	_ =	shalt  }
0x46: {  	_ =	shalt  }
0x47: {  	_ =	shalt  }
0x48: {  	_ =	shalt  }
0x49: {  	_ =	shalt  }
0x4a: {  	_ =	shalt  }
0x4b: {  	_ =	shalt  }
0x4c: {  	_ =	shalt  }
0x4d: {  	_ =	shalt  }
0x4e: {  	_ =	shalt  }
0x4f: {  	_ =	shalt  }
0x50: {  	_ =	shalt  }
0x51: {  	_ =	shalt  }
0x52: {  	_ =	shalt  }
0x53: {  	_ =	shalt  }
0x54: {  	_ =	shalt  }
0x55: {  	_ =	shalt  }
0x56: {  	_ =	shalt  }
0x57: {  	_ =	shalt  }
0x58: {  	_ =	shalt  }
0x59: {  	_ =	shalt  }
0x5a: {  	_ =	shalt  }
0x5b: {  	_ =	shalt  }
0x5c: {  	_ =	shalt  }
0x5d: {  	_ =	shalt  }
0x5e: {  	_ =	shalt  }
0x5f: {  	_ =	shalt  }
0x60: {  	_ =	shalt  }
0x61: {  	_ =	shalt  }
0x62: {  	_ =	shalt  }
0x63: {  	_ =	shalt  }
0x64: {  	_ =	shalt  }
0x65: {  	_ =	shalt  }
0x66: {  	_ =	shalt  }
0x67: {  	_ =	shalt  }
0x68: {  	_ =	shalt  }
0x69: {  	_ =	shalt  }
0x6a: {  	_ =	shalt  }
0x6b: {  	_ =	shalt  }
0x6c: {  	_ =	shalt  }
0x6d: {  	_ =	shalt  }
0x6e: {  	_ =	shalt  }
0x6f: {  	_ =	shalt  }
0x70: {  	_ =	shalt  }
0x71: {  	_ =	shalt  }
0x72: {  	_ =	shalt  }
0x73: {  	_ =	shalt  }
0x74: {  	_ =	shalt  }
0x75: {  	_ =	shalt  }
0x76: {  	_ =	shalt  }
0x77: {  	_ =	shalt  }
0x78: {  	_ =	shalt  }
0x79: {  	_ =	shalt  }
0x7a: {  	_ =	shalt  }
0x7b: {  	_ =	shalt  }
0x7c: {  	_ =	shalt  }
0x7d: {  	_ =	shalt  }
0x7e: {  	_ =	shalt  }
0x7f: {  	_ =	shalt  }
0x80: {  	_ =	shalt  }
0x81: {  	_ =	shalt  }
0x82: {  	_ =	shalt  }
0x83: {  	_ =	shalt  }
0x84: {  	_ =	shalt  }
0x85: {  	_ =	shalt  }
0x86: {  	_ =	shalt  }
0x87: {  	_ =	shalt  }
.Lfunc_end0:
.L_simem_size_0:
called_computation_lowered:
.L_overlay_start_0:
0x88: {  	s2 =	sld [smem:$0x3FD9]  }
0x89: {  	s3 =	sld [smem:$0x3FFE];
	_ =	sdelay $0x1  }
0x8a: {  	s1 =	srdreg.scid  }
0x8b: {  	s0 =	sand.u32 $0x1, s1  }
0x8c: {  	s16 =	sshll.u32 s0, $0xA;
	s2 =	sadd.s32 s3, s2  }
0x8d: {  	s2 =	sadd.s32 s2, s16  }
0x8e: {  	[smem:$0x3FC0] =	sst s2  }
0x8f: {  	_ = 	snop  }
0x90: {  	(tm) =	ssettm $0x1  }
0x91: {  	s17 =	sld [smem:$0x3FFB];
	_ =	sdelay $0x3  }
0x92: {  	_ =	strace s17  }
0x93: {  	s2 =	sld [smem:$0x3FFC];
	_ =	sdelay $0x3  }
0x94: {  	_ =	strace s2  }
0x95: {  	s2 =	sld [smem:$0x3FFD];
	_ =	sdelay $0x3  }
0x96: {  	_ =	strace s2  }
0x97: {  	_ =	strace $0x8FFFFFFF  }
0x98: {  	s18 =	sld [smem:$0x3FDB];
	_ =	sdelay $0x1  }
0x99: {  	s19 =	simm.s32 $_scs_section_size  }
0x9a: {  	s4 =	simm.s32 $_size__tile_overlayer_lowered;
	s5 =	simm.s32 $_tile_overlayer_lowered  }
0x9b: {  	s22 =	simm.s32 $0x1BFF;
	s21 =	sshll.u32 s5, $0x1;
	s2 =	sadd.s32 s19, s18  }
0x9c: {  	s6 =	simm.s32 $0x0;
	s20 =	sshll.u32 s4, $0x1;
	s4 =	sadd.s32 s21, s2  }
0x9d: {  	[timem:s6], [sflag:s22] =	dma.local [hbm:s4], s20  }
0x9e: {  	_ =	swait.ge [sflag:s22], s20  }
0x9f: {  	s3 =	ssub.s32 $0x0, s20;
	[sflag:s22] =	ssyncset.done $0x0  }
0xa0: {  	[sflag:s22] =	ssyncadd.s32 s3;
	_ =	sdelay $0x1  }
0xa1: {  	s23 =	simm.s32 $0x1B8B  }
0xa2: {  	_ =	swait.ge [sflag:s23], $0x1  }
0xa3: {  	[sflag:s23] =	ssyncset.done $0x0  }
0xa4: {  	s25 =	simm.s32 $0x1B8E;
	s24 =	sld [smem:$0x3FFE];
	[sflag:s23] =	ssyncadd.s32 $0xFFFFFFFF  }
0xa5: {  	s26 =	simm.s32 $execute0_lowered;
	[smem:$0x3FD2] =	sst s25  }
0xa6: {  	s4 =	sshll.u32 s26, $0x1;
	_ =	strace $0x80000046;
	[dreg:$0x1] =	wrdreg $0xFFFFFFFF  }
0xa7: {  	s28 =	simm.s32 $_size_execute0_lowered;
	s2 =	sadd.s32 s2, s4;
	[dreg:$0x0] =	wrdreg $0x0  }
0xa8: {  	s4 =	sshll.u32 s28, $0x1;
	[dreg:$0x2] =	wrdreg s2  }
0xa9: {  	[dreg:$0x3] =	wrdreg s4  }
0xaa: {  	[dreg:$0x4] =	wrdreg $0xC0  }
0xab: {  	_ =	task [dreg:s6], $0x5FFFF  }
0xac: {  	[dreg:$0x1] =	wrdreg $0xFFFFFFFF  }
0xad: {  	[dreg:$0x0] =	wrdreg $0x60  }
0xae: {  	[dreg:$0x2] =	wrdreg s24  }
0xaf: {  	[dreg:$0x3] =	wrdreg $0x0  }
0xb0: {  	[dreg:$0x4] =	wrdreg $0x9  }
0xb1: {  	_ =	task.clear_ibuf [dreg:s6], $0x5FFFF;
	_ =	strace $0x90000046  }
0xb2: {  	s29 =	simm.s32 $0x9;
	_ =	strace $0x80000048  }
0xb3: {  	_ =	swait.ge [sflag:s29], $0x1  }
0xb4: {  	[sflag:s29] =	ssyncadd.s32 $0xFFFFFFFF  }
0xb5: {  	_ =	strace $0x90000048  }
0xb6: {  	_ =	sfence  }
0xb7: {  	s30 =	sld [smem:$0x0];
	_ =	sdelay $0x2  }
0xb8: {  	s31 =	sshll.u32 s1, $0xD;
	s1 =	sshrl.u32 s1, $0x2  }
0xb9: {  	s3 =	sand.u32 $0x4000, s31;
	s1 =	sadd.s32 s1, s30  }
0xba: {  	s0 =	sor.u32 s3, s0;
	s1 =	sshll.u32 s1, $0x11  }
0xbb: {  	s0 =	sor.u32 s1, s0  }
0xbc: {  	s0 =	sadd.s32 $0x8F2B, s0  }
0xbd: {  	[sflag:s0] =	ssyncadd.remote.s32 $0x1  }
0xbe: {  	_ =	sfence.sel $0xFFFF  }
0xbf: {  	[dreg:$0x0] =	wrdreg $0xFFFFFFFF;
	(pc) =	sbr.abs _section_cstart, $3  }
0xc0: {  	[dreg:$0x1] =	wrdreg $0xFFFFFFFF  }
0xc1: {  	_ =	task.clear_ibuf [dreg:s6], $0x2FFFF;
	_ =	strace $0x9FFFFFFF  }
0xc2: {  	(tm) =	ssettm $0x7FFFFFFF  }
0xc3: {  	_ =	shalt  }
tec
execute0_lowered:
.L_overlay_start_1:
0x0: {  	(tag) =	ssettag $0x1  }
0x1: {  	s4 =	rddreg [dreg:$0x0]  }
0x2: {  	s1 =	rddreg [dreg:$0x1]  }
0x3: {  	s0 =	rddreg [dreg:$0x2];
	s3 =	simm.s32 $0x0  }
0x4: {  	s2 =	stileid.u32;
	s6 =	srdreg.scid;
	s17 =	simm.s32 $0x17880  }
0x5: {  	s18 =	simm.s32 $0x1;
	s19 =	simm.s32 $0x13880;
	s20 =	simm.s32 $0x50  }
0x6: {  	[smem:$0x7FF] =	sst s3;
	s5 =	sshll.u32 s2, $0xB;
	s7 =	smul.u32 $0x4E000, s2  }
0x7: {  	s9 =	sadd.s32 $0x14000, s4;
	s10 =	sand.u32 $0x1, s6;
	s11 =	smul.u32 $0x13800, s2  }
0x8: {  	s6 =	sadd.s32 $0x138000, s1;
	p0 =	sne.s32 s2, $0xF;
	_ =	strace $0x80000047  }
0x9: {  	s8 =	sadd.s32 s5, s4;
	s25 =	ssub.s32 $0x2, s10;
	s28 =	smul.u32 $0x138800, s10  }
0xa: {  	s10 =	sshll.u32 s10, $0xF;
	s26 =	sshrl.u32 s7, $0x2;
	s29 =	sshrl.u32 s25, $0x1  }
0xb: {  	s8 =	sadd.s32 s10, s8;
	s4 =	sadd.s32 s26, s1;
	s12 =	ssub.s32 s25, s29  }
0xc: {  	s11 =	sadd.s32 s11, s28;
	s7 =	sshrl.u32 s28, $0x3;
	s5 =	sadd.s32 $0x11800, s4  }
0xd: {  	s30 =	sshrl.u32 s11, $0x3;
	s31 =	sadd.s32 s9, s7;
	s7 =	sadd.s32 $0x4000, s8  }
0xe: {  	s10 =	smax.u32 s12, $0x1;
	s11 =	sadd.s32 $0x2800, s4;
	s12 =	sadd.s32 $0x5000, s4  }
0xf: {  	s13 =	sadd.s32 $0x7800, s4;
	s14 =	sadd.s32 $0xA000, s4;
	s15 =	sadd.s32 $0xC800, s4  }
0x10: {  	v0 =	vimm.f32 $0.0e+00;
	v1 =	vimm.f32 $1.000000000e+00;
	s16 =	sadd.s32 $0xF000, s4;
	s8 =	sadd.s32 s9, s30;
	s9 =	sadd.s32 $0x27000, s31  }
.LBB2_1:
0x11: {  	s21 =	simm.s32 $0x70;
	s22 =	simm.s32 $0x3C0  }
.LBB2_2:
0x12: {  	p1 =	sne.s32 s22, $0x9FC0;
	[tilespmem:s21+$0x17880] =	vst v0  }
0x13: {  	[tilespmem:s21+$0x17810] =	vst v0  }
0x14: {  	[tilespmem:s21+$0x17820] =	vst v0  }
.Ltmp0:
0x15: {  	[tilespmem:s21+$0x17830] =	vst v0;
	(pc) =	sbr.rel @p1 .LBB2_2-.Ltmp0, $4  }
0x16: {  	[tilespmem:s21+$0x17840] =	vst v0  }
0x17: {  	[tilespmem:s21+$0x17850] =	vst v0  }
0x18: {  	[tilespmem:s21+$0x17860] =	vst v0  }
0x19: {  	[tilespmem:s21+$0x17870] =	vst v0;
	s21 =	sshra.s32 s22, $0x2;
	s22 =	sadd.s32 $0x200, s22  }
0x1a: {  	[tilespmem:s21+$0x17880] =	vst v0  }
0x1b: {  	[tilespmem:s21+$0x17810] =	vst v0  }
0x1c: {  	[tilespmem:s21+$0x17820] =	vst v0  }
0x1d: {  	[tilespmem:s21+$0x17830] =	vst v0  }
0x1e: {  	[tilespmem:s21+$0x17840] =	vst v0  }
0x1f: {  	[tilespmem:s21+$0x17850] =	vst v0  }
0x20: {  	[tilespmem:s21+$0x17860] =	vst v0  }
0x21: {  	[tilespmem:s21+$0x17870] =	vst v0  }
0x22: {  	[spmem:s4] =	stream.linear.scatter [tilespmem:s17], [sflag:$0x1], $0x2800, $0x38;
	[tilespmem:$0x1A080] =	vst v63  }
0x23: {  	_ =	swait.ge [sflag:s18], $0x2800  }
0x24: {  	[sflag:s18] =	ssyncset.done $0x0  }
0x25: {  	[sflag:s18] =	ssyncadd.s32 $0xFFFFD800  }
0x26: {  	[spmem:s11] =	stream.linear.scatter [tilespmem:s17], [sflag:$0x1], $0x2800, $0x38;
	[tilespmem:$0x1A080] =	vst v63  }
0x27: {  	_ =	swait.ge [sflag:s18], $0x2800  }
0x28: {  	[sflag:s18] =	ssyncset.done $0x0  }
0x29: {  	[sflag:s18] =	ssyncadd.s32 $0xFFFFD800  }
0x2a: {  	[spmem:s12] =	stream.linear.scatter [tilespmem:s17], [sflag:$0x1], $0x2800, $0x38;
	[tilespmem:$0x1A080] =	vst v63  }
0x2b: {  	_ =	swait.ge [sflag:s18], $0x2800  }
0x2c: {  	[sflag:s18] =	ssyncset.done $0x0  }
0x2d: {  	[sflag:s18] =	ssyncadd.s32 $0xFFFFD800  }
0x2e: {  	[spmem:s13] =	stream.linear.scatter [tilespmem:s17], [sflag:$0x1], $0x2800, $0x38;
	[tilespmem:$0x1A080] =	vst v63  }
0x2f: {  	_ =	swait.ge [sflag:s18], $0x2800  }
0x30: {  	[sflag:s18] =	ssyncset.done $0x0  }
0x31: {  	[sflag:s18] =	ssyncadd.s32 $0xFFFFD800  }
0x32: {  	[spmem:s14] =	stream.linear.scatter [tilespmem:s17], [sflag:$0x1], $0x2800, $0x38;
	[tilespmem:$0x1A080] =	vst v63  }
0x33: {  	_ =	swait.ge [sflag:s18], $0x2800  }
0x34: {  	[sflag:s18] =	ssyncset.done $0x0  }
0x35: {  	[sflag:s18] =	ssyncadd.s32 $0xFFFFD800  }
0x36: {  	[spmem:s15] =	stream.linear.scatter [tilespmem:s17], [sflag:$0x1], $0x2800, $0x38;
	[tilespmem:$0x1A080] =	vst v63  }
0x37: {  	_ =	swait.ge [sflag:s18], $0x2800  }
0x38: {  	[sflag:s18] =	ssyncset.done $0x0  }
0x39: {  	[sflag:s18] =	ssyncadd.s32 $0xFFFFD800  }
0x3a: {  	[spmem:s16] =	stream.linear.scatter [tilespmem:s17], [sflag:$0x1], $0x2800, $0x38;
	[tilespmem:$0x1A080] =	vst v63  }
0x3b: {  	_ =	swait.ge [sflag:s18], $0x2800  }
0x3c: {  	[sflag:s18] =	ssyncset.done $0x0  }
0x3d: {  	[sflag:s18] =	ssyncadd.s32 $0xFFFFD800  }
0x3e: {  	[spmem:s5] =	stream.linear.scatter [tilespmem:s17], [sflag:$0x1], $0x2000, $0x38;
	[tilespmem:$0x1A080] =	vst v63  }
0x3f: {  	_ =	swait.ge [sflag:s18], $0x2000  }
0x40: {  	[sflag:s18] =	ssyncset.done $0x0  }
0x41: {  	s21 =	simm.s32 @!p0 $0x17880;
	[sflag:s18] =	ssyncadd.s32 $0xFFFFE000  }
0x42: {  	[spmem:s6] =	stream.linear.scatter @!p0 [tilespmem:s21], [sflag:$0x1], $0x800, $0x38;
	[tilespmem:$0x1A080] =	vst v63  }
0x43: {  	s21 =	simm.s32 @!p0 $0x1  }
0x44: {  	_ =	swait.ge @!p0 [sflag:s21], $0x800  }
0x45: {  	[sflag:s21] =	ssyncset.done @!p0 $0x0  }
0x46: {  	s22 =	simm.s32 $0x3C0;
	[sflag:s21] =	ssyncadd.s32 @!p0 $0xFFFFF800;
	s21 =	simm.s32 $0x70  }
.LBB2_4:
0x47: {  	p1 =	sne.s32 s22, $0x9FC0;
	[tilespmem:s21+$0x17880] =	vst v1  }
0x48: {  	[tilespmem:s21+$0x17810] =	vst v1  }
0x49: {  	[tilespmem:s21+$0x17820] =	vst v1  }
.Ltmp1:
0x4a: {  	[tilespmem:s21+$0x17830] =	vst v1;
	(pc) =	sbr.rel @p1 .LBB2_4-.Ltmp1, $4  }
0x4b: {  	[tilespmem:s21+$0x17840] =	vst v1  }
0x4c: {  	[tilespmem:s21+$0x17850] =	vst v1  }
0x4d: {  	[tilespmem:s21+$0x17860] =	vst v1  }
0x4e: {  	[tilespmem:s21+$0x17870] =	vst v1;
	s21 =	sshra.s32 s22, $0x2;
	s22 =	sadd.s32 $0x200, s22  }
0x4f: {  	[tilespmem:s21+$0x17880] =	vst v1  }
0x50: {  	[tilespmem:s21+$0x17810] =	vst v1  }
0x51: {  	[tilespmem:s21+$0x17820] =	vst v1  }
0x52: {  	[tilespmem:s21+$0x17830] =	vst v1  }
0x53: {  	[tilespmem:s21+$0x17840] =	vst v1  }
0x54: {  	[tilespmem:s21+$0x17850] =	vst v1  }
0x55: {  	[tilespmem:s21+$0x17860] =	vst v1  }
0x56: {  	[tilespmem:s21+$0x17870] =	vst v1;
	s30 =	simm.s32 $0x0  }
0x57: {  	[tilespmem:s19], [sflag:$0x1] =	stream.linear.gather [hbm4b:s7+s30], $0x3E80, $0x38;
	[tilespmem:$0x1A080] =	vst v63  }
0x58: {  	_ =	swait.ge [sflag:s18], $0x3E80  }
0x59: {  	[sflag:s18] =	ssyncset.done $0x0  }
0x5a: {  	[sflag:s18] =	ssyncadd.s32 $0xFFFFC180  }
0x5b: {  	s31 =	simm.s32 $0x13880;
	[bflag:$0x0] =	sbarrier.arrive $0xFFFF  }
0x5c: {  	[spmem:s1] =	stream.indirect.scatter.add.f32 [tilespmem:s17], [sflag:$0x1], $0x80, s31, s20, $0xb8;
	[tilespmem:$0x1A080] =	vst v63  }
0x5d: {  	s21 =	simm.s32 $0x200;
	_ =	swait.ge [sflag:s18], $0x2800  }
.LBB2_6:
0x5e: {  	s22 =	sshra.s32 s21, $0x2;
	[sflag:s18] =	ssyncset.done $0x0;
	p1 =	sne.s32 s21, $0xF800  }
.Ltmp2:
0x5f: {  	s22 =	sadd.s32 $0x13880, s22;
	[sflag:s18] =	ssyncadd.s32 $0xFFFFD800;
	(pc) =	sbr.rel @p1 .LBB2_6-.Ltmp2, $3  }
0x60: {  	[spmem:s1] =	stream.indirect.scatter.add.f32 [tilespmem:s17], [sflag:$0x1], $0x80, s22, s20, $0xb8;
	[tilespmem:$0x1A080] =	vst v63  }
0x61: {  	s21 =	sadd.s32 $0x200, s21;
	_ =	sdelay $0x1  }
0x62: {  	_ =	swait.ge [sflag:s18], $0x2800  }
0x63: {  	[sflag:s18] =	ssyncset.done $0x0  }
0x64: {  	s21 =	sshll.u32 s2, $0x6;
	[sflag:s18] =	ssyncadd.s32 $0xFFFFD800  }
0x65: {  	s22 =	sshrl.u32 s4, $0x3;
	s21 =	sor.u32 $0x1C01, s21;
	[bflag:$0x0] =	sbarrier.arrive $0xFFFF  }
0x66: {  	[hbm:s8], [sflag:s21] =	dma.local [spmem:s22], $0x2700  }
0x67: {  	_ =	swait.ge [sflag:s18], $0x2700  }
0x68: {  	s3 =	sadd.s32 $0x1, s3;
	[sflag:s18] =	ssyncset.done $0x0  }
0x69: {  	p1 =	sne.s32 s3, s10;
	s22 =	sshrl.u32 @!p0 s6, $0x3;
	[sflag:s18] =	ssyncadd.s32 $0xFFFFD900  }
0x6a: {  	[hbm:s9], [sflag:s21] =	dma.local @!p0 [spmem:s22], $0x100  }
.Ltmp3:
0x6b: {  	_ = 	snop;
	(pc) =	sbr.rel @p1 .LBB2_1-.Ltmp3, $4  }
0x6c: {  	s21 =	simm.s32 @!p0 $0x1  }
0x6d: {  	_ =	swait.ge @!p0 [sflag:s21], $0x100  }
0x6e: {  	[sflag:s21] =	ssyncset.done @!p0 $0x0  }
0x6f: {  	[sflag:s21] =	ssyncadd.s32 @!p0 $0xFFFFFF00  }
0x70: {  	_ =	sfence.sel $0x180000  }
0x71: {  	[bflag:$0x0] =	sbarrier.arrive $0xFFFF  }
0x72: {  	p0 =	sne.s32 s2, $0x0;
	_ =	strace $0x90000047  }
0x73: {  	s0 =	sadd.s32 @!p0 $0x100000, s0;
	[bflag:$0x2] =	sbarrier.arrive $0xFFFF  }
0x74: {  	[sflag:s0] =	ssyncadd.tile.s32 @!p0 $0x1;
	_ =	shalt  }
.Lfunc_end2:
_tile_overlayer_lowered:
.L_overlay_start_2:
0x75: {  	(tag) =	ssettag $0x2  }
0x76: {  	s0 =	rddreg [dreg:$0x0];
	s2 =	stileid.u32  }
0x77: {  	s1 =	rddreg [dreg:$0x1];
	p0 =	sne.s32 s2, $0x0  }
0x78: {  	s3 =	rddreg [dreg:$0x2];
	[bflag:$0x3] =	sbarrier.arrive $0xFFFF;
	s2 =	simm.s32 @!p0 $0x1C01  }
0x79: {  	[timem:s3], [sflag:s2] =	dma.local @!p0 [hbm:s0], s1  }
0x7a: {  	s0 =	simm.s32 @!p0 $0x1  }
0x7b: {  	_ =	swait.ge @!p0 [sflag:s0], s1  }
0x7c: {  	s1 =	ssub.s32 @!p0 $0x0, s1;
	[sflag:s0] =	ssyncset.done @!p0 $0x0  }
0x7d: {  	[sflag:s0] =	ssyncadd.s32 @!p0 s1  }
0x7e: {  	[bflag:$0x3] =	sbarrier.arrive $0xFFFF  }
0x7f: {  	_ =	shalt  }

// kernel: kernel.18.cloned.1.call-start
scs
__scs_entry_jumppad:
0x0: {  	(pc) =	sbr.rel $0x88, $3  }
0x1: {  	(tag) =	ssettag $0x0;
	lr =	simm.s32 $0x1  }
0x2: {  	[smem:$0x3F99] =	sst lr;
	_ =	strace $0xD0000000  }
0x3: {  	_ = 	snop  }
0x4: {  	_ = 	snop  }
0x5: {  	_ = 	snop  }
0x6: {  	_ = 	snop  }
0x7: {  	_ = 	snop  }
__scs_overlays_trampoline_lowered:
0x8: {  	[smem:$0x3FA8] =	sst s0  }
0x9: {  	[smem:$0x3FA9] =	sst s1  }
0xa: {  	[smem:$0x3FAA] =	sst s2  }
0xb: {  	[smem:$0x3FAB] =	sst s3  }
0xc: {  	[smem:$0x3FAC] =	sst s4  }
0xd: {  	[smem:$0x3FAD] =	sst s5  }
0xe: {  	[smem:$0x3FAE] =	sst s6  }
0xf: {  	[smem:$0x3FAF] =	sst s7  }
0x10: {  	[smem:$0x3FB0] =	sst s8  }
0x11: {  	[smem:$0x3FB1] =	sst s9;
	s0 =	simm.s32 @!p0 $0x0  }
0x12: {  	s1 =	sld [smem:$0x3F97];
	s0 =	simm.s32 @p0 $0x1  }
0x13: {  	[smem:$0x3FB2] =	sst s0;
	s0 =	simm.s32 @!p1 $0x0  }
0x14: {  	s2 =	sld [smem:$0x3F96];
	s0 =	simm.s32 @p1 $0x1  }
0x15: {  	[smem:$0x3FB3] =	sst s0;
	s0 =	simm.s32 @!p2 $0x0  }
0x16: {  	s3 =	sld [smem:$0x3FDB];
	s0 =	simm.s32 @p2 $0x1  }
0x17: {  	s4 =	simm.s32 $0x1BF5;
	[smem:$0x3FB5] =	sst s0  }
0x18: {  	s0 =	sld [smem:$0x3F98];
	_ =	swait.ge [sflag:s4], $0x0  }
0x19: {  	s7 =	sld [smem:$0x3F99]  }
0x1a: {  	s8 =	sadd.s32 $0xFFFFE003, lr  }
0x1b: {  	s9 =	sadd.s32 $0xFFFFFEF7, lr;
	s5 =	simm.s32 $0xFFFFFFFF;
	p2 =	slt.u32 s8, $0xFFFFF086  }
0x1c: {  	p1 =	slt.u32 s9, $0xF7A;
	s5 =	simm.s32 @!p2 $0x0  }
0x1d: {  	s5 =	simm.s32 @p1 $0x1;
	p0 =	seq.s32 s7, s2  }
0x1e: {  	s7 =	smul.u32 @!p0 $0xF7A, s2;
	p2 =	seq.s32 @!p0 s5, $0x0  }
0x1f: {  	s9 =	smul.u32 $0xF7A, s1;
	s8 =	simm.s32 @!p0 $0x1BF5;
	p2 =	por !p2, p0  }
0x20: {  	[sflag:s8] =	ssyncset.s32 @!p0 $0xFFFFF086;
	s6 =	sadd.s32 @!p0 s3, s7;
	s7 =	simm.s32 @!p0 $0x108  }
0x21: {  	s3 =	sadd.s32 s3, s9;
	s6 =	sadd.s32 @!p0 $0x88, s6;
	s7 =	simm.s32 @p2 $0x1082  }
0x22: {  	[simem:s7], [sflag:s8] =	dma.local @!p0 [hbm:s6], $0xF7A  }
0x23: {  	s9 =	sor.u32 $0xD0000000, s2;
	s6 =	simm.s32 $0x108;
	_ =	swait.ge @!p0 [sflag:s8], $0x0  }
0x24: {  	s3 =	sadd.s32 $0x88, s3;
	s6 =	simm.s32 @!p1 $0x1082;
	[sflag:s4] =	ssyncset.s32 $0xFFFFF086  }
0x25: {  	[simem:s6], [sflag:s4] =	dma.local [hbm:s3], $0xF7A  }
0x26: {  	[smem:$0x3F99] =	sst s1;
	(tag) =	ssettag s2;
	_ =	strace s9  }
0x27: {  	s1 =	sld [smem:$0x3FA9]  }
0x28: {  	s2 =	sld [smem:$0x3FAA]  }
0x29: {  	s4 =	sld [smem:$0x3FAC]  }
0x2a: {  	p0 =	seq.s32 s5, $0x0;
	s5 =	sld [smem:$0x3FAD]  }
0x2b: {  	s6 =	sld [smem:$0x3FAE]  }
0x2c: {  	s7 =	sld [smem:$0x3FAF]  }
0x2d: {  	s3 =	simm.s32 $0x108;
	s8 =	sld [smem:$0x3FB0]  }
0x2e: {  	s3 =	simm.s32 @!p0 $0x1082;
	s9 =	sld [smem:$0x3FB1]  }
0x2f: {  	lr =	sadd.s32 s0, s3;
	s0 =	sld [smem:$0x3FA8]  }
0x30: {  	s3 =	sld [smem:$0x3FAB]  }
0x31: {  	[smem:$0x3FB4] =	sst s10  }
0x32: {  	s10 =	sld [smem:$0x3FB2];
	_ =	sdelay $0x3  }
0x33: {  	p0 =	seq.s32 s10, $0x1;
	s10 =	sld [smem:$0x3FB4];
	_ =	sdelay $0x3  }
0x34: {  	[smem:$0x3FB4] =	sst s10  }
0x35: {  	s10 =	sld [smem:$0x3FB3];
	_ =	sdelay $0x3  }
0x36: {  	p1 =	seq.s32 s10, $0x1;
	s10 =	sld [smem:$0x3FB4];
	_ =	sdelay $0x3  }
0x37: {  	[smem:$0x3FB4] =	sst s10  }
0x38: {  	s10 =	sld [smem:$0x3FB5]  }
0x39: {  	_ = 	snop;
	(pc) =	sbr.ind lr, $3  }
0x3a: {  	_ = 	snop  }
0x3b: {  	_ = 	snop  }
0x3c: {  	p2 =	seq.s32 s10, $0x1;
	s10 =	sld [smem:$0x3FB4]  }
0x3d: {  	_ =	shalt  }
0x3e: {  	_ =	shalt  }
0x3f: {  	_ =	shalt  }
0x40: {  	_ =	shalt  }
0x41: {  	_ =	shalt  }
0x42: {  	_ =	shalt  }
0x43: {  	_ =	shalt  }
0x44: {  	_ =	shalt  }
0x45: {  	_ =	shalt  }
0x46: {  	_ =	shalt  }
0x47: {  	_ =	shalt  }
0x48: {  	_ =	shalt  }
0x49: {  	_ =	shalt  }
0x4a: {  	_ =	shalt  }
0x4b: {  	_ =	shalt  }
0x4c: {  	_ =	shalt  }
0x4d: {  	_ =	shalt  }
0x4e: {  	_ =	shalt  }
0x4f: {  	_ =	shalt  }
0x50: {  	_ =	shalt  }
0x51: {  	_ =	shalt  }
0x52: {  	_ =	shalt  }
0x53: {  	_ =	shalt  }
0x54: {  	_ =	shalt  }
0x55: {  	_ =	shalt  }
0x56: {  	_ =	shalt  }
0x57: {  	_ =	shalt  }
0x58: {  	_ =	shalt  }
0x59: {  	_ =	shalt  }
0x5a: {  	_ =	shalt  }
0x5b: {  	_ =	shalt  }
0x5c: {  	_ =	shalt  }
0x5d: {  	_ =	shalt  }
0x5e: {  	_ =	shalt  }
0x5f: {  	_ =	shalt  }
0x60: {  	_ =	shalt  }
0x61: {  	_ =	shalt  }
0x62: {  	_ =	shalt  }
0x63: {  	_ =	shalt  }
0x64: {  	_ =	shalt  }
0x65: {  	_ =	shalt  }
0x66: {  	_ =	shalt  }
0x67: {  	_ =	shalt  }
0x68: {  	_ =	shalt  }
0x69: {  	_ =	shalt  }
0x6a: {  	_ =	shalt  }
0x6b: {  	_ =	shalt  }
0x6c: {  	_ =	shalt  }
0x6d: {  	_ =	shalt  }
0x6e: {  	_ =	shalt  }
0x6f: {  	_ =	shalt  }
0x70: {  	_ =	shalt  }
0x71: {  	_ =	shalt  }
0x72: {  	_ =	shalt  }
0x73: {  	_ =	shalt  }
0x74: {  	_ =	shalt  }
0x75: {  	_ =	shalt  }
0x76: {  	_ =	shalt  }
0x77: {  	_ =	shalt  }
0x78: {  	_ =	shalt  }
0x79: {  	_ =	shalt  }
0x7a: {  	_ =	shalt  }
0x7b: {  	_ =	shalt  }
0x7c: {  	_ =	shalt  }
0x7d: {  	_ =	shalt  }
0x7e: {  	_ =	shalt  }
0x7f: {  	_ =	shalt  }
0x80: {  	_ =	shalt  }
0x81: {  	_ =	shalt  }
0x82: {  	_ =	shalt  }
0x83: {  	_ =	shalt  }
0x84: {  	_ =	shalt  }
0x85: {  	_ =	shalt  }
0x86: {  	_ =	shalt  }
0x87: {  	_ =	shalt  }
.Lfunc_end0:
.L_simem_size_0:
called_computation.1_lowered:
.L_overlay_start_0:
0x88: {  	s2 =	sld [smem:$0x3FD9]  }
0x89: {  	s3 =	sld [smem:$0x3FFE];
	_ =	sdelay $0x1  }
0x8a: {  	s1 =	srdreg.scid  }
0x8b: {  	s0 =	sand.u32 $0x1, s1  }
0x8c: {  	s17 =	sshll.u32 s0, $0xA;
	s2 =	sadd.s32 s3, s2  }
0x8d: {  	s2 =	sadd.s32 s2, s17  }
0x8e: {  	[smem:$0x3FC0] =	sst s2  }
0x8f: {  	_ = 	snop  }
0x90: {  	s2 =	sld [smem:$0x3FD0];
	(tm) =	ssettm $0x1  }
0x91: {  	s18 =	sld [smem:$0x3FFB];
	_ =	sdelay $0x3  }
0x92: {  	_ =	strace s18  }
0x93: {  	s3 =	sld [smem:$0x3FFC];
	_ =	sdelay $0x3  }
0x94: {  	_ =	strace s3  }
0x95: {  	s3 =	sld [smem:$0x3FFD];
	_ =	sdelay $0x3  }
0x96: {  	_ =	strace s3  }
0x97: {  	_ =	strace $0x8FFFFFFF  }
0x98: {  	s19 =	sld [smem:$0x3FDB];
	_ =	sdelay $0x1  }
0x99: {  	s4 =	simm.s32 $_scs_section_size  }
0x9a: {  	s5 =	simm.s32 $_size__tile_overlayer_lowered;
	s6 =	simm.s32 $_tile_overlayer_lowered  }
0x9b: {  	s22 =	simm.s32 $0x1BFF;
	s21 =	sshll.u32 s6, $0x1;
	s3 =	sadd.s32 s4, s19  }
0x9c: {  	s7 =	simm.s32 $0x0;
	s20 =	sshll.u32 s5, $0x1;
	s5 =	sadd.s32 s21, s3  }
0x9d: {  	[timem:s7], [sflag:s22] =	dma.local [hbm:s5], s20  }
0x9e: {  	_ =	swait.ge [sflag:s22], s20  }
0x9f: {  	s4 =	ssub.s32 $0x0, s20;
	[sflag:s22] =	ssyncset.done $0x0  }
0xa0: {  	[sflag:s22] =	ssyncadd.s32 s4;
	_ =	sdelay $0x1  }
0xa1: {  	s23 =	simm.s32 $0x1B8B  }
0xa2: {  	_ =	swait.ge [sflag:s23], $0x1  }
0xa3: {  	[sflag:s23] =	ssyncset.done $0x0  }
0xa4: {  	s25 =	simm.s32 $0x1B8E;
	s24 =	sld [smem:$0x3FFE];
	[sflag:s23] =	ssyncadd.s32 $0xFFFFFFFF  }
0xa5: {  	s26 =	simm.s32 $execute0_lowered;
	[smem:$0x3FD2] =	sst s25  }
0xa6: {  	s5 =	sshll.u32 s26, $0x1;
	_ =	strace $0x80000049;
	[dreg:$0x1] =	wrdreg $0xFFFFFFFF  }
0xa7: {  	s28 =	simm.s32 $_size_execute0_lowered;
	s3 =	sadd.s32 s3, s5;
	[dreg:$0x0] =	wrdreg $0x0  }
0xa8: {  	s5 =	sshll.u32 s28, $0x1;
	[dreg:$0x2] =	wrdreg s3  }
0xa9: {  	[dreg:$0x3] =	wrdreg s5  }
0xaa: {  	[dreg:$0x4] =	wrdreg $0xC0  }
0xab: {  	_ =	task [dreg:s7], $0x5FFFF  }
0xac: {  	[dreg:$0x1] =	wrdreg $0xFFFFFFFF  }
0xad: {  	[dreg:$0x0] =	wrdreg $0x60  }
0xae: {  	[dreg:$0x2] =	wrdreg s2  }
0xaf: {  	[dreg:$0x3] =	wrdreg s24  }
0xb0: {  	[dreg:$0x4] =	wrdreg $0x0  }
0xb1: {  	[dreg:$0x5] =	wrdreg $0x9  }
0xb2: {  	_ =	task.clear_ibuf [dreg:s7], $0x6FFFF;
	_ =	strace $0x90000049  }
0xb3: {  	s29 =	simm.s32 $0x9;
	_ =	strace $0x8000004B  }
0xb4: {  	_ =	swait.ge [sflag:s29], $0x1  }
0xb5: {  	[sflag:s29] =	ssyncadd.s32 $0xFFFFFFFF  }
0xb6: {  	_ =	strace $0x9000004B  }
0xb7: {  	_ =	sfence  }
0xb8: {  	s30 =	sld [smem:$0x0];
	_ =	sdelay $0x2  }
0xb9: {  	s31 =	sshll.u32 s1, $0xD;
	s1 =	sshrl.u32 s1, $0x2  }
0xba: {  	s3 =	sand.u32 $0x4000, s31;
	s1 =	sadd.s32 s1, s30  }
0xbb: {  	s0 =	sor.u32 s3, s0;
	s1 =	sshll.u32 s1, $0x11  }
0xbc: {  	s0 =	sor.u32 s1, s0  }
0xbd: {  	s0 =	sadd.s32 $0x8F2B, s0  }
0xbe: {  	[sflag:s0] =	ssyncadd.remote.s32 $0x1  }
0xbf: {  	_ =	sfence.sel $0xFFFF  }
0xc0: {  	[dreg:$0x0] =	wrdreg $0xFFFFFFFF;
	(pc) =	sbr.abs _section_cstart, $3  }
0xc1: {  	[dreg:$0x1] =	wrdreg $0xFFFFFFFF  }
0xc2: {  	_ =	task.clear_ibuf [dreg:s7], $0x2FFFF;
	_ =	strace $0x9FFFFFFF  }
0xc3: {  	(tm) =	ssettm $0x7FFFFFFF  }
tec
execute0_lowered:
.L_overlay_start_1:
0x0: {  	(tag) =	ssettag $0x1  }
0x1: {  	s1 =	rddreg [dreg:$0x0]  }
0x2: {  	s0 =	srdreg.scid;
	s2 =	rddreg [dreg:$0x1]  }
0x3: {  	s19 =	stileid.u32;
	s3 =	rddreg [dreg:$0x2];
	s20 =	simm.s32 $0x3  }
0x4: {  	s21 =	simm.s32 $0x13880;
	s23 =	simm.s32 $0x50;
	s25 =	simm.s32 $0x1C800  }
0x5: {  	s28 =	simm.s32 $0x2;
	s31 =	simm.s32 $0x19D80;
	s7 =	smul.u32 $0x4E000, s19  }
0x6: {  	s0 =	sand.u32 $0x1, s0;
	s10 =	smul.u32 $0x13800, s19;
	p0 =	sne.s32 s19, $0xF  }
0x7: {  	s4 =	sshll.u32 s0, $0x4;
	s26 =	ssub.s32 $0x2, s0;
	s0 =	smul.u32 $0x138800, s0  }
0x8: {  	s5 =	sor.u32 s19, s4;
	s4 =	simm.s32 $0x0;
	s29 =	sshrl.u32 s7, $0x2  }
0x9: {  	s30 =	sshrl.u32 s26, $0x1;
	s7 =	sadd.s32 $0x138000, s3;
	s19 =	simm.s32 $0x1A000  }
0xa: {  	s6 =	smul.u32 $0x4F0, s5;
	[smem:$0x7FF] =	sst s4;
	s5 =	sshll.u32 s5, $0xB  }
0xb: {  	s12 =	ssub.s32 s26, s30;
	s10 =	sadd.s32 s10, s0;
	s0 =	sshrl.u32 s0, $0x3  }
0xc: {  	s26 =	simm.s32 $0x1;
	_ =	strace $0x8000004A;
	s9 =	sadd.s32 s5, s2  }
0xd: {  	s5 =	sadd.s32 s29, s3;
	s10 =	sshrl.u32 s10, $0x3;
	s12 =	smax.u32 s12, $0x1  }
0xe: {  	s8 =	sadd.s32 s6, s2;
	s2 =	sadd.s32 $0x14000, s2;
	s6 =	sadd.s32 $0x11800, s5  }
0xf: {  	s9 =	sadd.s32 $0x4000, s9;
	s13 =	sadd.s32 $0x2800, s5;
	s14 =	sadd.s32 $0x5000, s5  }
0x10: {  	s15 =	sadd.s32 $0x7800, s5;
	s16 =	sadd.s32 $0xA000, s5;
	s17 =	sadd.s32 $0xC800, s5  }
0x11: {  	s18 =	sadd.s32 $0xF000, s5;
	s8 =	sadd.s32 $0x62200, s8;
	s0 =	sadd.s32 s2, s0  }
0x12: {  	v0 =	vimm.f32 $0.0e+00;
	s10 =	sadd.s32 s2, s10;
	s2 =	simm.s32 $0x19E00;
	s11 =	sadd.s32 $0x27000, s0  }
.LBB2_1:
0x13: {  	s0 =	simm.s32 $0x70;
	s22 =	simm.s32 $0x3C0  }
.LBB2_2:
0x14: {  	p1 =	sne.s32 s22, $0x9FC0;
	[tilespmem:s0+$0x1A000] =	vst v0  }
0x15: {  	[tilespmem:s0+$0x19F90] =	vst v0  }
0x16: {  	[tilespmem:s0+$0x19FA0] =	vst v0  }
.Ltmp0:
0x17: {  	[tilespmem:s0+$0x19FB0] =	vst v0;
	(pc) =	sbr.rel @p1 .LBB2_2-.Ltmp0, $4  }
0x18: {  	[tilespmem:s0+$0x19FC0] =	vst v0  }
0x19: {  	[tilespmem:s0+$0x19FD0] =	vst v0  }
0x1a: {  	[tilespmem:s0+$0x19FE0] =	vst v0  }
0x1b: {  	[tilespmem:s0+$0x19FF0] =	vst v0;
	s0 =	sshra.s32 s22, $0x2;
	s22 =	sadd.s32 $0x200, s22  }
0x1c: {  	[tilespmem:s0+$0x1A000] =	vst v0  }
0x1d: {  	[tilespmem:s0+$0x19F90] =	vst v0  }
0x1e: {  	[tilespmem:s0+$0x19FA0] =	vst v0  }
0x1f: {  	[tilespmem:s0+$0x19FB0] =	vst v0  }
0x20: {  	[tilespmem:s0+$0x19FC0] =	vst v0  }
0x21: {  	[tilespmem:s0+$0x19FD0] =	vst v0  }
0x22: {  	[tilespmem:s0+$0x19FE0] =	vst v0  }
0x23: {  	[tilespmem:s0+$0x19FF0] =	vst v0  }
0x24: {  	[spmem:s5] =	stream.linear.scatter [tilespmem:s19], [sflag:$0x3], $0x2800, $0x38;
	[tilespmem:$0x1F000] =	vst v63  }
0x25: {  	_ =	swait.ge [sflag:s20], $0x2800  }
0x26: {  	[sflag:s20] =	ssyncset.done $0x0  }
0x27: {  	[sflag:s20] =	ssyncadd.s32 $0xFFFFD800  }
0x28: {  	[spmem:s13] =	stream.linear.scatter [tilespmem:s19], [sflag:$0x3], $0x2800, $0x38;
	[tilespmem:$0x1F000] =	vst v63  }
0x29: {  	_ =	swait.ge [sflag:s20], $0x2800  }
0x2a: {  	[sflag:s20] =	ssyncset.done $0x0  }
0x2b: {  	[sflag:s20] =	ssyncadd.s32 $0xFFFFD800  }
0x2c: {  	[spmem:s14] =	stream.linear.scatter [tilespmem:s19], [sflag:$0x3], $0x2800, $0x38;
	[tilespmem:$0x1F000] =	vst v63  }
0x2d: {  	_ =	swait.ge [sflag:s20], $0x2800  }
0x2e: {  	[sflag:s20] =	ssyncset.done $0x0  }
0x2f: {  	[sflag:s20] =	ssyncadd.s32 $0xFFFFD800  }
0x30: {  	[spmem:s15] =	stream.linear.scatter [tilespmem:s19], [sflag:$0x3], $0x2800, $0x38;
	[tilespmem:$0x1F000] =	vst v63  }
0x31: {  	_ =	swait.ge [sflag:s20], $0x2800  }
0x32: {  	[sflag:s20] =	ssyncset.done $0x0  }
0x33: {  	[sflag:s20] =	ssyncadd.s32 $0xFFFFD800  }
0x34: {  	[spmem:s16] =	stream.linear.scatter [tilespmem:s19], [sflag:$0x3], $0x2800, $0x38;
	[tilespmem:$0x1F000] =	vst v63  }
0x35: {  	_ =	swait.ge [sflag:s20], $0x2800  }
0x36: {  	[sflag:s20] =	ssyncset.done $0x0  }
0x37: {  	[sflag:s20] =	ssyncadd.s32 $0xFFFFD800  }
0x38: {  	[spmem:s17] =	stream.linear.scatter [tilespmem:s19], [sflag:$0x3], $0x2800, $0x38;
	[tilespmem:$0x1F000] =	vst v63  }
0x39: {  	_ =	swait.ge [sflag:s20], $0x2800  }
0x3a: {  	[sflag:s20] =	ssyncset.done $0x0  }
0x3b: {  	[sflag:s20] =	ssyncadd.s32 $0xFFFFD800  }
0x3c: {  	[spmem:s18] =	stream.linear.scatter [tilespmem:s19], [sflag:$0x3], $0x2800, $0x38;
	[tilespmem:$0x1F000] =	vst v63  }
0x3d: {  	_ =	swait.ge [sflag:s20], $0x2800  }
0x3e: {  	[sflag:s20] =	ssyncset.done $0x0  }
0x3f: {  	[sflag:s20] =	ssyncadd.s32 $0xFFFFD800  }
0x40: {  	[spmem:s6] =	stream.linear.scatter [tilespmem:s19], [sflag:$0x3], $0x2000, $0x38;
	[tilespmem:$0x1F000] =	vst v63  }
0x41: {  	_ =	swait.ge [sflag:s20], $0x2000  }
0x42: {  	[sflag:s20] =	ssyncset.done $0x0  }
0x43: {  	s0 =	simm.s32 @!p0 $0x1A000;
	[sflag:s20] =	ssyncadd.s32 $0xFFFFE000  }
0x44: {  	[spmem:s7] =	stream.linear.scatter @!p0 [tilespmem:s0], [sflag:$0x3], $0x800, $0x38;
	[tilespmem:$0x1F000] =	vst v63  }
0x45: {  	s0 =	simm.s32 @!p0 $0x3  }
0x46: {  	_ =	swait.ge @!p0 [sflag:s0], $0x800  }
0x47: {  	[sflag:s0] =	ssyncset.done @!p0 $0x0  }
0x48: {  	s30 =	simm.s32 $0x0;
	[sflag:s0] =	ssyncadd.s32 @!p0 $0xFFFFF800  }
0x49: {  	[tilespmem:s21], [sflag:$0x3] =	stream.linear.gather [hbm4b:s8+s30], $0x2780, $0x38;
	[tilespmem:$0x1F000] =	vst v63  }
0x4a: {  	_ =	swait.ge [sflag:s20], $0x2780  }
0x4b: {  	[sflag:s20] =	ssyncset.done $0x0  }
0x4c: {  	s22 =	simm.s32 $0x16000;
	[sflag:s20] =	ssyncadd.s32 $0xFFFFD880  }
0x4d: {  	[tilespmem:s22], [sflag:$0x3] =	stream.linear.gather [hbm4b:s9+s30], $0x3E80, $0x38;
	[tilespmem:$0x1F000] =	vst v63  }
0x4e: {  	_ =	swait.ge [sflag:s20], $0x3E80  }
0x4f: {  	[sflag:s20] =	ssyncset.done $0x0  }
0x50: {  	[sflag:s20] =	ssyncadd.s32 $0xFFFFC180  }
0x51: {  	[bflag:$0x0] =	sbarrier.arrive $0xFFFF  }
0x52: {  	[tilespmem:s19], [sflag:$0x1] =	stream.indirect.gather [hbm4b:s1+s23], $0x80, s21, s23, $0xb8;
	[tilespmem:$0x1F000] =	vst v63  }
0x53: {  	s22 =	simm.s32 $0x138D0  }
0x54: {  	[tilespmem:s25], [sflag:$0x2] =	stream.indirect.gather [hbm4b:s1+s23], $0x80, s22, s23, $0xb8;
	[tilespmem:$0x1F000] =	vst v63  }
0x55: {  	_ =	swait.ge [sflag:s26], $0x2800  }
0x56: {  	[sflag:s26] =	ssyncset.done $0x0  }
0x57: {  	s24 =	simm.s32 $0x16000;
	[sflag:s26] =	ssyncadd.s32 $0xFFFFD800  }
0x58: {  	[spmem:s3] =	stream.indirect.scatter.add.f32 [tilespmem:s19], [sflag:$0x3], $0x80, s24, s23, $0xb8;
	[tilespmem:$0x1F000] =	vst v63  }
0x59: {  	_ =	swait.ge [sflag:s20], $0x2800  }
0x5a: {  	[sflag:s20] =	ssyncset.done $0x0  }
0x5b: {  	s29 =	simm.s32 $0x13920;
	[sflag:s20] =	ssyncadd.s32 $0xFFFFD800  }
0x5c: {  	[tilespmem:s19], [sflag:$0x1] =	stream.indirect.gather [hbm4b:s1+s23], $0x80, s29, s23, $0xb8;
	[tilespmem:$0x1F000] =	vst v63  }
0x5d: {  	_ =	swait.ge [sflag:s28], $0x2800  }
0x5e: {  	[sflag:s28] =	ssyncset.done $0x0  }
0x5f: {  	s30 =	simm.s32 $0x16080;
	[sflag:s28] =	ssyncadd.s32 $0xFFFFD800  }
0x60: {  	[spmem:s3] =	stream.indirect.scatter.add.f32 [tilespmem:s25], [sflag:$0x3], $0x80, s30, s23, $0xb8;
	[tilespmem:$0x1F000] =	vst v63  }
0x61: {  	_ =	swait.ge [sflag:s20], $0x2800  }
0x62: {  	s0 =	simm.s32 $0x13970;
	[sflag:s20] =	ssyncset.done $0x0  }
0x63: {  	s22 =	simm.s32 $0x400;
	s24 =	simm.s32 $0x13A10;
	[sflag:s20] =	ssyncadd.s32 $0xFFFFD800  }
.LBB2_4:
0x64: {  	[tilespmem:s25], [sflag:$0x2] =	stream.indirect.gather [hbm4b:s1+s23], $0x80, s0, s23, $0xb8;
	[tilespmem:$0x1F000] =	vst v63  }
0x65: {  	s29 =	smov.u32 s22;
	s0 =	smov.u32 s24  }
0x66: {  	p1 =	sne.s32 s22, $0xF000;
	s22 =	sadd.s32 $0x400, s22;
	_ =	swait.ge [sflag:s26], $0x2800  }
0x67: {  	s29 =	sshra.s32 s29, $0x2;
	[sflag:s26] =	ssyncset.done $0x0  }
0x68: {  	s30 =	sadd.s32 $0x16000, s29;
	[sflag:s26] =	ssyncadd.s32 $0xFFFFD800  }
0x69: {  	[spmem:s3] =	stream.indirect.scatter.add.f32 [tilespmem:s19], [sflag:$0x3], $0x80, s30, s23, $0xb8;
	[tilespmem:$0x1F000] =	vst v63  }
0x6a: {  	_ =	swait.ge [sflag:s20], $0x2800  }
0x6b: {  	[sflag:s20] =	ssyncset.done $0x0  }
0x6c: {  	s30 =	sadd.s32 $0xFFFFFFB0, s24;
	[sflag:s20] =	ssyncadd.s32 $0xFFFFD800  }
0x6d: {  	[tilespmem:s19], [sflag:$0x1] =	stream.indirect.gather [hbm4b:s1+s23], $0x80, s30, s23, $0xb8;
	[tilespmem:$0x1F000] =	vst v63  }
0x6e: {  	_ =	swait.ge [sflag:s28], $0x2800  }
0x6f: {  	[sflag:s28] =	ssyncset.done $0x0  }
.Ltmp1:
0x70: {  	s29 =	sadd.s32 $0x16080, s29;
	[sflag:s28] =	ssyncadd.s32 $0xFFFFD800;
	(pc) =	sbr.rel @p1 .LBB2_4-.Ltmp1, $4  }
0x71: {  	[spmem:s3] =	stream.indirect.scatter.add.f32 [tilespmem:s25], [sflag:$0x3], $0x80, s29, s23, $0xb8;
	[tilespmem:$0x1F000] =	vst v63  }
0x72: {  	_ =	swait.ge [sflag:s20], $0x2800  }
0x73: {  	[sflag:s20] =	ssyncset.done $0x0  }
0x74: {  	s24 =	sadd.s32 $0xA0, s24;
	[sflag:s20] =	ssyncadd.s32 $0xFFFFD800  }
0x75: {  	[tilespmem:s25], [sflag:$0x2] =	stream.indirect.gather [hbm4b:s1+s23], $0x80, s0, s23, $0xb8;
	[tilespmem:$0x1F000] =	vst v63  }
0x76: {  	_ =	swait.ge [sflag:s26], $0x2800  }
0x77: {  	[sflag:s26] =	ssyncset.done $0x0  }
0x78: {  	s24 =	simm.s32 $0x19D00;
	[sflag:s26] =	ssyncadd.s32 $0xFFFFD800  }
0x79: {  	[spmem:s3] =	stream.indirect.scatter.add.f32 [tilespmem:s19], [sflag:$0x3], $0x80, s24, s23, $0xb8;
	[tilespmem:$0x1F000] =	vst v63  }
0x7a: {  	_ =	swait.ge [sflag:s20], $0x2800  }
0x7b: {  	[sflag:s20] =	ssyncset.done $0x0  }
0x7c: {  	s29 =	simm.s32 $0x15F40;
	[sflag:s20] =	ssyncadd.s32 $0xFFFFD800  }
0x7d: {  	[tilespmem:s19], [sflag:$0x1] =	stream.indirect.gather [hbm4b:s1+s23], $0x80, s29, s23, $0xb8;
	[tilespmem:$0x1F000] =	vst v63  }
0x7e: {  	_ =	swait.ge [sflag:s28], $0x2800  }
0x7f: {  	[sflag:s28] =	ssyncset.done $0x0  }
0x80: {  	[sflag:s28] =	ssyncadd.s32 $0xFFFFD800  }
0x81: {  	[spmem:s3] =	stream.indirect.scatter.add.f32 [tilespmem:s25], [sflag:$0x3], $0x80, s31, s23, $0xb8;
	[tilespmem:$0x1F000] =	vst v63  }
0x82: {  	_ =	swait.ge [sflag:s20], $0x2800  }
0x83: {  	[sflag:s20] =	ssyncset.done $0x0  }
0x84: {  	[sflag:s20] =	ssyncadd.s32 $0xFFFFD800  }
0x85: {  	_ =	swait.ge [sflag:s26], $0x2800  }
0x86: {  	[sflag:s26] =	ssyncset.done $0x0  }
0x87: {  	[sflag:s26] =	ssyncadd.s32 $0xFFFFD800  }
0x88: {  	[spmem:s3] =	stream.indirect.scatter.add.f32 [tilespmem:s19], [sflag:$0x3], $0x80, s2, s23, $0xb8;
	[tilespmem:$0x1F000] =	vst v63  }
0x89: {  	_ =	swait.ge [sflag:s20], $0x2800  }
0x8a: {  	s30 =	stileid.u32;
	[sflag:s20] =	ssyncset.done $0x0  }
0x8b: {  	s0 =	sshll.u32 s30, $0x6;
	[sflag:s20] =	ssyncadd.s32 $0xFFFFD800  }
0x8c: {  	s22 =	sshrl.u32 s5, $0x3;
	s0 =	sor.u32 $0x1C03, s0;
	[bflag:$0x0] =	sbarrier.arrive $0xFFFF  }
0x8d: {  	[hbm:s10], [sflag:s0] =	dma.local [spmem:s22], $0x2700  }
0x8e: {  	_ =	swait.ge [sflag:s20], $0x2700  }
0x8f: {  	s4 =	sadd.s32 $0x1, s4;
	[sflag:s20] =	ssyncset.done $0x0  }
0x90: {  	p1 =	sne.s32 s4, s12;
	s22 =	sshrl.u32 @!p0 s7, $0x3;
	[sflag:s20] =	ssyncadd.s32 $0xFFFFD900  }
0x91: {  	[hbm:s11], [sflag:s0] =	dma.local @!p0 [spmem:s22], $0x100  }
.Ltmp2:
0x92: {  	_ = 	snop;
	(pc) =	sbr.rel @p1 .LBB2_1-.Ltmp2, $4  }
0x93: {  	s0 =	simm.s32 @!p0 $0x3  }
0x94: {  	_ =	swait.ge @!p0 [sflag:s0], $0x100  }
0x95: {  	[sflag:s0] =	ssyncset.done @!p0 $0x0  }
0x96: {  	[sflag:s0] =	ssyncadd.s32 @!p0 $0xFFFFFF00  }
0x97: {  	_ =	sfence.sel $0x180000  }
0x98: {  	[bflag:$0x0] =	sbarrier.arrive $0xFFFF  }
0x99: {  	_ =	strace $0x9000004A  }
0x9a: {  	s0 =	stileid.u32;
	[bflag:$0x2] =	sbarrier.arrive $0xFFFF  }
0x9b: {  	p0 =	sne.s32 s0, $0x0;
	s0 =	rddreg [dreg:$0x3]  }
0x9c: {  	s0 =	sadd.s32 @!p0 $0x100000, s0  }
0x9d: {  	[sflag:s0] =	ssyncadd.tile.s32 @!p0 $0x1;
	_ =	shalt  }
.Lfunc_end2:
_tile_overlayer_lowered:
.L_overlay_start_2:
0x9e: {  	(tag) =	ssettag $0x2  }
0x9f: {  	s0 =	rddreg [dreg:$0x0];
	s2 =	stileid.u32  }
0xa0: {  	s1 =	rddreg [dreg:$0x1];
	p0 =	sne.s32 s2, $0x0  }
0xa1: {  	s3 =	rddreg [dreg:$0x2];
	[bflag:$0x3] =	sbarrier.arrive $0xFFFF;
	s2 =	simm.s32 @!p0 $0x1C03  }
0xa2: {  	[timem:s3], [sflag:s2] =	dma.local @!p0 [hbm:s0], s1  }
0xa3: {  	s0 =	simm.s32 @!p0 $0x3  }
0xa4: {  	_ =	swait.ge @!p0 [sflag:s0], s1  }
0xa5: {  	s1 =	ssub.s32 @!p0 $0x0, s1;
	[sflag:s0] =	ssyncset.done @!p0 $0x0  }
0xa6: {  	[sflag:s0] =	ssyncadd.s32 @!p0 s1  }
0xa7: {  	[bflag:$0x3] =	sbarrier.arrive $0xFFFF  }
0xa8: {  	_ =	shalt  }

// kernel: kernel.21.cloned.1.call-start
scs
__scs_entry_jumppad:
0x0: {  	(pc) =	sbr.rel $0x88, $3  }
0x1: {  	(tag) =	ssettag $0x0;
	lr =	simm.s32 $0x1  }
0x2: {  	[smem:$0x3F99] =	sst lr;
	_ =	strace $0xD0000000  }
0x3: {  	_ = 	snop  }
0x4: {  	_ = 	snop  }
0x5: {  	_ = 	snop  }
0x6: {  	_ = 	snop  }
0x7: {  	_ = 	snop  }
__scs_overlays_trampoline_lowered:
0x8: {  	[smem:$0x3FA8] =	sst s0  }
0x9: {  	[smem:$0x3FA9] =	sst s1  }
0xa: {  	[smem:$0x3FAA] =	sst s2  }
0xb: {  	[smem:$0x3FAB] =	sst s3  }
0xc: {  	[smem:$0x3FAC] =	sst s4  }
0xd: {  	[smem:$0x3FAD] =	sst s5  }
0xe: {  	[smem:$0x3FAE] =	sst s6  }
0xf: {  	[smem:$0x3FAF] =	sst s7  }
0x10: {  	[smem:$0x3FB0] =	sst s8  }
0x11: {  	[smem:$0x3FB1] =	sst s9;
	s0 =	simm.s32 @!p0 $0x0  }
0x12: {  	s1 =	sld [smem:$0x3F97];
	s0 =	simm.s32 @p0 $0x1  }
0x13: {  	[smem:$0x3FB2] =	sst s0;
	s0 =	simm.s32 @!p1 $0x0  }
0x14: {  	s2 =	sld [smem:$0x3F96];
	s0 =	simm.s32 @p1 $0x1  }
0x15: {  	[smem:$0x3FB3] =	sst s0;
	s0 =	simm.s32 @!p2 $0x0  }
0x16: {  	s3 =	sld [smem:$0x3FDB];
	s0 =	simm.s32 @p2 $0x1  }
0x17: {  	s4 =	simm.s32 $0x1BF5;
	[smem:$0x3FB5] =	sst s0  }
0x18: {  	s0 =	sld [smem:$0x3F98];
	_ =	swait.ge [sflag:s4], $0x0  }
0x19: {  	s7 =	sld [smem:$0x3F99]  }
0x1a: {  	s8 =	sadd.s32 $0xFFFFE003, lr  }
0x1b: {  	s9 =	sadd.s32 $0xFFFFFEF7, lr;
	s5 =	simm.s32 $0xFFFFFFFF;
	p2 =	slt.u32 s8, $0xFFFFF086  }
0x1c: {  	p1 =	slt.u32 s9, $0xF7A;
	s5 =	simm.s32 @!p2 $0x0  }
0x1d: {  	s5 =	simm.s32 @p1 $0x1;
	p0 =	seq.s32 s7, s2  }
0x1e: {  	s7 =	smul.u32 @!p0 $0xF7A, s2;
	p2 =	seq.s32 @!p0 s5, $0x0  }
0x1f: {  	s9 =	smul.u32 $0xF7A, s1;
	s8 =	simm.s32 @!p0 $0x1BF5;
	p2 =	por !p2, p0  }
0x20: {  	[sflag:s8] =	ssyncset.s32 @!p0 $0xFFFFF086;
	s6 =	sadd.s32 @!p0 s3, s7;
	s7 =	simm.s32 @!p0 $0x108  }
0x21: {  	s3 =	sadd.s32 s3, s9;
	s6 =	sadd.s32 @!p0 $0x88, s6;
	s7 =	simm.s32 @p2 $0x1082  }
0x22: {  	[simem:s7], [sflag:s8] =	dma.local @!p0 [hbm:s6], $0xF7A  }
0x23: {  	s9 =	sor.u32 $0xD0000000, s2;
	s6 =	simm.s32 $0x108;
	_ =	swait.ge @!p0 [sflag:s8], $0x0  }
0x24: {  	s3 =	sadd.s32 $0x88, s3;
	s6 =	simm.s32 @!p1 $0x1082;
	[sflag:s4] =	ssyncset.s32 $0xFFFFF086  }
0x25: {  	[simem:s6], [sflag:s4] =	dma.local [hbm:s3], $0xF7A  }
0x26: {  	[smem:$0x3F99] =	sst s1;
	(tag) =	ssettag s2;
	_ =	strace s9  }
0x27: {  	s1 =	sld [smem:$0x3FA9]  }
0x28: {  	s2 =	sld [smem:$0x3FAA]  }
0x29: {  	s4 =	sld [smem:$0x3FAC]  }
0x2a: {  	p0 =	seq.s32 s5, $0x0;
	s5 =	sld [smem:$0x3FAD]  }
0x2b: {  	s6 =	sld [smem:$0x3FAE]  }
0x2c: {  	s7 =	sld [smem:$0x3FAF]  }
0x2d: {  	s3 =	simm.s32 $0x108;
	s8 =	sld [smem:$0x3FB0]  }
0x2e: {  	s3 =	simm.s32 @!p0 $0x1082;
	s9 =	sld [smem:$0x3FB1]  }
0x2f: {  	lr =	sadd.s32 s0, s3;
	s0 =	sld [smem:$0x3FA8]  }
0x30: {  	s3 =	sld [smem:$0x3FAB]  }
0x31: {  	[smem:$0x3FB4] =	sst s10  }
0x32: {  	s10 =	sld [smem:$0x3FB2];
	_ =	sdelay $0x3  }
0x33: {  	p0 =	seq.s32 s10, $0x1;
	s10 =	sld [smem:$0x3FB4];
	_ =	sdelay $0x3  }
0x34: {  	[smem:$0x3FB4] =	sst s10  }
0x35: {  	s10 =	sld [smem:$0x3FB3];
	_ =	sdelay $0x3  }
0x36: {  	p1 =	seq.s32 s10, $0x1;
	s10 =	sld [smem:$0x3FB4];
	_ =	sdelay $0x3  }
0x37: {  	[smem:$0x3FB4] =	sst s10  }
0x38: {  	s10 =	sld [smem:$0x3FB5]  }
0x39: {  	_ = 	snop;
	(pc) =	sbr.ind lr, $3  }
0x3a: {  	_ = 	snop  }
0x3b: {  	_ = 	snop  }
0x3c: {  	p2 =	seq.s32 s10, $0x1;
	s10 =	sld [smem:$0x3FB4]  }
0x3d: {  	_ =	shalt  }
0x3e: {  	_ =	shalt  }
0x3f: {  	_ =	shalt  }
0x40: {  	_ =	shalt  }
0x41: {  	_ =	shalt  }
0x42: {  	_ =	shalt  }
0x43: {  	_ =	shalt  }
0x44: {  	_ =	shalt  }
0x45: {  	_ =	shalt  }
0x46: {  	_ =	shalt  }
0x47: {  	_ =	shalt  }
0x48: {  	_ =	shalt  }
0x49: {  	_ =	shalt  }
0x4a: {  	_ =	shalt  }
0x4b: {  	_ =	shalt  }
0x4c: {  	_ =	shalt  }
0x4d: {  	_ =	shalt  }
0x4e: {  	_ =	shalt  }
0x4f: {  	_ =	shalt  }
0x50: {  	_ =	shalt  }
0x51: {  	_ =	shalt  }
0x52: {  	_ =	shalt  }
0x53: {  	_ =	shalt  }
0x54: {  	_ =	shalt  }
0x55: {  	_ =	shalt  }
0x56: {  	_ =	shalt  }
0x57: {  	_ =	shalt  }
0x58: {  	_ =	shalt  }
0x59: {  	_ =	shalt  }
0x5a: {  	_ =	shalt  }
0x5b: {  	_ =	shalt  }
0x5c: {  	_ =	shalt  }
0x5d: {  	_ =	shalt  }
0x5e: {  	_ =	shalt  }
0x5f: {  	_ =	shalt  }
0x60: {  	_ =	shalt  }
0x61: {  	_ =	shalt  }
0x62: {  	_ =	shalt  }
0x63: {  	_ =	shalt  }
0x64: {  	_ =	shalt  }
0x65: {  	_ =	shalt  }
0x66: {  	_ =	shalt  }
0x67: {  	_ =	shalt  }
0x68: {  	_ =	shalt  }
0x69: {  	_ =	shalt  }
0x6a: {  	_ =	shalt  }
0x6b: {  	_ =	shalt  }
0x6c: {  	_ =	shalt  }
0x6d: {  	_ =	shalt  }
0x6e: {  	_ =	shalt  }
0x6f: {  	_ =	shalt  }
0x70: {  	_ =	shalt  }
0x71: {  	_ =	shalt  }
0x72: {  	_ =	shalt  }
0x73: {  	_ =	shalt  }
0x74: {  	_ =	shalt  }
0x75: {  	_ =	shalt  }
0x76: {  	_ =	shalt  }
0x77: {  	_ =	shalt  }
0x78: {  	_ =	shalt  }
0x79: {  	_ =	shalt  }
0x7a: {  	_ =	shalt  }
0x7b: {  	_ =	shalt  }
0x7c: {  	_ =	shalt  }
0x7d: {  	_ =	shalt  }
0x7e: {  	_ =	shalt  }
0x7f: {  	_ =	shalt  }
0x80: {  	_ =	shalt  }
0x81: {  	_ =	shalt  }
0x82: {  	_ =	shalt  }
0x83: {  	_ =	shalt  }
0x84: {  	_ =	shalt  }
0x85: {  	_ =	shalt  }
0x86: {  	_ =	shalt  }
0x87: {  	_ =	shalt  }
.Lfunc_end0:
.L_simem_size_0:
called_computation.2_lowered:
.L_overlay_start_0:
0x88: {  	s2 =	sld [smem:$0x3FD9]  }
0x89: {  	s3 =	sld [smem:$0x3FFE];
	_ =	sdelay $0x1  }
0x8a: {  	s1 =	srdreg.scid  }
0x8b: {  	s0 =	sand.u32 $0x1, s1  }
0x8c: {  	s17 =	sshll.u32 s0, $0xA;
	s2 =	sadd.s32 s3, s2  }
0x8d: {  	s2 =	sadd.s32 s2, s17  }
0x8e: {  	[smem:$0x3FC0] =	sst s2  }
0x8f: {  	_ = 	snop  }
0x90: {  	s2 =	sld [smem:$0x3FD0];
	(tm) =	ssettm $0x1  }
0x91: {  	s18 =	sld [smem:$0x3FFB];
	_ =	sdelay $0x3  }
0x92: {  	_ =	strace s18  }
0x93: {  	s3 =	sld [smem:$0x3FFC];
	_ =	sdelay $0x3  }
0x94: {  	_ =	strace s3  }
0x95: {  	s3 =	sld [smem:$0x3FFD];
	_ =	sdelay $0x3  }
0x96: {  	_ =	strace s3  }
0x97: {  	_ =	strace $0x8FFFFFFF  }
0x98: {  	s19 =	sld [smem:$0x3FDB];
	_ =	sdelay $0x1  }
0x99: {  	s4 =	simm.s32 $_scs_section_size  }
0x9a: {  	s5 =	simm.s32 $_size__tile_overlayer_lowered;
	s6 =	simm.s32 $_tile_overlayer_lowered  }
0x9b: {  	s22 =	simm.s32 $0x1BFF;
	s21 =	sshll.u32 s6, $0x1;
	s3 =	sadd.s32 s4, s19  }
0x9c: {  	s7 =	simm.s32 $0x0;
	s20 =	sshll.u32 s5, $0x1;
	s5 =	sadd.s32 s21, s3  }
0x9d: {  	[timem:s7], [sflag:s22] =	dma.local [hbm:s5], s20  }
0x9e: {  	_ =	swait.ge [sflag:s22], s20  }
0x9f: {  	s4 =	ssub.s32 $0x0, s20;
	[sflag:s22] =	ssyncset.done $0x0  }
0xa0: {  	[sflag:s22] =	ssyncadd.s32 s4;
	_ =	sdelay $0x1  }
0xa1: {  	s23 =	simm.s32 $0x1B8B  }
0xa2: {  	_ =	swait.ge [sflag:s23], $0x1  }
0xa3: {  	[sflag:s23] =	ssyncset.done $0x0  }
0xa4: {  	s25 =	simm.s32 $0x1B8E;
	s24 =	sld [smem:$0x3FFE];
	[sflag:s23] =	ssyncadd.s32 $0xFFFFFFFF  }
0xa5: {  	s26 =	simm.s32 $execute0_lowered;
	[smem:$0x3FD2] =	sst s25  }
0xa6: {  	s5 =	sshll.u32 s26, $0x1;
	_ =	strace $0x8000004C;
	[dreg:$0x1] =	wrdreg $0xFFFFFFFF  }
0xa7: {  	s28 =	simm.s32 $_size_execute0_lowered;
	s3 =	sadd.s32 s3, s5;
	[dreg:$0x0] =	wrdreg $0x0  }
0xa8: {  	s5 =	sshll.u32 s28, $0x1;
	[dreg:$0x2] =	wrdreg s3  }
0xa9: {  	[dreg:$0x3] =	wrdreg s5  }
0xaa: {  	[dreg:$0x4] =	wrdreg $0xC0  }
0xab: {  	_ =	task [dreg:s7], $0x5FFFF  }
0xac: {  	[dreg:$0x1] =	wrdreg $0xFFFFFFFF  }
0xad: {  	[dreg:$0x0] =	wrdreg $0x60  }
0xae: {  	[dreg:$0x2] =	wrdreg s2  }
0xaf: {  	[dreg:$0x3] =	wrdreg s24  }
0xb0: {  	[dreg:$0x4] =	wrdreg $0x0  }
0xb1: {  	[dreg:$0x5] =	wrdreg $0x9  }
0xb2: {  	_ =	task.clear_ibuf [dreg:s7], $0x6FFFF;
	_ =	strace $0x9000004C  }
0xb3: {  	s29 =	simm.s32 $0x9;
	_ =	strace $0x8000004E  }
0xb4: {  	_ =	swait.ge [sflag:s29], $0x1  }
0xb5: {  	[sflag:s29] =	ssyncadd.s32 $0xFFFFFFFF  }
0xb6: {  	_ =	strace $0x9000004E  }
0xb7: {  	_ =	sfence  }
0xb8: {  	s30 =	sld [smem:$0x0];
	_ =	sdelay $0x2  }
0xb9: {  	s31 =	sshll.u32 s1, $0xD;
	s1 =	sshrl.u32 s1, $0x2  }
0xba: {  	s3 =	sand.u32 $0x4000, s31;
	s1 =	sadd.s32 s1, s30  }
0xbb: {  	s0 =	sor.u32 s3, s0;
	s1 =	sshll.u32 s1, $0x11  }
0xbc: {  	s0 =	sor.u32 s1, s0  }
0xbd: {  	s0 =	sadd.s32 $0x8F2B, s0  }
0xbe: {  	[sflag:s0] =	ssyncadd.remote.s32 $0x1  }
0xbf: {  	_ =	sfence.sel $0xFFFF  }
0xc0: {  	[dreg:$0x0] =	wrdreg $0xFFFFFFFF;
	(pc) =	sbr.abs _section_cstart, $3  }
0xc1: {  	[dreg:$0x1] =	wrdreg $0xFFFFFFFF  }
0xc2: {  	_ =	task.clear_ibuf [dreg:s7], $0x2FFFF;
	_ =	strace $0x9FFFFFFF  }
0xc3: {  	(tm) =	ssettm $0x7FFFFFFF  }
tec
execute0_lowered:
.L_overlay_start_1:
0x0: {  	(tag) =	ssettag $0x1  }
0x1: {  	s1 =	rddreg [dreg:$0x0]  }
0x2: {  	s0 =	srdreg.scid;
	s2 =	rddreg [dreg:$0x1]  }
0x3: {  	s19 =	stileid.u32;
	s3 =	rddreg [dreg:$0x2];
	s20 =	simm.s32 $0x3  }
0x4: {  	s21 =	simm.s32 $0x13880;
	s23 =	simm.s32 $0x50;
	s25 =	simm.s32 $0x1C800  }
0x5: {  	s28 =	simm.s32 $0x2;
	s31 =	simm.s32 $0x19D80;
	s7 =	smul.u32 $0x4E000, s19  }
0x6: {  	s0 =	sand.u32 $0x1, s0;
	s10 =	smul.u32 $0x13800, s19;
	p0 =	sne.s32 s19, $0xF  }
0x7: {  	s4 =	sshll.u32 s0, $0x4;
	s26 =	ssub.s32 $0x2, s0;
	s0 =	smul.u32 $0x138800, s0  }
0x8: {  	s5 =	sor.u32 s19, s4;
	s4 =	simm.s32 $0x0;
	s29 =	sshrl.u32 s7, $0x2  }
0x9: {  	s30 =	sshrl.u32 s26, $0x1;
	s7 =	sadd.s32 $0x138000, s3;
	s19 =	simm.s32 $0x1A000  }
0xa: {  	s6 =	smul.u32 $0x4F0, s5;
	[smem:$0x7FF] =	sst s4;
	s5 =	sshll.u32 s5, $0xB  }
0xb: {  	s12 =	ssub.s32 s26, s30;
	s10 =	sadd.s32 s10, s0;
	s0 =	sshrl.u32 s0, $0x3  }
0xc: {  	s26 =	simm.s32 $0x1;
	_ =	strace $0x8000004D;
	s9 =	sadd.s32 s5, s2  }
0xd: {  	s5 =	sadd.s32 s29, s3;
	s10 =	sshrl.u32 s10, $0x3;
	s12 =	smax.u32 s12, $0x1  }
0xe: {  	s8 =	sadd.s32 s6, s2;
	s2 =	sadd.s32 $0x14000, s2;
	s6 =	sadd.s32 $0x11800, s5  }
0xf: {  	s9 =	sadd.s32 $0x4000, s9;
	s13 =	sadd.s32 $0x2800, s5;
	s14 =	sadd.s32 $0x5000, s5  }
0x10: {  	s15 =	sadd.s32 $0x7800, s5;
	s16 =	sadd.s32 $0xA000, s5;
	s17 =	sadd.s32 $0xC800, s5  }
0x11: {  	s18 =	sadd.s32 $0xF000, s5;
	s8 =	sadd.s32 $0x62200, s8;
	s0 =	sadd.s32 s2, s0  }
0x12: {  	v0 =	vimm.f32 $0.0e+00;
	s10 =	sadd.s32 s2, s10;
	s2 =	simm.s32 $0x19E00;
	s11 =	sadd.s32 $0x27000, s0  }
.LBB2_1:
0x13: {  	s0 =	simm.s32 $0x70;
	s22 =	simm.s32 $0x3C0  }
.LBB2_2:
0x14: {  	p1 =	sne.s32 s22, $0x9FC0;
	[tilespmem:s0+$0x1A000] =	vst v0  }
0x15: {  	[tilespmem:s0+$0x19F90] =	vst v0  }
0x16: {  	[tilespmem:s0+$0x19FA0] =	vst v0  }
.Ltmp0:
0x17: {  	[tilespmem:s0+$0x19FB0] =	vst v0;
	(pc) =	sbr.rel @p1 .LBB2_2-.Ltmp0, $4  }
0x18: {  	[tilespmem:s0+$0x19FC0] =	vst v0  }
0x19: {  	[tilespmem:s0+$0x19FD0] =	vst v0  }
0x1a: {  	[tilespmem:s0+$0x19FE0] =	vst v0  }
0x1b: {  	[tilespmem:s0+$0x19FF0] =	vst v0;
	s0 =	sshra.s32 s22, $0x2;
	s22 =	sadd.s32 $0x200, s22  }
0x1c: {  	[tilespmem:s0+$0x1A000] =	vst v0  }
0x1d: {  	[tilespmem:s0+$0x19F90] =	vst v0  }
0x1e: {  	[tilespmem:s0+$0x19FA0] =	vst v0  }
0x1f: {  	[tilespmem:s0+$0x19FB0] =	vst v0  }
0x20: {  	[tilespmem:s0+$0x19FC0] =	vst v0  }
0x21: {  	[tilespmem:s0+$0x19FD0] =	vst v0  }
0x22: {  	[tilespmem:s0+$0x19FE0] =	vst v0  }
0x23: {  	[tilespmem:s0+$0x19FF0] =	vst v0  }
0x24: {  	[spmem:s5] =	stream.linear.scatter [tilespmem:s19], [sflag:$0x3], $0x2800, $0x38;
	[tilespmem:$0x1F000] =	vst v63  }
0x25: {  	_ =	swait.ge [sflag:s20], $0x2800  }
0x26: {  	[sflag:s20] =	ssyncset.done $0x0  }
0x27: {  	[sflag:s20] =	ssyncadd.s32 $0xFFFFD800  }
0x28: {  	[spmem:s13] =	stream.linear.scatter [tilespmem:s19], [sflag:$0x3], $0x2800, $0x38;
	[tilespmem:$0x1F000] =	vst v63  }
0x29: {  	_ =	swait.ge [sflag:s20], $0x2800  }
0x2a: {  	[sflag:s20] =	ssyncset.done $0x0  }
0x2b: {  	[sflag:s20] =	ssyncadd.s32 $0xFFFFD800  }
0x2c: {  	[spmem:s14] =	stream.linear.scatter [tilespmem:s19], [sflag:$0x3], $0x2800, $0x38;
	[tilespmem:$0x1F000] =	vst v63  }
0x2d: {  	_ =	swait.ge [sflag:s20], $0x2800  }
0x2e: {  	[sflag:s20] =	ssyncset.done $0x0  }
0x2f: {  	[sflag:s20] =	ssyncadd.s32 $0xFFFFD800  }
0x30: {  	[spmem:s15] =	stream.linear.scatter [tilespmem:s19], [sflag:$0x3], $0x2800, $0x38;
	[tilespmem:$0x1F000] =	vst v63  }
0x31: {  	_ =	swait.ge [sflag:s20], $0x2800  }
0x32: {  	[sflag:s20] =	ssyncset.done $0x0  }
0x33: {  	[sflag:s20] =	ssyncadd.s32 $0xFFFFD800  }
0x34: {  	[spmem:s16] =	stream.linear.scatter [tilespmem:s19], [sflag:$0x3], $0x2800, $0x38;
	[tilespmem:$0x1F000] =	vst v63  }
0x35: {  	_ =	swait.ge [sflag:s20], $0x2800  }
0x36: {  	[sflag:s20] =	ssyncset.done $0x0  }
0x37: {  	[sflag:s20] =	ssyncadd.s32 $0xFFFFD800  }
0x38: {  	[spmem:s17] =	stream.linear.scatter [tilespmem:s19], [sflag:$0x3], $0x2800, $0x38;
	[tilespmem:$0x1F000] =	vst v63  }
0x39: {  	_ =	swait.ge [sflag:s20], $0x2800  }
0x3a: {  	[sflag:s20] =	ssyncset.done $0x0  }
0x3b: {  	[sflag:s20] =	ssyncadd.s32 $0xFFFFD800  }
0x3c: {  	[spmem:s18] =	stream.linear.scatter [tilespmem:s19], [sflag:$0x3], $0x2800, $0x38;
	[tilespmem:$0x1F000] =	vst v63  }
0x3d: {  	_ =	swait.ge [sflag:s20], $0x2800  }
0x3e: {  	[sflag:s20] =	ssyncset.done $0x0  }
0x3f: {  	[sflag:s20] =	ssyncadd.s32 $0xFFFFD800  }
0x40: {  	[spmem:s6] =	stream.linear.scatter [tilespmem:s19], [sflag:$0x3], $0x2000, $0x38;
	[tilespmem:$0x1F000] =	vst v63  }
0x41: {  	_ =	swait.ge [sflag:s20], $0x2000  }
0x42: {  	[sflag:s20] =	ssyncset.done $0x0  }
0x43: {  	s0 =	simm.s32 @!p0 $0x1A000;
	[sflag:s20] =	ssyncadd.s32 $0xFFFFE000  }
0x44: {  	[spmem:s7] =	stream.linear.scatter @!p0 [tilespmem:s0], [sflag:$0x3], $0x800, $0x38;
	[tilespmem:$0x1F000] =	vst v63  }
0x45: {  	s0 =	simm.s32 @!p0 $0x3  }
0x46: {  	_ =	swait.ge @!p0 [sflag:s0], $0x800  }
0x47: {  	[sflag:s0] =	ssyncset.done @!p0 $0x0  }
0x48: {  	s30 =	simm.s32 $0x0;
	[sflag:s0] =	ssyncadd.s32 @!p0 $0xFFFFF800  }
0x49: {  	[tilespmem:s21], [sflag:$0x3] =	stream.linear.gather [hbm4b:s8+s30], $0x2780, $0x38;
	[tilespmem:$0x1F000] =	vst v63  }
0x4a: {  	_ =	swait.ge [sflag:s20], $0x2780  }
0x4b: {  	[sflag:s20] =	ssyncset.done $0x0  }
0x4c: {  	s22 =	simm.s32 $0x16000;
	[sflag:s20] =	ssyncadd.s32 $0xFFFFD880  }
0x4d: {  	[tilespmem:s22], [sflag:$0x3] =	stream.linear.gather [hbm4b:s9+s30], $0x3E80, $0x38;
	[tilespmem:$0x1F000] =	vst v63  }
0x4e: {  	_ =	swait.ge [sflag:s20], $0x3E80  }
0x4f: {  	[sflag:s20] =	ssyncset.done $0x0  }
0x50: {  	[sflag:s20] =	ssyncadd.s32 $0xFFFFC180  }
0x51: {  	[bflag:$0x0] =	sbarrier.arrive $0xFFFF  }
0x52: {  	[tilespmem:s19], [sflag:$0x1] =	stream.indirect.gather [hbm4b:s1+s23], $0x80, s21, s23, $0xb8;
	[tilespmem:$0x1F000] =	vst v63  }
0x53: {  	s22 =	simm.s32 $0x138D0  }
0x54: {  	[tilespmem:s25], [sflag:$0x2] =	stream.indirect.gather [hbm4b:s1+s23], $0x80, s22, s23, $0xb8;
	[tilespmem:$0x1F000] =	vst v63  }
0x55: {  	_ =	swait.ge [sflag:s26], $0x2800  }
0x56: {  	[sflag:s26] =	ssyncset.done $0x0  }
0x57: {  	s24 =	simm.s32 $0x16000;
	[sflag:s26] =	ssyncadd.s32 $0xFFFFD800  }
0x58: {  	[spmem:s3] =	stream.indirect.scatter.add.f32 [tilespmem:s19], [sflag:$0x3], $0x80, s24, s23, $0xb8;
	[tilespmem:$0x1F000] =	vst v63  }
0x59: {  	_ =	swait.ge [sflag:s20], $0x2800  }
0x5a: {  	[sflag:s20] =	ssyncset.done $0x0  }
0x5b: {  	s29 =	simm.s32 $0x13920;
	[sflag:s20] =	ssyncadd.s32 $0xFFFFD800  }
0x5c: {  	[tilespmem:s19], [sflag:$0x1] =	stream.indirect.gather [hbm4b:s1+s23], $0x80, s29, s23, $0xb8;
	[tilespmem:$0x1F000] =	vst v63  }
0x5d: {  	_ =	swait.ge [sflag:s28], $0x2800  }
0x5e: {  	[sflag:s28] =	ssyncset.done $0x0  }
0x5f: {  	s30 =	simm.s32 $0x16080;
	[sflag:s28] =	ssyncadd.s32 $0xFFFFD800  }
0x60: {  	[spmem:s3] =	stream.indirect.scatter.add.f32 [tilespmem:s25], [sflag:$0x3], $0x80, s30, s23, $0xb8;
	[tilespmem:$0x1F000] =	vst v63  }
0x61: {  	_ =	swait.ge [sflag:s20], $0x2800  }
0x62: {  	s0 =	simm.s32 $0x13970;
	[sflag:s20] =	ssyncset.done $0x0  }
0x63: {  	s22 =	simm.s32 $0x400;
	s24 =	simm.s32 $0x13A10;
	[sflag:s20] =	ssyncadd.s32 $0xFFFFD800  }
.LBB2_4:
0x64: {  	[tilespmem:s25], [sflag:$0x2] =	stream.indirect.gather [hbm4b:s1+s23], $0x80, s0, s23, $0xb8;
	[tilespmem:$0x1F000] =	vst v63  }
0x65: {  	s29 =	smov.u32 s22;
	s0 =	smov.u32 s24  }
0x66: {  	p1 =	sne.s32 s22, $0xF000;
	s22 =	sadd.s32 $0x400, s22;
	_ =	swait.ge [sflag:s26], $0x2800  }
0x67: {  	s29 =	sshra.s32 s29, $0x2;
	[sflag:s26] =	ssyncset.done $0x0  }
0x68: {  	s30 =	sadd.s32 $0x16000, s29;
	[sflag:s26] =	ssyncadd.s32 $0xFFFFD800  }
0x69: {  	[spmem:s3] =	stream.indirect.scatter.add.f32 [tilespmem:s19], [sflag:$0x3], $0x80, s30, s23, $0xb8;
	[tilespmem:$0x1F000] =	vst v63  }
0x6a: {  	_ =	swait.ge [sflag:s20], $0x2800  }
0x6b: {  	[sflag:s20] =	ssyncset.done $0x0  }
0x6c: {  	s30 =	sadd.s32 $0xFFFFFFB0, s24;
	[sflag:s20] =	ssyncadd.s32 $0xFFFFD800  }
0x6d: {  	[tilespmem:s19], [sflag:$0x1] =	stream.indirect.gather [hbm4b:s1+s23], $0x80, s30, s23, $0xb8;
	[tilespmem:$0x1F000] =	vst v63  }
0x6e: {  	_ =	swait.ge [sflag:s28], $0x2800  }
0x6f: {  	[sflag:s28] =	ssyncset.done $0x0  }
.Ltmp1:
0x70: {  	s29 =	sadd.s32 $0x16080, s29;
	[sflag:s28] =	ssyncadd.s32 $0xFFFFD800;
	(pc) =	sbr.rel @p1 .LBB2_4-.Ltmp1, $4  }
0x71: {  	[spmem:s3] =	stream.indirect.scatter.add.f32 [tilespmem:s25], [sflag:$0x3], $0x80, s29, s23, $0xb8;
	[tilespmem:$0x1F000] =	vst v63  }
0x72: {  	_ =	swait.ge [sflag:s20], $0x2800  }
0x73: {  	[sflag:s20] =	ssyncset.done $0x0  }
0x74: {  	s24 =	sadd.s32 $0xA0, s24;
	[sflag:s20] =	ssyncadd.s32 $0xFFFFD800  }
0x75: {  	[tilespmem:s25], [sflag:$0x2] =	stream.indirect.gather [hbm4b:s1+s23], $0x80, s0, s23, $0xb8;
	[tilespmem:$0x1F000] =	vst v63  }
0x76: {  	_ =	swait.ge [sflag:s26], $0x2800  }
0x77: {  	[sflag:s26] =	ssyncset.done $0x0  }
0x78: {  	s24 =	simm.s32 $0x19D00;
	[sflag:s26] =	ssyncadd.s32 $0xFFFFD800  }
0x79: {  	[spmem:s3] =	stream.indirect.scatter.add.f32 [tilespmem:s19], [sflag:$0x3], $0x80, s24, s23, $0xb8;
	[tilespmem:$0x1F000] =	vst v63  }
0x7a: {  	_ =	swait.ge [sflag:s20], $0x2800  }
0x7b: {  	[sflag:s20] =	ssyncset.done $0x0  }
0x7c: {  	s29 =	simm.s32 $0x15F40;
	[sflag:s20] =	ssyncadd.s32 $0xFFFFD800  }
0x7d: {  	[tilespmem:s19], [sflag:$0x1] =	stream.indirect.gather [hbm4b:s1+s23], $0x80, s29, s23, $0xb8;
	[tilespmem:$0x1F000] =	vst v63  }
0x7e: {  	_ =	swait.ge [sflag:s28], $0x2800  }
0x7f: {  	[sflag:s28] =	ssyncset.done $0x0  }
0x80: {  	[sflag:s28] =	ssyncadd.s32 $0xFFFFD800  }
0x81: {  	[spmem:s3] =	stream.indirect.scatter.add.f32 [tilespmem:s25], [sflag:$0x3], $0x80, s31, s23, $0xb8;
	[tilespmem:$0x1F000] =	vst v63  }
0x82: {  	_ =	swait.ge [sflag:s20], $0x2800  }
0x83: {  	[sflag:s20] =	ssyncset.done $0x0  }
0x84: {  	[sflag:s20] =	ssyncadd.s32 $0xFFFFD800  }
0x85: {  	_ =	swait.ge [sflag:s26], $0x2800  }
0x86: {  	[sflag:s26] =	ssyncset.done $0x0  }
0x87: {  	[sflag:s26] =	ssyncadd.s32 $0xFFFFD800  }
0x88: {  	[spmem:s3] =	stream.indirect.scatter.add.f32 [tilespmem:s19], [sflag:$0x3], $0x80, s2, s23, $0xb8;
	[tilespmem:$0x1F000] =	vst v63  }
0x89: {  	_ =	swait.ge [sflag:s20], $0x2800  }
0x8a: {  	s30 =	stileid.u32;
	[sflag:s20] =	ssyncset.done $0x0  }
0x8b: {  	s0 =	sshll.u32 s30, $0x6;
	[sflag:s20] =	ssyncadd.s32 $0xFFFFD800  }
0x8c: {  	s22 =	sshrl.u32 s5, $0x3;
	s0 =	sor.u32 $0x1C03, s0;
	[bflag:$0x0] =	sbarrier.arrive $0xFFFF  }
0x8d: {  	[hbm:s10], [sflag:s0] =	dma.local [spmem:s22], $0x2700  }
0x8e: {  	_ =	swait.ge [sflag:s20], $0x2700  }
0x8f: {  	s4 =	sadd.s32 $0x1, s4;
	[sflag:s20] =	ssyncset.done $0x0  }
0x90: {  	p1 =	sne.s32 s4, s12;
	s22 =	sshrl.u32 @!p0 s7, $0x3;
	[sflag:s20] =	ssyncadd.s32 $0xFFFFD900  }
0x91: {  	[hbm:s11], [sflag:s0] =	dma.local @!p0 [spmem:s22], $0x100  }
.Ltmp2:
0x92: {  	_ = 	snop;
	(pc) =	sbr.rel @p1 .LBB2_1-.Ltmp2, $4  }
0x93: {  	s0 =	simm.s32 @!p0 $0x3  }
0x94: {  	_ =	swait.ge @!p0 [sflag:s0], $0x100  }
0x95: {  	[sflag:s0] =	ssyncset.done @!p0 $0x0  }
0x96: {  	[sflag:s0] =	ssyncadd.s32 @!p0 $0xFFFFFF00  }
0x97: {  	_ =	sfence.sel $0x180000  }
0x98: {  	[bflag:$0x0] =	sbarrier.arrive $0xFFFF  }
0x99: {  	_ =	strace $0x9000004D  }
0x9a: {  	s0 =	stileid.u32;
	[bflag:$0x2] =	sbarrier.arrive $0xFFFF  }
0x9b: {  	p0 =	sne.s32 s0, $0x0;
	s0 =	rddreg [dreg:$0x3]  }
0x9c: {  	s0 =	sadd.s32 @!p0 $0x100000, s0  }
0x9d: {  	[sflag:s0] =	ssyncadd.tile.s32 @!p0 $0x1;
	_ =	shalt  }
.Lfunc_end2:
_tile_overlayer_lowered:
.L_overlay_start_2:
0x9e: {  	(tag) =	ssettag $0x2  }
0x9f: {  	s0 =	rddreg [dreg:$0x0];
	s2 =	stileid.u32  }
0xa0: {  	s1 =	rddreg [dreg:$0x1];
	p0 =	sne.s32 s2, $0x0  }
0xa1: {  	s3 =	rddreg [dreg:$0x2];
	[bflag:$0x3] =	sbarrier.arrive $0xFFFF;
	s2 =	simm.s32 @!p0 $0x1C03  }
0xa2: {  	[timem:s3], [sflag:s2] =	dma.local @!p0 [hbm:s0], s1  }
0xa3: {  	s0 =	simm.s32 @!p0 $0x3  }
0xa4: {  	_ =	swait.ge @!p0 [sflag:s0], s1  }
0xa5: {  	s1 =	ssub.s32 @!p0 $0x0, s1;
	[sflag:s0] =	ssyncset.done @!p0 $0x0  }
0xa6: {  	[sflag:s0] =	ssyncadd.s32 @!p0 s1  }
0xa7: {  	[bflag:$0x3] =	sbarrier.arrive $0xFFFF  }
0xa8: {  	_ =	shalt  }

// kernel: kernel.24.cloned.1.call-start
scs
__scs_entry_jumppad:
0x0: {  	(pc) =	sbr.rel $0x88, $3  }
0x1: {  	(tag) =	ssettag $0x0;
	lr =	simm.s32 $0x1  }
0x2: {  	[smem:$0x3F99] =	sst lr;
	_ =	strace $0xD0000000  }
0x3: {  	_ = 	snop  }
0x4: {  	_ = 	snop  }
0x5: {  	_ = 	snop  }
0x6: {  	_ = 	snop  }
0x7: {  	_ = 	snop  }
__scs_overlays_trampoline_lowered:
0x8: {  	[smem:$0x3FA8] =	sst s0  }
0x9: {  	[smem:$0x3FA9] =	sst s1  }
0xa: {  	[smem:$0x3FAA] =	sst s2  }
0xb: {  	[smem:$0x3FAB] =	sst s3  }
0xc: {  	[smem:$0x3FAC] =	sst s4  }
0xd: {  	[smem:$0x3FAD] =	sst s5  }
0xe: {  	[smem:$0x3FAE] =	sst s6  }
0xf: {  	[smem:$0x3FAF] =	sst s7  }
0x10: {  	[smem:$0x3FB0] =	sst s8  }
0x11: {  	[smem:$0x3FB1] =	sst s9;
	s0 =	simm.s32 @!p0 $0x0  }
0x12: {  	s1 =	sld [smem:$0x3F97];
	s0 =	simm.s32 @p0 $0x1  }
0x13: {  	[smem:$0x3FB2] =	sst s0;
	s0 =	simm.s32 @!p1 $0x0  }
0x14: {  	s2 =	sld [smem:$0x3F96];
	s0 =	simm.s32 @p1 $0x1  }
0x15: {  	[smem:$0x3FB3] =	sst s0;
	s0 =	simm.s32 @!p2 $0x0  }
0x16: {  	s3 =	sld [smem:$0x3FDB];
	s0 =	simm.s32 @p2 $0x1  }
0x17: {  	s4 =	simm.s32 $0x1BF5;
	[smem:$0x3FB5] =	sst s0  }
0x18: {  	s0 =	sld [smem:$0x3F98];
	_ =	swait.ge [sflag:s4], $0x0  }
0x19: {  	s7 =	sld [smem:$0x3F99]  }
0x1a: {  	s8 =	sadd.s32 $0xFFFFE003, lr  }
0x1b: {  	s9 =	sadd.s32 $0xFFFFFEF7, lr;
	s5 =	simm.s32 $0xFFFFFFFF;
	p2 =	slt.u32 s8, $0xFFFFF086  }
0x1c: {  	p1 =	slt.u32 s9, $0xF7A;
	s5 =	simm.s32 @!p2 $0x0  }
0x1d: {  	s5 =	simm.s32 @p1 $0x1;
	p0 =	seq.s32 s7, s2  }
0x1e: {  	s7 =	smul.u32 @!p0 $0xF7A, s2;
	p2 =	seq.s32 @!p0 s5, $0x0  }
0x1f: {  	s9 =	smul.u32 $0xF7A, s1;
	s8 =	simm.s32 @!p0 $0x1BF5;
	p2 =	por !p2, p0  }
0x20: {  	[sflag:s8] =	ssyncset.s32 @!p0 $0xFFFFF086;
	s6 =	sadd.s32 @!p0 s3, s7;
	s7 =	simm.s32 @!p0 $0x108  }
0x21: {  	s3 =	sadd.s32 s3, s9;
	s6 =	sadd.s32 @!p0 $0x88, s6;
	s7 =	simm.s32 @p2 $0x1082  }
0x22: {  	[simem:s7], [sflag:s8] =	dma.local @!p0 [hbm:s6], $0xF7A  }
0x23: {  	s9 =	sor.u32 $0xD0000000, s2;
	s6 =	simm.s32 $0x108;
	_ =	swait.ge @!p0 [sflag:s8], $0x0  }
0x24: {  	s3 =	sadd.s32 $0x88, s3;
	s6 =	simm.s32 @!p1 $0x1082;
	[sflag:s4] =	ssyncset.s32 $0xFFFFF086  }
0x25: {  	[simem:s6], [sflag:s4] =	dma.local [hbm:s3], $0xF7A  }
0x26: {  	[smem:$0x3F99] =	sst s1;
	(tag) =	ssettag s2;
	_ =	strace s9  }
0x27: {  	s1 =	sld [smem:$0x3FA9]  }
0x28: {  	s2 =	sld [smem:$0x3FAA]  }
0x29: {  	s4 =	sld [smem:$0x3FAC]  }
0x2a: {  	p0 =	seq.s32 s5, $0x0;
	s5 =	sld [smem:$0x3FAD]  }
0x2b: {  	s6 =	sld [smem:$0x3FAE]  }
0x2c: {  	s7 =	sld [smem:$0x3FAF]  }
0x2d: {  	s3 =	simm.s32 $0x108;
	s8 =	sld [smem:$0x3FB0]  }
0x2e: {  	s3 =	simm.s32 @!p0 $0x1082;
	s9 =	sld [smem:$0x3FB1]  }
0x2f: {  	lr =	sadd.s32 s0, s3;
	s0 =	sld [smem:$0x3FA8]  }
0x30: {  	s3 =	sld [smem:$0x3FAB]  }
0x31: {  	[smem:$0x3FB4] =	sst s10  }
0x32: {  	s10 =	sld [smem:$0x3FB2];
	_ =	sdelay $0x3  }
0x33: {  	p0 =	seq.s32 s10, $0x1;
	s10 =	sld [smem:$0x3FB4];
	_ =	sdelay $0x3  }
0x34: {  	[smem:$0x3FB4] =	sst s10  }
0x35: {  	s10 =	sld [smem:$0x3FB3];
	_ =	sdelay $0x3  }
0x36: {  	p1 =	seq.s32 s10, $0x1;
	s10 =	sld [smem:$0x3FB4];
	_ =	sdelay $0x3  }
0x37: {  	[smem:$0x3FB4] =	sst s10  }
0x38: {  	s10 =	sld [smem:$0x3FB5]  }
0x39: {  	_ = 	snop;
	(pc) =	sbr.ind lr, $3  }
0x3a: {  	_ = 	snop  }
0x3b: {  	_ = 	snop  }
0x3c: {  	p2 =	seq.s32 s10, $0x1;
	s10 =	sld [smem:$0x3FB4]  }
0x3d: {  	_ =	shalt  }
0x3e: {  	_ =	shalt  }
0x3f: {  	_ =	shalt  }
0x40: {  	_ =	shalt  }
0x41: {  	_ =	shalt  }
0x42: {  	_ =	shalt  }
0x43: {  	_ =	shalt  }
0x44: {  	_ =	shalt  }
0x45: {  	_ =	shalt  }
0x46: {  	_ =	shalt  }
0x47: {  	_ =	shalt  }
0x48: {  	_ =	shalt  }
0x49: {  	_ =	shalt  }
0x4a: {  	_ =	shalt  }
0x4b: {  	_ =	shalt  }
0x4c: {  	_ =	shalt  }
0x4d: {  	_ =	shalt  }
0x4e: {  	_ =	shalt  }
0x4f: {  	_ =	shalt  }
0x50: {  	_ =	shalt  }
0x51: {  	_ =	shalt  }
0x52: {  	_ =	shalt  }
0x53: {  	_ =	shalt  }
0x54: {  	_ =	shalt  }
0x55: {  	_ =	shalt  }
0x56: {  	_ =	shalt  }
0x57: {  	_ =	shalt  }
0x58: {  	_ =	shalt  }
0x59: {  	_ =	shalt  }
0x5a: {  	_ =	shalt  }
0x5b: {  	_ =	shalt  }
0x5c: {  	_ =	shalt  }
0x5d: {  	_ =	shalt  }
0x5e: {  	_ =	shalt  }
0x5f: {  	_ =	shalt  }
0x60: {  	_ =	shalt  }
0x61: {  	_ =	shalt  }
0x62: {  	_ =	shalt  }
0x63: {  	_ =	shalt  }
0x64: {  	_ =	shalt  }
0x65: {  	_ =	shalt  }
0x66: {  	_ =	shalt  }
0x67: {  	_ =	shalt  }
0x68: {  	_ =	shalt  }
0x69: {  	_ =	shalt  }
0x6a: {  	_ =	shalt  }
0x6b: {  	_ =	shalt  }
0x6c: {  	_ =	shalt  }
0x6d: {  	_ =	shalt  }
0x6e: {  	_ =	shalt  }
0x6f: {  	_ =	shalt  }
0x70: {  	_ =	shalt  }
0x71: {  	_ =	shalt  }
0x72: {  	_ =	shalt  }
0x73: {  	_ =	shalt  }
0x74: {  	_ =	shalt  }
0x75: {  	_ =	shalt  }
0x76: {  	_ =	shalt  }
0x77: {  	_ =	shalt  }
0x78: {  	_ =	shalt  }
0x79: {  	_ =	shalt  }
0x7a: {  	_ =	shalt  }
0x7b: {  	_ =	shalt  }
0x7c: {  	_ =	shalt  }
0x7d: {  	_ =	shalt  }
0x7e: {  	_ =	shalt  }
0x7f: {  	_ =	shalt  }
0x80: {  	_ =	shalt  }
0x81: {  	_ =	shalt  }
0x82: {  	_ =	shalt  }
0x83: {  	_ =	shalt  }
0x84: {  	_ =	shalt  }
0x85: {  	_ =	shalt  }
0x86: {  	_ =	shalt  }
0x87: {  	_ =	shalt  }
.Lfunc_end0:
.L_simem_size_0:
called_computation.3_lowered:
.L_overlay_start_0:
0x88: {  	s2 =	sld [smem:$0x3FD9]  }
0x89: {  	s3 =	sld [smem:$0x3FFE];
	_ =	sdelay $0x1  }
0x8a: {  	s1 =	srdreg.scid  }
0x8b: {  	s0 =	sand.u32 $0x1, s1  }
0x8c: {  	s17 =	sshll.u32 s0, $0xA;
	s2 =	sadd.s32 s3, s2  }
0x8d: {  	s2 =	sadd.s32 s2, s17  }
0x8e: {  	[smem:$0x3FC0] =	sst s2  }
0x8f: {  	_ = 	snop  }
0x90: {  	s2 =	sld [smem:$0x3FD0];
	(tm) =	ssettm $0x1  }
0x91: {  	s18 =	sld [smem:$0x3FFB];
	_ =	sdelay $0x3  }
0x92: {  	_ =	strace s18  }
0x93: {  	s3 =	sld [smem:$0x3FFC];
	_ =	sdelay $0x3  }
0x94: {  	_ =	strace s3  }
0x95: {  	s3 =	sld [smem:$0x3FFD];
	_ =	sdelay $0x3  }
0x96: {  	_ =	strace s3  }
0x97: {  	_ =	strace $0x8FFFFFFF  }
0x98: {  	s19 =	sld [smem:$0x3FDB];
	_ =	sdelay $0x1  }
0x99: {  	s4 =	simm.s32 $_scs_section_size  }
0x9a: {  	s5 =	simm.s32 $_size__tile_overlayer_lowered;
	s6 =	simm.s32 $_tile_overlayer_lowered  }
0x9b: {  	s22 =	simm.s32 $0x1BFF;
	s21 =	sshll.u32 s6, $0x1;
	s3 =	sadd.s32 s4, s19  }
0x9c: {  	s7 =	simm.s32 $0x0;
	s20 =	sshll.u32 s5, $0x1;
	s5 =	sadd.s32 s21, s3  }
0x9d: {  	[timem:s7], [sflag:s22] =	dma.local [hbm:s5], s20  }
0x9e: {  	_ =	swait.ge [sflag:s22], s20  }
0x9f: {  	s4 =	ssub.s32 $0x0, s20;
	[sflag:s22] =	ssyncset.done $0x0  }
0xa0: {  	[sflag:s22] =	ssyncadd.s32 s4;
	_ =	sdelay $0x1  }
0xa1: {  	s23 =	simm.s32 $0x1B8B  }
0xa2: {  	_ =	swait.ge [sflag:s23], $0x1  }
0xa3: {  	[sflag:s23] =	ssyncset.done $0x0  }
0xa4: {  	s25 =	simm.s32 $0x1B8E;
	s24 =	sld [smem:$0x3FFE];
	[sflag:s23] =	ssyncadd.s32 $0xFFFFFFFF  }
0xa5: {  	s26 =	simm.s32 $execute0_lowered;
	[smem:$0x3FD2] =	sst s25  }
0xa6: {  	s5 =	sshll.u32 s26, $0x1;
	_ =	strace $0x8000004F;
	[dreg:$0x1] =	wrdreg $0xFFFFFFFF  }
0xa7: {  	s28 =	simm.s32 $_size_execute0_lowered;
	s3 =	sadd.s32 s3, s5;
	[dreg:$0x0] =	wrdreg $0x0  }
0xa8: {  	s5 =	sshll.u32 s28, $0x1;
	[dreg:$0x2] =	wrdreg s3  }
0xa9: {  	[dreg:$0x3] =	wrdreg s5  }
0xaa: {  	[dreg:$0x4] =	wrdreg $0xC0  }
0xab: {  	_ =	task [dreg:s7], $0x5FFFF  }
0xac: {  	[dreg:$0x1] =	wrdreg $0xFFFFFFFF  }
0xad: {  	[dreg:$0x0] =	wrdreg $0x60  }
0xae: {  	[dreg:$0x2] =	wrdreg s2  }
0xaf: {  	[dreg:$0x3] =	wrdreg s24  }
0xb0: {  	[dreg:$0x4] =	wrdreg $0x0  }
0xb1: {  	[dreg:$0x5] =	wrdreg $0x9  }
0xb2: {  	_ =	task.clear_ibuf [dreg:s7], $0x6FFFF;
	_ =	strace $0x9000004F  }
0xb3: {  	s29 =	simm.s32 $0x9;
	_ =	strace $0x80000051  }
0xb4: {  	_ =	swait.ge [sflag:s29], $0x1  }
0xb5: {  	[sflag:s29] =	ssyncadd.s32 $0xFFFFFFFF  }
0xb6: {  	_ =	strace $0x90000051  }
0xb7: {  	_ =	sfence  }
0xb8: {  	s30 =	sld [smem:$0x0];
	_ =	sdelay $0x2  }
0xb9: {  	s31 =	sshll.u32 s1, $0xD;
	s1 =	sshrl.u32 s1, $0x2  }
0xba: {  	s3 =	sand.u32 $0x4000, s31;
	s1 =	sadd.s32 s1, s30  }
0xbb: {  	s0 =	sor.u32 s3, s0;
	s1 =	sshll.u32 s1, $0x11  }
0xbc: {  	s0 =	sor.u32 s1, s0  }
0xbd: {  	s0 =	sadd.s32 $0x8F2B, s0  }
0xbe: {  	[sflag:s0] =	ssyncadd.remote.s32 $0x1  }
0xbf: {  	_ =	sfence.sel $0xFFFF  }
0xc0: {  	[dreg:$0x0] =	wrdreg $0xFFFFFFFF;
	(pc) =	sbr.abs _section_cstart, $3  }
0xc1: {  	[dreg:$0x1] =	wrdreg $0xFFFFFFFF  }
0xc2: {  	_ =	task.clear_ibuf [dreg:s7], $0x2FFFF;
	_ =	strace $0x9FFFFFFF  }
0xc3: {  	(tm) =	ssettm $0x7FFFFFFF  }
tec
execute0_lowered:
.L_overlay_start_1:
0x0: {  	(tag) =	ssettag $0x1  }
0x1: {  	s1 =	rddreg [dreg:$0x0]  }
0x2: {  	s0 =	srdreg.scid;
	s2 =	rddreg [dreg:$0x1]  }
0x3: {  	s19 =	stileid.u32;
	s3 =	rddreg [dreg:$0x2];
	s20 =	simm.s32 $0x3  }
0x4: {  	s21 =	simm.s32 $0x13880;
	s23 =	simm.s32 $0x50;
	s25 =	simm.s32 $0x1C800  }
0x5: {  	s28 =	simm.s32 $0x2;
	s31 =	simm.s32 $0x19D80;
	s7 =	smul.u32 $0x4E000, s19  }
0x6: {  	s0 =	sand.u32 $0x1, s0;
	s10 =	smul.u32 $0x13800, s19;
	p0 =	sne.s32 s19, $0xF  }
0x7: {  	s4 =	sshll.u32 s0, $0x4;
	s26 =	ssub.s32 $0x2, s0;
	s0 =	smul.u32 $0x138800, s0  }
0x8: {  	s5 =	sor.u32 s19, s4;
	s4 =	simm.s32 $0x0;
	s29 =	sshrl.u32 s7, $0x2  }
0x9: {  	s30 =	sshrl.u32 s26, $0x1;
	s7 =	sadd.s32 $0x138000, s3;
	s19 =	simm.s32 $0x1A000  }
0xa: {  	s6 =	smul.u32 $0x4F0, s5;
	[smem:$0x7FF] =	sst s4;
	s5 =	sshll.u32 s5, $0xB  }
0xb: {  	s12 =	ssub.s32 s26, s30;
	s10 =	sadd.s32 s10, s0;
	s0 =	sshrl.u32 s0, $0x3  }
0xc: {  	s26 =	simm.s32 $0x1;
	_ =	strace $0x80000050;
	s9 =	sadd.s32 s5, s2  }
0xd: {  	s5 =	sadd.s32 s29, s3;
	s10 =	sshrl.u32 s10, $0x3;
	s12 =	smax.u32 s12, $0x1  }
0xe: {  	s8 =	sadd.s32 s6, s2;
	s2 =	sadd.s32 $0x14000, s2;
	s6 =	sadd.s32 $0x11800, s5  }
0xf: {  	s9 =	sadd.s32 $0x4000, s9;
	s13 =	sadd.s32 $0x2800, s5;
	s14 =	sadd.s32 $0x5000, s5  }
0x10: {  	s15 =	sadd.s32 $0x7800, s5;
	s16 =	sadd.s32 $0xA000, s5;
	s17 =	sadd.s32 $0xC800, s5  }
0x11: {  	s18 =	sadd.s32 $0xF000, s5;
	s8 =	sadd.s32 $0x62200, s8;
	s0 =	sadd.s32 s2, s0  }
0x12: {  	v0 =	vimm.f32 $0.0e+00;
	s10 =	sadd.s32 s2, s10;
	s2 =	simm.s32 $0x19E00;
	s11 =	sadd.s32 $0x27000, s0  }
.LBB2_1:
0x13: {  	s0 =	simm.s32 $0x70;
	s22 =	simm.s32 $0x3C0  }
.LBB2_2:
0x14: {  	p1 =	sne.s32 s22, $0x9FC0;
	[tilespmem:s0+$0x1A000] =	vst v0  }
0x15: {  	[tilespmem:s0+$0x19F90] =	vst v0  }
0x16: {  	[tilespmem:s0+$0x19FA0] =	vst v0  }
.Ltmp0:
0x17: {  	[tilespmem:s0+$0x19FB0] =	vst v0;
	(pc) =	sbr.rel @p1 .LBB2_2-.Ltmp0, $4  }
0x18: {  	[tilespmem:s0+$0x19FC0] =	vst v0  }
0x19: {  	[tilespmem:s0+$0x19FD0] =	vst v0  }
0x1a: {  	[tilespmem:s0+$0x19FE0] =	vst v0  }
0x1b: {  	[tilespmem:s0+$0x19FF0] =	vst v0;
	s0 =	sshra.s32 s22, $0x2;
	s22 =	sadd.s32 $0x200, s22  }
0x1c: {  	[tilespmem:s0+$0x1A000] =	vst v0  }
0x1d: {  	[tilespmem:s0+$0x19F90] =	vst v0  }
0x1e: {  	[tilespmem:s0+$0x19FA0] =	vst v0  }
0x1f: {  	[tilespmem:s0+$0x19FB0] =	vst v0  }
0x20: {  	[tilespmem:s0+$0x19FC0] =	vst v0  }
0x21: {  	[tilespmem:s0+$0x19FD0] =	vst v0  }
0x22: {  	[tilespmem:s0+$0x19FE0] =	vst v0  }
0x23: {  	[tilespmem:s0+$0x19FF0] =	vst v0  }
0x24: {  	[spmem:s5] =	stream.linear.scatter [tilespmem:s19], [sflag:$0x3], $0x2800, $0x38;
	[tilespmem:$0x1F000] =	vst v63  }
0x25: {  	_ =	swait.ge [sflag:s20], $0x2800  }
0x26: {  	[sflag:s20] =	ssyncset.done $0x0  }
0x27: {  	[sflag:s20] =	ssyncadd.s32 $0xFFFFD800  }
0x28: {  	[spmem:s13] =	stream.linear.scatter [tilespmem:s19], [sflag:$0x3], $0x2800, $0x38;
	[tilespmem:$0x1F000] =	vst v63  }
0x29: {  	_ =	swait.ge [sflag:s20], $0x2800  }
0x2a: {  	[sflag:s20] =	ssyncset.done $0x0  }
0x2b: {  	[sflag:s20] =	ssyncadd.s32 $0xFFFFD800  }
0x2c: {  	[spmem:s14] =	stream.linear.scatter [tilespmem:s19], [sflag:$0x3], $0x2800, $0x38;
	[tilespmem:$0x1F000] =	vst v63  }
0x2d: {  	_ =	swait.ge [sflag:s20], $0x2800  }
0x2e: {  	[sflag:s20] =	ssyncset.done $0x0  }
0x2f: {  	[sflag:s20] =	ssyncadd.s32 $0xFFFFD800  }
0x30: {  	[spmem:s15] =	stream.linear.scatter [tilespmem:s19], [sflag:$0x3], $0x2800, $0x38;
	[tilespmem:$0x1F000] =	vst v63  }
0x31: {  	_ =	swait.ge [sflag:s20], $0x2800  }
0x32: {  	[sflag:s20] =	ssyncset.done $0x0  }
0x33: {  	[sflag:s20] =	ssyncadd.s32 $0xFFFFD800  }
0x34: {  	[spmem:s16] =	stream.linear.scatter [tilespmem:s19], [sflag:$0x3], $0x2800, $0x38;
	[tilespmem:$0x1F000] =	vst v63  }
0x35: {  	_ =	swait.ge [sflag:s20], $0x2800  }
0x36: {  	[sflag:s20] =	ssyncset.done $0x0  }
0x37: {  	[sflag:s20] =	ssyncadd.s32 $0xFFFFD800  }
0x38: {  	[spmem:s17] =	stream.linear.scatter [tilespmem:s19], [sflag:$0x3], $0x2800, $0x38;
	[tilespmem:$0x1F000] =	vst v63  }
0x39: {  	_ =	swait.ge [sflag:s20], $0x2800  }
0x3a: {  	[sflag:s20] =	ssyncset.done $0x0  }
0x3b: {  	[sflag:s20] =	ssyncadd.s32 $0xFFFFD800  }
0x3c: {  	[spmem:s18] =	stream.linear.scatter [tilespmem:s19], [sflag:$0x3], $0x2800, $0x38;
	[tilespmem:$0x1F000] =	vst v63  }
0x3d: {  	_ =	swait.ge [sflag:s20], $0x2800  }
0x3e: {  	[sflag:s20] =	ssyncset.done $0x0  }
0x3f: {  	[sflag:s20] =	ssyncadd.s32 $0xFFFFD800  }
0x40: {  	[spmem:s6] =	stream.linear.scatter [tilespmem:s19], [sflag:$0x3], $0x2000, $0x38;
	[tilespmem:$0x1F000] =	vst v63  }
0x41: {  	_ =	swait.ge [sflag:s20], $0x2000  }
0x42: {  	[sflag:s20] =	ssyncset.done $0x0  }
0x43: {  	s0 =	simm.s32 @!p0 $0x1A000;
	[sflag:s20] =	ssyncadd.s32 $0xFFFFE000  }
0x44: {  	[spmem:s7] =	stream.linear.scatter @!p0 [tilespmem:s0], [sflag:$0x3], $0x800, $0x38;
	[tilespmem:$0x1F000] =	vst v63  }
0x45: {  	s0 =	simm.s32 @!p0 $0x3  }
0x46: {  	_ =	swait.ge @!p0 [sflag:s0], $0x800  }
0x47: {  	[sflag:s0] =	ssyncset.done @!p0 $0x0  }
0x48: {  	s30 =	simm.s32 $0x0;
	[sflag:s0] =	ssyncadd.s32 @!p0 $0xFFFFF800  }
0x49: {  	[tilespmem:s21], [sflag:$0x3] =	stream.linear.gather [hbm4b:s8+s30], $0x2780, $0x38;
	[tilespmem:$0x1F000] =	vst v63  }
0x4a: {  	_ =	swait.ge [sflag:s20], $0x2780  }
0x4b: {  	[sflag:s20] =	ssyncset.done $0x0  }
0x4c: {  	s22 =	simm.s32 $0x16000;
	[sflag:s20] =	ssyncadd.s32 $0xFFFFD880  }
0x4d: {  	[tilespmem:s22], [sflag:$0x3] =	stream.linear.gather [hbm4b:s9+s30], $0x3E80, $0x38;
	[tilespmem:$0x1F000] =	vst v63  }
0x4e: {  	_ =	swait.ge [sflag:s20], $0x3E80  }
0x4f: {  	[sflag:s20] =	ssyncset.done $0x0  }
0x50: {  	[sflag:s20] =	ssyncadd.s32 $0xFFFFC180  }
0x51: {  	[bflag:$0x0] =	sbarrier.arrive $0xFFFF  }
0x52: {  	[tilespmem:s19], [sflag:$0x1] =	stream.indirect.gather [hbm4b:s1+s23], $0x80, s21, s23, $0xb8;
	[tilespmem:$0x1F000] =	vst v63  }
0x53: {  	s22 =	simm.s32 $0x138D0  }
0x54: {  	[tilespmem:s25], [sflag:$0x2] =	stream.indirect.gather [hbm4b:s1+s23], $0x80, s22, s23, $0xb8;
	[tilespmem:$0x1F000] =	vst v63  }
0x55: {  	_ =	swait.ge [sflag:s26], $0x2800  }
0x56: {  	[sflag:s26] =	ssyncset.done $0x0  }
0x57: {  	s24 =	simm.s32 $0x16000;
	[sflag:s26] =	ssyncadd.s32 $0xFFFFD800  }
0x58: {  	[spmem:s3] =	stream.indirect.scatter.add.f32 [tilespmem:s19], [sflag:$0x3], $0x80, s24, s23, $0xb8;
	[tilespmem:$0x1F000] =	vst v63  }
0x59: {  	_ =	swait.ge [sflag:s20], $0x2800  }
0x5a: {  	[sflag:s20] =	ssyncset.done $0x0  }
0x5b: {  	s29 =	simm.s32 $0x13920;
	[sflag:s20] =	ssyncadd.s32 $0xFFFFD800  }
0x5c: {  	[tilespmem:s19], [sflag:$0x1] =	stream.indirect.gather [hbm4b:s1+s23], $0x80, s29, s23, $0xb8;
	[tilespmem:$0x1F000] =	vst v63  }
0x5d: {  	_ =	swait.ge [sflag:s28], $0x2800  }
0x5e: {  	[sflag:s28] =	ssyncset.done $0x0  }
0x5f: {  	s30 =	simm.s32 $0x16080;
	[sflag:s28] =	ssyncadd.s32 $0xFFFFD800  }
0x60: {  	[spmem:s3] =	stream.indirect.scatter.add.f32 [tilespmem:s25], [sflag:$0x3], $0x80, s30, s23, $0xb8;
	[tilespmem:$0x1F000] =	vst v63  }
0x61: {  	_ =	swait.ge [sflag:s20], $0x2800  }
0x62: {  	s0 =	simm.s32 $0x13970;
	[sflag:s20] =	ssyncset.done $0x0  }
0x63: {  	s22 =	simm.s32 $0x400;
	s24 =	simm.s32 $0x13A10;
	[sflag:s20] =	ssyncadd.s32 $0xFFFFD800  }
.LBB2_4:
0x64: {  	[tilespmem:s25], [sflag:$0x2] =	stream.indirect.gather [hbm4b:s1+s23], $0x80, s0, s23, $0xb8;
	[tilespmem:$0x1F000] =	vst v63  }
0x65: {  	s29 =	smov.u32 s22;
	s0 =	smov.u32 s24  }
0x66: {  	p1 =	sne.s32 s22, $0xF000;
	s22 =	sadd.s32 $0x400, s22;
	_ =	swait.ge [sflag:s26], $0x2800  }
0x67: {  	s29 =	sshra.s32 s29, $0x2;
	[sflag:s26] =	ssyncset.done $0x0  }
0x68: {  	s30 =	sadd.s32 $0x16000, s29;
	[sflag:s26] =	ssyncadd.s32 $0xFFFFD800  }
0x69: {  	[spmem:s3] =	stream.indirect.scatter.add.f32 [tilespmem:s19], [sflag:$0x3], $0x80, s30, s23, $0xb8;
	[tilespmem:$0x1F000] =	vst v63  }
0x6a: {  	_ =	swait.ge [sflag:s20], $0x2800  }
0x6b: {  	[sflag:s20] =	ssyncset.done $0x0  }
0x6c: {  	s30 =	sadd.s32 $0xFFFFFFB0, s24;
	[sflag:s20] =	ssyncadd.s32 $0xFFFFD800  }
0x6d: {  	[tilespmem:s19], [sflag:$0x1] =	stream.indirect.gather [hbm4b:s1+s23], $0x80, s30, s23, $0xb8;
	[tilespmem:$0x1F000] =	vst v63  }
0x6e: {  	_ =	swait.ge [sflag:s28], $0x2800  }
0x6f: {  	[sflag:s28] =	ssyncset.done $0x0  }
.Ltmp1:
0x70: {  	s29 =	sadd.s32 $0x16080, s29;
	[sflag:s28] =	ssyncadd.s32 $0xFFFFD800;
	(pc) =	sbr.rel @p1 .LBB2_4-.Ltmp1, $4  }
0x71: {  	[spmem:s3] =	stream.indirect.scatter.add.f32 [tilespmem:s25], [sflag:$0x3], $0x80, s29, s23, $0xb8;
	[tilespmem:$0x1F000] =	vst v63  }
0x72: {  	_ =	swait.ge [sflag:s20], $0x2800  }
0x73: {  	[sflag:s20] =	ssyncset.done $0x0  }
0x74: {  	s24 =	sadd.s32 $0xA0, s24;
	[sflag:s20] =	ssyncadd.s32 $0xFFFFD800  }
0x75: {  	[tilespmem:s25], [sflag:$0x2] =	stream.indirect.gather [hbm4b:s1+s23], $0x80, s0, s23, $0xb8;
	[tilespmem:$0x1F000] =	vst v63  }
0x76: {  	_ =	swait.ge [sflag:s26], $0x2800  }
0x77: {  	[sflag:s26] =	ssyncset.done $0x0  }
0x78: {  	s24 =	simm.s32 $0x19D00;
	[sflag:s26] =	ssyncadd.s32 $0xFFFFD800  }
0x79: {  	[spmem:s3] =	stream.indirect.scatter.add.f32 [tilespmem:s19], [sflag:$0x3], $0x80, s24, s23, $0xb8;
	[tilespmem:$0x1F000] =	vst v63  }
0x7a: {  	_ =	swait.ge [sflag:s20], $0x2800  }
0x7b: {  	[sflag:s20] =	ssyncset.done $0x0  }
0x7c: {  	s29 =	simm.s32 $0x15F40;
	[sflag:s20] =	ssyncadd.s32 $0xFFFFD800  }
0x7d: {  	[tilespmem:s19], [sflag:$0x1] =	stream.indirect.gather [hbm4b:s1+s23], $0x80, s29, s23, $0xb8;
	[tilespmem:$0x1F000] =	vst v63  }
0x7e: {  	_ =	swait.ge [sflag:s28], $0x2800  }
0x7f: {  	[sflag:s28] =	ssyncset.done $0x0  }
0x80: {  	[sflag:s28] =	ssyncadd.s32 $0xFFFFD800  }
0x81: {  	[spmem:s3] =	stream.indirect.scatter.add.f32 [tilespmem:s25], [sflag:$0x3], $0x80, s31, s23, $0xb8;
	[tilespmem:$0x1F000] =	vst v63  }
0x82: {  	_ =	swait.ge [sflag:s20], $0x2800  }
0x83: {  	[sflag:s20] =	ssyncset.done $0x0  }
0x84: {  	[sflag:s20] =	ssyncadd.s32 $0xFFFFD800  }
0x85: {  	_ =	swait.ge [sflag:s26], $0x2800  }
0x86: {  	[sflag:s26] =	ssyncset.done $0x0  }
0x87: {  	[sflag:s26] =	ssyncadd.s32 $0xFFFFD800  }
0x88: {  	[spmem:s3] =	stream.indirect.scatter.add.f32 [tilespmem:s19], [sflag:$0x3], $0x80, s2, s23, $0xb8;
	[tilespmem:$0x1F000] =	vst v63  }
0x89: {  	_ =	swait.ge [sflag:s20], $0x2800  }
0x8a: {  	s30 =	stileid.u32;
	[sflag:s20] =	ssyncset.done $0x0  }
0x8b: {  	s0 =	sshll.u32 s30, $0x6;
	[sflag:s20] =	ssyncadd.s32 $0xFFFFD800  }
0x8c: {  	s22 =	sshrl.u32 s5, $0x3;
	s0 =	sor.u32 $0x1C03, s0;
	[bflag:$0x0] =	sbarrier.arrive $0xFFFF  }
0x8d: {  	[hbm:s10], [sflag:s0] =	dma.local [spmem:s22], $0x2700  }
0x8e: {  	_ =	swait.ge [sflag:s20], $0x2700  }
0x8f: {  	s4 =	sadd.s32 $0x1, s4;
	[sflag:s20] =	ssyncset.done $0x0  }
0x90: {  	p1 =	sne.s32 s4, s12;
	s22 =	sshrl.u32 @!p0 s7, $0x3;
	[sflag:s20] =	ssyncadd.s32 $0xFFFFD900  }
0x91: {  	[hbm:s11], [sflag:s0] =	dma.local @!p0 [spmem:s22], $0x100  }
.Ltmp2:
0x92: {  	_ = 	snop;
	(pc) =	sbr.rel @p1 .LBB2_1-.Ltmp2, $4  }
0x93: {  	s0 =	simm.s32 @!p0 $0x3  }
0x94: {  	_ =	swait.ge @!p0 [sflag:s0], $0x100  }
0x95: {  	[sflag:s0] =	ssyncset.done @!p0 $0x0  }
0x96: {  	[sflag:s0] =	ssyncadd.s32 @!p0 $0xFFFFFF00  }
0x97: {  	_ =	sfence.sel $0x180000  }
0x98: {  	[bflag:$0x0] =	sbarrier.arrive $0xFFFF  }
0x99: {  	_ =	strace $0x90000050  }
0x9a: {  	s0 =	stileid.u32;
	[bflag:$0x2] =	sbarrier.arrive $0xFFFF  }
0x9b: {  	p0 =	sne.s32 s0, $0x0;
	s0 =	rddreg [dreg:$0x3]  }
0x9c: {  	s0 =	sadd.s32 @!p0 $0x100000, s0  }
0x9d: {  	[sflag:s0] =	ssyncadd.tile.s32 @!p0 $0x1;
	_ =	shalt  }
.Lfunc_end2:
_tile_overlayer_lowered:
.L_overlay_start_2:
0x9e: {  	(tag) =	ssettag $0x2  }
0x9f: {  	s0 =	rddreg [dreg:$0x0];
	s2 =	stileid.u32  }
0xa0: {  	s1 =	rddreg [dreg:$0x1];
	p0 =	sne.s32 s2, $0x0  }
0xa1: {  	s3 =	rddreg [dreg:$0x2];
	[bflag:$0x3] =	sbarrier.arrive $0xFFFF;
	s2 =	simm.s32 @!p0 $0x1C03  }
0xa2: {  	[timem:s3], [sflag:s2] =	dma.local @!p0 [hbm:s0], s1  }
0xa3: {  	s0 =	simm.s32 @!p0 $0x3  }
0xa4: {  	_ =	swait.ge @!p0 [sflag:s0], s1  }
0xa5: {  	s1 =	ssub.s32 @!p0 $0x0, s1;
	[sflag:s0] =	ssyncset.done @!p0 $0x0  }
0xa6: {  	[sflag:s0] =	ssyncadd.s32 @!p0 s1  }
0xa7: {  	[bflag:$0x3] =	sbarrier.arrive $0xFFFF  }
0xa8: {  	_ =	shalt  }

// kernel: kernel.27.cloned.1.call-start
scs
__scs_entry_jumppad:
0x0: {  	(pc) =	sbr.rel $0x88, $3  }
0x1: {  	(tag) =	ssettag $0x0;
	lr =	simm.s32 $0x1  }
0x2: {  	[smem:$0x3F99] =	sst lr;
	_ =	strace $0xD0000000  }
0x3: {  	_ = 	snop  }
0x4: {  	_ = 	snop  }
0x5: {  	_ = 	snop  }
0x6: {  	_ = 	snop  }
0x7: {  	_ = 	snop  }
__scs_overlays_trampoline_lowered:
0x8: {  	[smem:$0x3FA8] =	sst s0  }
0x9: {  	[smem:$0x3FA9] =	sst s1  }
0xa: {  	[smem:$0x3FAA] =	sst s2  }
0xb: {  	[smem:$0x3FAB] =	sst s3  }
0xc: {  	[smem:$0x3FAC] =	sst s4  }
0xd: {  	[smem:$0x3FAD] =	sst s5  }
0xe: {  	[smem:$0x3FAE] =	sst s6  }
0xf: {  	[smem:$0x3FAF] =	sst s7  }
0x10: {  	[smem:$0x3FB0] =	sst s8  }
0x11: {  	[smem:$0x3FB1] =	sst s9;
	s0 =	simm.s32 @!p0 $0x0  }
0x12: {  	s1 =	sld [smem:$0x3F97];
	s0 =	simm.s32 @p0 $0x1  }
0x13: {  	[smem:$0x3FB2] =	sst s0;
	s0 =	simm.s32 @!p1 $0x0  }
0x14: {  	s2 =	sld [smem:$0x3F96];
	s0 =	simm.s32 @p1 $0x1  }
0x15: {  	[smem:$0x3FB3] =	sst s0;
	s0 =	simm.s32 @!p2 $0x0  }
0x16: {  	s3 =	sld [smem:$0x3FDB];
	s0 =	simm.s32 @p2 $0x1  }
0x17: {  	s4 =	simm.s32 $0x1BF5;
	[smem:$0x3FB5] =	sst s0  }
0x18: {  	s0 =	sld [smem:$0x3F98];
	_ =	swait.ge [sflag:s4], $0x0  }
0x19: {  	s7 =	sld [smem:$0x3F99]  }
0x1a: {  	s8 =	sadd.s32 $0xFFFFE003, lr  }
0x1b: {  	s9 =	sadd.s32 $0xFFFFFEF7, lr;
	s5 =	simm.s32 $0xFFFFFFFF;
	p2 =	slt.u32 s8, $0xFFFFF086  }
0x1c: {  	p1 =	slt.u32 s9, $0xF7A;
	s5 =	simm.s32 @!p2 $0x0  }
0x1d: {  	s5 =	simm.s32 @p1 $0x1;
	p0 =	seq.s32 s7, s2  }
0x1e: {  	s7 =	smul.u32 @!p0 $0xF7A, s2;
	p2 =	seq.s32 @!p0 s5, $0x0  }
0x1f: {  	s9 =	smul.u32 $0xF7A, s1;
	s8 =	simm.s32 @!p0 $0x1BF5;
	p2 =	por !p2, p0  }
0x20: {  	[sflag:s8] =	ssyncset.s32 @!p0 $0xFFFFF086;
	s6 =	sadd.s32 @!p0 s3, s7;
	s7 =	simm.s32 @!p0 $0x108  }
0x21: {  	s3 =	sadd.s32 s3, s9;
	s6 =	sadd.s32 @!p0 $0x88, s6;
	s7 =	simm.s32 @p2 $0x1082  }
0x22: {  	[simem:s7], [sflag:s8] =	dma.local @!p0 [hbm:s6], $0xF7A  }
0x23: {  	s9 =	sor.u32 $0xD0000000, s2;
	s6 =	simm.s32 $0x108;
	_ =	swait.ge @!p0 [sflag:s8], $0x0  }
0x24: {  	s3 =	sadd.s32 $0x88, s3;
	s6 =	simm.s32 @!p1 $0x1082;
	[sflag:s4] =	ssyncset.s32 $0xFFFFF086  }
0x25: {  	[simem:s6], [sflag:s4] =	dma.local [hbm:s3], $0xF7A  }
0x26: {  	[smem:$0x3F99] =	sst s1;
	(tag) =	ssettag s2;
	_ =	strace s9  }
0x27: {  	s1 =	sld [smem:$0x3FA9]  }
0x28: {  	s2 =	sld [smem:$0x3FAA]  }
0x29: {  	s4 =	sld [smem:$0x3FAC]  }
0x2a: {  	p0 =	seq.s32 s5, $0x0;
	s5 =	sld [smem:$0x3FAD]  }
0x2b: {  	s6 =	sld [smem:$0x3FAE]  }
0x2c: {  	s7 =	sld [smem:$0x3FAF]  }
0x2d: {  	s3 =	simm.s32 $0x108;
	s8 =	sld [smem:$0x3FB0]  }
0x2e: {  	s3 =	simm.s32 @!p0 $0x1082;
	s9 =	sld [smem:$0x3FB1]  }
0x2f: {  	lr =	sadd.s32 s0, s3;
	s0 =	sld [smem:$0x3FA8]  }
0x30: {  	s3 =	sld [smem:$0x3FAB]  }
0x31: {  	[smem:$0x3FB4] =	sst s10  }
0x32: {  	s10 =	sld [smem:$0x3FB2];
	_ =	sdelay $0x3  }
0x33: {  	p0 =	seq.s32 s10, $0x1;
	s10 =	sld [smem:$0x3FB4];
	_ =	sdelay $0x3  }
0x34: {  	[smem:$0x3FB4] =	sst s10  }
0x35: {  	s10 =	sld [smem:$0x3FB3];
	_ =	sdelay $0x3  }
0x36: {  	p1 =	seq.s32 s10, $0x1;
	s10 =	sld [smem:$0x3FB4];
	_ =	sdelay $0x3  }
0x37: {  	[smem:$0x3FB4] =	sst s10  }
0x38: {  	s10 =	sld [smem:$0x3FB5]  }
0x39: {  	_ = 	snop;
	(pc) =	sbr.ind lr, $3  }
0x3a: {  	_ = 	snop  }
0x3b: {  	_ = 	snop  }
0x3c: {  	p2 =	seq.s32 s10, $0x1;
	s10 =	sld [smem:$0x3FB4]  }
0x3d: {  	_ =	shalt  }
0x3e: {  	_ =	shalt  }
0x3f: {  	_ =	shalt  }
0x40: {  	_ =	shalt  }
0x41: {  	_ =	shalt  }
0x42: {  	_ =	shalt  }
0x43: {  	_ =	shalt  }
0x44: {  	_ =	shalt  }
0x45: {  	_ =	shalt  }
0x46: {  	_ =	shalt  }
0x47: {  	_ =	shalt  }
0x48: {  	_ =	shalt  }
0x49: {  	_ =	shalt  }
0x4a: {  	_ =	shalt  }
0x4b: {  	_ =	shalt  }
0x4c: {  	_ =	shalt  }
0x4d: {  	_ =	shalt  }
0x4e: {  	_ =	shalt  }
0x4f: {  	_ =	shalt  }
0x50: {  	_ =	shalt  }
0x51: {  	_ =	shalt  }
0x52: {  	_ =	shalt  }
0x53: {  	_ =	shalt  }
0x54: {  	_ =	shalt  }
0x55: {  	_ =	shalt  }
0x56: {  	_ =	shalt  }
0x57: {  	_ =	shalt  }
0x58: {  	_ =	shalt  }
0x59: {  	_ =	shalt  }
0x5a: {  	_ =	shalt  }
0x5b: {  	_ =	shalt  }
0x5c: {  	_ =	shalt  }
0x5d: {  	_ =	shalt  }
0x5e: {  	_ =	shalt  }
0x5f: {  	_ =	shalt  }
0x60: {  	_ =	shalt  }
0x61: {  	_ =	shalt  }
0x62: {  	_ =	shalt  }
0x63: {  	_ =	shalt  }
0x64: {  	_ =	shalt  }
0x65: {  	_ =	shalt  }
0x66: {  	_ =	shalt  }
0x67: {  	_ =	shalt  }
0x68: {  	_ =	shalt  }
0x69: {  	_ =	shalt  }
0x6a: {  	_ =	shalt  }
0x6b: {  	_ =	shalt  }
0x6c: {  	_ =	shalt  }
0x6d: {  	_ =	shalt  }
0x6e: {  	_ =	shalt  }
0x6f: {  	_ =	shalt  }
0x70: {  	_ =	shalt  }
0x71: {  	_ =	shalt  }
0x72: {  	_ =	shalt  }
0x73: {  	_ =	shalt  }
0x74: {  	_ =	shalt  }
0x75: {  	_ =	shalt  }
0x76: {  	_ =	shalt  }
0x77: {  	_ =	shalt  }
0x78: {  	_ =	shalt  }
0x79: {  	_ =	shalt  }
0x7a: {  	_ =	shalt  }
0x7b: {  	_ =	shalt  }
0x7c: {  	_ =	shalt  }
0x7d: {  	_ =	shalt  }
0x7e: {  	_ =	shalt  }
0x7f: {  	_ =	shalt  }
0x80: {  	_ =	shalt  }
0x81: {  	_ =	shalt  }
0x82: {  	_ =	shalt  }
0x83: {  	_ =	shalt  }
0x84: {  	_ =	shalt  }
0x85: {  	_ =	shalt  }
0x86: {  	_ =	shalt  }
0x87: {  	_ =	shalt  }
.Lfunc_end0:
.L_simem_size_0:
called_computation.4_lowered:
.L_overlay_start_0:
0x88: {  	s2 =	sld [smem:$0x3FD9]  }
0x89: {  	s3 =	sld [smem:$0x3FFE];
	_ =	sdelay $0x1  }
0x8a: {  	s1 =	srdreg.scid  }
0x8b: {  	s0 =	sand.u32 $0x1, s1  }
0x8c: {  	s17 =	sshll.u32 s0, $0xA;
	s2 =	sadd.s32 s3, s2  }
0x8d: {  	s2 =	sadd.s32 s2, s17  }
0x8e: {  	[smem:$0x3FC0] =	sst s2  }
0x8f: {  	_ = 	snop  }
0x90: {  	s2 =	sld [smem:$0x3FD0];
	(tm) =	ssettm $0x1  }
0x91: {  	s18 =	sld [smem:$0x3FFB];
	_ =	sdelay $0x3  }
0x92: {  	_ =	strace s18  }
0x93: {  	s3 =	sld [smem:$0x3FFC];
	_ =	sdelay $0x3  }
0x94: {  	_ =	strace s3  }
0x95: {  	s3 =	sld [smem:$0x3FFD];
	_ =	sdelay $0x3  }
0x96: {  	_ =	strace s3  }
0x97: {  	_ =	strace $0x8FFFFFFF  }
0x98: {  	s19 =	sld [smem:$0x3FDB];
	_ =	sdelay $0x1  }
0x99: {  	s4 =	simm.s32 $_scs_section_size  }
0x9a: {  	s5 =	simm.s32 $_size__tile_overlayer_lowered;
	s6 =	simm.s32 $_tile_overlayer_lowered  }
0x9b: {  	s22 =	simm.s32 $0x1BFF;
	s21 =	sshll.u32 s6, $0x1;
	s3 =	sadd.s32 s4, s19  }
0x9c: {  	s7 =	simm.s32 $0x0;
	s20 =	sshll.u32 s5, $0x1;
	s5 =	sadd.s32 s21, s3  }
0x9d: {  	[timem:s7], [sflag:s22] =	dma.local [hbm:s5], s20  }
0x9e: {  	_ =	swait.ge [sflag:s22], s20  }
0x9f: {  	s4 =	ssub.s32 $0x0, s20;
	[sflag:s22] =	ssyncset.done $0x0  }
0xa0: {  	[sflag:s22] =	ssyncadd.s32 s4;
	_ =	sdelay $0x1  }
0xa1: {  	s23 =	simm.s32 $0x1B8B  }
0xa2: {  	_ =	swait.ge [sflag:s23], $0x1  }
0xa3: {  	[sflag:s23] =	ssyncset.done $0x0  }
0xa4: {  	s25 =	simm.s32 $0x1B8E;
	s24 =	sld [smem:$0x3FFE];
	[sflag:s23] =	ssyncadd.s32 $0xFFFFFFFF  }
0xa5: {  	s26 =	simm.s32 $execute0_lowered;
	[smem:$0x3FD2] =	sst s25  }
0xa6: {  	s5 =	sshll.u32 s26, $0x1;
	_ =	strace $0x80000052;
	[dreg:$0x1] =	wrdreg $0xFFFFFFFF  }
0xa7: {  	s28 =	simm.s32 $_size_execute0_lowered;
	s3 =	sadd.s32 s3, s5;
	[dreg:$0x0] =	wrdreg $0x0  }
0xa8: {  	s5 =	sshll.u32 s28, $0x1;
	[dreg:$0x2] =	wrdreg s3  }
0xa9: {  	[dreg:$0x3] =	wrdreg s5  }
0xaa: {  	[dreg:$0x4] =	wrdreg $0xC0  }
0xab: {  	_ =	task [dreg:s7], $0x5FFFF  }
0xac: {  	[dreg:$0x1] =	wrdreg $0xFFFFFFFF  }
0xad: {  	[dreg:$0x0] =	wrdreg $0x60  }
0xae: {  	[dreg:$0x2] =	wrdreg s2  }
0xaf: {  	[dreg:$0x3] =	wrdreg s24  }
0xb0: {  	[dreg:$0x4] =	wrdreg $0x0  }
0xb1: {  	[dreg:$0x5] =	wrdreg $0x9  }
0xb2: {  	_ =	task.clear_ibuf [dreg:s7], $0x6FFFF;
	_ =	strace $0x90000052  }
0xb3: {  	s29 =	simm.s32 $0x9;
	_ =	strace $0x80000054  }
0xb4: {  	_ =	swait.ge [sflag:s29], $0x1  }
0xb5: {  	[sflag:s29] =	ssyncadd.s32 $0xFFFFFFFF  }
0xb6: {  	_ =	strace $0x90000054  }
0xb7: {  	_ =	sfence  }
0xb8: {  	s30 =	sld [smem:$0x0];
	_ =	sdelay $0x2  }
0xb9: {  	s31 =	sshll.u32 s1, $0xD;
	s1 =	sshrl.u32 s1, $0x2  }
0xba: {  	s3 =	sand.u32 $0x4000, s31;
	s1 =	sadd.s32 s1, s30  }
0xbb: {  	s0 =	sor.u32 s3, s0;
	s1 =	sshll.u32 s1, $0x11  }
0xbc: {  	s0 =	sor.u32 s1, s0  }
0xbd: {  	s0 =	sadd.s32 $0x8F2B, s0  }
0xbe: {  	[sflag:s0] =	ssyncadd.remote.s32 $0x1  }
0xbf: {  	_ =	sfence.sel $0xFFFF  }
0xc0: {  	[dreg:$0x0] =	wrdreg $0xFFFFFFFF;
	(pc) =	sbr.abs _section_cstart, $3  }
0xc1: {  	[dreg:$0x1] =	wrdreg $0xFFFFFFFF  }
0xc2: {  	_ =	task.clear_ibuf [dreg:s7], $0x2FFFF;
	_ =	strace $0x9FFFFFFF  }
0xc3: {  	(tm) =	ssettm $0x7FFFFFFF  }
tec
execute0_lowered:
.L_overlay_start_1:
0x0: {  	(tag) =	ssettag $0x1  }
0x1: {  	s1 =	rddreg [dreg:$0x0]  }
0x2: {  	s0 =	srdreg.scid;
	s2 =	rddreg [dreg:$0x1]  }
0x3: {  	s19 =	stileid.u32;
	s3 =	rddreg [dreg:$0x2];
	s20 =	simm.s32 $0x3  }
0x4: {  	s21 =	simm.s32 $0x13880;
	s23 =	simm.s32 $0x50;
	s25 =	simm.s32 $0x1C800  }
0x5: {  	s28 =	simm.s32 $0x2;
	s31 =	simm.s32 $0x19D80;
	s7 =	smul.u32 $0x4E000, s19  }
0x6: {  	s0 =	sand.u32 $0x1, s0;
	s10 =	smul.u32 $0x13800, s19;
	p0 =	sne.s32 s19, $0xF  }
0x7: {  	s4 =	sshll.u32 s0, $0x4;
	s26 =	ssub.s32 $0x2, s0;
	s0 =	smul.u32 $0x138800, s0  }
0x8: {  	s5 =	sor.u32 s19, s4;
	s4 =	simm.s32 $0x0;
	s29 =	sshrl.u32 s7, $0x2  }
0x9: {  	s30 =	sshrl.u32 s26, $0x1;
	s7 =	sadd.s32 $0x138000, s3;
	s19 =	simm.s32 $0x1A000  }
0xa: {  	s6 =	smul.u32 $0x4F0, s5;
	[smem:$0x7FF] =	sst s4;
	s5 =	sshll.u32 s5, $0xB  }
0xb: {  	s12 =	ssub.s32 s26, s30;
	s10 =	sadd.s32 s10, s0;
	s0 =	sshrl.u32 s0, $0x3  }
0xc: {  	s26 =	simm.s32 $0x1;
	_ =	strace $0x80000053;
	s9 =	sadd.s32 s5, s2  }
0xd: {  	s5 =	sadd.s32 s29, s3;
	s10 =	sshrl.u32 s10, $0x3;
	s12 =	smax.u32 s12, $0x1  }
0xe: {  	s8 =	sadd.s32 s6, s2;
	s2 =	sadd.s32 $0x14000, s2;
	s6 =	sadd.s32 $0x11800, s5  }
0xf: {  	s9 =	sadd.s32 $0x4000, s9;
	s13 =	sadd.s32 $0x2800, s5;
	s14 =	sadd.s32 $0x5000, s5  }
0x10: {  	s15 =	sadd.s32 $0x7800, s5;
	s16 =	sadd.s32 $0xA000, s5;
	s17 =	sadd.s32 $0xC800, s5  }
0x11: {  	s18 =	sadd.s32 $0xF000, s5;
	s8 =	sadd.s32 $0x62200, s8;
	s0 =	sadd.s32 s2, s0  }
0x12: {  	v0 =	vimm.f32 $0.0e+00;
	s10 =	sadd.s32 s2, s10;
	s2 =	simm.s32 $0x19E00;
	s11 =	sadd.s32 $0x27000, s0  }
.LBB2_1:
0x13: {  	s0 =	simm.s32 $0x70;
	s22 =	simm.s32 $0x3C0  }
.LBB2_2:
0x14: {  	p1 =	sne.s32 s22, $0x9FC0;
	[tilespmem:s0+$0x1A000] =	vst v0  }
0x15: {  	[tilespmem:s0+$0x19F90] =	vst v0  }
0x16: {  	[tilespmem:s0+$0x19FA0] =	vst v0  }
.Ltmp0:
0x17: {  	[tilespmem:s0+$0x19FB0] =	vst v0;
	(pc) =	sbr.rel @p1 .LBB2_2-.Ltmp0, $4  }
0x18: {  	[tilespmem:s0+$0x19FC0] =	vst v0  }
0x19: {  	[tilespmem:s0+$0x19FD0] =	vst v0  }
0x1a: {  	[tilespmem:s0+$0x19FE0] =	vst v0  }
0x1b: {  	[tilespmem:s0+$0x19FF0] =	vst v0;
	s0 =	sshra.s32 s22, $0x2;
	s22 =	sadd.s32 $0x200, s22  }
0x1c: {  	[tilespmem:s0+$0x1A000] =	vst v0  }
0x1d: {  	[tilespmem:s0+$0x19F90] =	vst v0  }
0x1e: {  	[tilespmem:s0+$0x19FA0] =	vst v0  }
0x1f: {  	[tilespmem:s0+$0x19FB0] =	vst v0  }
0x20: {  	[tilespmem:s0+$0x19FC0] =	vst v0  }
0x21: {  	[tilespmem:s0+$0x19FD0] =	vst v0  }
0x22: {  	[tilespmem:s0+$0x19FE0] =	vst v0  }
0x23: {  	[tilespmem:s0+$0x19FF0] =	vst v0  }
0x24: {  	[spmem:s5] =	stream.linear.scatter [tilespmem:s19], [sflag:$0x3], $0x2800, $0x38;
	[tilespmem:$0x1F000] =	vst v63  }
0x25: {  	_ =	swait.ge [sflag:s20], $0x2800  }
0x26: {  	[sflag:s20] =	ssyncset.done $0x0  }
0x27: {  	[sflag:s20] =	ssyncadd.s32 $0xFFFFD800  }
0x28: {  	[spmem:s13] =	stream.linear.scatter [tilespmem:s19], [sflag:$0x3], $0x2800, $0x38;
	[tilespmem:$0x1F000] =	vst v63  }
0x29: {  	_ =	swait.ge [sflag:s20], $0x2800  }
0x2a: {  	[sflag:s20] =	ssyncset.done $0x0  }
0x2b: {  	[sflag:s20] =	ssyncadd.s32 $0xFFFFD800  }
0x2c: {  	[spmem:s14] =	stream.linear.scatter [tilespmem:s19], [sflag:$0x3], $0x2800, $0x38;
	[tilespmem:$0x1F000] =	vst v63  }
0x2d: {  	_ =	swait.ge [sflag:s20], $0x2800  }
0x2e: {  	[sflag:s20] =	ssyncset.done $0x0  }
0x2f: {  	[sflag:s20] =	ssyncadd.s32 $0xFFFFD800  }
0x30: {  	[spmem:s15] =	stream.linear.scatter [tilespmem:s19], [sflag:$0x3], $0x2800, $0x38;
	[tilespmem:$0x1F000] =	vst v63  }
0x31: {  	_ =	swait.ge [sflag:s20], $0x2800  }
0x32: {  	[sflag:s20] =	ssyncset.done $0x0  }
0x33: {  	[sflag:s20] =	ssyncadd.s32 $0xFFFFD800  }
0x34: {  	[spmem:s16] =	stream.linear.scatter [tilespmem:s19], [sflag:$0x3], $0x2800, $0x38;
	[tilespmem:$0x1F000] =	vst v63  }
0x35: {  	_ =	swait.ge [sflag:s20], $0x2800  }
0x36: {  	[sflag:s20] =	ssyncset.done $0x0  }
0x37: {  	[sflag:s20] =	ssyncadd.s32 $0xFFFFD800  }
0x38: {  	[spmem:s17] =	stream.linear.scatter [tilespmem:s19], [sflag:$0x3], $0x2800, $0x38;
	[tilespmem:$0x1F000] =	vst v63  }
0x39: {  	_ =	swait.ge [sflag:s20], $0x2800  }
0x3a: {  	[sflag:s20] =	ssyncset.done $0x0  }
0x3b: {  	[sflag:s20] =	ssyncadd.s32 $0xFFFFD800  }
0x3c: {  	[spmem:s18] =	stream.linear.scatter [tilespmem:s19], [sflag:$0x3], $0x2800, $0x38;
	[tilespmem:$0x1F000] =	vst v63  }
0x3d: {  	_ =	swait.ge [sflag:s20], $0x2800  }
0x3e: {  	[sflag:s20] =	ssyncset.done $0x0  }
0x3f: {  	[sflag:s20] =	ssyncadd.s32 $0xFFFFD800  }
0x40: {  	[spmem:s6] =	stream.linear.scatter [tilespmem:s19], [sflag:$0x3], $0x2000, $0x38;
	[tilespmem:$0x1F000] =	vst v63  }
0x41: {  	_ =	swait.ge [sflag:s20], $0x2000  }
0x42: {  	[sflag:s20] =	ssyncset.done $0x0  }
0x43: {  	s0 =	simm.s32 @!p0 $0x1A000;
	[sflag:s20] =	ssyncadd.s32 $0xFFFFE000  }
0x44: {  	[spmem:s7] =	stream.linear.scatter @!p0 [tilespmem:s0], [sflag:$0x3], $0x800, $0x38;
	[tilespmem:$0x1F000] =	vst v63  }
0x45: {  	s0 =	simm.s32 @!p0 $0x3  }
0x46: {  	_ =	swait.ge @!p0 [sflag:s0], $0x800  }
0x47: {  	[sflag:s0] =	ssyncset.done @!p0 $0x0  }
0x48: {  	s30 =	simm.s32 $0x0;
	[sflag:s0] =	ssyncadd.s32 @!p0 $0xFFFFF800  }
0x49: {  	[tilespmem:s21], [sflag:$0x3] =	stream.linear.gather [hbm4b:s8+s30], $0x2780, $0x38;
	[tilespmem:$0x1F000] =	vst v63  }
0x4a: {  	_ =	swait.ge [sflag:s20], $0x2780  }
0x4b: {  	[sflag:s20] =	ssyncset.done $0x0  }
0x4c: {  	s22 =	simm.s32 $0x16000;
	[sflag:s20] =	ssyncadd.s32 $0xFFFFD880  }
0x4d: {  	[tilespmem:s22], [sflag:$0x3] =	stream.linear.gather [hbm4b:s9+s30], $0x3E80, $0x38;
	[tilespmem:$0x1F000] =	vst v63  }
0x4e: {  	_ =	swait.ge [sflag:s20], $0x3E80  }
0x4f: {  	[sflag:s20] =	ssyncset.done $0x0  }
0x50: {  	[sflag:s20] =	ssyncadd.s32 $0xFFFFC180  }
0x51: {  	[bflag:$0x0] =	sbarrier.arrive $0xFFFF  }
0x52: {  	[tilespmem:s19], [sflag:$0x1] =	stream.indirect.gather [hbm4b:s1+s23], $0x80, s21, s23, $0xb8;
	[tilespmem:$0x1F000] =	vst v63  }
0x53: {  	s22 =	simm.s32 $0x138D0  }
0x54: {  	[tilespmem:s25], [sflag:$0x2] =	stream.indirect.gather [hbm4b:s1+s23], $0x80, s22, s23, $0xb8;
	[tilespmem:$0x1F000] =	vst v63  }
0x55: {  	_ =	swait.ge [sflag:s26], $0x2800  }
0x56: {  	[sflag:s26] =	ssyncset.done $0x0  }
0x57: {  	s24 =	simm.s32 $0x16000;
	[sflag:s26] =	ssyncadd.s32 $0xFFFFD800  }
0x58: {  	[spmem:s3] =	stream.indirect.scatter.add.f32 [tilespmem:s19], [sflag:$0x3], $0x80, s24, s23, $0xb8;
	[tilespmem:$0x1F000] =	vst v63  }
0x59: {  	_ =	swait.ge [sflag:s20], $0x2800  }
0x5a: {  	[sflag:s20] =	ssyncset.done $0x0  }
0x5b: {  	s29 =	simm.s32 $0x13920;
	[sflag:s20] =	ssyncadd.s32 $0xFFFFD800  }
0x5c: {  	[tilespmem:s19], [sflag:$0x1] =	stream.indirect.gather [hbm4b:s1+s23], $0x80, s29, s23, $0xb8;
	[tilespmem:$0x1F000] =	vst v63  }
0x5d: {  	_ =	swait.ge [sflag:s28], $0x2800  }
0x5e: {  	[sflag:s28] =	ssyncset.done $0x0  }
0x5f: {  	s30 =	simm.s32 $0x16080;
	[sflag:s28] =	ssyncadd.s32 $0xFFFFD800  }
0x60: {  	[spmem:s3] =	stream.indirect.scatter.add.f32 [tilespmem:s25], [sflag:$0x3], $0x80, s30, s23, $0xb8;
	[tilespmem:$0x1F000] =	vst v63  }
0x61: {  	_ =	swait.ge [sflag:s20], $0x2800  }
0x62: {  	s0 =	simm.s32 $0x13970;
	[sflag:s20] =	ssyncset.done $0x0  }
0x63: {  	s22 =	simm.s32 $0x400;
	s24 =	simm.s32 $0x13A10;
	[sflag:s20] =	ssyncadd.s32 $0xFFFFD800  }
.LBB2_4:
0x64: {  	[tilespmem:s25], [sflag:$0x2] =	stream.indirect.gather [hbm4b:s1+s23], $0x80, s0, s23, $0xb8;
	[tilespmem:$0x1F000] =	vst v63  }
0x65: {  	s29 =	smov.u32 s22;
	s0 =	smov.u32 s24  }
0x66: {  	p1 =	sne.s32 s22, $0xF000;
	s22 =	sadd.s32 $0x400, s22;
	_ =	swait.ge [sflag:s26], $0x2800  }
0x67: {  	s29 =	sshra.s32 s29, $0x2;
	[sflag:s26] =	ssyncset.done $0x0  }
0x68: {  	s30 =	sadd.s32 $0x16000, s29;
	[sflag:s26] =	ssyncadd.s32 $0xFFFFD800  }
0x69: {  	[spmem:s3] =	stream.indirect.scatter.add.f32 [tilespmem:s19], [sflag:$0x3], $0x80, s30, s23, $0xb8;
	[tilespmem:$0x1F000] =	vst v63  }
0x6a: {  	_ =	swait.ge [sflag:s20], $0x2800  }
0x6b: {  	[sflag:s20] =	ssyncset.done $0x0  }
0x6c: {  	s30 =	sadd.s32 $0xFFFFFFB0, s24;
	[sflag:s20] =	ssyncadd.s32 $0xFFFFD800  }
0x6d: {  	[tilespmem:s19], [sflag:$0x1] =	stream.indirect.gather [hbm4b:s1+s23], $0x80, s30, s23, $0xb8;
	[tilespmem:$0x1F000] =	vst v63  }
0x6e: {  	_ =	swait.ge [sflag:s28], $0x2800  }
0x6f: {  	[sflag:s28] =	ssyncset.done $0x0  }
.Ltmp1:
0x70: {  	s29 =	sadd.s32 $0x16080, s29;
	[sflag:s28] =	ssyncadd.s32 $0xFFFFD800;
	(pc) =	sbr.rel @p1 .LBB2_4-.Ltmp1, $4  }
0x71: {  	[spmem:s3] =	stream.indirect.scatter.add.f32 [tilespmem:s25], [sflag:$0x3], $0x80, s29, s23, $0xb8;
	[tilespmem:$0x1F000] =	vst v63  }
0x72: {  	_ =	swait.ge [sflag:s20], $0x2800  }
0x73: {  	[sflag:s20] =	ssyncset.done $0x0  }
0x74: {  	s24 =	sadd.s32 $0xA0, s24;
	[sflag:s20] =	ssyncadd.s32 $0xFFFFD800  }
0x75: {  	[tilespmem:s25], [sflag:$0x2] =	stream.indirect.gather [hbm4b:s1+s23], $0x80, s0, s23, $0xb8;
	[tilespmem:$0x1F000] =	vst v63  }
0x76: {  	_ =	swait.ge [sflag:s26], $0x2800  }
0x77: {  	[sflag:s26] =	ssyncset.done $0x0  }
0x78: {  	s24 =	simm.s32 $0x19D00;
	[sflag:s26] =	ssyncadd.s32 $0xFFFFD800  }
0x79: {  	[spmem:s3] =	stream.indirect.scatter.add.f32 [tilespmem:s19], [sflag:$0x3], $0x80, s24, s23, $0xb8;
	[tilespmem:$0x1F000] =	vst v63  }
0x7a: {  	_ =	swait.ge [sflag:s20], $0x2800  }
0x7b: {  	[sflag:s20] =	ssyncset.done $0x0  }
0x7c: {  	s29 =	simm.s32 $0x15F40;
	[sflag:s20] =	ssyncadd.s32 $0xFFFFD800  }
0x7d: {  	[tilespmem:s19], [sflag:$0x1] =	stream.indirect.gather [hbm4b:s1+s23], $0x80, s29, s23, $0xb8;
	[tilespmem:$0x1F000] =	vst v63  }
0x7e: {  	_ =	swait.ge [sflag:s28], $0x2800  }
0x7f: {  	[sflag:s28] =	ssyncset.done $0x0  }
0x80: {  	[sflag:s28] =	ssyncadd.s32 $0xFFFFD800  }
0x81: {  	[spmem:s3] =	stream.indirect.scatter.add.f32 [tilespmem:s25], [sflag:$0x3], $0x80, s31, s23, $0xb8;
	[tilespmem:$0x1F000] =	vst v63  }
0x82: {  	_ =	swait.ge [sflag:s20], $0x2800  }
0x83: {  	[sflag:s20] =	ssyncset.done $0x0  }
0x84: {  	[sflag:s20] =	ssyncadd.s32 $0xFFFFD800  }
0x85: {  	_ =	swait.ge [sflag:s26], $0x2800  }
0x86: {  	[sflag:s26] =	ssyncset.done $0x0  }
0x87: {  	[sflag:s26] =	ssyncadd.s32 $0xFFFFD800  }
0x88: {  	[spmem:s3] =	stream.indirect.scatter.add.f32 [tilespmem:s19], [sflag:$0x3], $0x80, s2, s23, $0xb8;
	[tilespmem:$0x1F000] =	vst v63  }
0x89: {  	_ =	swait.ge [sflag:s20], $0x2800  }
0x8a: {  	s30 =	stileid.u32;
	[sflag:s20] =	ssyncset.done $0x0  }
0x8b: {  	s0 =	sshll.u32 s30, $0x6;
	[sflag:s20] =	ssyncadd.s32 $0xFFFFD800  }
0x8c: {  	s22 =	sshrl.u32 s5, $0x3;
	s0 =	sor.u32 $0x1C03, s0;
	[bflag:$0x0] =	sbarrier.arrive $0xFFFF  }
0x8d: {  	[hbm:s10], [sflag:s0] =	dma.local [spmem:s22], $0x2700  }
0x8e: {  	_ =	swait.ge [sflag:s20], $0x2700  }
0x8f: {  	s4 =	sadd.s32 $0x1, s4;
	[sflag:s20] =	ssyncset.done $0x0  }
0x90: {  	p1 =	sne.s32 s4, s12;
	s22 =	sshrl.u32 @!p0 s7, $0x3;
	[sflag:s20] =	ssyncadd.s32 $0xFFFFD900  }
0x91: {  	[hbm:s11], [sflag:s0] =	dma.local @!p0 [spmem:s22], $0x100  }
.Ltmp2:
0x92: {  	_ = 	snop;
	(pc) =	sbr.rel @p1 .LBB2_1-.Ltmp2, $4  }
0x93: {  	s0 =	simm.s32 @!p0 $0x3  }
0x94: {  	_ =	swait.ge @!p0 [sflag:s0], $0x100  }
0x95: {  	[sflag:s0] =	ssyncset.done @!p0 $0x0  }
0x96: {  	[sflag:s0] =	ssyncadd.s32 @!p0 $0xFFFFFF00  }
0x97: {  	_ =	sfence.sel $0x180000  }
0x98: {  	[bflag:$0x0] =	sbarrier.arrive $0xFFFF  }
0x99: {  	_ =	strace $0x90000053  }
0x9a: {  	s0 =	stileid.u32;
	[bflag:$0x2] =	sbarrier.arrive $0xFFFF  }
0x9b: {  	p0 =	sne.s32 s0, $0x0;
	s0 =	rddreg [dreg:$0x3]  }
0x9c: {  	s0 =	sadd.s32 @!p0 $0x100000, s0  }
0x9d: {  	[sflag:s0] =	ssyncadd.tile.s32 @!p0 $0x1;
	_ =	shalt  }
.Lfunc_end2:
_tile_overlayer_lowered:
.L_overlay_start_2:
0x9e: {  	(tag) =	ssettag $0x2  }
0x9f: {  	s0 =	rddreg [dreg:$0x0];
	s2 =	stileid.u32  }
0xa0: {  	s1 =	rddreg [dreg:$0x1];
	p0 =	sne.s32 s2, $0x0  }
0xa1: {  	s3 =	rddreg [dreg:$0x2];
	[bflag:$0x3] =	sbarrier.arrive $0xFFFF;
	s2 =	simm.s32 @!p0 $0x1C03  }
0xa2: {  	[timem:s3], [sflag:s2] =	dma.local @!p0 [hbm:s0], s1  }
0xa3: {  	s0 =	simm.s32 @!p0 $0x3  }
0xa4: {  	_ =	swait.ge @!p0 [sflag:s0], s1  }
0xa5: {  	s1 =	ssub.s32 @!p0 $0x0, s1;
	[sflag:s0] =	ssyncset.done @!p0 $0x0  }
0xa6: {  	[sflag:s0] =	ssyncadd.s32 @!p0 s1  }
0xa7: {  	[bflag:$0x3] =	sbarrier.arrive $0xFFFF  }
0xa8: {  	_ =	shalt  }

</sc_bundles>
